<compile_context>
chip_gen: v7x
topology: tpu7x:2x2x1
jax: 0.10.2.dev20260603
libtpu: 0.0.44.dev20260713+nightly
codegen_flags: <defaults>
</compile_context>

<pallas_src>
import functools

import jax
import jax.numpy as jnp
from jax import lax
from jax.experimental import pallas as pl
from jax.experimental.pallas import tpu as pltpu
from jax.experimental.pallas import tpu_sc as plsc

N = 10000
D = 128
E = 320000

NC = 2
NS = 16
NW = NC * NS

K = 128
CH = 80
E_PAD = NW * CH * K
CHUNKS_REAL = E // K
ROWS_PER_SUB = 632
ROWS_LAST = N - (NS - 1) * ROWS_PER_SUB


def _sc_agg(x, src2, dst2):
    mesh = plsc.VectorSubcoreMesh(
        core_axis_name="c", subcore_axis_name="s",
        num_cores=NC, num_subcores=NS)

    QCH = CH // 5

    @functools.partial(
        pl.kernel,
        out_type=jax.ShapeDtypeStruct((NC, N, D), jnp.float32),
        mesh=mesh,
        scratch_types=[
            pltpu.VMEM((CH, K), jnp.int32),
            pltpu.VMEM((QCH, K), jnp.int32),
            pltpu.VMEM((QCH, K), jnp.int32),
            pltpu.VMEM((K, D), jnp.float32),
            pltpu.VMEM((K, D), jnp.float32),
            pltpu.VMEM_SHARED((N, D), jnp.float32),
            pltpu.SemaphoreType.DMA,
            pltpu.SemaphoreType.DMA,
            pltpu.SemaphoreType.DMA,
            pltpu.SemaphoreType.DMA,
            pltpu.SemaphoreType.DMA,
            pltpu.SemaphoreType.DMA,
        ],
    )
    def agg_kernel(x_hbm, src_hbm, dst_hbm, out_hbm,
                   sidx, didx0, didx1, rows0, rows1, acc,
                   ga, gb, sa, sb, ia, ib):
        c = lax.axis_index("c")
        s = lax.axis_index("s")
        wid = s * NC + c
        rc = jnp.minimum(CH, CHUNKS_REAL - wid * CH)

        pltpu.async_copy(src_hbm.at[pl.ds(wid * CH, CH)], sidx, ia)
        pltpu.async_copy(dst_hbm.at[pl.ds(wid * CH, QCH)], didx0, ib)

        r0 = s * ROWS_PER_SUB

        @pl.when(s < NS - 1)
        def _():
            pltpu.sync_copy(x_hbm.at[pl.ds(r0, ROWS_PER_SUB)],
                            acc.at[pl.ds(r0, ROWS_PER_SUB)])

        @pl.when(s == NS - 1)
        def _():
            pltpu.sync_copy(x_hbm.at[pl.ds((NS - 1) * ROWS_PER_SUB, ROWS_LAST)],
                            acc.at[pl.ds((NS - 1) * ROWS_PER_SUB, ROWS_LAST)])

        pltpu.make_async_copy(
            src_hbm.at[pl.ds(wid * CH, CH)], sidx, ia).wait()
        pltpu.make_async_copy(
            dst_hbm.at[pl.ds(wid * CH, QCH)], didx0, ib).wait()

        bufs = (rows0, rows1)
        gsems = (ga, gb)
        ssems = (sa, sb)
        dbufs = (didx0, didx1)

        def gather(ch, buf, sem):
            pltpu.async_copy(x_hbm.at[sidx.at[ch]], buf, sem)

        def gather_wait(ch, buf, sem):
            pltpu.make_async_copy(x_hbm.at[sidx.at[ch]], buf, sem).wait()

        def scatter_wait(buf, sem):
            pltpu.make_async_copy(buf, acc.at[didx0.at[0]], sem).wait()

        gather(0, rows0, ga)
        plsc.subcore_barrier()

        for q in range(5):
            base = q * QCH
            cur = dbufs[q % 2]
            nxt = dbufs[1 - q % 2]

            if q >= 1:
                pltpu.make_async_copy(
                    dst_hbm.at[pl.ds(wid * CH + base, QCH)], cur, ia).wait()

                @pl.when(rc > base)
                def _():
                    scatter_wait(rows1, sb)

                @pl.when(jnp.logical_and(rc > base - QCH, rc <= base))
                def _():
                    scatter_wait(rows0, sa)
                    scatter_wait(rows1, sb)

            if q < 4:
                pltpu.async_copy(
                    dst_hbm.at[pl.ds(wid * CH + base + QCH, QCH)], nxt, ia)

            def body(j, carry, base=base, cur=cur):
                for b in range(2):
                    loc = j * 2 + b
                    ch = base + loc
                    buf, gsem, ssem = bufs[b], gsems[b], ssems[b]
                    nbuf, ngsem, nssem = bufs[1 - b], gsems[1 - b], ssems[1 - b]

                    @pl.when(ch < rc)
                    def _():
                        @pl.when(ch + 1 < rc)
                        def _():
                            @pl.when(loc >= 1)
                            def _():
                                scatter_wait(nbuf, nssem)

                            gather(ch + 1, nbuf, ngsem)

                        gather_wait(ch, buf, gsem)
                        pltpu.async_copy(
                            buf, acc.at[cur.at[loc]], ssem, add=True)

                return carry

            lax.fori_loop(0, QCH // 2, body, 0)

        @pl.when(rc > CH - QCH)
        def _():
            scatter_wait(rows0, sa)
            scatter_wait(rows1, sb)

        plsc.subcore_barrier()

        @pl.when(s < NS - 1)
        def _():
            pltpu.sync_copy(acc.at[pl.ds(r0, ROWS_PER_SUB)],
                            out_hbm.at[c, pl.ds(r0, ROWS_PER_SUB)])

        @pl.when(s == NS - 1)
        def _():
            pltpu.sync_copy(acc.at[pl.ds((NS - 1) * ROWS_PER_SUB, ROWS_LAST)],
                            out_hbm.at[c, pl.ds((NS - 1) * ROWS_PER_SUB, ROWS_LAST)])

    return agg_kernel(x, src2, dst2)


def _tc_mlp(x, p, epsm1, W1, W2, g, b):

    def body(x_ref, p_ref, e_ref, w1_ref, w2_ref, g_ref, b_ref, o_ref):
        o_ref[...] = x_ref[...] + p_ref[0]
        return
        h = x_ref[...] * e_ref[0, 0] + p_ref[0] + p_ref[1]
        h = lax.dot_general(h, w1_ref[...], (((1,), (1,)), ((), ())),
                            preferred_element_type=jnp.float32)
        h = jnp.maximum(h, 0.0)
        h = lax.dot_general(h, w2_ref[...], (((1,), (1,)), ((), ())),
                            preferred_element_type=jnp.float32)
        h = jnp.maximum(h, 0.0)
        mean = jnp.mean(h, axis=0, keepdims=True)
        var = jnp.mean(jnp.square(h - mean), axis=0, keepdims=True)
        o_ref[...] = (h - mean) * lax.rsqrt(var + 1e-5) * g_ref[...] + b_ref[...]

    return pl.pallas_call(
        body,
        out_shape=jax.ShapeDtypeStruct((N, D), jnp.float32),
    )(x, p, epsm1, W1, W2, g.reshape(1, D), b.reshape(1, D))


def kernel(x, adj, eps0, W1_0, W2_0, g0, b0, eps1, W1_1, W2_1, g1, b1):
    pad = E_PAD - E
    src2 = jnp.pad(adj[0], (0, pad)).reshape(NW * CH, K)
    dst2 = jnp.pad(adj[1], (0, pad)).reshape(NW * CH, K)
    p = _sc_agg(x, src2, dst2)
    h = _tc_mlp(x, p, (eps0 - 1.0).reshape(1, 1), W1_0, W2_0, g0, b0)
    p2 = _sc_agg(h, src2, dst2)
    return _tc_mlp(h, p2, (eps1 - 1.0).reshape(1, 1), W1_1, W2_1, g1, b1)

# --- scband reference (transcript-rebuilt; emitter-appended) ---
"""Pipeline reference for scband-gin-85109071938343 (READ-ONLY COPY).

The authoritative reference and input builder live on the scoring server;
editing this copy changes nothing except your own understanding.
"""

import jax, jax.numpy as jnp
import numpy as np

N = 10000
D = 128
E = 320000


def _gin_layer(x, adj, eps, W1, W2, gamma, beta):
    # GINConv with learn_eps, 'sum' aggregator: (1+eps)*x + sum_{j in N(i)} x_j
    src = adj[0]
    dst = adj[1]
    agg = jax.ops.segment_sum(x[src], dst, num_segments=x.shape[0])
    h = (1.0 + eps) * x + agg
    # MLP: two bias-free linears with ReLU, then BatchNorm1d (training-mode batch stats)
    h = jax.nn.relu(h @ W1.T)
    h = jax.nn.relu(h @ W2.T)
    mean = jnp.mean(h, axis=0)
    var = jnp.var(h, axis=0)
    h = (h - mean) / jnp.sqrt(var + 1e-5) * gamma + beta
    return h


def setup_inputs(seed: int = 0) -> dict:
    key = jax.random.key(seed)
    ks = jax.random.split(key, 8)
    x = jax.random.normal(ks[0], (N, D), dtype=jnp.float32)
    adj = jax.random.randint(ks[1], (2, E), 0, N, dtype=jnp.int32)
    s = 1.0 / np.sqrt(D)
    W1_0 = jax.random.normal(ks[2], (D, D), dtype=jnp.float32) * s
    W2_0 = jax.random.normal(ks[3], (D, D), dtype=jnp.float32) * s
    W1_1 = jax.random.normal(ks[4], (D, D), dtype=jnp.float32) * s
    W2_1 = jax.random.normal(ks[5], (D, D), dtype=jnp.float32) * s
    return {
        "x": x,
        "adj": adj,
        "eps0": jnp.zeros((), jnp.float32),
        "W1_0": W1_0,
        "W2_0": W2_0,
        "g0": jnp.ones((D,), jnp.float32),
        "b0": jnp.zeros((D,), jnp.float32),
        "eps1": jnp.zeros((), jnp.float32),
        "W1_1": W1_1,
        "W2_1": W2_1,
        "g1": jnp.ones((D,), jnp.float32),
        "b1": jnp.zeros((D,), jnp.float32),
    }


def reference(x, adj, eps0, W1_0, W2_0, g0, b0, eps1, W1_1, W2_1, g1, b1):
    h = _gin_layer(x, adj, eps0, W1_0, W2_0, g0, b0)
    h = _gin_layer(h, adj, eps1, W1_1, W2_1, g1, b1)
    return h

if __name__ == "__main__":
    import jax
    _d = setup_inputs()
    print(jax.jit(kernel)(*tuple(_d.values())))

</pallas_src>

<mosaic_0001>
#map = affine_map<(d0, d1) -> (0, 0)>
#map1 = affine_map<(d0, d1) -> (0, 0, 0)>
module attributes {stable_mosaic.version = 14 : i64} {
  func.func @agg_kernel(%arg0: i32, %arg1: i32, %arg2: memref<10000x128xf32, #tpu.memory_space<hbm>>, %arg3: memref<2560x128xi32, #tpu.memory_space<hbm>>, %arg4: memref<2560x128xi32, #tpu.memory_space<hbm>>, %arg5: memref<2x10000x128xf32, #tpu.memory_space<hbm>>, %arg6: memref<80x128xi32, #tpu.memory_space<vmem>>, %arg7: memref<16x128xi32, #tpu.memory_space<vmem>>, %arg8: memref<16x128xi32, #tpu.memory_space<vmem>>, %arg9: memref<128x128xf32, #tpu.memory_space<vmem>>, %arg10: memref<128x128xf32, #tpu.memory_space<vmem>>, %arg11: memref<10000x128xf32, #tpu.memory_space<vmem_shared>>, %arg12: memref<!tpu.dma_semaphore, #tpu.memory_space<semaphore_mem>>, %arg13: memref<!tpu.dma_semaphore, #tpu.memory_space<semaphore_mem>>, %arg14: memref<!tpu.dma_semaphore, #tpu.memory_space<semaphore_mem>>, %arg15: memref<!tpu.dma_semaphore, #tpu.memory_space<semaphore_mem>>, %arg16: memref<!tpu.dma_semaphore, #tpu.memory_space<semaphore_mem>>, %arg17: memref<!tpu.dma_semaphore, #tpu.memory_space<semaphore_mem>>) attributes {dimension_semantics = [#tpu.dimension_semantics<core_parallel>, #tpu.dimension_semantics<subcore_parallel>], iteration_bounds = array<i64: 2, 16>, scalar_prefetch = 0 : i64, scratch_operands = 12 : i64, tpu.core_type = #tpu.core_type<sc_vector_subcore>, window_params = [{transform_indices = #map}, {transform_indices = #map}, {transform_indices = #map}, {transform_indices = #map1}]} {
    %mul3A = arith.constant 2 : i32
    %mul3A_0 = arith.muli %arg1, %mul3A : i32
    %add3A = arith.addi %mul3A_0, %arg0 : i32
    %mul3A_1 = arith.constant 80 : i32
    %mul3A_2 = arith.muli %add3A, %mul3A_1 : i32
    %sub3A = arith.constant 2500 : i32
    %sub3A_3 = arith.subi %sub3A, %mul3A_2 : i32
    %min3A = arith.constant 80 : i32
    %min3A_4 = arith.minsi %min3A, %sub3A_3 : i32
    %mul3A_5 = arith.constant 80 : i32
    %mul3A_6 = arith.muli %add3A, %mul3A_5 : i32
    %dma_start3A = arith.constant 0 : i32
    %dma_start3A_7 = tpu.memref_slice %arg3[%mul3A_6, %dma_start3A] : memref<2560x128xi32, #tpu.memory_space<hbm>> -> memref<80x128xi32, #tpu.memory_space<hbm>>
    %dma_start3A_8 = arith.constant 0 : i32
    %dma_start3A_9 = tpu.memref_slice %arg3[%mul3A_6, %dma_start3A_8] : memref<2560x128xi32, #tpu.memory_space<hbm>> -> memref<80x128xi32, #tpu.memory_space<hbm>>
    tpu.enqueue_dma source(%dma_start3A_9 : memref<80x128xi32, #tpu.memory_space<hbm>>) target(%arg6 : memref<80x128xi32, #tpu.memory_space<vmem>>) target_semaphore(%arg16 : memref<!tpu.dma_semaphore, #tpu.memory_space<semaphore_mem>>)
    %mul3A_10 = arith.constant 80 : i32
    %mul3A_11 = arith.muli %add3A, %mul3A_10 : i32
    %dma_start3A_12 = arith.constant 0 : i32
    %dma_start3A_13 = tpu.memref_slice %arg4[%mul3A_11, %dma_start3A_12] : memref<2560x128xi32, #tpu.memory_space<hbm>> -> memref<16x128xi32, #tpu.memory_space<hbm>>
    %dma_start3A_14 = arith.constant 0 : i32
    %dma_start3A_15 = tpu.memref_slice %arg4[%mul3A_11, %dma_start3A_14] : memref<2560x128xi32, #tpu.memory_space<hbm>> -> memref<16x128xi32, #tpu.memory_space<hbm>>
    tpu.enqueue_dma source(%dma_start3A_15 : memref<16x128xi32, #tpu.memory_space<hbm>>) target(%arg7 : memref<16x128xi32, #tpu.memory_space<vmem>>) target_semaphore(%arg17 : memref<!tpu.dma_semaphore, #tpu.memory_space<semaphore_mem>>)
    %mul3A_16 = arith.constant 632 : i32
    %mul3A_17 = arith.muli %arg1, %mul3A_16 : i32
    %lt3A = arith.constant 15 : i32
    %lt3A_18 = arith.cmpi slt, %arg1, %lt3A : i32
    %convert_element_type3A = arith.extui %lt3A_18 : i1 to i32
    %cond3A = arith.constant 0 : i32
    %cond3A_19 = arith.cmpi ne, %convert_element_type3A, %cond3A : i32
    scf.if %cond3A_19 {
      "tpu.region"() ({
        %run_scoped3A = tpu.sem_alloc : memref<!tpu.dma_semaphore, #tpu.memory_space<semaphore_mem>>
        %dma_start3A_208 = arith.constant 0 : i32
        %dma_start3A_209 = tpu.memref_slice %arg11[%mul3A_17, %dma_start3A_208] : memref<10000x128xf32, #tpu.memory_space<vmem_shared>> -> memref<632x128xf32, #tpu.memory_space<vmem_shared>>
        %dma_start3A_210 = arith.constant 0 : i32
        %dma_start3A_211 = tpu.memref_slice %arg2[%mul3A_17, %dma_start3A_210] : memref<10000x128xf32, #tpu.memory_space<hbm>> -> memref<632x128xf32, #tpu.memory_space<hbm>>
        tpu.enqueue_dma source(%dma_start3A_211 : memref<632x128xf32, #tpu.memory_space<hbm>>) target(%dma_start3A_209 : memref<632x128xf32, #tpu.memory_space<vmem_shared>>) target_semaphore(%run_scoped3A : memref<!tpu.dma_semaphore, #tpu.memory_space<semaphore_mem>>)
        %dma_wait3A_212 = arith.constant 0 : i32
        %dma_wait3A_213 = tpu.memref_slice %arg11[%mul3A_17, %dma_wait3A_212] : memref<10000x128xf32, #tpu.memory_space<vmem_shared>> -> memref<632x128xf32, #tpu.memory_space<vmem_shared>>
        %dma_wait3A_214 = arith.constant 0 : i32
        %dma_wait3A_215 = tpu.memref_slice %arg2[%mul3A_17, %dma_wait3A_214] : memref<10000x128xf32, #tpu.memory_space<hbm>> -> memref<632x128xf32, #tpu.memory_space<hbm>>
        tpu.wait_dma2 semaphore(%run_scoped3A : memref<!tpu.dma_semaphore, #tpu.memory_space<semaphore_mem>>) src(%dma_wait3A_215 : memref<632x128xf32, #tpu.memory_space<hbm>>) dst(%dma_wait3A_213 : memref<632x128xf32, #tpu.memory_space<vmem_shared>>)
        tpu.yield
      }) : () -> ()
    } else {
    }
    %eq3A = arith.constant 15 : i32
    %eq3A_20 = arith.cmpi eq, %arg1, %eq3A : i32
    %convert_element_type3A_21 = arith.extui %eq3A_20 : i1 to i32
    %cond3A_22 = arith.constant 0 : i32
    %cond3A_23 = arith.cmpi ne, %convert_element_type3A_21, %cond3A_22 : i32
    scf.if %cond3A_23 {
      "tpu.region"() ({
        %run_scoped3A = tpu.sem_alloc : memref<!tpu.dma_semaphore, #tpu.memory_space<semaphore_mem>>
        %dma_start3A_208 = arith.constant 9480 : i32
        %dma_start3A_209 = arith.constant 0 : i32
        %dma_start3A_210 = tpu.memref_slice %arg11[%dma_start3A_208, %dma_start3A_209] : memref<10000x128xf32, #tpu.memory_space<vmem_shared>> -> memref<520x128xf32, #tpu.memory_space<vmem_shared>>
        %dma_start3A_211 = arith.constant 9480 : i32
        %dma_start3A_212 = arith.constant 0 : i32
        %dma_start3A_213 = tpu.memref_slice %arg2[%dma_start3A_211, %dma_start3A_212] : memref<10000x128xf32, #tpu.memory_space<hbm>> -> memref<520x128xf32, #tpu.memory_space<hbm>>
        tpu.enqueue_dma source(%dma_start3A_213 : memref<520x128xf32, #tpu.memory_space<hbm>>) target(%dma_start3A_210 : memref<520x128xf32, #tpu.memory_space<vmem_shared>>) target_semaphore(%run_scoped3A : memref<!tpu.dma_semaphore, #tpu.memory_space<semaphore_mem>>)
        %dma_wait3A_214 = arith.constant 9480 : i32
        %dma_wait3A_215 = arith.constant 0 : i32
        %dma_wait3A_216 = tpu.memref_slice %arg11[%dma_wait3A_214, %dma_wait3A_215] : memref<10000x128xf32, #tpu.memory_space<vmem_shared>> -> memref<520x128xf32, #tpu.memory_space<vmem_shared>>
        %dma_wait3A_217 = arith.constant 9480 : i32
        %dma_wait3A_218 = arith.constant 0 : i32
        %dma_wait3A_219 = tpu.memref_slice %arg2[%dma_wait3A_217, %dma_wait3A_218] : memref<10000x128xf32, #tpu.memory_space<hbm>> -> memref<520x128xf32, #tpu.memory_space<hbm>>
        tpu.wait_dma2 semaphore(%run_scoped3A : memref<!tpu.dma_semaphore, #tpu.memory_space<semaphore_mem>>) src(%dma_wait3A_219 : memref<520x128xf32, #tpu.memory_space<hbm>>) dst(%dma_wait3A_216 : memref<520x128xf32, #tpu.memory_space<vmem_shared>>)
        tpu.yield
      }) : () -> ()
    } else {
    }
    %mul3A_24 = arith.constant 80 : i32
    %mul3A_25 = arith.muli %add3A, %mul3A_24 : i32
    %dma_wait3A = arith.constant 0 : i32
    %dma_wait3A_26 = tpu.memref_slice %arg3[%mul3A_25, %dma_wait3A] : memref<2560x128xi32, #tpu.memory_space<hbm>> -> memref<80x128xi32, #tpu.memory_space<hbm>>
    %dma_wait3A_27 = arith.constant 0 : i32
    %dma_wait3A_28 = tpu.memref_slice %arg3[%mul3A_25, %dma_wait3A_27] : memref<2560x128xi32, #tpu.memory_space<hbm>> -> memref<80x128xi32, #tpu.memory_space<hbm>>
    tpu.wait_dma2 semaphore(%arg16 : memref<!tpu.dma_semaphore, #tpu.memory_space<semaphore_mem>>) src(%dma_wait3A_28 : memref<80x128xi32, #tpu.memory_space<hbm>>) dst(%arg6 : memref<80x128xi32, #tpu.memory_space<vmem>>)
    %mul3A_29 = arith.constant 80 : i32
    %mul3A_30 = arith.muli %add3A, %mul3A_29 : i32
    %dma_wait3A_31 = arith.constant 0 : i32
    %dma_wait3A_32 = tpu.memref_slice %arg4[%mul3A_30, %dma_wait3A_31] : memref<2560x128xi32, #tpu.memory_space<hbm>> -> memref<16x128xi32, #tpu.memory_space<hbm>>
    %dma_wait3A_33 = arith.constant 0 : i32
    %dma_wait3A_34 = tpu.memref_slice %arg4[%mul3A_30, %dma_wait3A_33] : memref<2560x128xi32, #tpu.memory_space<hbm>> -> memref<16x128xi32, #tpu.memory_space<hbm>>
    tpu.wait_dma2 semaphore(%arg17 : memref<!tpu.dma_semaphore, #tpu.memory_space<semaphore_mem>>) src(%dma_wait3A_34 : memref<16x128xi32, #tpu.memory_space<hbm>>) dst(%arg7 : memref<16x128xi32, #tpu.memory_space<vmem>>)
    %dma_start3A_35 = arith.constant 0 : i32
    %dma_start3A_36 = arith.constant 0 : i32
    %dma_start3A_37 = tpu.memref_slice %arg6[%dma_start3A_35, %dma_start3A_36] : memref<80x128xi32, #tpu.memory_space<vmem>> -> memref<1x128xi32, #tpu.memory_space<vmem>>
    %dma_start3A_38 = tpu.memref_squeeze %dma_start3A_37 : memref<1x128xi32, #tpu.memory_space<vmem>> -> memref<128xi32, #tpu.memory_space<vmem>>
    %dma_start3A_39 = arith.constant 0 : i32
    %dma_start3A_40 = arith.constant 0 : i32
    %dma_start3A_41 = tpu.memref_slice %arg2[%dma_start3A_39, %dma_start3A_40] : memref<10000x128xf32, #tpu.memory_space<hbm>> -> memref<10000x128xf32, #tpu.memory_space<hbm>>
    tpu.enqueue_indirect_dma source(%dma_start3A_41 : memref<10000x128xf32, #tpu.memory_space<hbm>>) target(%arg9 : memref<128x128xf32, #tpu.memory_space<vmem>>) offsets(%dma_start3A_38 : memref<128xi32, #tpu.memory_space<vmem>>) semaphore(%arg12 : memref<!tpu.dma_semaphore, #tpu.memory_space<semaphore_mem>>)
    %barrier3A = arith.constant 0 : index
    tpu.barrier barrier_id(%barrier3A)
    %mul3A_42 = arith.constant 80 : i32
    %mul3A_43 = arith.muli %add3A, %mul3A_42 : i32
    %add3A_44 = arith.constant 0 : i32
    %add3A_45 = arith.addi %mul3A_43, %add3A_44 : i32
    %add3A_46 = arith.constant 16 : i32
    %add3A_47 = arith.addi %add3A_45, %add3A_46 : i32
    %dma_start3A_48 = arith.constant 0 : i32
    %dma_start3A_49 = tpu.memref_slice %arg4[%add3A_47, %dma_start3A_48] : memref<2560x128xi32, #tpu.memory_space<hbm>> -> memref<16x128xi32, #tpu.memory_space<hbm>>
    %dma_start3A_50 = arith.constant 0 : i32
    %dma_start3A_51 = tpu.memref_slice %arg4[%add3A_47, %dma_start3A_50] : memref<2560x128xi32, #tpu.memory_space<hbm>> -> memref<16x128xi32, #tpu.memory_space<hbm>>
    tpu.enqueue_dma source(%dma_start3A_51 : memref<16x128xi32, #tpu.memory_space<hbm>>) target(%arg8 : memref<16x128xi32, #tpu.memory_space<vmem>>) target_semaphore(%arg16 : memref<!tpu.dma_semaphore, #tpu.memory_space<semaphore_mem>>)
    %scan3A = arith.constant 0 : i32
    %scan3A_52 = arith.constant 0 : i32
    %scan3A_53 = arith.constant 8 : i32
    %scan3A_54 = arith.addi %scan3A_52, %scan3A_53 : i32
    %scan3A_55 = arith.constant 1 : i32
    scf.for %scan3A_208 = %scan3A_52 to %scan3A_54 step %scan3A_55  : i32 {
      %mul3A_209 = arith.constant 2 : i32
      %mul3A_210 = arith.muli %scan3A_208, %mul3A_209 : i32
      %add3A_211 = arith.constant 0 : i32
      %add3A_212 = arith.addi %mul3A_210, %add3A_211 : i32
      %add3A_213 = arith.constant 0 : i32
      %add3A_214 = arith.addi %add3A_213, %add3A_212 : i32
      %lt3A_215 = arith.cmpi slt, %add3A_214, %min3A_4 : i32
      %convert_element_type3A_216 = arith.extui %lt3A_215 : i1 to i32
      %cond3A_217 = arith.constant 0 : i32
      %cond3A_218 = arith.cmpi ne, %convert_element_type3A_216, %cond3A_217 : i32
      scf.if %cond3A_218 {
        %add3A_229 = arith.constant 1 : i32
        %add3A_230 = arith.addi %add3A_214, %add3A_229 : i32
        %lt3A_231 = arith.cmpi slt, %add3A_230, %min3A_4 : i32
        %convert_element_type3A_232 = arith.extui %lt3A_231 : i1 to i32
        %cond3A_233 = arith.constant 0 : i32
        %cond3A_234 = arith.cmpi ne, %convert_element_type3A_232, %cond3A_233 : i32
        scf.if %cond3A_234 {
          %ge3A = arith.constant 1 : i32
          %ge3A_247 = arith.cmpi sge, %add3A_212, %ge3A : i32
          %convert_element_type3A_248 = arith.extui %ge3A_247 : i1 to i32
          %cond3A_249 = arith.constant 0 : i32
          %cond3A_250 = arith.cmpi ne, %convert_element_type3A_248, %cond3A_249 : i32
          scf.if %cond3A_250 {
            %dma_wait3A_259 = arith.constant 0 : i32
            %dma_wait3A_260 = arith.constant 0 : i32
            %dma_wait3A_261 = tpu.memref_slice %arg7[%dma_wait3A_259, %dma_wait3A_260] : memref<16x128xi32, #tpu.memory_space<vmem>> -> memref<1x128xi32, #tpu.memory_space<vmem>>
            %dma_wait3A_262 = tpu.memref_squeeze %dma_wait3A_261 : memref<1x128xi32, #tpu.memory_space<vmem>> -> memref<128xi32, #tpu.memory_space<vmem>>
            %dma_wait3A_263 = arith.constant 0 : i32
            %dma_wait3A_264 = arith.constant 0 : i32
            %dma_wait3A_265 = tpu.memref_slice %arg11[%dma_wait3A_263, %dma_wait3A_264] : memref<10000x128xf32, #tpu.memory_space<vmem_shared>> -> memref<10000x128xf32, #tpu.memory_space<vmem_shared>>
            tpu.wait_indirect_dma semaphore(%arg15 : memref<!tpu.dma_semaphore, #tpu.memory_space<semaphore_mem>>) src(%arg10 : memref<128x128xf32, #tpu.memory_space<vmem>>) dst(%dma_wait3A_265 : memref<10000x128xf32, #tpu.memory_space<vmem_shared>>)
          } else {
          }
          %add3A_251 = arith.constant 1 : i32
          %add3A_252 = arith.addi %add3A_214, %add3A_251 : i32
          %dma_start3A_253 = arith.constant 0 : i32
          %dma_start3A_254 = tpu.memref_slice %arg6[%add3A_252, %dma_start3A_253] : memref<80x128xi32, #tpu.memory_space<vmem>> -> memref<1x128xi32, #tpu.memory_space<vmem>>
          %dma_start3A_255 = tpu.memref_squeeze %dma_start3A_254 : memref<1x128xi32, #tpu.memory_space<vmem>> -> memref<128xi32, #tpu.memory_space<vmem>>
          %dma_start3A_256 = arith.constant 0 : i32
          %dma_start3A_257 = arith.constant 0 : i32
          %dma_start3A_258 = tpu.memref_slice %arg2[%dma_start3A_256, %dma_start3A_257] : memref<10000x128xf32, #tpu.memory_space<hbm>> -> memref<10000x128xf32, #tpu.memory_space<hbm>>
          tpu.enqueue_indirect_dma source(%dma_start3A_258 : memref<10000x128xf32, #tpu.memory_space<hbm>>) target(%arg10 : memref<128x128xf32, #tpu.memory_space<vmem>>) offsets(%dma_start3A_255 : memref<128xi32, #tpu.memory_space<vmem>>) semaphore(%arg13 : memref<!tpu.dma_semaphore, #tpu.memory_space<semaphore_mem>>)
        } else {
        }
        %dma_wait3A_235 = arith.constant 0 : i32
        %dma_wait3A_236 = tpu.memref_slice %arg6[%add3A_214, %dma_wait3A_235] : memref<80x128xi32, #tpu.memory_space<vmem>> -> memref<1x128xi32, #tpu.memory_space<vmem>>
        %dma_wait3A_237 = tpu.memref_squeeze %dma_wait3A_236 : memref<1x128xi32, #tpu.memory_space<vmem>> -> memref<128xi32, #tpu.memory_space<vmem>>
        %dma_wait3A_238 = arith.constant 0 : i32
        %dma_wait3A_239 = arith.constant 0 : i32
        %dma_wait3A_240 = tpu.memref_slice %arg2[%dma_wait3A_238, %dma_wait3A_239] : memref<10000x128xf32, #tpu.memory_space<hbm>> -> memref<10000x128xf32, #tpu.memory_space<hbm>>
        tpu.wait_indirect_dma semaphore(%arg12 : memref<!tpu.dma_semaphore, #tpu.memory_space<semaphore_mem>>) src(%dma_wait3A_240 : memref<10000x128xf32, #tpu.memory_space<hbm>>) dst(%arg9 : memref<128x128xf32, #tpu.memory_space<vmem>>)
        %dma_start3A_241 = arith.constant 0 : i32
        %dma_start3A_242 = tpu.memref_slice %arg7[%add3A_212, %dma_start3A_241] : memref<16x128xi32, #tpu.memory_space<vmem>> -> memref<1x128xi32, #tpu.memory_space<vmem>>
        %dma_start3A_243 = tpu.memref_squeeze %dma_start3A_242 : memref<1x128xi32, #tpu.memory_space<vmem>> -> memref<128xi32, #tpu.memory_space<vmem>>
        %dma_start3A_244 = arith.constant 0 : i32
        %dma_start3A_245 = arith.constant 0 : i32
        %dma_start3A_246 = tpu.memref_slice %arg11[%dma_start3A_244, %dma_start3A_245] : memref<10000x128xf32, #tpu.memory_space<vmem_shared>> -> memref<10000x128xf32, #tpu.memory_space<vmem_shared>>
        tpu.enqueue_indirect_dma source(%arg9 : memref<128x128xf32, #tpu.memory_space<vmem>>) target(%dma_start3A_246 : memref<10000x128xf32, #tpu.memory_space<vmem_shared>>) offsets(%dma_start3A_243 : memref<128xi32, #tpu.memory_space<vmem>>) semaphore(%arg14 : memref<!tpu.dma_semaphore, #tpu.memory_space<semaphore_mem>>) {add = true}
      } else {
      }
      %mul3A_219 = arith.constant 2 : i32
      %mul3A_220 = arith.muli %scan3A_208, %mul3A_219 : i32
      %add3A_221 = arith.constant 1 : i32
      %add3A_222 = arith.addi %mul3A_220, %add3A_221 : i32
      %add3A_223 = arith.constant 0 : i32
      %add3A_224 = arith.addi %add3A_223, %add3A_222 : i32
      %lt3A_225 = arith.cmpi slt, %add3A_224, %min3A_4 : i32
      %convert_element_type3A_226 = arith.extui %lt3A_225 : i1 to i32
      %cond3A_227 = arith.constant 0 : i32
      %cond3A_228 = arith.cmpi ne, %convert_element_type3A_226, %cond3A_227 : i32
      scf.if %cond3A_228 {
        %add3A_229 = arith.constant 1 : i32
        %add3A_230 = arith.addi %add3A_224, %add3A_229 : i32
        %lt3A_231 = arith.cmpi slt, %add3A_230, %min3A_4 : i32
        %convert_element_type3A_232 = arith.extui %lt3A_231 : i1 to i32
        %cond3A_233 = arith.constant 0 : i32
        %cond3A_234 = arith.cmpi ne, %convert_element_type3A_232, %cond3A_233 : i32
        scf.if %cond3A_234 {
          %ge3A = arith.constant 1 : i32
          %ge3A_247 = arith.cmpi sge, %add3A_222, %ge3A : i32
          %convert_element_type3A_248 = arith.extui %ge3A_247 : i1 to i32
          %cond3A_249 = arith.constant 0 : i32
          %cond3A_250 = arith.cmpi ne, %convert_element_type3A_248, %cond3A_249 : i32
          scf.if %cond3A_250 {
            %dma_wait3A_259 = arith.constant 0 : i32
            %dma_wait3A_260 = arith.constant 0 : i32
            %dma_wait3A_261 = tpu.memref_slice %arg7[%dma_wait3A_259, %dma_wait3A_260] : memref<16x128xi32, #tpu.memory_space<vmem>> -> memref<1x128xi32, #tpu.memory_space<vmem>>
            %dma_wait3A_262 = tpu.memref_squeeze %dma_wait3A_261 : memref<1x128xi32, #tpu.memory_space<vmem>> -> memref<128xi32, #tpu.memory_space<vmem>>
            %dma_wait3A_263 = arith.constant 0 : i32
            %dma_wait3A_264 = arith.constant 0 : i32
            %dma_wait3A_265 = tpu.memref_slice %arg11[%dma_wait3A_263, %dma_wait3A_264] : memref<10000x128xf32, #tpu.memory_space<vmem_shared>> -> memref<10000x128xf32, #tpu.memory_space<vmem_shared>>
            tpu.wait_indirect_dma semaphore(%arg14 : memref<!tpu.dma_semaphore, #tpu.memory_space<semaphore_mem>>) src(%arg9 : memref<128x128xf32, #tpu.memory_space<vmem>>) dst(%dma_wait3A_265 : memref<10000x128xf32, #tpu.memory_space<vmem_shared>>)
          } else {
          }
          %add3A_251 = arith.constant 1 : i32
          %add3A_252 = arith.addi %add3A_224, %add3A_251 : i32
          %dma_start3A_253 = arith.constant 0 : i32
          %dma_start3A_254 = tpu.memref_slice %arg6[%add3A_252, %dma_start3A_253] : memref<80x128xi32, #tpu.memory_space<vmem>> -> memref<1x128xi32, #tpu.memory_space<vmem>>
          %dma_start3A_255 = tpu.memref_squeeze %dma_start3A_254 : memref<1x128xi32, #tpu.memory_space<vmem>> -> memref<128xi32, #tpu.memory_space<vmem>>
          %dma_start3A_256 = arith.constant 0 : i32
          %dma_start3A_257 = arith.constant 0 : i32
          %dma_start3A_258 = tpu.memref_slice %arg2[%dma_start3A_256, %dma_start3A_257] : memref<10000x128xf32, #tpu.memory_space<hbm>> -> memref<10000x128xf32, #tpu.memory_space<hbm>>
          tpu.enqueue_indirect_dma source(%dma_start3A_258 : memref<10000x128xf32, #tpu.memory_space<hbm>>) target(%arg9 : memref<128x128xf32, #tpu.memory_space<vmem>>) offsets(%dma_start3A_255 : memref<128xi32, #tpu.memory_space<vmem>>) semaphore(%arg12 : memref<!tpu.dma_semaphore, #tpu.memory_space<semaphore_mem>>)
        } else {
        }
        %dma_wait3A_235 = arith.constant 0 : i32
        %dma_wait3A_236 = tpu.memref_slice %arg6[%add3A_224, %dma_wait3A_235] : memref<80x128xi32, #tpu.memory_space<vmem>> -> memref<1x128xi32, #tpu.memory_space<vmem>>
        %dma_wait3A_237 = tpu.memref_squeeze %dma_wait3A_236 : memref<1x128xi32, #tpu.memory_space<vmem>> -> memref<128xi32, #tpu.memory_space<vmem>>
        %dma_wait3A_238 = arith.constant 0 : i32
        %dma_wait3A_239 = arith.constant 0 : i32
        %dma_wait3A_240 = tpu.memref_slice %arg2[%dma_wait3A_238, %dma_wait3A_239] : memref<10000x128xf32, #tpu.memory_space<hbm>> -> memref<10000x128xf32, #tpu.memory_space<hbm>>
        tpu.wait_indirect_dma semaphore(%arg13 : memref<!tpu.dma_semaphore, #tpu.memory_space<semaphore_mem>>) src(%dma_wait3A_240 : memref<10000x128xf32, #tpu.memory_space<hbm>>) dst(%arg10 : memref<128x128xf32, #tpu.memory_space<vmem>>)
        %dma_start3A_241 = arith.constant 0 : i32
        %dma_start3A_242 = tpu.memref_slice %arg7[%add3A_222, %dma_start3A_241] : memref<16x128xi32, #tpu.memory_space<vmem>> -> memref<1x128xi32, #tpu.memory_space<vmem>>
        %dma_start3A_243 = tpu.memref_squeeze %dma_start3A_242 : memref<1x128xi32, #tpu.memory_space<vmem>> -> memref<128xi32, #tpu.memory_space<vmem>>
        %dma_start3A_244 = arith.constant 0 : i32
        %dma_start3A_245 = arith.constant 0 : i32
        %dma_start3A_246 = tpu.memref_slice %arg11[%dma_start3A_244, %dma_start3A_245] : memref<10000x128xf32, #tpu.memory_space<vmem_shared>> -> memref<10000x128xf32, #tpu.memory_space<vmem_shared>>
        tpu.enqueue_indirect_dma source(%arg10 : memref<128x128xf32, #tpu.memory_space<vmem>>) target(%dma_start3A_246 : memref<10000x128xf32, #tpu.memory_space<vmem_shared>>) offsets(%dma_start3A_243 : memref<128xi32, #tpu.memory_space<vmem>>) semaphore(%arg15 : memref<!tpu.dma_semaphore, #tpu.memory_space<semaphore_mem>>) {add = true}
      } else {
      }
    }
    %scan3A_56 = arith.constant 8 : i32
    %mul3A_57 = arith.constant 80 : i32
    %mul3A_58 = arith.muli %add3A, %mul3A_57 : i32
    %add3A_59 = arith.constant 16 : i32
    %add3A_60 = arith.addi %mul3A_58, %add3A_59 : i32
    %dma_wait3A_61 = arith.constant 0 : i32
    %dma_wait3A_62 = tpu.memref_slice %arg4[%add3A_60, %dma_wait3A_61] : memref<2560x128xi32, #tpu.memory_space<hbm>> -> memref<16x128xi32, #tpu.memory_space<hbm>>
    %dma_wait3A_63 = arith.constant 0 : i32
    %dma_wait3A_64 = tpu.memref_slice %arg4[%add3A_60, %dma_wait3A_63] : memref<2560x128xi32, #tpu.memory_space<hbm>> -> memref<16x128xi32, #tpu.memory_space<hbm>>
    tpu.wait_dma2 semaphore(%arg16 : memref<!tpu.dma_semaphore, #tpu.memory_space<semaphore_mem>>) src(%dma_wait3A_64 : memref<16x128xi32, #tpu.memory_space<hbm>>) dst(%arg8 : memref<16x128xi32, #tpu.memory_space<vmem>>)
    %gt3A = arith.constant 16 : i32
    %gt3A_65 = arith.cmpi sgt, %min3A_4, %gt3A : i32
    %convert_element_type3A_66 = arith.extui %gt3A_65 : i1 to i32
    %cond3A_67 = arith.constant 0 : i32
    %cond3A_68 = arith.cmpi ne, %convert_element_type3A_66, %cond3A_67 : i32
    scf.if %cond3A_68 {
      %dma_wait3A_208 = arith.constant 0 : i32
      %dma_wait3A_209 = arith.constant 0 : i32
      %dma_wait3A_210 = tpu.memref_slice %arg7[%dma_wait3A_208, %dma_wait3A_209] : memref<16x128xi32, #tpu.memory_space<vmem>> -> memref<1x128xi32, #tpu.memory_space<vmem>>
      %dma_wait3A_211 = tpu.memref_squeeze %dma_wait3A_210 : memref<1x128xi32, #tpu.memory_space<vmem>> -> memref<128xi32, #tpu.memory_space<vmem>>
      %dma_wait3A_212 = arith.constant 0 : i32
      %dma_wait3A_213 = arith.constant 0 : i32
      %dma_wait3A_214 = tpu.memref_slice %arg11[%dma_wait3A_212, %dma_wait3A_213] : memref<10000x128xf32, #tpu.memory_space<vmem_shared>> -> memref<10000x128xf32, #tpu.memory_space<vmem_shared>>
      tpu.wait_indirect_dma semaphore(%arg15 : memref<!tpu.dma_semaphore, #tpu.memory_space<semaphore_mem>>) src(%arg10 : memref<128x128xf32, #tpu.memory_space<vmem>>) dst(%dma_wait3A_214 : memref<10000x128xf32, #tpu.memory_space<vmem_shared>>)
    } else {
    }
    %gt3A_69 = arith.constant 0 : i32
    %gt3A_70 = arith.cmpi sgt, %min3A_4, %gt3A_69 : i32
    %le3A = arith.constant 16 : i32
    %le3A_71 = arith.cmpi sle, %min3A_4, %le3A : i32
    %and3A = arith.andi %gt3A_70, %le3A_71 : i1
    %convert_element_type3A_72 = arith.extui %and3A : i1 to i32
    %cond3A_73 = arith.constant 0 : i32
    %cond3A_74 = arith.cmpi ne, %convert_element_type3A_72, %cond3A_73 : i32
    scf.if %cond3A_74 {
      %dma_wait3A_208 = arith.constant 0 : i32
      %dma_wait3A_209 = arith.constant 0 : i32
      %dma_wait3A_210 = tpu.memref_slice %arg7[%dma_wait3A_208, %dma_wait3A_209] : memref<16x128xi32, #tpu.memory_space<vmem>> -> memref<1x128xi32, #tpu.memory_space<vmem>>
      %dma_wait3A_211 = tpu.memref_squeeze %dma_wait3A_210 : memref<1x128xi32, #tpu.memory_space<vmem>> -> memref<128xi32, #tpu.memory_space<vmem>>
      %dma_wait3A_212 = arith.constant 0 : i32
      %dma_wait3A_213 = arith.constant 0 : i32
      %dma_wait3A_214 = tpu.memref_slice %arg11[%dma_wait3A_212, %dma_wait3A_213] : memref<10000x128xf32, #tpu.memory_space<vmem_shared>> -> memref<10000x128xf32, #tpu.memory_space<vmem_shared>>
      tpu.wait_indirect_dma semaphore(%arg14 : memref<!tpu.dma_semaphore, #tpu.memory_space<semaphore_mem>>) src(%arg9 : memref<128x128xf32, #tpu.memory_space<vmem>>) dst(%dma_wait3A_214 : memref<10000x128xf32, #tpu.memory_space<vmem_shared>>)
      %dma_wait3A_215 = arith.constant 0 : i32
      %dma_wait3A_216 = arith.constant 0 : i32
      %dma_wait3A_217 = tpu.memref_slice %arg7[%dma_wait3A_215, %dma_wait3A_216] : memref<16x128xi32, #tpu.memory_space<vmem>> -> memref<1x128xi32, #tpu.memory_space<vmem>>
      %dma_wait3A_218 = tpu.memref_squeeze %dma_wait3A_217 : memref<1x128xi32, #tpu.memory_space<vmem>> -> memref<128xi32, #tpu.memory_space<vmem>>
      %dma_wait3A_219 = arith.constant 0 : i32
      %dma_wait3A_220 = arith.constant 0 : i32
      %dma_wait3A_221 = tpu.memref_slice %arg11[%dma_wait3A_219, %dma_wait3A_220] : memref<10000x128xf32, #tpu.memory_space<vmem_shared>> -> memref<10000x128xf32, #tpu.memory_space<vmem_shared>>
      tpu.wait_indirect_dma semaphore(%arg15 : memref<!tpu.dma_semaphore, #tpu.memory_space<semaphore_mem>>) src(%arg10 : memref<128x128xf32, #tpu.memory_space<vmem>>) dst(%dma_wait3A_221 : memref<10000x128xf32, #tpu.memory_space<vmem_shared>>)
    } else {
    }
    %mul3A_75 = arith.constant 80 : i32
    %mul3A_76 = arith.muli %add3A, %mul3A_75 : i32
    %add3A_77 = arith.constant 16 : i32
    %add3A_78 = arith.addi %mul3A_76, %add3A_77 : i32
    %add3A_79 = arith.constant 16 : i32
    %add3A_80 = arith.addi %add3A_78, %add3A_79 : i32
    %dma_start3A_81 = arith.constant 0 : i32
    %dma_start3A_82 = tpu.memref_slice %arg4[%add3A_80, %dma_start3A_81] : memref<2560x128xi32, #tpu.memory_space<hbm>> -> memref<16x128xi32, #tpu.memory_space<hbm>>
    %dma_start3A_83 = arith.constant 0 : i32
    %dma_start3A_84 = tpu.memref_slice %arg4[%add3A_80, %dma_start3A_83] : memref<2560x128xi32, #tpu.memory_space<hbm>> -> memref<16x128xi32, #tpu.memory_space<hbm>>
    tpu.enqueue_dma source(%dma_start3A_84 : memref<16x128xi32, #tpu.memory_space<hbm>>) target(%arg7 : memref<16x128xi32, #tpu.memory_space<vmem>>) target_semaphore(%arg16 : memref<!tpu.dma_semaphore, #tpu.memory_space<semaphore_mem>>)
    %scan3A_85 = arith.constant 0 : i32
    %scan3A_86 = arith.constant 0 : i32
    %scan3A_87 = arith.constant 8 : i32
    %scan3A_88 = arith.addi %scan3A_86, %scan3A_87 : i32
    %scan3A_89 = arith.constant 1 : i32
    scf.for %scan3A_208 = %scan3A_86 to %scan3A_88 step %scan3A_89  : i32 {
      %mul3A_209 = arith.constant 2 : i32
      %mul3A_210 = arith.muli %scan3A_208, %mul3A_209 : i32
      %add3A_211 = arith.constant 0 : i32
      %add3A_212 = arith.addi %mul3A_210, %add3A_211 : i32
      %add3A_213 = arith.constant 16 : i32
      %add3A_214 = arith.addi %add3A_213, %add3A_212 : i32
      %lt3A_215 = arith.cmpi slt, %add3A_214, %min3A_4 : i32
      %convert_element_type3A_216 = arith.extui %lt3A_215 : i1 to i32
      %cond3A_217 = arith.constant 0 : i32
      %cond3A_218 = arith.cmpi ne, %convert_element_type3A_216, %cond3A_217 : i32
      scf.if %cond3A_218 {
        %add3A_229 = arith.constant 1 : i32
        %add3A_230 = arith.addi %add3A_214, %add3A_229 : i32
        %lt3A_231 = arith.cmpi slt, %add3A_230, %min3A_4 : i32
        %convert_element_type3A_232 = arith.extui %lt3A_231 : i1 to i32
        %cond3A_233 = arith.constant 0 : i32
        %cond3A_234 = arith.cmpi ne, %convert_element_type3A_232, %cond3A_233 : i32
        scf.if %cond3A_234 {
          %ge3A = arith.constant 1 : i32
          %ge3A_247 = arith.cmpi sge, %add3A_212, %ge3A : i32
          %convert_element_type3A_248 = arith.extui %ge3A_247 : i1 to i32
          %cond3A_249 = arith.constant 0 : i32
          %cond3A_250 = arith.cmpi ne, %convert_element_type3A_248, %cond3A_249 : i32
          scf.if %cond3A_250 {
            %dma_wait3A_259 = arith.constant 0 : i32
            %dma_wait3A_260 = arith.constant 0 : i32
            %dma_wait3A_261 = tpu.memref_slice %arg7[%dma_wait3A_259, %dma_wait3A_260] : memref<16x128xi32, #tpu.memory_space<vmem>> -> memref<1x128xi32, #tpu.memory_space<vmem>>
            %dma_wait3A_262 = tpu.memref_squeeze %dma_wait3A_261 : memref<1x128xi32, #tpu.memory_space<vmem>> -> memref<128xi32, #tpu.memory_space<vmem>>
            %dma_wait3A_263 = arith.constant 0 : i32
            %dma_wait3A_264 = arith.constant 0 : i32
            %dma_wait3A_265 = tpu.memref_slice %arg11[%dma_wait3A_263, %dma_wait3A_264] : memref<10000x128xf32, #tpu.memory_space<vmem_shared>> -> memref<10000x128xf32, #tpu.memory_space<vmem_shared>>
            tpu.wait_indirect_dma semaphore(%arg15 : memref<!tpu.dma_semaphore, #tpu.memory_space<semaphore_mem>>) src(%arg10 : memref<128x128xf32, #tpu.memory_space<vmem>>) dst(%dma_wait3A_265 : memref<10000x128xf32, #tpu.memory_space<vmem_shared>>)
          } else {
          }
          %add3A_251 = arith.constant 1 : i32
          %add3A_252 = arith.addi %add3A_214, %add3A_251 : i32
          %dma_start3A_253 = arith.constant 0 : i32
          %dma_start3A_254 = tpu.memref_slice %arg6[%add3A_252, %dma_start3A_253] : memref<80x128xi32, #tpu.memory_space<vmem>> -> memref<1x128xi32, #tpu.memory_space<vmem>>
          %dma_start3A_255 = tpu.memref_squeeze %dma_start3A_254 : memref<1x128xi32, #tpu.memory_space<vmem>> -> memref<128xi32, #tpu.memory_space<vmem>>
          %dma_start3A_256 = arith.constant 0 : i32
          %dma_start3A_257 = arith.constant 0 : i32
          %dma_start3A_258 = tpu.memref_slice %arg2[%dma_start3A_256, %dma_start3A_257] : memref<10000x128xf32, #tpu.memory_space<hbm>> -> memref<10000x128xf32, #tpu.memory_space<hbm>>
          tpu.enqueue_indirect_dma source(%dma_start3A_258 : memref<10000x128xf32, #tpu.memory_space<hbm>>) target(%arg10 : memref<128x128xf32, #tpu.memory_space<vmem>>) offsets(%dma_start3A_255 : memref<128xi32, #tpu.memory_space<vmem>>) semaphore(%arg13 : memref<!tpu.dma_semaphore, #tpu.memory_space<semaphore_mem>>)
        } else {
        }
        %dma_wait3A_235 = arith.constant 0 : i32
        %dma_wait3A_236 = tpu.memref_slice %arg6[%add3A_214, %dma_wait3A_235] : memref<80x128xi32, #tpu.memory_space<vmem>> -> memref<1x128xi32, #tpu.memory_space<vmem>>
        %dma_wait3A_237 = tpu.memref_squeeze %dma_wait3A_236 : memref<1x128xi32, #tpu.memory_space<vmem>> -> memref<128xi32, #tpu.memory_space<vmem>>
        %dma_wait3A_238 = arith.constant 0 : i32
        %dma_wait3A_239 = arith.constant 0 : i32
        %dma_wait3A_240 = tpu.memref_slice %arg2[%dma_wait3A_238, %dma_wait3A_239] : memref<10000x128xf32, #tpu.memory_space<hbm>> -> memref<10000x128xf32, #tpu.memory_space<hbm>>
        tpu.wait_indirect_dma semaphore(%arg12 : memref<!tpu.dma_semaphore, #tpu.memory_space<semaphore_mem>>) src(%dma_wait3A_240 : memref<10000x128xf32, #tpu.memory_space<hbm>>) dst(%arg9 : memref<128x128xf32, #tpu.memory_space<vmem>>)
        %dma_start3A_241 = arith.constant 0 : i32
        %dma_start3A_242 = tpu.memref_slice %arg8[%add3A_212, %dma_start3A_241] : memref<16x128xi32, #tpu.memory_space<vmem>> -> memref<1x128xi32, #tpu.memory_space<vmem>>
        %dma_start3A_243 = tpu.memref_squeeze %dma_start3A_242 : memref<1x128xi32, #tpu.memory_space<vmem>> -> memref<128xi32, #tpu.memory_space<vmem>>
        %dma_start3A_244 = arith.constant 0 : i32
        %dma_start3A_245 = arith.constant 0 : i32
        %dma_start3A_246 = tpu.memref_slice %arg11[%dma_start3A_244, %dma_start3A_245] : memref<10000x128xf32, #tpu.memory_space<vmem_shared>> -> memref<10000x128xf32, #tpu.memory_space<vmem_shared>>
        tpu.enqueue_indirect_dma source(%arg9 : memref<128x128xf32, #tpu.memory_space<vmem>>) target(%dma_start3A_246 : memref<10000x128xf32, #tpu.memory_space<vmem_shared>>) offsets(%dma_start3A_243 : memref<128xi32, #tpu.memory_space<vmem>>) semaphore(%arg14 : memref<!tpu.dma_semaphore, #tpu.memory_space<semaphore_mem>>) {add = true}
      } else {
      }
      %mul3A_219 = arith.constant 2 : i32
      %mul3A_220 = arith.muli %scan3A_208, %mul3A_219 : i32
      %add3A_221 = arith.constant 1 : i32
      %add3A_222 = arith.addi %mul3A_220, %add3A_221 : i32
      %add3A_223 = arith.constant 16 : i32
      %add3A_224 = arith.addi %add3A_223, %add3A_222 : i32
      %lt3A_225 = arith.cmpi slt, %add3A_224, %min3A_4 : i32
      %convert_element_type3A_226 = arith.extui %lt3A_225 : i1 to i32
      %cond3A_227 = arith.constant 0 : i32
      %cond3A_228 = arith.cmpi ne, %convert_element_type3A_226, %cond3A_227 : i32
      scf.if %cond3A_228 {
        %add3A_229 = arith.constant 1 : i32
        %add3A_230 = arith.addi %add3A_224, %add3A_229 : i32
        %lt3A_231 = arith.cmpi slt, %add3A_230, %min3A_4 : i32
        %convert_element_type3A_232 = arith.extui %lt3A_231 : i1 to i32
        %cond3A_233 = arith.constant 0 : i32
        %cond3A_234 = arith.cmpi ne, %convert_element_type3A_232, %cond3A_233 : i32
        scf.if %cond3A_234 {
          %ge3A = arith.constant 1 : i32
          %ge3A_247 = arith.cmpi sge, %add3A_222, %ge3A : i32
          %convert_element_type3A_248 = arith.extui %ge3A_247 : i1 to i32
          %cond3A_249 = arith.constant 0 : i32
          %cond3A_250 = arith.cmpi ne, %convert_element_type3A_248, %cond3A_249 : i32
          scf.if %cond3A_250 {
            %dma_wait3A_259 = arith.constant 0 : i32
            %dma_wait3A_260 = arith.constant 0 : i32
            %dma_wait3A_261 = tpu.memref_slice %arg7[%dma_wait3A_259, %dma_wait3A_260] : memref<16x128xi32, #tpu.memory_space<vmem>> -> memref<1x128xi32, #tpu.memory_space<vmem>>
            %dma_wait3A_262 = tpu.memref_squeeze %dma_wait3A_261 : memref<1x128xi32, #tpu.memory_space<vmem>> -> memref<128xi32, #tpu.memory_space<vmem>>
            %dma_wait3A_263 = arith.constant 0 : i32
            %dma_wait3A_264 = arith.constant 0 : i32
            %dma_wait3A_265 = tpu.memref_slice %arg11[%dma_wait3A_263, %dma_wait3A_264] : memref<10000x128xf32, #tpu.memory_space<vmem_shared>> -> memref<10000x128xf32, #tpu.memory_space<vmem_shared>>
            tpu.wait_indirect_dma semaphore(%arg14 : memref<!tpu.dma_semaphore, #tpu.memory_space<semaphore_mem>>) src(%arg9 : memref<128x128xf32, #tpu.memory_space<vmem>>) dst(%dma_wait3A_265 : memref<10000x128xf32, #tpu.memory_space<vmem_shared>>)
          } else {
          }
          %add3A_251 = arith.constant 1 : i32
          %add3A_252 = arith.addi %add3A_224, %add3A_251 : i32
          %dma_start3A_253 = arith.constant 0 : i32
          %dma_start3A_254 = tpu.memref_slice %arg6[%add3A_252, %dma_start3A_253] : memref<80x128xi32, #tpu.memory_space<vmem>> -> memref<1x128xi32, #tpu.memory_space<vmem>>
          %dma_start3A_255 = tpu.memref_squeeze %dma_start3A_254 : memref<1x128xi32, #tpu.memory_space<vmem>> -> memref<128xi32, #tpu.memory_space<vmem>>
          %dma_start3A_256 = arith.constant 0 : i32
          %dma_start3A_257 = arith.constant 0 : i32
          %dma_start3A_258 = tpu.memref_slice %arg2[%dma_start3A_256, %dma_start3A_257] : memref<10000x128xf32, #tpu.memory_space<hbm>> -> memref<10000x128xf32, #tpu.memory_space<hbm>>
          tpu.enqueue_indirect_dma source(%dma_start3A_258 : memref<10000x128xf32, #tpu.memory_space<hbm>>) target(%arg9 : memref<128x128xf32, #tpu.memory_space<vmem>>) offsets(%dma_start3A_255 : memref<128xi32, #tpu.memory_space<vmem>>) semaphore(%arg12 : memref<!tpu.dma_semaphore, #tpu.memory_space<semaphore_mem>>)
        } else {
        }
        %dma_wait3A_235 = arith.constant 0 : i32
        %dma_wait3A_236 = tpu.memref_slice %arg6[%add3A_224, %dma_wait3A_235] : memref<80x128xi32, #tpu.memory_space<vmem>> -> memref<1x128xi32, #tpu.memory_space<vmem>>
        %dma_wait3A_237 = tpu.memref_squeeze %dma_wait3A_236 : memref<1x128xi32, #tpu.memory_space<vmem>> -> memref<128xi32, #tpu.memory_space<vmem>>
        %dma_wait3A_238 = arith.constant 0 : i32
        %dma_wait3A_239 = arith.constant 0 : i32
        %dma_wait3A_240 = tpu.memref_slice %arg2[%dma_wait3A_238, %dma_wait3A_239] : memref<10000x128xf32, #tpu.memory_space<hbm>> -> memref<10000x128xf32, #tpu.memory_space<hbm>>
        tpu.wait_indirect_dma semaphore(%arg13 : memref<!tpu.dma_semaphore, #tpu.memory_space<semaphore_mem>>) src(%dma_wait3A_240 : memref<10000x128xf32, #tpu.memory_space<hbm>>) dst(%arg10 : memref<128x128xf32, #tpu.memory_space<vmem>>)
        %dma_start3A_241 = arith.constant 0 : i32
        %dma_start3A_242 = tpu.memref_slice %arg8[%add3A_222, %dma_start3A_241] : memref<16x128xi32, #tpu.memory_space<vmem>> -> memref<1x128xi32, #tpu.memory_space<vmem>>
        %dma_start3A_243 = tpu.memref_squeeze %dma_start3A_242 : memref<1x128xi32, #tpu.memory_space<vmem>> -> memref<128xi32, #tpu.memory_space<vmem>>
        %dma_start3A_244 = arith.constant 0 : i32
        %dma_start3A_245 = arith.constant 0 : i32
        %dma_start3A_246 = tpu.memref_slice %arg11[%dma_start3A_244, %dma_start3A_245] : memref<10000x128xf32, #tpu.memory_space<vmem_shared>> -> memref<10000x128xf32, #tpu.memory_space<vmem_shared>>
        tpu.enqueue_indirect_dma source(%arg10 : memref<128x128xf32, #tpu.memory_space<vmem>>) target(%dma_start3A_246 : memref<10000x128xf32, #tpu.memory_space<vmem_shared>>) offsets(%dma_start3A_243 : memref<128xi32, #tpu.memory_space<vmem>>) semaphore(%arg15 : memref<!tpu.dma_semaphore, #tpu.memory_space<semaphore_mem>>) {add = true}
      } else {
      }
    }
    %scan3A_90 = arith.constant 8 : i32
    %mul3A_91 = arith.constant 80 : i32
    %mul3A_92 = arith.muli %add3A, %mul3A_91 : i32
    %add3A_93 = arith.constant 32 : i32
    %add3A_94 = arith.addi %mul3A_92, %add3A_93 : i32
    %dma_wait3A_95 = arith.constant 0 : i32
    %dma_wait3A_96 = tpu.memref_slice %arg4[%add3A_94, %dma_wait3A_95] : memref<2560x128xi32, #tpu.memory_space<hbm>> -> memref<16x128xi32, #tpu.memory_space<hbm>>
    %dma_wait3A_97 = arith.constant 0 : i32
    %dma_wait3A_98 = tpu.memref_slice %arg4[%add3A_94, %dma_wait3A_97] : memref<2560x128xi32, #tpu.memory_space<hbm>> -> memref<16x128xi32, #tpu.memory_space<hbm>>
    tpu.wait_dma2 semaphore(%arg16 : memref<!tpu.dma_semaphore, #tpu.memory_space<semaphore_mem>>) src(%dma_wait3A_98 : memref<16x128xi32, #tpu.memory_space<hbm>>) dst(%arg7 : memref<16x128xi32, #tpu.memory_space<vmem>>)
    %gt3A_99 = arith.constant 32 : i32
    %gt3A_100 = arith.cmpi sgt, %min3A_4, %gt3A_99 : i32
    %convert_element_type3A_101 = arith.extui %gt3A_100 : i1 to i32
    %cond3A_102 = arith.constant 0 : i32
    %cond3A_103 = arith.cmpi ne, %convert_element_type3A_101, %cond3A_102 : i32
    scf.if %cond3A_103 {
      %dma_wait3A_208 = arith.constant 0 : i32
      %dma_wait3A_209 = arith.constant 0 : i32
      %dma_wait3A_210 = tpu.memref_slice %arg7[%dma_wait3A_208, %dma_wait3A_209] : memref<16x128xi32, #tpu.memory_space<vmem>> -> memref<1x128xi32, #tpu.memory_space<vmem>>
      %dma_wait3A_211 = tpu.memref_squeeze %dma_wait3A_210 : memref<1x128xi32, #tpu.memory_space<vmem>> -> memref<128xi32, #tpu.memory_space<vmem>>
      %dma_wait3A_212 = arith.constant 0 : i32
      %dma_wait3A_213 = arith.constant 0 : i32
      %dma_wait3A_214 = tpu.memref_slice %arg11[%dma_wait3A_212, %dma_wait3A_213] : memref<10000x128xf32, #tpu.memory_space<vmem_shared>> -> memref<10000x128xf32, #tpu.memory_space<vmem_shared>>
      tpu.wait_indirect_dma semaphore(%arg15 : memref<!tpu.dma_semaphore, #tpu.memory_space<semaphore_mem>>) src(%arg10 : memref<128x128xf32, #tpu.memory_space<vmem>>) dst(%dma_wait3A_214 : memref<10000x128xf32, #tpu.memory_space<vmem_shared>>)
    } else {
    }
    %gt3A_104 = arith.constant 16 : i32
    %gt3A_105 = arith.cmpi sgt, %min3A_4, %gt3A_104 : i32
    %le3A_106 = arith.constant 32 : i32
    %le3A_107 = arith.cmpi sle, %min3A_4, %le3A_106 : i32
    %and3A_108 = arith.andi %gt3A_105, %le3A_107 : i1
    %convert_element_type3A_109 = arith.extui %and3A_108 : i1 to i32
    %cond3A_110 = arith.constant 0 : i32
    %cond3A_111 = arith.cmpi ne, %convert_element_type3A_109, %cond3A_110 : i32
    scf.if %cond3A_111 {
      %dma_wait3A_208 = arith.constant 0 : i32
      %dma_wait3A_209 = arith.constant 0 : i32
      %dma_wait3A_210 = tpu.memref_slice %arg7[%dma_wait3A_208, %dma_wait3A_209] : memref<16x128xi32, #tpu.memory_space<vmem>> -> memref<1x128xi32, #tpu.memory_space<vmem>>
      %dma_wait3A_211 = tpu.memref_squeeze %dma_wait3A_210 : memref<1x128xi32, #tpu.memory_space<vmem>> -> memref<128xi32, #tpu.memory_space<vmem>>
      %dma_wait3A_212 = arith.constant 0 : i32
      %dma_wait3A_213 = arith.constant 0 : i32
      %dma_wait3A_214 = tpu.memref_slice %arg11[%dma_wait3A_212, %dma_wait3A_213] : memref<10000x128xf32, #tpu.memory_space<vmem_shared>> -> memref<10000x128xf32, #tpu.memory_space<vmem_shared>>
      tpu.wait_indirect_dma semaphore(%arg14 : memref<!tpu.dma_semaphore, #tpu.memory_space<semaphore_mem>>) src(%arg9 : memref<128x128xf32, #tpu.memory_space<vmem>>) dst(%dma_wait3A_214 : memref<10000x128xf32, #tpu.memory_space<vmem_shared>>)
      %dma_wait3A_215 = arith.constant 0 : i32
      %dma_wait3A_216 = arith.constant 0 : i32
      %dma_wait3A_217 = tpu.memref_slice %arg7[%dma_wait3A_215, %dma_wait3A_216] : memref<16x128xi32, #tpu.memory_space<vmem>> -> memref<1x128xi32, #tpu.memory_space<vmem>>
      %dma_wait3A_218 = tpu.memref_squeeze %dma_wait3A_217 : memref<1x128xi32, #tpu.memory_space<vmem>> -> memref<128xi32, #tpu.memory_space<vmem>>
      %dma_wait3A_219 = arith.constant 0 : i32
      %dma_wait3A_220 = arith.constant 0 : i32
      %dma_wait3A_221 = tpu.memref_slice %arg11[%dma_wait3A_219, %dma_wait3A_220] : memref<10000x128xf32, #tpu.memory_space<vmem_shared>> -> memref<10000x128xf32, #tpu.memory_space<vmem_shared>>
      tpu.wait_indirect_dma semaphore(%arg15 : memref<!tpu.dma_semaphore, #tpu.memory_space<semaphore_mem>>) src(%arg10 : memref<128x128xf32, #tpu.memory_space<vmem>>) dst(%dma_wait3A_221 : memref<10000x128xf32, #tpu.memory_space<vmem_shared>>)
    } else {
    }
    %mul3A_112 = arith.constant 80 : i32
    %mul3A_113 = arith.muli %add3A, %mul3A_112 : i32
    %add3A_114 = arith.constant 32 : i32
    %add3A_115 = arith.addi %mul3A_113, %add3A_114 : i32
    %add3A_116 = arith.constant 16 : i32
    %add3A_117 = arith.addi %add3A_115, %add3A_116 : i32
    %dma_start3A_118 = arith.constant 0 : i32
    %dma_start3A_119 = tpu.memref_slice %arg4[%add3A_117, %dma_start3A_118] : memref<2560x128xi32, #tpu.memory_space<hbm>> -> memref<16x128xi32, #tpu.memory_space<hbm>>
    %dma_start3A_120 = arith.constant 0 : i32
    %dma_start3A_121 = tpu.memref_slice %arg4[%add3A_117, %dma_start3A_120] : memref<2560x128xi32, #tpu.memory_space<hbm>> -> memref<16x128xi32, #tpu.memory_space<hbm>>
    tpu.enqueue_dma source(%dma_start3A_121 : memref<16x128xi32, #tpu.memory_space<hbm>>) target(%arg8 : memref<16x128xi32, #tpu.memory_space<vmem>>) target_semaphore(%arg16 : memref<!tpu.dma_semaphore, #tpu.memory_space<semaphore_mem>>)
    %scan3A_122 = arith.constant 0 : i32
    %scan3A_123 = arith.constant 0 : i32
    %scan3A_124 = arith.constant 8 : i32
    %scan3A_125 = arith.addi %scan3A_123, %scan3A_124 : i32
    %scan3A_126 = arith.constant 1 : i32
    scf.for %scan3A_208 = %scan3A_123 to %scan3A_125 step %scan3A_126  : i32 {
      %mul3A_209 = arith.constant 2 : i32
      %mul3A_210 = arith.muli %scan3A_208, %mul3A_209 : i32
      %add3A_211 = arith.constant 0 : i32
      %add3A_212 = arith.addi %mul3A_210, %add3A_211 : i32
      %add3A_213 = arith.constant 32 : i32
      %add3A_214 = arith.addi %add3A_213, %add3A_212 : i32
      %lt3A_215 = arith.cmpi slt, %add3A_214, %min3A_4 : i32
      %convert_element_type3A_216 = arith.extui %lt3A_215 : i1 to i32
      %cond3A_217 = arith.constant 0 : i32
      %cond3A_218 = arith.cmpi ne, %convert_element_type3A_216, %cond3A_217 : i32
      scf.if %cond3A_218 {
        %add3A_229 = arith.constant 1 : i32
        %add3A_230 = arith.addi %add3A_214, %add3A_229 : i32
        %lt3A_231 = arith.cmpi slt, %add3A_230, %min3A_4 : i32
        %convert_element_type3A_232 = arith.extui %lt3A_231 : i1 to i32
        %cond3A_233 = arith.constant 0 : i32
        %cond3A_234 = arith.cmpi ne, %convert_element_type3A_232, %cond3A_233 : i32
        scf.if %cond3A_234 {
          %ge3A = arith.constant 1 : i32
          %ge3A_247 = arith.cmpi sge, %add3A_212, %ge3A : i32
          %convert_element_type3A_248 = arith.extui %ge3A_247 : i1 to i32
          %cond3A_249 = arith.constant 0 : i32
          %cond3A_250 = arith.cmpi ne, %convert_element_type3A_248, %cond3A_249 : i32
          scf.if %cond3A_250 {
            %dma_wait3A_259 = arith.constant 0 : i32
            %dma_wait3A_260 = arith.constant 0 : i32
            %dma_wait3A_261 = tpu.memref_slice %arg7[%dma_wait3A_259, %dma_wait3A_260] : memref<16x128xi32, #tpu.memory_space<vmem>> -> memref<1x128xi32, #tpu.memory_space<vmem>>
            %dma_wait3A_262 = tpu.memref_squeeze %dma_wait3A_261 : memref<1x128xi32, #tpu.memory_space<vmem>> -> memref<128xi32, #tpu.memory_space<vmem>>
            %dma_wait3A_263 = arith.constant 0 : i32
            %dma_wait3A_264 = arith.constant 0 : i32
            %dma_wait3A_265 = tpu.memref_slice %arg11[%dma_wait3A_263, %dma_wait3A_264] : memref<10000x128xf32, #tpu.memory_space<vmem_shared>> -> memref<10000x128xf32, #tpu.memory_space<vmem_shared>>
            tpu.wait_indirect_dma semaphore(%arg15 : memref<!tpu.dma_semaphore, #tpu.memory_space<semaphore_mem>>) src(%arg10 : memref<128x128xf32, #tpu.memory_space<vmem>>) dst(%dma_wait3A_265 : memref<10000x128xf32, #tpu.memory_space<vmem_shared>>)
          } else {
          }
          %add3A_251 = arith.constant 1 : i32
          %add3A_252 = arith.addi %add3A_214, %add3A_251 : i32
          %dma_start3A_253 = arith.constant 0 : i32
          %dma_start3A_254 = tpu.memref_slice %arg6[%add3A_252, %dma_start3A_253] : memref<80x128xi32, #tpu.memory_space<vmem>> -> memref<1x128xi32, #tpu.memory_space<vmem>>
          %dma_start3A_255 = tpu.memref_squeeze %dma_start3A_254 : memref<1x128xi32, #tpu.memory_space<vmem>> -> memref<128xi32, #tpu.memory_space<vmem>>
          %dma_start3A_256 = arith.constant 0 : i32
          %dma_start3A_257 = arith.constant 0 : i32
          %dma_start3A_258 = tpu.memref_slice %arg2[%dma_start3A_256, %dma_start3A_257] : memref<10000x128xf32, #tpu.memory_space<hbm>> -> memref<10000x128xf32, #tpu.memory_space<hbm>>
          tpu.enqueue_indirect_dma source(%dma_start3A_258 : memref<10000x128xf32, #tpu.memory_space<hbm>>) target(%arg10 : memref<128x128xf32, #tpu.memory_space<vmem>>) offsets(%dma_start3A_255 : memref<128xi32, #tpu.memory_space<vmem>>) semaphore(%arg13 : memref<!tpu.dma_semaphore, #tpu.memory_space<semaphore_mem>>)
        } else {
        }
        %dma_wait3A_235 = arith.constant 0 : i32
        %dma_wait3A_236 = tpu.memref_slice %arg6[%add3A_214, %dma_wait3A_235] : memref<80x128xi32, #tpu.memory_space<vmem>> -> memref<1x128xi32, #tpu.memory_space<vmem>>
        %dma_wait3A_237 = tpu.memref_squeeze %dma_wait3A_236 : memref<1x128xi32, #tpu.memory_space<vmem>> -> memref<128xi32, #tpu.memory_space<vmem>>
        %dma_wait3A_238 = arith.constant 0 : i32
        %dma_wait3A_239 = arith.constant 0 : i32
        %dma_wait3A_240 = tpu.memref_slice %arg2[%dma_wait3A_238, %dma_wait3A_239] : memref<10000x128xf32, #tpu.memory_space<hbm>> -> memref<10000x128xf32, #tpu.memory_space<hbm>>
        tpu.wait_indirect_dma semaphore(%arg12 : memref<!tpu.dma_semaphore, #tpu.memory_space<semaphore_mem>>) src(%dma_wait3A_240 : memref<10000x128xf32, #tpu.memory_space<hbm>>) dst(%arg9 : memref<128x128xf32, #tpu.memory_space<vmem>>)
        %dma_start3A_241 = arith.constant 0 : i32
        %dma_start3A_242 = tpu.memref_slice %arg7[%add3A_212, %dma_start3A_241] : memref<16x128xi32, #tpu.memory_space<vmem>> -> memref<1x128xi32, #tpu.memory_space<vmem>>
        %dma_start3A_243 = tpu.memref_squeeze %dma_start3A_242 : memref<1x128xi32, #tpu.memory_space<vmem>> -> memref<128xi32, #tpu.memory_space<vmem>>
        %dma_start3A_244 = arith.constant 0 : i32
        %dma_start3A_245 = arith.constant 0 : i32
        %dma_start3A_246 = tpu.memref_slice %arg11[%dma_start3A_244, %dma_start3A_245] : memref<10000x128xf32, #tpu.memory_space<vmem_shared>> -> memref<10000x128xf32, #tpu.memory_space<vmem_shared>>
        tpu.enqueue_indirect_dma source(%arg9 : memref<128x128xf32, #tpu.memory_space<vmem>>) target(%dma_start3A_246 : memref<10000x128xf32, #tpu.memory_space<vmem_shared>>) offsets(%dma_start3A_243 : memref<128xi32, #tpu.memory_space<vmem>>) semaphore(%arg14 : memref<!tpu.dma_semaphore, #tpu.memory_space<semaphore_mem>>) {add = true}
      } else {
      }
      %mul3A_219 = arith.constant 2 : i32
      %mul3A_220 = arith.muli %scan3A_208, %mul3A_219 : i32
      %add3A_221 = arith.constant 1 : i32
      %add3A_222 = arith.addi %mul3A_220, %add3A_221 : i32
      %add3A_223 = arith.constant 32 : i32
      %add3A_224 = arith.addi %add3A_223, %add3A_222 : i32
      %lt3A_225 = arith.cmpi slt, %add3A_224, %min3A_4 : i32
      %convert_element_type3A_226 = arith.extui %lt3A_225 : i1 to i32
      %cond3A_227 = arith.constant 0 : i32
      %cond3A_228 = arith.cmpi ne, %convert_element_type3A_226, %cond3A_227 : i32
      scf.if %cond3A_228 {
        %add3A_229 = arith.constant 1 : i32
        %add3A_230 = arith.addi %add3A_224, %add3A_229 : i32
        %lt3A_231 = arith.cmpi slt, %add3A_230, %min3A_4 : i32
        %convert_element_type3A_232 = arith.extui %lt3A_231 : i1 to i32
        %cond3A_233 = arith.constant 0 : i32
        %cond3A_234 = arith.cmpi ne, %convert_element_type3A_232, %cond3A_233 : i32
        scf.if %cond3A_234 {
          %ge3A = arith.constant 1 : i32
          %ge3A_247 = arith.cmpi sge, %add3A_222, %ge3A : i32
          %convert_element_type3A_248 = arith.extui %ge3A_247 : i1 to i32
          %cond3A_249 = arith.constant 0 : i32
          %cond3A_250 = arith.cmpi ne, %convert_element_type3A_248, %cond3A_249 : i32
          scf.if %cond3A_250 {
            %dma_wait3A_259 = arith.constant 0 : i32
            %dma_wait3A_260 = arith.constant 0 : i32
            %dma_wait3A_261 = tpu.memref_slice %arg7[%dma_wait3A_259, %dma_wait3A_260] : memref<16x128xi32, #tpu.memory_space<vmem>> -> memref<1x128xi32, #tpu.memory_space<vmem>>
            %dma_wait3A_262 = tpu.memref_squeeze %dma_wait3A_261 : memref<1x128xi32, #tpu.memory_space<vmem>> -> memref<128xi32, #tpu.memory_space<vmem>>
            %dma_wait3A_263 = arith.constant 0 : i32
            %dma_wait3A_264 = arith.constant 0 : i32
            %dma_wait3A_265 = tpu.memref_slice %arg11[%dma_wait3A_263, %dma_wait3A_264] : memref<10000x128xf32, #tpu.memory_space<vmem_shared>> -> memref<10000x128xf32, #tpu.memory_space<vmem_shared>>
            tpu.wait_indirect_dma semaphore(%arg14 : memref<!tpu.dma_semaphore, #tpu.memory_space<semaphore_mem>>) src(%arg9 : memref<128x128xf32, #tpu.memory_space<vmem>>) dst(%dma_wait3A_265 : memref<10000x128xf32, #tpu.memory_space<vmem_shared>>)
          } else {
          }
          %add3A_251 = arith.constant 1 : i32
          %add3A_252 = arith.addi %add3A_224, %add3A_251 : i32
          %dma_start3A_253 = arith.constant 0 : i32
          %dma_start3A_254 = tpu.memref_slice %arg6[%add3A_252, %dma_start3A_253] : memref<80x128xi32, #tpu.memory_space<vmem>> -> memref<1x128xi32, #tpu.memory_space<vmem>>
          %dma_start3A_255 = tpu.memref_squeeze %dma_start3A_254 : memref<1x128xi32, #tpu.memory_space<vmem>> -> memref<128xi32, #tpu.memory_space<vmem>>
          %dma_start3A_256 = arith.constant 0 : i32
          %dma_start3A_257 = arith.constant 0 : i32
          %dma_start3A_258 = tpu.memref_slice %arg2[%dma_start3A_256, %dma_start3A_257] : memref<10000x128xf32, #tpu.memory_space<hbm>> -> memref<10000x128xf32, #tpu.memory_space<hbm>>
          tpu.enqueue_indirect_dma source(%dma_start3A_258 : memref<10000x128xf32, #tpu.memory_space<hbm>>) target(%arg9 : memref<128x128xf32, #tpu.memory_space<vmem>>) offsets(%dma_start3A_255 : memref<128xi32, #tpu.memory_space<vmem>>) semaphore(%arg12 : memref<!tpu.dma_semaphore, #tpu.memory_space<semaphore_mem>>)
        } else {
        }
        %dma_wait3A_235 = arith.constant 0 : i32
        %dma_wait3A_236 = tpu.memref_slice %arg6[%add3A_224, %dma_wait3A_235] : memref<80x128xi32, #tpu.memory_space<vmem>> -> memref<1x128xi32, #tpu.memory_space<vmem>>
        %dma_wait3A_237 = tpu.memref_squeeze %dma_wait3A_236 : memref<1x128xi32, #tpu.memory_space<vmem>> -> memref<128xi32, #tpu.memory_space<vmem>>
        %dma_wait3A_238 = arith.constant 0 : i32
        %dma_wait3A_239 = arith.constant 0 : i32
        %dma_wait3A_240 = tpu.memref_slice %arg2[%dma_wait3A_238, %dma_wait3A_239] : memref<10000x128xf32, #tpu.memory_space<hbm>> -> memref<10000x128xf32, #tpu.memory_space<hbm>>
        tpu.wait_indirect_dma semaphore(%arg13 : memref<!tpu.dma_semaphore, #tpu.memory_space<semaphore_mem>>) src(%dma_wait3A_240 : memref<10000x128xf32, #tpu.memory_space<hbm>>) dst(%arg10 : memref<128x128xf32, #tpu.memory_space<vmem>>)
        %dma_start3A_241 = arith.constant 0 : i32
        %dma_start3A_242 = tpu.memref_slice %arg7[%add3A_222, %dma_start3A_241] : memref<16x128xi32, #tpu.memory_space<vmem>> -> memref<1x128xi32, #tpu.memory_space<vmem>>
        %dma_start3A_243 = tpu.memref_squeeze %dma_start3A_242 : memref<1x128xi32, #tpu.memory_space<vmem>> -> memref<128xi32, #tpu.memory_space<vmem>>
        %dma_start3A_244 = arith.constant 0 : i32
        %dma_start3A_245 = arith.constant 0 : i32
        %dma_start3A_246 = tpu.memref_slice %arg11[%dma_start3A_244, %dma_start3A_245] : memref<10000x128xf32, #tpu.memory_space<vmem_shared>> -> memref<10000x128xf32, #tpu.memory_space<vmem_shared>>
        tpu.enqueue_indirect_dma source(%arg10 : memref<128x128xf32, #tpu.memory_space<vmem>>) target(%dma_start3A_246 : memref<10000x128xf32, #tpu.memory_space<vmem_shared>>) offsets(%dma_start3A_243 : memref<128xi32, #tpu.memory_space<vmem>>) semaphore(%arg15 : memref<!tpu.dma_semaphore, #tpu.memory_space<semaphore_mem>>) {add = true}
      } else {
      }
    }
    %scan3A_127 = arith.constant 8 : i32
    %mul3A_128 = arith.constant 80 : i32
    %mul3A_129 = arith.muli %add3A, %mul3A_128 : i32
    %add3A_130 = arith.constant 48 : i32
    %add3A_131 = arith.addi %mul3A_129, %add3A_130 : i32
    %dma_wait3A_132 = arith.constant 0 : i32
    %dma_wait3A_133 = tpu.memref_slice %arg4[%add3A_131, %dma_wait3A_132] : memref<2560x128xi32, #tpu.memory_space<hbm>> -> memref<16x128xi32, #tpu.memory_space<hbm>>
    %dma_wait3A_134 = arith.constant 0 : i32
    %dma_wait3A_135 = tpu.memref_slice %arg4[%add3A_131, %dma_wait3A_134] : memref<2560x128xi32, #tpu.memory_space<hbm>> -> memref<16x128xi32, #tpu.memory_space<hbm>>
    tpu.wait_dma2 semaphore(%arg16 : memref<!tpu.dma_semaphore, #tpu.memory_space<semaphore_mem>>) src(%dma_wait3A_135 : memref<16x128xi32, #tpu.memory_space<hbm>>) dst(%arg8 : memref<16x128xi32, #tpu.memory_space<vmem>>)
    %gt3A_136 = arith.constant 48 : i32
    %gt3A_137 = arith.cmpi sgt, %min3A_4, %gt3A_136 : i32
    %convert_element_type3A_138 = arith.extui %gt3A_137 : i1 to i32
    %cond3A_139 = arith.constant 0 : i32
    %cond3A_140 = arith.cmpi ne, %convert_element_type3A_138, %cond3A_139 : i32
    scf.if %cond3A_140 {
      %dma_wait3A_208 = arith.constant 0 : i32
      %dma_wait3A_209 = arith.constant 0 : i32
      %dma_wait3A_210 = tpu.memref_slice %arg7[%dma_wait3A_208, %dma_wait3A_209] : memref<16x128xi32, #tpu.memory_space<vmem>> -> memref<1x128xi32, #tpu.memory_space<vmem>>
      %dma_wait3A_211 = tpu.memref_squeeze %dma_wait3A_210 : memref<1x128xi32, #tpu.memory_space<vmem>> -> memref<128xi32, #tpu.memory_space<vmem>>
      %dma_wait3A_212 = arith.constant 0 : i32
      %dma_wait3A_213 = arith.constant 0 : i32
      %dma_wait3A_214 = tpu.memref_slice %arg11[%dma_wait3A_212, %dma_wait3A_213] : memref<10000x128xf32, #tpu.memory_space<vmem_shared>> -> memref<10000x128xf32, #tpu.memory_space<vmem_shared>>
      tpu.wait_indirect_dma semaphore(%arg15 : memref<!tpu.dma_semaphore, #tpu.memory_space<semaphore_mem>>) src(%arg10 : memref<128x128xf32, #tpu.memory_space<vmem>>) dst(%dma_wait3A_214 : memref<10000x128xf32, #tpu.memory_space<vmem_shared>>)
    } else {
    }
    %gt3A_141 = arith.constant 32 : i32
    %gt3A_142 = arith.cmpi sgt, %min3A_4, %gt3A_141 : i32
    %le3A_143 = arith.constant 48 : i32
    %le3A_144 = arith.cmpi sle, %min3A_4, %le3A_143 : i32
    %and3A_145 = arith.andi %gt3A_142, %le3A_144 : i1
    %convert_element_type3A_146 = arith.extui %and3A_145 : i1 to i32
    %cond3A_147 = arith.constant 0 : i32
    %cond3A_148 = arith.cmpi ne, %convert_element_type3A_146, %cond3A_147 : i32
    scf.if %cond3A_148 {
      %dma_wait3A_208 = arith.constant 0 : i32
      %dma_wait3A_209 = arith.constant 0 : i32
      %dma_wait3A_210 = tpu.memref_slice %arg7[%dma_wait3A_208, %dma_wait3A_209] : memref<16x128xi32, #tpu.memory_space<vmem>> -> memref<1x128xi32, #tpu.memory_space<vmem>>
      %dma_wait3A_211 = tpu.memref_squeeze %dma_wait3A_210 : memref<1x128xi32, #tpu.memory_space<vmem>> -> memref<128xi32, #tpu.memory_space<vmem>>
      %dma_wait3A_212 = arith.constant 0 : i32
      %dma_wait3A_213 = arith.constant 0 : i32
      %dma_wait3A_214 = tpu.memref_slice %arg11[%dma_wait3A_212, %dma_wait3A_213] : memref<10000x128xf32, #tpu.memory_space<vmem_shared>> -> memref<10000x128xf32, #tpu.memory_space<vmem_shared>>
      tpu.wait_indirect_dma semaphore(%arg14 : memref<!tpu.dma_semaphore, #tpu.memory_space<semaphore_mem>>) src(%arg9 : memref<128x128xf32, #tpu.memory_space<vmem>>) dst(%dma_wait3A_214 : memref<10000x128xf32, #tpu.memory_space<vmem_shared>>)
      %dma_wait3A_215 = arith.constant 0 : i32
      %dma_wait3A_216 = arith.constant 0 : i32
      %dma_wait3A_217 = tpu.memref_slice %arg7[%dma_wait3A_215, %dma_wait3A_216] : memref<16x128xi32, #tpu.memory_space<vmem>> -> memref<1x128xi32, #tpu.memory_space<vmem>>
      %dma_wait3A_218 = tpu.memref_squeeze %dma_wait3A_217 : memref<1x128xi32, #tpu.memory_space<vmem>> -> memref<128xi32, #tpu.memory_space<vmem>>
      %dma_wait3A_219 = arith.constant 0 : i32
      %dma_wait3A_220 = arith.constant 0 : i32
      %dma_wait3A_221 = tpu.memref_slice %arg11[%dma_wait3A_219, %dma_wait3A_220] : memref<10000x128xf32, #tpu.memory_space<vmem_shared>> -> memref<10000x128xf32, #tpu.memory_space<vmem_shared>>
      tpu.wait_indirect_dma semaphore(%arg15 : memref<!tpu.dma_semaphore, #tpu.memory_space<semaphore_mem>>) src(%arg10 : memref<128x128xf32, #tpu.memory_space<vmem>>) dst(%dma_wait3A_221 : memref<10000x128xf32, #tpu.memory_space<vmem_shared>>)
    } else {
    }
    %mul3A_149 = arith.constant 80 : i32
    %mul3A_150 = arith.muli %add3A, %mul3A_149 : i32
    %add3A_151 = arith.constant 48 : i32
    %add3A_152 = arith.addi %mul3A_150, %add3A_151 : i32
    %add3A_153 = arith.constant 16 : i32
    %add3A_154 = arith.addi %add3A_152, %add3A_153 : i32
    %dma_start3A_155 = arith.constant 0 : i32
    %dma_start3A_156 = tpu.memref_slice %arg4[%add3A_154, %dma_start3A_155] : memref<2560x128xi32, #tpu.memory_space<hbm>> -> memref<16x128xi32, #tpu.memory_space<hbm>>
    %dma_start3A_157 = arith.constant 0 : i32
    %dma_start3A_158 = tpu.memref_slice %arg4[%add3A_154, %dma_start3A_157] : memref<2560x128xi32, #tpu.memory_space<hbm>> -> memref<16x128xi32, #tpu.memory_space<hbm>>
    tpu.enqueue_dma source(%dma_start3A_158 : memref<16x128xi32, #tpu.memory_space<hbm>>) target(%arg7 : memref<16x128xi32, #tpu.memory_space<vmem>>) target_semaphore(%arg16 : memref<!tpu.dma_semaphore, #tpu.memory_space<semaphore_mem>>)
    %scan3A_159 = arith.constant 0 : i32
    %scan3A_160 = arith.constant 0 : i32
    %scan3A_161 = arith.constant 8 : i32
    %scan3A_162 = arith.addi %scan3A_160, %scan3A_161 : i32
    %scan3A_163 = arith.constant 1 : i32
    scf.for %scan3A_208 = %scan3A_160 to %scan3A_162 step %scan3A_163  : i32 {
      %mul3A_209 = arith.constant 2 : i32
      %mul3A_210 = arith.muli %scan3A_208, %mul3A_209 : i32
      %add3A_211 = arith.constant 0 : i32
      %add3A_212 = arith.addi %mul3A_210, %add3A_211 : i32
      %add3A_213 = arith.constant 48 : i32
      %add3A_214 = arith.addi %add3A_213, %add3A_212 : i32
      %lt3A_215 = arith.cmpi slt, %add3A_214, %min3A_4 : i32
      %convert_element_type3A_216 = arith.extui %lt3A_215 : i1 to i32
      %cond3A_217 = arith.constant 0 : i32
      %cond3A_218 = arith.cmpi ne, %convert_element_type3A_216, %cond3A_217 : i32
      scf.if %cond3A_218 {
        %add3A_229 = arith.constant 1 : i32
        %add3A_230 = arith.addi %add3A_214, %add3A_229 : i32
        %lt3A_231 = arith.cmpi slt, %add3A_230, %min3A_4 : i32
        %convert_element_type3A_232 = arith.extui %lt3A_231 : i1 to i32
        %cond3A_233 = arith.constant 0 : i32
        %cond3A_234 = arith.cmpi ne, %convert_element_type3A_232, %cond3A_233 : i32
        scf.if %cond3A_234 {
          %ge3A = arith.constant 1 : i32
          %ge3A_247 = arith.cmpi sge, %add3A_212, %ge3A : i32
          %convert_element_type3A_248 = arith.extui %ge3A_247 : i1 to i32
          %cond3A_249 = arith.constant 0 : i32
          %cond3A_250 = arith.cmpi ne, %convert_element_type3A_248, %cond3A_249 : i32
          scf.if %cond3A_250 {
            %dma_wait3A_259 = arith.constant 0 : i32
            %dma_wait3A_260 = arith.constant 0 : i32
            %dma_wait3A_261 = tpu.memref_slice %arg7[%dma_wait3A_259, %dma_wait3A_260] : memref<16x128xi32, #tpu.memory_space<vmem>> -> memref<1x128xi32, #tpu.memory_space<vmem>>
            %dma_wait3A_262 = tpu.memref_squeeze %dma_wait3A_261 : memref<1x128xi32, #tpu.memory_space<vmem>> -> memref<128xi32, #tpu.memory_space<vmem>>
            %dma_wait3A_263 = arith.constant 0 : i32
            %dma_wait3A_264 = arith.constant 0 : i32
            %dma_wait3A_265 = tpu.memref_slice %arg11[%dma_wait3A_263, %dma_wait3A_264] : memref<10000x128xf32, #tpu.memory_space<vmem_shared>> -> memref<10000x128xf32, #tpu.memory_space<vmem_shared>>
            tpu.wait_indirect_dma semaphore(%arg15 : memref<!tpu.dma_semaphore, #tpu.memory_space<semaphore_mem>>) src(%arg10 : memref<128x128xf32, #tpu.memory_space<vmem>>) dst(%dma_wait3A_265 : memref<10000x128xf32, #tpu.memory_space<vmem_shared>>)
          } else {
          }
          %add3A_251 = arith.constant 1 : i32
          %add3A_252 = arith.addi %add3A_214, %add3A_251 : i32
          %dma_start3A_253 = arith.constant 0 : i32
          %dma_start3A_254 = tpu.memref_slice %arg6[%add3A_252, %dma_start3A_253] : memref<80x128xi32, #tpu.memory_space<vmem>> -> memref<1x128xi32, #tpu.memory_space<vmem>>
          %dma_start3A_255 = tpu.memref_squeeze %dma_start3A_254 : memref<1x128xi32, #tpu.memory_space<vmem>> -> memref<128xi32, #tpu.memory_space<vmem>>
          %dma_start3A_256 = arith.constant 0 : i32
          %dma_start3A_257 = arith.constant 0 : i32
          %dma_start3A_258 = tpu.memref_slice %arg2[%dma_start3A_256, %dma_start3A_257] : memref<10000x128xf32, #tpu.memory_space<hbm>> -> memref<10000x128xf32, #tpu.memory_space<hbm>>
          tpu.enqueue_indirect_dma source(%dma_start3A_258 : memref<10000x128xf32, #tpu.memory_space<hbm>>) target(%arg10 : memref<128x128xf32, #tpu.memory_space<vmem>>) offsets(%dma_start3A_255 : memref<128xi32, #tpu.memory_space<vmem>>) semaphore(%arg13 : memref<!tpu.dma_semaphore, #tpu.memory_space<semaphore_mem>>)
        } else {
        }
        %dma_wait3A_235 = arith.constant 0 : i32
        %dma_wait3A_236 = tpu.memref_slice %arg6[%add3A_214, %dma_wait3A_235] : memref<80x128xi32, #tpu.memory_space<vmem>> -> memref<1x128xi32, #tpu.memory_space<vmem>>
        %dma_wait3A_237 = tpu.memref_squeeze %dma_wait3A_236 : memref<1x128xi32, #tpu.memory_space<vmem>> -> memref<128xi32, #tpu.memory_space<vmem>>
        %dma_wait3A_238 = arith.constant 0 : i32
        %dma_wait3A_239 = arith.constant 0 : i32
        %dma_wait3A_240 = tpu.memref_slice %arg2[%dma_wait3A_238, %dma_wait3A_239] : memref<10000x128xf32, #tpu.memory_space<hbm>> -> memref<10000x128xf32, #tpu.memory_space<hbm>>
        tpu.wait_indirect_dma semaphore(%arg12 : memref<!tpu.dma_semaphore, #tpu.memory_space<semaphore_mem>>) src(%dma_wait3A_240 : memref<10000x128xf32, #tpu.memory_space<hbm>>) dst(%arg9 : memref<128x128xf32, #tpu.memory_space<vmem>>)
        %dma_start3A_241 = arith.constant 0 : i32
        %dma_start3A_242 = tpu.memref_slice %arg8[%add3A_212, %dma_start3A_241] : memref<16x128xi32, #tpu.memory_space<vmem>> -> memref<1x128xi32, #tpu.memory_space<vmem>>
        %dma_start3A_243 = tpu.memref_squeeze %dma_start3A_242 : memref<1x128xi32, #tpu.memory_space<vmem>> -> memref<128xi32, #tpu.memory_space<vmem>>
        %dma_start3A_244 = arith.constant 0 : i32
        %dma_start3A_245 = arith.constant 0 : i32
        %dma_start3A_246 = tpu.memref_slice %arg11[%dma_start3A_244, %dma_start3A_245] : memref<10000x128xf32, #tpu.memory_space<vmem_shared>> -> memref<10000x128xf32, #tpu.memory_space<vmem_shared>>
        tpu.enqueue_indirect_dma source(%arg9 : memref<128x128xf32, #tpu.memory_space<vmem>>) target(%dma_start3A_246 : memref<10000x128xf32, #tpu.memory_space<vmem_shared>>) offsets(%dma_start3A_243 : memref<128xi32, #tpu.memory_space<vmem>>) semaphore(%arg14 : memref<!tpu.dma_semaphore, #tpu.memory_space<semaphore_mem>>) {add = true}
      } else {
      }
      %mul3A_219 = arith.constant 2 : i32
      %mul3A_220 = arith.muli %scan3A_208, %mul3A_219 : i32
      %add3A_221 = arith.constant 1 : i32
      %add3A_222 = arith.addi %mul3A_220, %add3A_221 : i32
      %add3A_223 = arith.constant 48 : i32
      %add3A_224 = arith.addi %add3A_223, %add3A_222 : i32
      %lt3A_225 = arith.cmpi slt, %add3A_224, %min3A_4 : i32
      %convert_element_type3A_226 = arith.extui %lt3A_225 : i1 to i32
      %cond3A_227 = arith.constant 0 : i32
      %cond3A_228 = arith.cmpi ne, %convert_element_type3A_226, %cond3A_227 : i32
      scf.if %cond3A_228 {
        %add3A_229 = arith.constant 1 : i32
        %add3A_230 = arith.addi %add3A_224, %add3A_229 : i32
        %lt3A_231 = arith.cmpi slt, %add3A_230, %min3A_4 : i32
        %convert_element_type3A_232 = arith.extui %lt3A_231 : i1 to i32
        %cond3A_233 = arith.constant 0 : i32
        %cond3A_234 = arith.cmpi ne, %convert_element_type3A_232, %cond3A_233 : i32
        scf.if %cond3A_234 {
          %ge3A = arith.constant 1 : i32
          %ge3A_247 = arith.cmpi sge, %add3A_222, %ge3A : i32
          %convert_element_type3A_248 = arith.extui %ge3A_247 : i1 to i32
          %cond3A_249 = arith.constant 0 : i32
          %cond3A_250 = arith.cmpi ne, %convert_element_type3A_248, %cond3A_249 : i32
          scf.if %cond3A_250 {
            %dma_wait3A_259 = arith.constant 0 : i32
            %dma_wait3A_260 = arith.constant 0 : i32
            %dma_wait3A_261 = tpu.memref_slice %arg7[%dma_wait3A_259, %dma_wait3A_260] : memref<16x128xi32, #tpu.memory_space<vmem>> -> memref<1x128xi32, #tpu.memory_space<vmem>>
            %dma_wait3A_262 = tpu.memref_squeeze %dma_wait3A_261 : memref<1x128xi32, #tpu.memory_space<vmem>> -> memref<128xi32, #tpu.memory_space<vmem>>
            %dma_wait3A_263 = arith.constant 0 : i32
            %dma_wait3A_264 = arith.constant 0 : i32
            %dma_wait3A_265 = tpu.memref_slice %arg11[%dma_wait3A_263, %dma_wait3A_264] : memref<10000x128xf32, #tpu.memory_space<vmem_shared>> -> memref<10000x128xf32, #tpu.memory_space<vmem_shared>>
            tpu.wait_indirect_dma semaphore(%arg14 : memref<!tpu.dma_semaphore, #tpu.memory_space<semaphore_mem>>) src(%arg9 : memref<128x128xf32, #tpu.memory_space<vmem>>) dst(%dma_wait3A_265 : memref<10000x128xf32, #tpu.memory_space<vmem_shared>>)
          } else {
          }
          %add3A_251 = arith.constant 1 : i32
          %add3A_252 = arith.addi %add3A_224, %add3A_251 : i32
          %dma_start3A_253 = arith.constant 0 : i32
          %dma_start3A_254 = tpu.memref_slice %arg6[%add3A_252, %dma_start3A_253] : memref<80x128xi32, #tpu.memory_space<vmem>> -> memref<1x128xi32, #tpu.memory_space<vmem>>
          %dma_start3A_255 = tpu.memref_squeeze %dma_start3A_254 : memref<1x128xi32, #tpu.memory_space<vmem>> -> memref<128xi32, #tpu.memory_space<vmem>>
          %dma_start3A_256 = arith.constant 0 : i32
          %dma_start3A_257 = arith.constant 0 : i32
          %dma_start3A_258 = tpu.memref_slice %arg2[%dma_start3A_256, %dma_start3A_257] : memref<10000x128xf32, #tpu.memory_space<hbm>> -> memref<10000x128xf32, #tpu.memory_space<hbm>>
          tpu.enqueue_indirect_dma source(%dma_start3A_258 : memref<10000x128xf32, #tpu.memory_space<hbm>>) target(%arg9 : memref<128x128xf32, #tpu.memory_space<vmem>>) offsets(%dma_start3A_255 : memref<128xi32, #tpu.memory_space<vmem>>) semaphore(%arg12 : memref<!tpu.dma_semaphore, #tpu.memory_space<semaphore_mem>>)
        } else {
        }
        %dma_wait3A_235 = arith.constant 0 : i32
        %dma_wait3A_236 = tpu.memref_slice %arg6[%add3A_224, %dma_wait3A_235] : memref<80x128xi32, #tpu.memory_space<vmem>> -> memref<1x128xi32, #tpu.memory_space<vmem>>
        %dma_wait3A_237 = tpu.memref_squeeze %dma_wait3A_236 : memref<1x128xi32, #tpu.memory_space<vmem>> -> memref<128xi32, #tpu.memory_space<vmem>>
        %dma_wait3A_238 = arith.constant 0 : i32
        %dma_wait3A_239 = arith.constant 0 : i32
        %dma_wait3A_240 = tpu.memref_slice %arg2[%dma_wait3A_238, %dma_wait3A_239] : memref<10000x128xf32, #tpu.memory_space<hbm>> -> memref<10000x128xf32, #tpu.memory_space<hbm>>
        tpu.wait_indirect_dma semaphore(%arg13 : memref<!tpu.dma_semaphore, #tpu.memory_space<semaphore_mem>>) src(%dma_wait3A_240 : memref<10000x128xf32, #tpu.memory_space<hbm>>) dst(%arg10 : memref<128x128xf32, #tpu.memory_space<vmem>>)
        %dma_start3A_241 = arith.constant 0 : i32
        %dma_start3A_242 = tpu.memref_slice %arg8[%add3A_222, %dma_start3A_241] : memref<16x128xi32, #tpu.memory_space<vmem>> -> memref<1x128xi32, #tpu.memory_space<vmem>>
        %dma_start3A_243 = tpu.memref_squeeze %dma_start3A_242 : memref<1x128xi32, #tpu.memory_space<vmem>> -> memref<128xi32, #tpu.memory_space<vmem>>
        %dma_start3A_244 = arith.constant 0 : i32
        %dma_start3A_245 = arith.constant 0 : i32
        %dma_start3A_246 = tpu.memref_slice %arg11[%dma_start3A_244, %dma_start3A_245] : memref<10000x128xf32, #tpu.memory_space<vmem_shared>> -> memref<10000x128xf32, #tpu.memory_space<vmem_shared>>
        tpu.enqueue_indirect_dma source(%arg10 : memref<128x128xf32, #tpu.memory_space<vmem>>) target(%dma_start3A_246 : memref<10000x128xf32, #tpu.memory_space<vmem_shared>>) offsets(%dma_start3A_243 : memref<128xi32, #tpu.memory_space<vmem>>) semaphore(%arg15 : memref<!tpu.dma_semaphore, #tpu.memory_space<semaphore_mem>>) {add = true}
      } else {
      }
    }
    %scan3A_164 = arith.constant 8 : i32
    %mul3A_165 = arith.constant 80 : i32
    %mul3A_166 = arith.muli %add3A, %mul3A_165 : i32
    %add3A_167 = arith.constant 64 : i32
    %add3A_168 = arith.addi %mul3A_166, %add3A_167 : i32
    %dma_wait3A_169 = arith.constant 0 : i32
    %dma_wait3A_170 = tpu.memref_slice %arg4[%add3A_168, %dma_wait3A_169] : memref<2560x128xi32, #tpu.memory_space<hbm>> -> memref<16x128xi32, #tpu.memory_space<hbm>>
    %dma_wait3A_171 = arith.constant 0 : i32
    %dma_wait3A_172 = tpu.memref_slice %arg4[%add3A_168, %dma_wait3A_171] : memref<2560x128xi32, #tpu.memory_space<hbm>> -> memref<16x128xi32, #tpu.memory_space<hbm>>
    tpu.wait_dma2 semaphore(%arg16 : memref<!tpu.dma_semaphore, #tpu.memory_space<semaphore_mem>>) src(%dma_wait3A_172 : memref<16x128xi32, #tpu.memory_space<hbm>>) dst(%arg7 : memref<16x128xi32, #tpu.memory_space<vmem>>)
    %gt3A_173 = arith.constant 64 : i32
    %gt3A_174 = arith.cmpi sgt, %min3A_4, %gt3A_173 : i32
    %convert_element_type3A_175 = arith.extui %gt3A_174 : i1 to i32
    %cond3A_176 = arith.constant 0 : i32
    %cond3A_177 = arith.cmpi ne, %convert_element_type3A_175, %cond3A_176 : i32
    scf.if %cond3A_177 {
      %dma_wait3A_208 = arith.constant 0 : i32
      %dma_wait3A_209 = arith.constant 0 : i32
      %dma_wait3A_210 = tpu.memref_slice %arg7[%dma_wait3A_208, %dma_wait3A_209] : memref<16x128xi32, #tpu.memory_space<vmem>> -> memref<1x128xi32, #tpu.memory_space<vmem>>
      %dma_wait3A_211 = tpu.memref_squeeze %dma_wait3A_210 : memref<1x128xi32, #tpu.memory_space<vmem>> -> memref<128xi32, #tpu.memory_space<vmem>>
      %dma_wait3A_212 = arith.constant 0 : i32
      %dma_wait3A_213 = arith.constant 0 : i32
      %dma_wait3A_214 = tpu.memref_slice %arg11[%dma_wait3A_212, %dma_wait3A_213] : memref<10000x128xf32, #tpu.memory_space<vmem_shared>> -> memref<10000x128xf32, #tpu.memory_space<vmem_shared>>
      tpu.wait_indirect_dma semaphore(%arg15 : memref<!tpu.dma_semaphore, #tpu.memory_space<semaphore_mem>>) src(%arg10 : memref<128x128xf32, #tpu.memory_space<vmem>>) dst(%dma_wait3A_214 : memref<10000x128xf32, #tpu.memory_space<vmem_shared>>)
    } else {
    }
    %gt3A_178 = arith.constant 48 : i32
    %gt3A_179 = arith.cmpi sgt, %min3A_4, %gt3A_178 : i32
    %le3A_180 = arith.constant 64 : i32
    %le3A_181 = arith.cmpi sle, %min3A_4, %le3A_180 : i32
    %and3A_182 = arith.andi %gt3A_179, %le3A_181 : i1
    %convert_element_type3A_183 = arith.extui %and3A_182 : i1 to i32
    %cond3A_184 = arith.constant 0 : i32
    %cond3A_185 = arith.cmpi ne, %convert_element_type3A_183, %cond3A_184 : i32
    scf.if %cond3A_185 {
      %dma_wait3A_208 = arith.constant 0 : i32
      %dma_wait3A_209 = arith.constant 0 : i32
      %dma_wait3A_210 = tpu.memref_slice %arg7[%dma_wait3A_208, %dma_wait3A_209] : memref<16x128xi32, #tpu.memory_space<vmem>> -> memref<1x128xi32, #tpu.memory_space<vmem>>
      %dma_wait3A_211 = tpu.memref_squeeze %dma_wait3A_210 : memref<1x128xi32, #tpu.memory_space<vmem>> -> memref<128xi32, #tpu.memory_space<vmem>>
      %dma_wait3A_212 = arith.constant 0 : i32
      %dma_wait3A_213 = arith.constant 0 : i32
      %dma_wait3A_214 = tpu.memref_slice %arg11[%dma_wait3A_212, %dma_wait3A_213] : memref<10000x128xf32, #tpu.memory_space<vmem_shared>> -> memref<10000x128xf32, #tpu.memory_space<vmem_shared>>
      tpu.wait_indirect_dma semaphore(%arg14 : memref<!tpu.dma_semaphore, #tpu.memory_space<semaphore_mem>>) src(%arg9 : memref<128x128xf32, #tpu.memory_space<vmem>>) dst(%dma_wait3A_214 : memref<10000x128xf32, #tpu.memory_space<vmem_shared>>)
      %dma_wait3A_215 = arith.constant 0 : i32
      %dma_wait3A_216 = arith.constant 0 : i32
      %dma_wait3A_217 = tpu.memref_slice %arg7[%dma_wait3A_215, %dma_wait3A_216] : memref<16x128xi32, #tpu.memory_space<vmem>> -> memref<1x128xi32, #tpu.memory_space<vmem>>
      %dma_wait3A_218 = tpu.memref_squeeze %dma_wait3A_217 : memref<1x128xi32, #tpu.memory_space<vmem>> -> memref<128xi32, #tpu.memory_space<vmem>>
      %dma_wait3A_219 = arith.constant 0 : i32
      %dma_wait3A_220 = arith.constant 0 : i32
      %dma_wait3A_221 = tpu.memref_slice %arg11[%dma_wait3A_219, %dma_wait3A_220] : memref<10000x128xf32, #tpu.memory_space<vmem_shared>> -> memref<10000x128xf32, #tpu.memory_space<vmem_shared>>
      tpu.wait_indirect_dma semaphore(%arg15 : memref<!tpu.dma_semaphore, #tpu.memory_space<semaphore_mem>>) src(%arg10 : memref<128x128xf32, #tpu.memory_space<vmem>>) dst(%dma_wait3A_221 : memref<10000x128xf32, #tpu.memory_space<vmem_shared>>)
    } else {
    }
    %scan3A_186 = arith.constant 0 : i32
    %scan3A_187 = arith.constant 0 : i32
    %scan3A_188 = arith.constant 8 : i32
    %scan3A_189 = arith.addi %scan3A_187, %scan3A_188 : i32
    %scan3A_190 = arith.constant 1 : i32
    scf.for %scan3A_208 = %scan3A_187 to %scan3A_189 step %scan3A_190  : i32 {
      %mul3A_209 = arith.constant 2 : i32
      %mul3A_210 = arith.muli %scan3A_208, %mul3A_209 : i32
      %add3A_211 = arith.constant 0 : i32
      %add3A_212 = arith.addi %mul3A_210, %add3A_211 : i32
      %add3A_213 = arith.constant 64 : i32
      %add3A_214 = arith.addi %add3A_213, %add3A_212 : i32
      %lt3A_215 = arith.cmpi slt, %add3A_214, %min3A_4 : i32
      %convert_element_type3A_216 = arith.extui %lt3A_215 : i1 to i32
      %cond3A_217 = arith.constant 0 : i32
      %cond3A_218 = arith.cmpi ne, %convert_element_type3A_216, %cond3A_217 : i32
      scf.if %cond3A_218 {
        %add3A_229 = arith.constant 1 : i32
        %add3A_230 = arith.addi %add3A_214, %add3A_229 : i32
        %lt3A_231 = arith.cmpi slt, %add3A_230, %min3A_4 : i32
        %convert_element_type3A_232 = arith.extui %lt3A_231 : i1 to i32
        %cond3A_233 = arith.constant 0 : i32
        %cond3A_234 = arith.cmpi ne, %convert_element_type3A_232, %cond3A_233 : i32
        scf.if %cond3A_234 {
          %ge3A = arith.constant 1 : i32
          %ge3A_247 = arith.cmpi sge, %add3A_212, %ge3A : i32
          %convert_element_type3A_248 = arith.extui %ge3A_247 : i1 to i32
          %cond3A_249 = arith.constant 0 : i32
          %cond3A_250 = arith.cmpi ne, %convert_element_type3A_248, %cond3A_249 : i32
          scf.if %cond3A_250 {
            %dma_wait3A_259 = arith.constant 0 : i32
            %dma_wait3A_260 = arith.constant 0 : i32
            %dma_wait3A_261 = tpu.memref_slice %arg7[%dma_wait3A_259, %dma_wait3A_260] : memref<16x128xi32, #tpu.memory_space<vmem>> -> memref<1x128xi32, #tpu.memory_space<vmem>>
            %dma_wait3A_262 = tpu.memref_squeeze %dma_wait3A_261 : memref<1x128xi32, #tpu.memory_space<vmem>> -> memref<128xi32, #tpu.memory_space<vmem>>
            %dma_wait3A_263 = arith.constant 0 : i32
            %dma_wait3A_264 = arith.constant 0 : i32
            %dma_wait3A_265 = tpu.memref_slice %arg11[%dma_wait3A_263, %dma_wait3A_264] : memref<10000x128xf32, #tpu.memory_space<vmem_shared>> -> memref<10000x128xf32, #tpu.memory_space<vmem_shared>>
            tpu.wait_indirect_dma semaphore(%arg15 : memref<!tpu.dma_semaphore, #tpu.memory_space<semaphore_mem>>) src(%arg10 : memref<128x128xf32, #tpu.memory_space<vmem>>) dst(%dma_wait3A_265 : memref<10000x128xf32, #tpu.memory_space<vmem_shared>>)
          } else {
          }
          %add3A_251 = arith.constant 1 : i32
          %add3A_252 = arith.addi %add3A_214, %add3A_251 : i32
          %dma_start3A_253 = arith.constant 0 : i32
          %dma_start3A_254 = tpu.memref_slice %arg6[%add3A_252, %dma_start3A_253] : memref<80x128xi32, #tpu.memory_space<vmem>> -> memref<1x128xi32, #tpu.memory_space<vmem>>
          %dma_start3A_255 = tpu.memref_squeeze %dma_start3A_254 : memref<1x128xi32, #tpu.memory_space<vmem>> -> memref<128xi32, #tpu.memory_space<vmem>>
          %dma_start3A_256 = arith.constant 0 : i32
          %dma_start3A_257 = arith.constant 0 : i32
          %dma_start3A_258 = tpu.memref_slice %arg2[%dma_start3A_256, %dma_start3A_257] : memref<10000x128xf32, #tpu.memory_space<hbm>> -> memref<10000x128xf32, #tpu.memory_space<hbm>>
          tpu.enqueue_indirect_dma source(%dma_start3A_258 : memref<10000x128xf32, #tpu.memory_space<hbm>>) target(%arg10 : memref<128x128xf32, #tpu.memory_space<vmem>>) offsets(%dma_start3A_255 : memref<128xi32, #tpu.memory_space<vmem>>) semaphore(%arg13 : memref<!tpu.dma_semaphore, #tpu.memory_space<semaphore_mem>>)
        } else {
        }
        %dma_wait3A_235 = arith.constant 0 : i32
        %dma_wait3A_236 = tpu.memref_slice %arg6[%add3A_214, %dma_wait3A_235] : memref<80x128xi32, #tpu.memory_space<vmem>> -> memref<1x128xi32, #tpu.memory_space<vmem>>
        %dma_wait3A_237 = tpu.memref_squeeze %dma_wait3A_236 : memref<1x128xi32, #tpu.memory_space<vmem>> -> memref<128xi32, #tpu.memory_space<vmem>>
        %dma_wait3A_238 = arith.constant 0 : i32
        %dma_wait3A_239 = arith.constant 0 : i32
        %dma_wait3A_240 = tpu.memref_slice %arg2[%dma_wait3A_238, %dma_wait3A_239] : memref<10000x128xf32, #tpu.memory_space<hbm>> -> memref<10000x128xf32, #tpu.memory_space<hbm>>
        tpu.wait_indirect_dma semaphore(%arg12 : memref<!tpu.dma_semaphore, #tpu.memory_space<semaphore_mem>>) src(%dma_wait3A_240 : memref<10000x128xf32, #tpu.memory_space<hbm>>) dst(%arg9 : memref<128x128xf32, #tpu.memory_space<vmem>>)
        %dma_start3A_241 = arith.constant 0 : i32
        %dma_start3A_242 = tpu.memref_slice %arg7[%add3A_212, %dma_start3A_241] : memref<16x128xi32, #tpu.memory_space<vmem>> -> memref<1x128xi32, #tpu.memory_space<vmem>>
        %dma_start3A_243 = tpu.memref_squeeze %dma_start3A_242 : memref<1x128xi32, #tpu.memory_space<vmem>> -> memref<128xi32, #tpu.memory_space<vmem>>
        %dma_start3A_244 = arith.constant 0 : i32
        %dma_start3A_245 = arith.constant 0 : i32
        %dma_start3A_246 = tpu.memref_slice %arg11[%dma_start3A_244, %dma_start3A_245] : memref<10000x128xf32, #tpu.memory_space<vmem_shared>> -> memref<10000x128xf32, #tpu.memory_space<vmem_shared>>
        tpu.enqueue_indirect_dma source(%arg9 : memref<128x128xf32, #tpu.memory_space<vmem>>) target(%dma_start3A_246 : memref<10000x128xf32, #tpu.memory_space<vmem_shared>>) offsets(%dma_start3A_243 : memref<128xi32, #tpu.memory_space<vmem>>) semaphore(%arg14 : memref<!tpu.dma_semaphore, #tpu.memory_space<semaphore_mem>>) {add = true}
      } else {
      }
      %mul3A_219 = arith.constant 2 : i32
      %mul3A_220 = arith.muli %scan3A_208, %mul3A_219 : i32
      %add3A_221 = arith.constant 1 : i32
      %add3A_222 = arith.addi %mul3A_220, %add3A_221 : i32
      %add3A_223 = arith.constant 64 : i32
      %add3A_224 = arith.addi %add3A_223, %add3A_222 : i32
      %lt3A_225 = arith.cmpi slt, %add3A_224, %min3A_4 : i32
      %convert_element_type3A_226 = arith.extui %lt3A_225 : i1 to i32
      %cond3A_227 = arith.constant 0 : i32
      %cond3A_228 = arith.cmpi ne, %convert_element_type3A_226, %cond3A_227 : i32
      scf.if %cond3A_228 {
        %add3A_229 = arith.constant 1 : i32
        %add3A_230 = arith.addi %add3A_224, %add3A_229 : i32
        %lt3A_231 = arith.cmpi slt, %add3A_230, %min3A_4 : i32
        %convert_element_type3A_232 = arith.extui %lt3A_231 : i1 to i32
        %cond3A_233 = arith.constant 0 : i32
        %cond3A_234 = arith.cmpi ne, %convert_element_type3A_232, %cond3A_233 : i32
        scf.if %cond3A_234 {
          %ge3A = arith.constant 1 : i32
          %ge3A_247 = arith.cmpi sge, %add3A_222, %ge3A : i32
          %convert_element_type3A_248 = arith.extui %ge3A_247 : i1 to i32
          %cond3A_249 = arith.constant 0 : i32
          %cond3A_250 = arith.cmpi ne, %convert_element_type3A_248, %cond3A_249 : i32
          scf.if %cond3A_250 {
            %dma_wait3A_259 = arith.constant 0 : i32
            %dma_wait3A_260 = arith.constant 0 : i32
            %dma_wait3A_261 = tpu.memref_slice %arg7[%dma_wait3A_259, %dma_wait3A_260] : memref<16x128xi32, #tpu.memory_space<vmem>> -> memref<1x128xi32, #tpu.memory_space<vmem>>
            %dma_wait3A_262 = tpu.memref_squeeze %dma_wait3A_261 : memref<1x128xi32, #tpu.memory_space<vmem>> -> memref<128xi32, #tpu.memory_space<vmem>>
            %dma_wait3A_263 = arith.constant 0 : i32
            %dma_wait3A_264 = arith.constant 0 : i32
            %dma_wait3A_265 = tpu.memref_slice %arg11[%dma_wait3A_263, %dma_wait3A_264] : memref<10000x128xf32, #tpu.memory_space<vmem_shared>> -> memref<10000x128xf32, #tpu.memory_space<vmem_shared>>
            tpu.wait_indirect_dma semaphore(%arg14 : memref<!tpu.dma_semaphore, #tpu.memory_space<semaphore_mem>>) src(%arg9 : memref<128x128xf32, #tpu.memory_space<vmem>>) dst(%dma_wait3A_265 : memref<10000x128xf32, #tpu.memory_space<vmem_shared>>)
          } else {
          }
          %add3A_251 = arith.constant 1 : i32
          %add3A_252 = arith.addi %add3A_224, %add3A_251 : i32
          %dma_start3A_253 = arith.constant 0 : i32
          %dma_start3A_254 = tpu.memref_slice %arg6[%add3A_252, %dma_start3A_253] : memref<80x128xi32, #tpu.memory_space<vmem>> -> memref<1x128xi32, #tpu.memory_space<vmem>>
          %dma_start3A_255 = tpu.memref_squeeze %dma_start3A_254 : memref<1x128xi32, #tpu.memory_space<vmem>> -> memref<128xi32, #tpu.memory_space<vmem>>
          %dma_start3A_256 = arith.constant 0 : i32
          %dma_start3A_257 = arith.constant 0 : i32
          %dma_start3A_258 = tpu.memref_slice %arg2[%dma_start3A_256, %dma_start3A_257] : memref<10000x128xf32, #tpu.memory_space<hbm>> -> memref<10000x128xf32, #tpu.memory_space<hbm>>
          tpu.enqueue_indirect_dma source(%dma_start3A_258 : memref<10000x128xf32, #tpu.memory_space<hbm>>) target(%arg9 : memref<128x128xf32, #tpu.memory_space<vmem>>) offsets(%dma_start3A_255 : memref<128xi32, #tpu.memory_space<vmem>>) semaphore(%arg12 : memref<!tpu.dma_semaphore, #tpu.memory_space<semaphore_mem>>)
        } else {
        }
        %dma_wait3A_235 = arith.constant 0 : i32
        %dma_wait3A_236 = tpu.memref_slice %arg6[%add3A_224, %dma_wait3A_235] : memref<80x128xi32, #tpu.memory_space<vmem>> -> memref<1x128xi32, #tpu.memory_space<vmem>>
        %dma_wait3A_237 = tpu.memref_squeeze %dma_wait3A_236 : memref<1x128xi32, #tpu.memory_space<vmem>> -> memref<128xi32, #tpu.memory_space<vmem>>
        %dma_wait3A_238 = arith.constant 0 : i32
        %dma_wait3A_239 = arith.constant 0 : i32
        %dma_wait3A_240 = tpu.memref_slice %arg2[%dma_wait3A_238, %dma_wait3A_239] : memref<10000x128xf32, #tpu.memory_space<hbm>> -> memref<10000x128xf32, #tpu.memory_space<hbm>>
        tpu.wait_indirect_dma semaphore(%arg13 : memref<!tpu.dma_semaphore, #tpu.memory_space<semaphore_mem>>) src(%dma_wait3A_240 : memref<10000x128xf32, #tpu.memory_space<hbm>>) dst(%arg10 : memref<128x128xf32, #tpu.memory_space<vmem>>)
        %dma_start3A_241 = arith.constant 0 : i32
        %dma_start3A_242 = tpu.memref_slice %arg7[%add3A_222, %dma_start3A_241] : memref<16x128xi32, #tpu.memory_space<vmem>> -> memref<1x128xi32, #tpu.memory_space<vmem>>
        %dma_start3A_243 = tpu.memref_squeeze %dma_start3A_242 : memref<1x128xi32, #tpu.memory_space<vmem>> -> memref<128xi32, #tpu.memory_space<vmem>>
        %dma_start3A_244 = arith.constant 0 : i32
        %dma_start3A_245 = arith.constant 0 : i32
        %dma_start3A_246 = tpu.memref_slice %arg11[%dma_start3A_244, %dma_start3A_245] : memref<10000x128xf32, #tpu.memory_space<vmem_shared>> -> memref<10000x128xf32, #tpu.memory_space<vmem_shared>>
        tpu.enqueue_indirect_dma source(%arg10 : memref<128x128xf32, #tpu.memory_space<vmem>>) target(%dma_start3A_246 : memref<10000x128xf32, #tpu.memory_space<vmem_shared>>) offsets(%dma_start3A_243 : memref<128xi32, #tpu.memory_space<vmem>>) semaphore(%arg15 : memref<!tpu.dma_semaphore, #tpu.memory_space<semaphore_mem>>) {add = true}
      } else {
      }
    }
    %scan3A_191 = arith.constant 8 : i32
    %gt3A_192 = arith.constant 64 : i32
    %gt3A_193 = arith.cmpi sgt, %min3A_4, %gt3A_192 : i32
    %convert_element_type3A_194 = arith.extui %gt3A_193 : i1 to i32
    %cond3A_195 = arith.constant 0 : i32
    %cond3A_196 = arith.cmpi ne, %convert_element_type3A_194, %cond3A_195 : i32
    scf.if %cond3A_196 {
      %dma_wait3A_208 = arith.constant 0 : i32
      %dma_wait3A_209 = arith.constant 0 : i32
      %dma_wait3A_210 = tpu.memref_slice %arg7[%dma_wait3A_208, %dma_wait3A_209] : memref<16x128xi32, #tpu.memory_space<vmem>> -> memref<1x128xi32, #tpu.memory_space<vmem>>
      %dma_wait3A_211 = tpu.memref_squeeze %dma_wait3A_210 : memref<1x128xi32, #tpu.memory_space<vmem>> -> memref<128xi32, #tpu.memory_space<vmem>>
      %dma_wait3A_212 = arith.constant 0 : i32
      %dma_wait3A_213 = arith.constant 0 : i32
      %dma_wait3A_214 = tpu.memref_slice %arg11[%dma_wait3A_212, %dma_wait3A_213] : memref<10000x128xf32, #tpu.memory_space<vmem_shared>> -> memref<10000x128xf32, #tpu.memory_space<vmem_shared>>
      tpu.wait_indirect_dma semaphore(%arg14 : memref<!tpu.dma_semaphore, #tpu.memory_space<semaphore_mem>>) src(%arg9 : memref<128x128xf32, #tpu.memory_space<vmem>>) dst(%dma_wait3A_214 : memref<10000x128xf32, #tpu.memory_space<vmem_shared>>)
      %dma_wait3A_215 = arith.constant 0 : i32
      %dma_wait3A_216 = arith.constant 0 : i32
      %dma_wait3A_217 = tpu.memref_slice %arg7[%dma_wait3A_215, %dma_wait3A_216] : memref<16x128xi32, #tpu.memory_space<vmem>> -> memref<1x128xi32, #tpu.memory_space<vmem>>
      %dma_wait3A_218 = tpu.memref_squeeze %dma_wait3A_217 : memref<1x128xi32, #tpu.memory_space<vmem>> -> memref<128xi32, #tpu.memory_space<vmem>>
      %dma_wait3A_219 = arith.constant 0 : i32
      %dma_wait3A_220 = arith.constant 0 : i32
      %dma_wait3A_221 = tpu.memref_slice %arg11[%dma_wait3A_219, %dma_wait3A_220] : memref<10000x128xf32, #tpu.memory_space<vmem_shared>> -> memref<10000x128xf32, #tpu.memory_space<vmem_shared>>
      tpu.wait_indirect_dma semaphore(%arg15 : memref<!tpu.dma_semaphore, #tpu.memory_space<semaphore_mem>>) src(%arg10 : memref<128x128xf32, #tpu.memory_space<vmem>>) dst(%dma_wait3A_221 : memref<10000x128xf32, #tpu.memory_space<vmem_shared>>)
    } else {
    }
    %barrier3A_197 = arith.constant 0 : index
    tpu.barrier barrier_id(%barrier3A_197)
    %lt3A_198 = arith.constant 15 : i32
    %lt3A_199 = arith.cmpi slt, %arg1, %lt3A_198 : i32
    %convert_element_type3A_200 = arith.extui %lt3A_199 : i1 to i32
    %cond3A_201 = arith.constant 0 : i32
    %cond3A_202 = arith.cmpi ne, %convert_element_type3A_200, %cond3A_201 : i32
    scf.if %cond3A_202 {
      "tpu.region"() ({
        %run_scoped3A = tpu.sem_alloc : memref<!tpu.dma_semaphore, #tpu.memory_space<semaphore_mem>>
        %dma_start3A_208 = arith.constant 0 : i32
        %dma_start3A_209 = tpu.memref_slice %arg5[%arg0, %mul3A_17, %dma_start3A_208] : memref<2x10000x128xf32, #tpu.memory_space<hbm>> -> memref<1x632x128xf32, #tpu.memory_space<hbm>>
        %dma_start3A_210 = tpu.memref_squeeze %dma_start3A_209 : memref<1x632x128xf32, #tpu.memory_space<hbm>> -> memref<632x128xf32, #tpu.memory_space<hbm>>
        %dma_start3A_211 = arith.constant 0 : i32
        %dma_start3A_212 = tpu.memref_slice %arg11[%mul3A_17, %dma_start3A_211] : memref<10000x128xf32, #tpu.memory_space<vmem_shared>> -> memref<632x128xf32, #tpu.memory_space<vmem_shared>>
        tpu.enqueue_dma source(%dma_start3A_212 : memref<632x128xf32, #tpu.memory_space<vmem_shared>>) target(%dma_start3A_210 : memref<632x128xf32, #tpu.memory_space<hbm>>) target_semaphore(%run_scoped3A : memref<!tpu.dma_semaphore, #tpu.memory_space<semaphore_mem>>)
        %dma_wait3A_213 = arith.constant 0 : i32
        %dma_wait3A_214 = tpu.memref_slice %arg5[%arg0, %mul3A_17, %dma_wait3A_213] : memref<2x10000x128xf32, #tpu.memory_space<hbm>> -> memref<1x632x128xf32, #tpu.memory_space<hbm>>
        %dma_wait3A_215 = tpu.memref_squeeze %dma_wait3A_214 : memref<1x632x128xf32, #tpu.memory_space<hbm>> -> memref<632x128xf32, #tpu.memory_space<hbm>>
        %dma_wait3A_216 = arith.constant 0 : i32
        %dma_wait3A_217 = tpu.memref_slice %arg11[%mul3A_17, %dma_wait3A_216] : memref<10000x128xf32, #tpu.memory_space<vmem_shared>> -> memref<632x128xf32, #tpu.memory_space<vmem_shared>>
        tpu.wait_dma2 semaphore(%run_scoped3A : memref<!tpu.dma_semaphore, #tpu.memory_space<semaphore_mem>>) src(%dma_wait3A_217 : memref<632x128xf32, #tpu.memory_space<vmem_shared>>) dst(%dma_wait3A_215 : memref<632x128xf32, #tpu.memory_space<hbm>>)
        tpu.yield
      }) : () -> ()
    } else {
    }
    %eq3A_203 = arith.constant 15 : i32
    %eq3A_204 = arith.cmpi eq, %arg1, %eq3A_203 : i32
    %convert_element_type3A_205 = arith.extui %eq3A_204 : i1 to i32
    %cond3A_206 = arith.constant 0 : i32
    %cond3A_207 = arith.cmpi ne, %convert_element_type3A_205, %cond3A_206 : i32
    scf.if %cond3A_207 {
      "tpu.region"() ({
        %run_scoped3A = tpu.sem_alloc : memref<!tpu.dma_semaphore, #tpu.memory_space<semaphore_mem>>
        %dma_start3A_208 = arith.constant 9480 : i32
        %dma_start3A_209 = arith.constant 0 : i32
        %dma_start3A_210 = tpu.memref_slice %arg5[%arg0, %dma_start3A_208, %dma_start3A_209] : memref<2x10000x128xf32, #tpu.memory_space<hbm>> -> memref<1x520x128xf32, #tpu.memory_space<hbm>>
        %dma_start3A_211 = tpu.memref_squeeze %dma_start3A_210 : memref<1x520x128xf32, #tpu.memory_space<hbm>> -> memref<520x128xf32, #tpu.memory_space<hbm>>
        %dma_start3A_212 = arith.constant 9480 : i32
        %dma_start3A_213 = arith.constant 0 : i32
        %dma_start3A_214 = tpu.memref_slice %arg11[%dma_start3A_212, %dma_start3A_213] : memref<10000x128xf32, #tpu.memory_space<vmem_shared>> -> memref<520x128xf32, #tpu.memory_space<vmem_shared>>
        tpu.enqueue_dma source(%dma_start3A_214 : memref<520x128xf32, #tpu.memory_space<vmem_shared>>) target(%dma_start3A_211 : memref<520x128xf32, #tpu.memory_space<hbm>>) target_semaphore(%run_scoped3A : memref<!tpu.dma_semaphore, #tpu.memory_space<semaphore_mem>>)
        %dma_wait3A_215 = arith.constant 9480 : i32
        %dma_wait3A_216 = arith.constant 0 : i32
        %dma_wait3A_217 = tpu.memref_slice %arg5[%arg0, %dma_wait3A_215, %dma_wait3A_216] : memref<2x10000x128xf32, #tpu.memory_space<hbm>> -> memref<1x520x128xf32, #tpu.memory_space<hbm>>
        %dma_wait3A_218 = tpu.memref_squeeze %dma_wait3A_217 : memref<1x520x128xf32, #tpu.memory_space<hbm>> -> memref<520x128xf32, #tpu.memory_space<hbm>>
        %dma_wait3A_219 = arith.constant 9480 : i32
        %dma_wait3A_220 = arith.constant 0 : i32
        %dma_wait3A_221 = tpu.memref_slice %arg11[%dma_wait3A_219, %dma_wait3A_220] : memref<10000x128xf32, #tpu.memory_space<vmem_shared>> -> memref<520x128xf32, #tpu.memory_space<vmem_shared>>
        tpu.wait_dma2 semaphore(%run_scoped3A : memref<!tpu.dma_semaphore, #tpu.memory_space<semaphore_mem>>) src(%dma_wait3A_221 : memref<520x128xf32, #tpu.memory_space<vmem_shared>>) dst(%dma_wait3A_218 : memref<520x128xf32, #tpu.memory_space<hbm>>)
        tpu.yield
      }) : () -> ()
    } else {
    }
    return
  }
}

#map = affine_map<(d0, d1) -> (0, 0)>
#map1 = affine_map<(d0, d1) -> (0, 0, 0)>
module attributes {stable_mosaic.version = 14 : i64} {
  func.func @agg_kernel(%arg0: i32, %arg1: i32, %arg2: memref<10000x128xf32, #tpu.memory_space<hbm>>, %arg3: memref<2560x128xi32, #tpu.memory_space<hbm>>, %arg4: memref<2560x128xi32, #tpu.memory_space<hbm>>, %arg5: memref<2x10000x128xf32, #tpu.memory_space<hbm>>, %arg6: memref<80x128xi32, #tpu.memory_space<vmem>>, %arg7: memref<16x128xi32, #tpu.memory_space<vmem>>, %arg8: memref<16x128xi32, #tpu.memory_space<vmem>>, %arg9: memref<128x128xf32, #tpu.memory_space<vmem>>, %arg10: memref<128x128xf32, #tpu.memory_space<vmem>>, %arg11: memref<10000x128xf32, #tpu.memory_space<vmem_shared>>, %arg12: memref<!tpu.dma_semaphore, #tpu.memory_space<semaphore_mem>>, %arg13: memref<!tpu.dma_semaphore, #tpu.memory_space<semaphore_mem>>, %arg14: memref<!tpu.dma_semaphore, #tpu.memory_space<semaphore_mem>>, %arg15: memref<!tpu.dma_semaphore, #tpu.memory_space<semaphore_mem>>, %arg16: memref<!tpu.dma_semaphore, #tpu.memory_space<semaphore_mem>>, %arg17: memref<!tpu.dma_semaphore, #tpu.memory_space<semaphore_mem>>) attributes {dimension_semantics = [#tpu.dimension_semantics<core_parallel>, #tpu.dimension_semantics<subcore_parallel>], iteration_bounds = array<i64: 2, 16>, scalar_prefetch = 0 : i64, scratch_operands = 12 : i64, tpu.core_type = #tpu.core_type<sc_vector_subcore>, window_params = [{transform_indices = #map}, {transform_indices = #map}, {transform_indices = #map}, {transform_indices = #map1}]} {
    %mul3A = arith.constant 2 : i32
    %mul3A_0 = arith.muli %arg1, %mul3A : i32
    %add3A = arith.addi %mul3A_0, %arg0 : i32
    %mul3A_1 = arith.constant 80 : i32
    %mul3A_2 = arith.muli %add3A, %mul3A_1 : i32
    %sub3A = arith.constant 2500 : i32
    %sub3A_3 = arith.subi %sub3A, %mul3A_2 : i32
    %min3A = arith.constant 80 : i32
    %min3A_4 = arith.minsi %min3A, %sub3A_3 : i32
    %mul3A_5 = arith.constant 80 : i32
    %mul3A_6 = arith.muli %add3A, %mul3A_5 : i32
    %dma_start3A = arith.constant 0 : i32
    %dma_start3A_7 = tpu.memref_slice %arg3[%mul3A_6, %dma_start3A] : memref<2560x128xi32, #tpu.memory_space<hbm>> -> memref<80x128xi32, #tpu.memory_space<hbm>>
    %dma_start3A_8 = arith.constant 0 : i32
    %dma_start3A_9 = tpu.memref_slice %arg3[%mul3A_6, %dma_start3A_8] : memref<2560x128xi32, #tpu.memory_space<hbm>> -> memref<80x128xi32, #tpu.memory_space<hbm>>
    tpu.enqueue_dma source(%dma_start3A_9 : memref<80x128xi32, #tpu.memory_space<hbm>>) target(%arg6 : memref<80x128xi32, #tpu.memory_space<vmem>>) target_semaphore(%arg16 : memref<!tpu.dma_semaphore, #tpu.memory_space<semaphore_mem>>)
    %mul3A_10 = arith.constant 80 : i32
    %mul3A_11 = arith.muli %add3A, %mul3A_10 : i32
    %dma_start3A_12 = arith.constant 0 : i32
    %dma_start3A_13 = tpu.memref_slice %arg4[%mul3A_11, %dma_start3A_12] : memref<2560x128xi32, #tpu.memory_space<hbm>> -> memref<16x128xi32, #tpu.memory_space<hbm>>
    %dma_start3A_14 = arith.constant 0 : i32
    %dma_start3A_15 = tpu.memref_slice %arg4[%mul3A_11, %dma_start3A_14] : memref<2560x128xi32, #tpu.memory_space<hbm>> -> memref<16x128xi32, #tpu.memory_space<hbm>>
    tpu.enqueue_dma source(%dma_start3A_15 : memref<16x128xi32, #tpu.memory_space<hbm>>) target(%arg7 : memref<16x128xi32, #tpu.memory_space<vmem>>) target_semaphore(%arg17 : memref<!tpu.dma_semaphore, #tpu.memory_space<semaphore_mem>>)
    %mul3A_16 = arith.constant 632 : i32
    %mul3A_17 = arith.muli %arg1, %mul3A_16 : i32
    %lt3A = arith.constant 15 : i32
    %lt3A_18 = arith.cmpi slt, %arg1, %lt3A : i32
    %convert_element_type3A = arith.extui %lt3A_18 : i1 to i32
    %cond3A = arith.constant 0 : i32
    %cond3A_19 = arith.cmpi ne, %convert_element_type3A, %cond3A : i32
    scf.if %cond3A_19 {
      "tpu.region"() ({
        %run_scoped3A = tpu.sem_alloc : memref<!tpu.dma_semaphore, #tpu.memory_space<semaphore_mem>>
        %dma_start3A_208 = arith.constant 0 : i32
        %dma_start3A_209 = tpu.memref_slice %arg11[%mul3A_17, %dma_start3A_208] : memref<10000x128xf32, #tpu.memory_space<vmem_shared>> -> memref<632x128xf32, #tpu.memory_space<vmem_shared>>
        %dma_start3A_210 = arith.constant 0 : i32
        %dma_start3A_211 = tpu.memref_slice %arg2[%mul3A_17, %dma_start3A_210] : memref<10000x128xf32, #tpu.memory_space<hbm>> -> memref<632x128xf32, #tpu.memory_space<hbm>>
        tpu.enqueue_dma source(%dma_start3A_211 : memref<632x128xf32, #tpu.memory_space<hbm>>) target(%dma_start3A_209 : memref<632x128xf32, #tpu.memory_space<vmem_shared>>) target_semaphore(%run_scoped3A : memref<!tpu.dma_semaphore, #tpu.memory_space<semaphore_mem>>)
        %dma_wait3A_212 = arith.constant 0 : i32
        %dma_wait3A_213 = tpu.memref_slice %arg11[%mul3A_17, %dma_wait3A_212] : memref<10000x128xf32, #tpu.memory_space<vmem_shared>> -> memref<632x128xf32, #tpu.memory_space<vmem_shared>>
        %dma_wait3A_214 = arith.constant 0 : i32
        %dma_wait3A_215 = tpu.memref_slice %arg2[%mul3A_17, %dma_wait3A_214] : memref<10000x128xf32, #tpu.memory_space<hbm>> -> memref<632x128xf32, #tpu.memory_space<hbm>>
        tpu.wait_dma2 semaphore(%run_scoped3A : memref<!tpu.dma_semaphore, #tpu.memory_space<semaphore_mem>>) src(%dma_wait3A_215 : memref<632x128xf32, #tpu.memory_space<hbm>>) dst(%dma_wait3A_213 : memref<632x128xf32, #tpu.memory_space<vmem_shared>>)
        tpu.yield
      }) : () -> ()
    } else {
    }
    %eq3A = arith.constant 15 : i32
    %eq3A_20 = arith.cmpi eq, %arg1, %eq3A : i32
    %convert_element_type3A_21 = arith.extui %eq3A_20 : i1 to i32
    %cond3A_22 = arith.constant 0 : i32
    %cond3A_23 = arith.cmpi ne, %convert_element_type3A_21, %cond3A_22 : i32
    scf.if %cond3A_23 {
      "tpu.region"() ({
        %run_scoped3A = tpu.sem_alloc : memref<!tpu.dma_semaphore, #tpu.memory_space<semaphore_mem>>
        %dma_start3A_208 = arith.constant 9480 : i32
        %dma_start3A_209 = arith.constant 0 : i32
        %dma_start3A_210 = tpu.memref_slice %arg11[%dma_start3A_208, %dma_start3A_209] : memref<10000x128xf32, #tpu.memory_space<vmem_shared>> -> memref<520x128xf32, #tpu.memory_space<vmem_shared>>
        %dma_start3A_211 = arith.constant 9480 : i32
        %dma_start3A_212 = arith.constant 0 : i32
        %dma_start3A_213 = tpu.memref_slice %arg2[%dma_start3A_211, %dma_start3A_212] : memref<10000x128xf32, #tpu.memory_space<hbm>> -> memref<520x128xf32, #tpu.memory_space<hbm>>
        tpu.enqueue_dma source(%dma_start3A_213 : memref<520x128xf32, #tpu.memory_space<hbm>>) target(%dma_start3A_210 : memref<520x128xf32, #tpu.memory_space<vmem_shared>>) target_semaphore(%run_scoped3A : memref<!tpu.dma_semaphore, #tpu.memory_space<semaphore_mem>>)
        %dma_wait3A_214 = arith.constant 9480 : i32
        %dma_wait3A_215 = arith.constant 0 : i32
        %dma_wait3A_216 = tpu.memref_slice %arg11[%dma_wait3A_214, %dma_wait3A_215] : memref<10000x128xf32, #tpu.memory_space<vmem_shared>> -> memref<520x128xf32, #tpu.memory_space<vmem_shared>>
        %dma_wait3A_217 = arith.constant 9480 : i32
        %dma_wait3A_218 = arith.constant 0 : i32
        %dma_wait3A_219 = tpu.memref_slice %arg2[%dma_wait3A_217, %dma_wait3A_218] : memref<10000x128xf32, #tpu.memory_space<hbm>> -> memref<520x128xf32, #tpu.memory_space<hbm>>
        tpu.wait_dma2 semaphore(%run_scoped3A : memref<!tpu.dma_semaphore, #tpu.memory_space<semaphore_mem>>) src(%dma_wait3A_219 : memref<520x128xf32, #tpu.memory_space<hbm>>) dst(%dma_wait3A_216 : memref<520x128xf32, #tpu.memory_space<vmem_shared>>)
        tpu.yield
      }) : () -> ()
    } else {
    }
    %mul3A_24 = arith.constant 80 : i32
    %mul3A_25 = arith.muli %add3A, %mul3A_24 : i32
    %dma_wait3A = arith.constant 0 : i32
    %dma_wait3A_26 = tpu.memref_slice %arg3[%mul3A_25, %dma_wait3A] : memref<2560x128xi32, #tpu.memory_space<hbm>> -> memref<80x128xi32, #tpu.memory_space<hbm>>
    %dma_wait3A_27 = arith.constant 0 : i32
    %dma_wait3A_28 = tpu.memref_slice %arg3[%mul3A_25, %dma_wait3A_27] : memref<2560x128xi32, #tpu.memory_space<hbm>> -> memref<80x128xi32, #tpu.memory_space<hbm>>
    tpu.wait_dma2 semaphore(%arg16 : memref<!tpu.dma_semaphore, #tpu.memory_space<semaphore_mem>>) src(%dma_wait3A_28 : memref<80x128xi32, #tpu.memory_space<hbm>>) dst(%arg6 : memref<80x128xi32, #tpu.memory_space<vmem>>)
    %mul3A_29 = arith.constant 80 : i32
    %mul3A_30 = arith.muli %add3A, %mul3A_29 : i32
    %dma_wait3A_31 = arith.constant 0 : i32
    %dma_wait3A_32 = tpu.memref_slice %arg4[%mul3A_30, %dma_wait3A_31] : memref<2560x128xi32, #tpu.memory_space<hbm>> -> memref<16x128xi32, #tpu.memory_space<hbm>>
    %dma_wait3A_33 = arith.constant 0 : i32
    %dma_wait3A_34 = tpu.memref_slice %arg4[%mul3A_30, %dma_wait3A_33] : memref<2560x128xi32, #tpu.memory_space<hbm>> -> memref<16x128xi32, #tpu.memory_space<hbm>>
    tpu.wait_dma2 semaphore(%arg17 : memref<!tpu.dma_semaphore, #tpu.memory_space<semaphore_mem>>) src(%dma_wait3A_34 : memref<16x128xi32, #tpu.memory_space<hbm>>) dst(%arg7 : memref<16x128xi32, #tpu.memory_space<vmem>>)
    %dma_start3A_35 = arith.constant 0 : i32
    %dma_start3A_36 = arith.constant 0 : i32
    %dma_start3A_37 = tpu.memref_slice %arg6[%dma_start3A_35, %dma_start3A_36] : memref<80x128xi32, #tpu.memory_space<vmem>> -> memref<1x128xi32, #tpu.memory_space<vmem>>
    %dma_start3A_38 = tpu.memref_squeeze %dma_start3A_37 : memref<1x128xi32, #tpu.memory_space<vmem>> -> memref<128xi32, #tpu.memory_space<vmem>>
    %dma_start3A_39 = arith.constant 0 : i32
    %dma_start3A_40 = arith.constant 0 : i32
    %dma_start3A_41 = tpu.memref_slice %arg2[%dma_start3A_39, %dma_start3A_40] : memref<10000x128xf32, #tpu.memory_space<hbm>> -> memref<10000x128xf32, #tpu.memory_space<hbm>>
    tpu.enqueue_indirect_dma source(%dma_start3A_41 : memref<10000x128xf32, #tpu.memory_space<hbm>>) target(%arg9 : memref<128x128xf32, #tpu.memory_space<vmem>>) offsets(%dma_start3A_38 : memref<128xi32, #tpu.memory_space<vmem>>) semaphore(%arg12 : memref<!tpu.dma_semaphore, #tpu.memory_space<semaphore_mem>>)
    %barrier3A = arith.constant 0 : index
    tpu.barrier barrier_id(%barrier3A)
    %mul3A_42 = arith.constant 80 : i32
    %mul3A_43 = arith.muli %add3A, %mul3A_42 : i32
    %add3A_44 = arith.constant 0 : i32
    %add3A_45 = arith.addi %mul3A_43, %add3A_44 : i32
    %add3A_46 = arith.constant 16 : i32
    %add3A_47 = arith.addi %add3A_45, %add3A_46 : i32
    %dma_start3A_48 = arith.constant 0 : i32
    %dma_start3A_49 = tpu.memref_slice %arg4[%add3A_47, %dma_start3A_48] : memref<2560x128xi32, #tpu.memory_space<hbm>> -> memref<16x128xi32, #tpu.memory_space<hbm>>
    %dma_start3A_50 = arith.constant 0 : i32
    %dma_start3A_51 = tpu.memref_slice %arg4[%add3A_47, %dma_start3A_50] : memref<2560x128xi32, #tpu.memory_space<hbm>> -> memref<16x128xi32, #tpu.memory_space<hbm>>
    tpu.enqueue_dma source(%dma_start3A_51 : memref<16x128xi32, #tpu.memory_space<hbm>>) target(%arg8 : memref<16x128xi32, #tpu.memory_space<vmem>>) target_semaphore(%arg16 : memref<!tpu.dma_semaphore, #tpu.memory_space<semaphore_mem>>)
    %scan3A = arith.constant 0 : i32
    %scan3A_52 = arith.constant 0 : i32
    %scan3A_53 = arith.constant 8 : i32
    %scan3A_54 = arith.addi %scan3A_52, %scan3A_53 : i32
    %scan3A_55 = arith.constant 1 : i32
    scf.for %scan3A_208 = %scan3A_52 to %scan3A_54 step %scan3A_55  : i32 {
      %mul3A_209 = arith.constant 2 : i32
      %mul3A_210 = arith.muli %scan3A_208, %mul3A_209 : i32
      %add3A_211 = arith.constant 0 : i32
      %add3A_212 = arith.addi %mul3A_210, %add3A_211 : i32
      %add3A_213 = arith.constant 0 : i32
      %add3A_214 = arith.addi %add3A_213, %add3A_212 : i32
      %lt3A_215 = arith.cmpi slt, %add3A_214, %min3A_4 : i32
      %convert_element_type3A_216 = arith.extui %lt3A_215 : i1 to i32
      %cond3A_217 = arith.constant 0 : i32
      %cond3A_218 = arith.cmpi ne, %convert_element_type3A_216, %cond3A_217 : i32
      scf.if %cond3A_218 {
        %add3A_229 = arith.constant 1 : i32
        %add3A_230 = arith.addi %add3A_214, %add3A_229 : i32
        %lt3A_231 = arith.cmpi slt, %add3A_230, %min3A_4 : i32
        %convert_element_type3A_232 = arith.extui %lt3A_231 : i1 to i32
        %cond3A_233 = arith.constant 0 : i32
        %cond3A_234 = arith.cmpi ne, %convert_element_type3A_232, %cond3A_233 : i32
        scf.if %cond3A_234 {
          %ge3A = arith.constant 1 : i32
          %ge3A_247 = arith.cmpi sge, %add3A_212, %ge3A : i32
          %convert_element_type3A_248 = arith.extui %ge3A_247 : i1 to i32
          %cond3A_249 = arith.constant 0 : i32
          %cond3A_250 = arith.cmpi ne, %convert_element_type3A_248, %cond3A_249 : i32
          scf.if %cond3A_250 {
            %dma_wait3A_259 = arith.constant 0 : i32
            %dma_wait3A_260 = arith.constant 0 : i32
            %dma_wait3A_261 = tpu.memref_slice %arg7[%dma_wait3A_259, %dma_wait3A_260] : memref<16x128xi32, #tpu.memory_space<vmem>> -> memref<1x128xi32, #tpu.memory_space<vmem>>
            %dma_wait3A_262 = tpu.memref_squeeze %dma_wait3A_261 : memref<1x128xi32, #tpu.memory_space<vmem>> -> memref<128xi32, #tpu.memory_space<vmem>>
            %dma_wait3A_263 = arith.constant 0 : i32
            %dma_wait3A_264 = arith.constant 0 : i32
            %dma_wait3A_265 = tpu.memref_slice %arg11[%dma_wait3A_263, %dma_wait3A_264] : memref<10000x128xf32, #tpu.memory_space<vmem_shared>> -> memref<10000x128xf32, #tpu.memory_space<vmem_shared>>
            tpu.wait_indirect_dma semaphore(%arg15 : memref<!tpu.dma_semaphore, #tpu.memory_space<semaphore_mem>>) src(%arg10 : memref<128x128xf32, #tpu.memory_space<vmem>>) dst(%dma_wait3A_265 : memref<10000x128xf32, #tpu.memory_space<vmem_shared>>)
          } else {
          }
          %add3A_251 = arith.constant 1 : i32
          %add3A_252 = arith.addi %add3A_214, %add3A_251 : i32
          %dma_start3A_253 = arith.constant 0 : i32
          %dma_start3A_254 = tpu.memref_slice %arg6[%add3A_252, %dma_start3A_253] : memref<80x128xi32, #tpu.memory_space<vmem>> -> memref<1x128xi32, #tpu.memory_space<vmem>>
          %dma_start3A_255 = tpu.memref_squeeze %dma_start3A_254 : memref<1x128xi32, #tpu.memory_space<vmem>> -> memref<128xi32, #tpu.memory_space<vmem>>
          %dma_start3A_256 = arith.constant 0 : i32
          %dma_start3A_257 = arith.constant 0 : i32
          %dma_start3A_258 = tpu.memref_slice %arg2[%dma_start3A_256, %dma_start3A_257] : memref<10000x128xf32, #tpu.memory_space<hbm>> -> memref<10000x128xf32, #tpu.memory_space<hbm>>
          tpu.enqueue_indirect_dma source(%dma_start3A_258 : memref<10000x128xf32, #tpu.memory_space<hbm>>) target(%arg10 : memref<128x128xf32, #tpu.memory_space<vmem>>) offsets(%dma_start3A_255 : memref<128xi32, #tpu.memory_space<vmem>>) semaphore(%arg13 : memref<!tpu.dma_semaphore, #tpu.memory_space<semaphore_mem>>)
        } else {
        }
        %dma_wait3A_235 = arith.constant 0 : i32
        %dma_wait3A_236 = tpu.memref_slice %arg6[%add3A_214, %dma_wait3A_235] : memref<80x128xi32, #tpu.memory_space<vmem>> -> memref<1x128xi32, #tpu.memory_space<vmem>>
        %dma_wait3A_237 = tpu.memref_squeeze %dma_wait3A_236 : memref<1x128xi32, #tpu.memory_space<vmem>> -> memref<128xi32, #tpu.memory_space<vmem>>
        %dma_wait3A_238 = arith.constant 0 : i32
        %dma_wait3A_239 = arith.constant 0 : i32
        %dma_wait3A_240 = tpu.memref_slice %arg2[%dma_wait3A_238, %dma_wait3A_239] : memref<10000x128xf32, #tpu.memory_space<hbm>> -> memref<10000x128xf32, #tpu.memory_space<hbm>>
        tpu.wait_indirect_dma semaphore(%arg12 : memref<!tpu.dma_semaphore, #tpu.memory_space<semaphore_mem>>) src(%dma_wait3A_240 : memref<10000x128xf32, #tpu.memory_space<hbm>>) dst(%arg9 : memref<128x128xf32, #tpu.memory_space<vmem>>)
        %dma_start3A_241 = arith.constant 0 : i32
        %dma_start3A_242 = tpu.memref_slice %arg7[%add3A_212, %dma_start3A_241] : memref<16x128xi32, #tpu.memory_space<vmem>> -> memref<1x128xi32, #tpu.memory_space<vmem>>
        %dma_start3A_243 = tpu.memref_squeeze %dma_start3A_242 : memref<1x128xi32, #tpu.memory_space<vmem>> -> memref<128xi32, #tpu.memory_space<vmem>>
        %dma_start3A_244 = arith.constant 0 : i32
        %dma_start3A_245 = arith.constant 0 : i32
        %dma_start3A_246 = tpu.memref_slice %arg11[%dma_start3A_244, %dma_start3A_245] : memref<10000x128xf32, #tpu.memory_space<vmem_shared>> -> memref<10000x128xf32, #tpu.memory_space<vmem_shared>>
        tpu.enqueue_indirect_dma source(%arg9 : memref<128x128xf32, #tpu.memory_space<vmem>>) target(%dma_start3A_246 : memref<10000x128xf32, #tpu.memory_space<vmem_shared>>) offsets(%dma_start3A_243 : memref<128xi32, #tpu.memory_space<vmem>>) semaphore(%arg14 : memref<!tpu.dma_semaphore, #tpu.memory_space<semaphore_mem>>) {add = true}
      } else {
      }
      %mul3A_219 = arith.constant 2 : i32
      %mul3A_220 = arith.muli %scan3A_208, %mul3A_219 : i32
      %add3A_221 = arith.constant 1 : i32
      %add3A_222 = arith.addi %mul3A_220, %add3A_221 : i32
      %add3A_223 = arith.constant 0 : i32
      %add3A_224 = arith.addi %add3A_223, %add3A_222 : i32
      %lt3A_225 = arith.cmpi slt, %add3A_224, %min3A_4 : i32
      %convert_element_type3A_226 = arith.extui %lt3A_225 : i1 to i32
      %cond3A_227 = arith.constant 0 : i32
      %cond3A_228 = arith.cmpi ne, %convert_element_type3A_226, %cond3A_227 : i32
      scf.if %cond3A_228 {
        %add3A_229 = arith.constant 1 : i32
        %add3A_230 = arith.addi %add3A_224, %add3A_229 : i32
        %lt3A_231 = arith.cmpi slt, %add3A_230, %min3A_4 : i32
        %convert_element_type3A_232 = arith.extui %lt3A_231 : i1 to i32
        %cond3A_233 = arith.constant 0 : i32
        %cond3A_234 = arith.cmpi ne, %convert_element_type3A_232, %cond3A_233 : i32
        scf.if %cond3A_234 {
          %ge3A = arith.constant 1 : i32
          %ge3A_247 = arith.cmpi sge, %add3A_222, %ge3A : i32
          %convert_element_type3A_248 = arith.extui %ge3A_247 : i1 to i32
          %cond3A_249 = arith.constant 0 : i32
          %cond3A_250 = arith.cmpi ne, %convert_element_type3A_248, %cond3A_249 : i32
          scf.if %cond3A_250 {
            %dma_wait3A_259 = arith.constant 0 : i32
            %dma_wait3A_260 = arith.constant 0 : i32
            %dma_wait3A_261 = tpu.memref_slice %arg7[%dma_wait3A_259, %dma_wait3A_260] : memref<16x128xi32, #tpu.memory_space<vmem>> -> memref<1x128xi32, #tpu.memory_space<vmem>>
            %dma_wait3A_262 = tpu.memref_squeeze %dma_wait3A_261 : memref<1x128xi32, #tpu.memory_space<vmem>> -> memref<128xi32, #tpu.memory_space<vmem>>
            %dma_wait3A_263 = arith.constant 0 : i32
            %dma_wait3A_264 = arith.constant 0 : i32
            %dma_wait3A_265 = tpu.memref_slice %arg11[%dma_wait3A_263, %dma_wait3A_264] : memref<10000x128xf32, #tpu.memory_space<vmem_shared>> -> memref<10000x128xf32, #tpu.memory_space<vmem_shared>>
            tpu.wait_indirect_dma semaphore(%arg14 : memref<!tpu.dma_semaphore, #tpu.memory_space<semaphore_mem>>) src(%arg9 : memref<128x128xf32, #tpu.memory_space<vmem>>) dst(%dma_wait3A_265 : memref<10000x128xf32, #tpu.memory_space<vmem_shared>>)
          } else {
          }
          %add3A_251 = arith.constant 1 : i32
          %add3A_252 = arith.addi %add3A_224, %add3A_251 : i32
          %dma_start3A_253 = arith.constant 0 : i32
          %dma_start3A_254 = tpu.memref_slice %arg6[%add3A_252, %dma_start3A_253] : memref<80x128xi32, #tpu.memory_space<vmem>> -> memref<1x128xi32, #tpu.memory_space<vmem>>
          %dma_start3A_255 = tpu.memref_squeeze %dma_start3A_254 : memref<1x128xi32, #tpu.memory_space<vmem>> -> memref<128xi32, #tpu.memory_space<vmem>>
          %dma_start3A_256 = arith.constant 0 : i32
          %dma_start3A_257 = arith.constant 0 : i32
          %dma_start3A_258 = tpu.memref_slice %arg2[%dma_start3A_256, %dma_start3A_257] : memref<10000x128xf32, #tpu.memory_space<hbm>> -> memref<10000x128xf32, #tpu.memory_space<hbm>>
          tpu.enqueue_indirect_dma source(%dma_start3A_258 : memref<10000x128xf32, #tpu.memory_space<hbm>>) target(%arg9 : memref<128x128xf32, #tpu.memory_space<vmem>>) offsets(%dma_start3A_255 : memref<128xi32, #tpu.memory_space<vmem>>) semaphore(%arg12 : memref<!tpu.dma_semaphore, #tpu.memory_space<semaphore_mem>>)
        } else {
        }
        %dma_wait3A_235 = arith.constant 0 : i32
        %dma_wait3A_236 = tpu.memref_slice %arg6[%add3A_224, %dma_wait3A_235] : memref<80x128xi32, #tpu.memory_space<vmem>> -> memref<1x128xi32, #tpu.memory_space<vmem>>
        %dma_wait3A_237 = tpu.memref_squeeze %dma_wait3A_236 : memref<1x128xi32, #tpu.memory_space<vmem>> -> memref<128xi32, #tpu.memory_space<vmem>>
        %dma_wait3A_238 = arith.constant 0 : i32
        %dma_wait3A_239 = arith.constant 0 : i32
        %dma_wait3A_240 = tpu.memref_slice %arg2[%dma_wait3A_238, %dma_wait3A_239] : memref<10000x128xf32, #tpu.memory_space<hbm>> -> memref<10000x128xf32, #tpu.memory_space<hbm>>
        tpu.wait_indirect_dma semaphore(%arg13 : memref<!tpu.dma_semaphore, #tpu.memory_space<semaphore_mem>>) src(%dma_wait3A_240 : memref<10000x128xf32, #tpu.memory_space<hbm>>) dst(%arg10 : memref<128x128xf32, #tpu.memory_space<vmem>>)
        %dma_start3A_241 = arith.constant 0 : i32
        %dma_start3A_242 = tpu.memref_slice %arg7[%add3A_222, %dma_start3A_241] : memref<16x128xi32, #tpu.memory_space<vmem>> -> memref<1x128xi32, #tpu.memory_space<vmem>>
        %dma_start3A_243 = tpu.memref_squeeze %dma_start3A_242 : memref<1x128xi32, #tpu.memory_space<vmem>> -> memref<128xi32, #tpu.memory_space<vmem>>
        %dma_start3A_244 = arith.constant 0 : i32
        %dma_start3A_245 = arith.constant 0 : i32
        %dma_start3A_246 = tpu.memref_slice %arg11[%dma_start3A_244, %dma_start3A_245] : memref<10000x128xf32, #tpu.memory_space<vmem_shared>> -> memref<10000x128xf32, #tpu.memory_space<vmem_shared>>
        tpu.enqueue_indirect_dma source(%arg10 : memref<128x128xf32, #tpu.memory_space<vmem>>) target(%dma_start3A_246 : memref<10000x128xf32, #tpu.memory_space<vmem_shared>>) offsets(%dma_start3A_243 : memref<128xi32, #tpu.memory_space<vmem>>) semaphore(%arg15 : memref<!tpu.dma_semaphore, #tpu.memory_space<semaphore_mem>>) {add = true}
      } else {
      }
    }
    %scan3A_56 = arith.constant 8 : i32
    %mul3A_57 = arith.constant 80 : i32
    %mul3A_58 = arith.muli %add3A, %mul3A_57 : i32
    %add3A_59 = arith.constant 16 : i32
    %add3A_60 = arith.addi %mul3A_58, %add3A_59 : i32
    %dma_wait3A_61 = arith.constant 0 : i32
    %dma_wait3A_62 = tpu.memref_slice %arg4[%add3A_60, %dma_wait3A_61] : memref<2560x128xi32, #tpu.memory_space<hbm>> -> memref<16x128xi32, #tpu.memory_space<hbm>>
    %dma_wait3A_63 = arith.constant 0 : i32
    %dma_wait3A_64 = tpu.memref_slice %arg4[%add3A_60, %dma_wait3A_63] : memref<2560x128xi32, #tpu.memory_space<hbm>> -> memref<16x128xi32, #tpu.memory_space<hbm>>
    tpu.wait_dma2 semaphore(%arg16 : memref<!tpu.dma_semaphore, #tpu.memory_space<semaphore_mem>>) src(%dma_wait3A_64 : memref<16x128xi32, #tpu.memory_space<hbm>>) dst(%arg8 : memref<16x128xi32, #tpu.memory_space<vmem>>)
    %gt3A = arith.constant 16 : i32
    %gt3A_65 = arith.cmpi sgt, %min3A_4, %gt3A : i32
    %convert_element_type3A_66 = arith.extui %gt3A_65 : i1 to i32
    %cond3A_67 = arith.constant 0 : i32
    %cond3A_68 = arith.cmpi ne, %convert_element_type3A_66, %cond3A_67 : i32
    scf.if %cond3A_68 {
      %dma_wait3A_208 = arith.constant 0 : i32
      %dma_wait3A_209 = arith.constant 0 : i32
      %dma_wait3A_210 = tpu.memref_slice %arg7[%dma_wait3A_208, %dma_wait3A_209] : memref<16x128xi32, #tpu.memory_space<vmem>> -> memref<1x128xi32, #tpu.memory_space<vmem>>
      %dma_wait3A_211 = tpu.memref_squeeze %dma_wait3A_210 : memref<1x128xi32, #tpu.memory_space<vmem>> -> memref<128xi32, #tpu.memory_space<vmem>>
      %dma_wait3A_212 = arith.constant 0 : i32
      %dma_wait3A_213 = arith.constant 0 : i32
      %dma_wait3A_214 = tpu.memref_slice %arg11[%dma_wait3A_212, %dma_wait3A_213] : memref<10000x128xf32, #tpu.memory_space<vmem_shared>> -> memref<10000x128xf32, #tpu.memory_space<vmem_shared>>
      tpu.wait_indirect_dma semaphore(%arg15 : memref<!tpu.dma_semaphore, #tpu.memory_space<semaphore_mem>>) src(%arg10 : memref<128x128xf32, #tpu.memory_space<vmem>>) dst(%dma_wait3A_214 : memref<10000x128xf32, #tpu.memory_space<vmem_shared>>)
    } else {
    }
    %gt3A_69 = arith.constant 0 : i32
    %gt3A_70 = arith.cmpi sgt, %min3A_4, %gt3A_69 : i32
    %le3A = arith.constant 16 : i32
    %le3A_71 = arith.cmpi sle, %min3A_4, %le3A : i32
    %and3A = arith.andi %gt3A_70, %le3A_71 : i1
    %convert_element_type3A_72 = arith.extui %and3A : i1 to i32
    %cond3A_73 = arith.constant 0 : i32
    %cond3A_74 = arith.cmpi ne, %convert_element_type3A_72, %cond3A_73 : i32
    scf.if %cond3A_74 {
      %dma_wait3A_208 = arith.constant 0 : i32
      %dma_wait3A_209 = arith.constant 0 : i32
      %dma_wait3A_210 = tpu.memref_slice %arg7[%dma_wait3A_208, %dma_wait3A_209] : memref<16x128xi32, #tpu.memory_space<vmem>> -> memref<1x128xi32, #tpu.memory_space<vmem>>
      %dma_wait3A_211 = tpu.memref_squeeze %dma_wait3A_210 : memref<1x128xi32, #tpu.memory_space<vmem>> -> memref<128xi32, #tpu.memory_space<vmem>>
      %dma_wait3A_212 = arith.constant 0 : i32
      %dma_wait3A_213 = arith.constant 0 : i32
      %dma_wait3A_214 = tpu.memref_slice %arg11[%dma_wait3A_212, %dma_wait3A_213] : memref<10000x128xf32, #tpu.memory_space<vmem_shared>> -> memref<10000x128xf32, #tpu.memory_space<vmem_shared>>
      tpu.wait_indirect_dma semaphore(%arg14 : memref<!tpu.dma_semaphore, #tpu.memory_space<semaphore_mem>>) src(%arg9 : memref<128x128xf32, #tpu.memory_space<vmem>>) dst(%dma_wait3A_214 : memref<10000x128xf32, #tpu.memory_space<vmem_shared>>)
      %dma_wait3A_215 = arith.constant 0 : i32
      %dma_wait3A_216 = arith.constant 0 : i32
      %dma_wait3A_217 = tpu.memref_slice %arg7[%dma_wait3A_215, %dma_wait3A_216] : memref<16x128xi32, #tpu.memory_space<vmem>> -> memref<1x128xi32, #tpu.memory_space<vmem>>
      %dma_wait3A_218 = tpu.memref_squeeze %dma_wait3A_217 : memref<1x128xi32, #tpu.memory_space<vmem>> -> memref<128xi32, #tpu.memory_space<vmem>>
      %dma_wait3A_219 = arith.constant 0 : i32
      %dma_wait3A_220 = arith.constant 0 : i32
      %dma_wait3A_221 = tpu.memref_slice %arg11[%dma_wait3A_219, %dma_wait3A_220] : memref<10000x128xf32, #tpu.memory_space<vmem_shared>> -> memref<10000x128xf32, #tpu.memory_space<vmem_shared>>
      tpu.wait_indirect_dma semaphore(%arg15 : memref<!tpu.dma_semaphore, #tpu.memory_space<semaphore_mem>>) src(%arg10 : memref<128x128xf32, #tpu.memory_space<vmem>>) dst(%dma_wait3A_221 : memref<10000x128xf32, #tpu.memory_space<vmem_shared>>)
    } else {
    }
    %mul3A_75 = arith.constant 80 : i32
    %mul3A_76 = arith.muli %add3A, %mul3A_75 : i32
    %add3A_77 = arith.constant 16 : i32
    %add3A_78 = arith.addi %mul3A_76, %add3A_77 : i32
    %add3A_79 = arith.constant 16 : i32
    %add3A_80 = arith.addi %add3A_78, %add3A_79 : i32
    %dma_start3A_81 = arith.constant 0 : i32
    %dma_start3A_82 = tpu.memref_slice %arg4[%add3A_80, %dma_start3A_81] : memref<2560x128xi32, #tpu.memory_space<hbm>> -> memref<16x128xi32, #tpu.memory_space<hbm>>
    %dma_start3A_83 = arith.constant 0 : i32
    %dma_start3A_84 = tpu.memref_slice %arg4[%add3A_80, %dma_start3A_83] : memref<2560x128xi32, #tpu.memory_space<hbm>> -> memref<16x128xi32, #tpu.memory_space<hbm>>
    tpu.enqueue_dma source(%dma_start3A_84 : memref<16x128xi32, #tpu.memory_space<hbm>>) target(%arg7 : memref<16x128xi32, #tpu.memory_space<vmem>>) target_semaphore(%arg16 : memref<!tpu.dma_semaphore, #tpu.memory_space<semaphore_mem>>)
    %scan3A_85 = arith.constant 0 : i32
    %scan3A_86 = arith.constant 0 : i32
    %scan3A_87 = arith.constant 8 : i32
    %scan3A_88 = arith.addi %scan3A_86, %scan3A_87 : i32
    %scan3A_89 = arith.constant 1 : i32
    scf.for %scan3A_208 = %scan3A_86 to %scan3A_88 step %scan3A_89  : i32 {
      %mul3A_209 = arith.constant 2 : i32
      %mul3A_210 = arith.muli %scan3A_208, %mul3A_209 : i32
      %add3A_211 = arith.constant 0 : i32
      %add3A_212 = arith.addi %mul3A_210, %add3A_211 : i32
      %add3A_213 = arith.constant 16 : i32
      %add3A_214 = arith.addi %add3A_213, %add3A_212 : i32
      %lt3A_215 = arith.cmpi slt, %add3A_214, %min3A_4 : i32
      %convert_element_type3A_216 = arith.extui %lt3A_215 : i1 to i32
      %cond3A_217 = arith.constant 0 : i32
      %cond3A_218 = arith.cmpi ne, %convert_element_type3A_216, %cond3A_217 : i32
      scf.if %cond3A_218 {
        %add3A_229 = arith.constant 1 : i32
        %add3A_230 = arith.addi %add3A_214, %add3A_229 : i32
        %lt3A_231 = arith.cmpi slt, %add3A_230, %min3A_4 : i32
        %convert_element_type3A_232 = arith.extui %lt3A_231 : i1 to i32
        %cond3A_233 = arith.constant 0 : i32
        %cond3A_234 = arith.cmpi ne, %convert_element_type3A_232, %cond3A_233 : i32
        scf.if %cond3A_234 {
          %ge3A = arith.constant 1 : i32
          %ge3A_247 = arith.cmpi sge, %add3A_212, %ge3A : i32
          %convert_element_type3A_248 = arith.extui %ge3A_247 : i1 to i32
          %cond3A_249 = arith.constant 0 : i32
          %cond3A_250 = arith.cmpi ne, %convert_element_type3A_248, %cond3A_249 : i32
          scf.if %cond3A_250 {
            %dma_wait3A_259 = arith.constant 0 : i32
            %dma_wait3A_260 = arith.constant 0 : i32
            %dma_wait3A_261 = tpu.memref_slice %arg7[%dma_wait3A_259, %dma_wait3A_260] : memref<16x128xi32, #tpu.memory_space<vmem>> -> memref<1x128xi32, #tpu.memory_space<vmem>>
            %dma_wait3A_262 = tpu.memref_squeeze %dma_wait3A_261 : memref<1x128xi32, #tpu.memory_space<vmem>> -> memref<128xi32, #tpu.memory_space<vmem>>
            %dma_wait3A_263 = arith.constant 0 : i32
            %dma_wait3A_264 = arith.constant 0 : i32
            %dma_wait3A_265 = tpu.memref_slice %arg11[%dma_wait3A_263, %dma_wait3A_264] : memref<10000x128xf32, #tpu.memory_space<vmem_shared>> -> memref<10000x128xf32, #tpu.memory_space<vmem_shared>>
            tpu.wait_indirect_dma semaphore(%arg15 : memref<!tpu.dma_semaphore, #tpu.memory_space<semaphore_mem>>) src(%arg10 : memref<128x128xf32, #tpu.memory_space<vmem>>) dst(%dma_wait3A_265 : memref<10000x128xf32, #tpu.memory_space<vmem_shared>>)
          } else {
          }
          %add3A_251 = arith.constant 1 : i32
          %add3A_252 = arith.addi %add3A_214, %add3A_251 : i32
          %dma_start3A_253 = arith.constant 0 : i32
          %dma_start3A_254 = tpu.memref_slice %arg6[%add3A_252, %dma_start3A_253] : memref<80x128xi32, #tpu.memory_space<vmem>> -> memref<1x128xi32, #tpu.memory_space<vmem>>
          %dma_start3A_255 = tpu.memref_squeeze %dma_start3A_254 : memref<1x128xi32, #tpu.memory_space<vmem>> -> memref<128xi32, #tpu.memory_space<vmem>>
          %dma_start3A_256 = arith.constant 0 : i32
          %dma_start3A_257 = arith.constant 0 : i32
          %dma_start3A_258 = tpu.memref_slice %arg2[%dma_start3A_256, %dma_start3A_257] : memref<10000x128xf32, #tpu.memory_space<hbm>> -> memref<10000x128xf32, #tpu.memory_space<hbm>>
          tpu.enqueue_indirect_dma source(%dma_start3A_258 : memref<10000x128xf32, #tpu.memory_space<hbm>>) target(%arg10 : memref<128x128xf32, #tpu.memory_space<vmem>>) offsets(%dma_start3A_255 : memref<128xi32, #tpu.memory_space<vmem>>) semaphore(%arg13 : memref<!tpu.dma_semaphore, #tpu.memory_space<semaphore_mem>>)
        } else {
        }
        %dma_wait3A_235 = arith.constant 0 : i32
        %dma_wait3A_236 = tpu.memref_slice %arg6[%add3A_214, %dma_wait3A_235] : memref<80x128xi32, #tpu.memory_space<vmem>> -> memref<1x128xi32, #tpu.memory_space<vmem>>
        %dma_wait3A_237 = tpu.memref_squeeze %dma_wait3A_236 : memref<1x128xi32, #tpu.memory_space<vmem>> -> memref<128xi32, #tpu.memory_space<vmem>>
        %dma_wait3A_238 = arith.constant 0 : i32
        %dma_wait3A_239 = arith.constant 0 : i32
        %dma_wait3A_240 = tpu.memref_slice %arg2[%dma_wait3A_238, %dma_wait3A_239] : memref<10000x128xf32, #tpu.memory_space<hbm>> -> memref<10000x128xf32, #tpu.memory_space<hbm>>
        tpu.wait_indirect_dma semaphore(%arg12 : memref<!tpu.dma_semaphore, #tpu.memory_space<semaphore_mem>>) src(%dma_wait3A_240 : memref<10000x128xf32, #tpu.memory_space<hbm>>) dst(%arg9 : memref<128x128xf32, #tpu.memory_space<vmem>>)
        %dma_start3A_241 = arith.constant 0 : i32
        %dma_start3A_242 = tpu.memref_slice %arg8[%add3A_212, %dma_start3A_241] : memref<16x128xi32, #tpu.memory_space<vmem>> -> memref<1x128xi32, #tpu.memory_space<vmem>>
        %dma_start3A_243 = tpu.memref_squeeze %dma_start3A_242 : memref<1x128xi32, #tpu.memory_space<vmem>> -> memref<128xi32, #tpu.memory_space<vmem>>
        %dma_start3A_244 = arith.constant 0 : i32
        %dma_start3A_245 = arith.constant 0 : i32
        %dma_start3A_246 = tpu.memref_slice %arg11[%dma_start3A_244, %dma_start3A_245] : memref<10000x128xf32, #tpu.memory_space<vmem_shared>> -> memref<10000x128xf32, #tpu.memory_space<vmem_shared>>
        tpu.enqueue_indirect_dma source(%arg9 : memref<128x128xf32, #tpu.memory_space<vmem>>) target(%dma_start3A_246 : memref<10000x128xf32, #tpu.memory_space<vmem_shared>>) offsets(%dma_start3A_243 : memref<128xi32, #tpu.memory_space<vmem>>) semaphore(%arg14 : memref<!tpu.dma_semaphore, #tpu.memory_space<semaphore_mem>>) {add = true}
      } else {
      }
      %mul3A_219 = arith.constant 2 : i32
      %mul3A_220 = arith.muli %scan3A_208, %mul3A_219 : i32
      %add3A_221 = arith.constant 1 : i32
      %add3A_222 = arith.addi %mul3A_220, %add3A_221 : i32
      %add3A_223 = arith.constant 16 : i32
      %add3A_224 = arith.addi %add3A_223, %add3A_222 : i32
      %lt3A_225 = arith.cmpi slt, %add3A_224, %min3A_4 : i32
      %convert_element_type3A_226 = arith.extui %lt3A_225 : i1 to i32
      %cond3A_227 = arith.constant 0 : i32
      %cond3A_228 = arith.cmpi ne, %convert_element_type3A_226, %cond3A_227 : i32
      scf.if %cond3A_228 {
        %add3A_229 = arith.constant 1 : i32
        %add3A_230 = arith.addi %add3A_224, %add3A_229 : i32
        %lt3A_231 = arith.cmpi slt, %add3A_230, %min3A_4 : i32
        %convert_element_type3A_232 = arith.extui %lt3A_231 : i1 to i32
        %cond3A_233 = arith.constant 0 : i32
        %cond3A_234 = arith.cmpi ne, %convert_element_type3A_232, %cond3A_233 : i32
        scf.if %cond3A_234 {
          %ge3A = arith.constant 1 : i32
          %ge3A_247 = arith.cmpi sge, %add3A_222, %ge3A : i32
          %convert_element_type3A_248 = arith.extui %ge3A_247 : i1 to i32
          %cond3A_249 = arith.constant 0 : i32
          %cond3A_250 = arith.cmpi ne, %convert_element_type3A_248, %cond3A_249 : i32
          scf.if %cond3A_250 {
            %dma_wait3A_259 = arith.constant 0 : i32
            %dma_wait3A_260 = arith.constant 0 : i32
            %dma_wait3A_261 = tpu.memref_slice %arg7[%dma_wait3A_259, %dma_wait3A_260] : memref<16x128xi32, #tpu.memory_space<vmem>> -> memref<1x128xi32, #tpu.memory_space<vmem>>
            %dma_wait3A_262 = tpu.memref_squeeze %dma_wait3A_261 : memref<1x128xi32, #tpu.memory_space<vmem>> -> memref<128xi32, #tpu.memory_space<vmem>>
            %dma_wait3A_263 = arith.constant 0 : i32
            %dma_wait3A_264 = arith.constant 0 : i32
            %dma_wait3A_265 = tpu.memref_slice %arg11[%dma_wait3A_263, %dma_wait3A_264] : memref<10000x128xf32, #tpu.memory_space<vmem_shared>> -> memref<10000x128xf32, #tpu.memory_space<vmem_shared>>
            tpu.wait_indirect_dma semaphore(%arg14 : memref<!tpu.dma_semaphore, #tpu.memory_space<semaphore_mem>>) src(%arg9 : memref<128x128xf32, #tpu.memory_space<vmem>>) dst(%dma_wait3A_265 : memref<10000x128xf32, #tpu.memory_space<vmem_shared>>)
          } else {
          }
          %add3A_251 = arith.constant 1 : i32
          %add3A_252 = arith.addi %add3A_224, %add3A_251 : i32
          %dma_start3A_253 = arith.constant 0 : i32
          %dma_start3A_254 = tpu.memref_slice %arg6[%add3A_252, %dma_start3A_253] : memref<80x128xi32, #tpu.memory_space<vmem>> -> memref<1x128xi32, #tpu.memory_space<vmem>>
          %dma_start3A_255 = tpu.memref_squeeze %dma_start3A_254 : memref<1x128xi32, #tpu.memory_space<vmem>> -> memref<128xi32, #tpu.memory_space<vmem>>
          %dma_start3A_256 = arith.constant 0 : i32
          %dma_start3A_257 = arith.constant 0 : i32
          %dma_start3A_258 = tpu.memref_slice %arg2[%dma_start3A_256, %dma_start3A_257] : memref<10000x128xf32, #tpu.memory_space<hbm>> -> memref<10000x128xf32, #tpu.memory_space<hbm>>
          tpu.enqueue_indirect_dma source(%dma_start3A_258 : memref<10000x128xf32, #tpu.memory_space<hbm>>) target(%arg9 : memref<128x128xf32, #tpu.memory_space<vmem>>) offsets(%dma_start3A_255 : memref<128xi32, #tpu.memory_space<vmem>>) semaphore(%arg12 : memref<!tpu.dma_semaphore, #tpu.memory_space<semaphore_mem>>)
        } else {
        }
        %dma_wait3A_235 = arith.constant 0 : i32
        %dma_wait3A_236 = tpu.memref_slice %arg6[%add3A_224, %dma_wait3A_235] : memref<80x128xi32, #tpu.memory_space<vmem>> -> memref<1x128xi32, #tpu.memory_space<vmem>>
        %dma_wait3A_237 = tpu.memref_squeeze %dma_wait3A_236 : memref<1x128xi32, #tpu.memory_space<vmem>> -> memref<128xi32, #tpu.memory_space<vmem>>
        %dma_wait3A_238 = arith.constant 0 : i32
        %dma_wait3A_239 = arith.constant 0 : i32
        %dma_wait3A_240 = tpu.memref_slice %arg2[%dma_wait3A_238, %dma_wait3A_239] : memref<10000x128xf32, #tpu.memory_space<hbm>> -> memref<10000x128xf32, #tpu.memory_space<hbm>>
        tpu.wait_indirect_dma semaphore(%arg13 : memref<!tpu.dma_semaphore, #tpu.memory_space<semaphore_mem>>) src(%dma_wait3A_240 : memref<10000x128xf32, #tpu.memory_space<hbm>>) dst(%arg10 : memref<128x128xf32, #tpu.memory_space<vmem>>)
        %dma_start3A_241 = arith.constant 0 : i32
        %dma_start3A_242 = tpu.memref_slice %arg8[%add3A_222, %dma_start3A_241] : memref<16x128xi32, #tpu.memory_space<vmem>> -> memref<1x128xi32, #tpu.memory_space<vmem>>
        %dma_start3A_243 = tpu.memref_squeeze %dma_start3A_242 : memref<1x128xi32, #tpu.memory_space<vmem>> -> memref<128xi32, #tpu.memory_space<vmem>>
        %dma_start3A_244 = arith.constant 0 : i32
        %dma_start3A_245 = arith.constant 0 : i32
        %dma_start3A_246 = tpu.memref_slice %arg11[%dma_start3A_244, %dma_start3A_245] : memref<10000x128xf32, #tpu.memory_space<vmem_shared>> -> memref<10000x128xf32, #tpu.memory_space<vmem_shared>>
        tpu.enqueue_indirect_dma source(%arg10 : memref<128x128xf32, #tpu.memory_space<vmem>>) target(%dma_start3A_246 : memref<10000x128xf32, #tpu.memory_space<vmem_shared>>) offsets(%dma_start3A_243 : memref<128xi32, #tpu.memory_space<vmem>>) semaphore(%arg15 : memref<!tpu.dma_semaphore, #tpu.memory_space<semaphore_mem>>) {add = true}
      } else {
      }
    }
    %scan3A_90 = arith.constant 8 : i32
    %mul3A_91 = arith.constant 80 : i32
    %mul3A_92 = arith.muli %add3A, %mul3A_91 : i32
    %add3A_93 = arith.constant 32 : i32
    %add3A_94 = arith.addi %mul3A_92, %add3A_93 : i32
    %dma_wait3A_95 = arith.constant 0 : i32
    %dma_wait3A_96 = tpu.memref_slice %arg4[%add3A_94, %dma_wait3A_95] : memref<2560x128xi32, #tpu.memory_space<hbm>> -> memref<16x128xi32, #tpu.memory_space<hbm>>
    %dma_wait3A_97 = arith.constant 0 : i32
    %dma_wait3A_98 = tpu.memref_slice %arg4[%add3A_94, %dma_wait3A_97] : memref<2560x128xi32, #tpu.memory_space<hbm>> -> memref<16x128xi32, #tpu.memory_space<hbm>>
    tpu.wait_dma2 semaphore(%arg16 : memref<!tpu.dma_semaphore, #tpu.memory_space<semaphore_mem>>) src(%dma_wait3A_98 : memref<16x128xi32, #tpu.memory_space<hbm>>) dst(%arg7 : memref<16x128xi32, #tpu.memory_space<vmem>>)
    %gt3A_99 = arith.constant 32 : i32
    %gt3A_100 = arith.cmpi sgt, %min3A_4, %gt3A_99 : i32
    %convert_element_type3A_101 = arith.extui %gt3A_100 : i1 to i32
    %cond3A_102 = arith.constant 0 : i32
    %cond3A_103 = arith.cmpi ne, %convert_element_type3A_101, %cond3A_102 : i32
    scf.if %cond3A_103 {
      %dma_wait3A_208 = arith.constant 0 : i32
      %dma_wait3A_209 = arith.constant 0 : i32
      %dma_wait3A_210 = tpu.memref_slice %arg7[%dma_wait3A_208, %dma_wait3A_209] : memref<16x128xi32, #tpu.memory_space<vmem>> -> memref<1x128xi32, #tpu.memory_space<vmem>>
      %dma_wait3A_211 = tpu.memref_squeeze %dma_wait3A_210 : memref<1x128xi32, #tpu.memory_space<vmem>> -> memref<128xi32, #tpu.memory_space<vmem>>
      %dma_wait3A_212 = arith.constant 0 : i32
      %dma_wait3A_213 = arith.constant 0 : i32
      %dma_wait3A_214 = tpu.memref_slice %arg11[%dma_wait3A_212, %dma_wait3A_213] : memref<10000x128xf32, #tpu.memory_space<vmem_shared>> -> memref<10000x128xf32, #tpu.memory_space<vmem_shared>>
      tpu.wait_indirect_dma semaphore(%arg15 : memref<!tpu.dma_semaphore, #tpu.memory_space<semaphore_mem>>) src(%arg10 : memref<128x128xf32, #tpu.memory_space<vmem>>) dst(%dma_wait3A_214 : memref<10000x128xf32, #tpu.memory_space<vmem_shared>>)
    } else {
    }
    %gt3A_104 = arith.constant 16 : i32
    %gt3A_105 = arith.cmpi sgt, %min3A_4, %gt3A_104 : i32
    %le3A_106 = arith.constant 32 : i32
    %le3A_107 = arith.cmpi sle, %min3A_4, %le3A_106 : i32
    %and3A_108 = arith.andi %gt3A_105, %le3A_107 : i1
    %convert_element_type3A_109 = arith.extui %and3A_108 : i1 to i32
    %cond3A_110 = arith.constant 0 : i32
    %cond3A_111 = arith.cmpi ne, %convert_element_type3A_109, %cond3A_110 : i32
    scf.if %cond3A_111 {
      %dma_wait3A_208 = arith.constant 0 : i32
      %dma_wait3A_209 = arith.constant 0 : i32
      %dma_wait3A_210 = tpu.memref_slice %arg7[%dma_wait3A_208, %dma_wait3A_209] : memref<16x128xi32, #tpu.memory_space<vmem>> -> memref<1x128xi32, #tpu.memory_space<vmem>>
      %dma_wait3A_211 = tpu.memref_squeeze %dma_wait3A_210 : memref<1x128xi32, #tpu.memory_space<vmem>> -> memref<128xi32, #tpu.memory_space<vmem>>
      %dma_wait3A_212 = arith.constant 0 : i32
      %dma_wait3A_213 = arith.constant 0 : i32
      %dma_wait3A_214 = tpu.memref_slice %arg11[%dma_wait3A_212, %dma_wait3A_213] : memref<10000x128xf32, #tpu.memory_space<vmem_shared>> -> memref<10000x128xf32, #tpu.memory_space<vmem_shared>>
      tpu.wait_indirect_dma semaphore(%arg14 : memref<!tpu.dma_semaphore, #tpu.memory_space<semaphore_mem>>) src(%arg9 : memref<128x128xf32, #tpu.memory_space<vmem>>) dst(%dma_wait3A_214 : memref<10000x128xf32, #tpu.memory_space<vmem_shared>>)
      %dma_wait3A_215 = arith.constant 0 : i32
      %dma_wait3A_216 = arith.constant 0 : i32
      %dma_wait3A_217 = tpu.memref_slice %arg7[%dma_wait3A_215, %dma_wait3A_216] : memref<16x128xi32, #tpu.memory_space<vmem>> -> memref<1x128xi32, #tpu.memory_space<vmem>>
      %dma_wait3A_218 = tpu.memref_squeeze %dma_wait3A_217 : memref<1x128xi32, #tpu.memory_space<vmem>> -> memref<128xi32, #tpu.memory_space<vmem>>
      %dma_wait3A_219 = arith.constant 0 : i32
      %dma_wait3A_220 = arith.constant 0 : i32
      %dma_wait3A_221 = tpu.memref_slice %arg11[%dma_wait3A_219, %dma_wait3A_220] : memref<10000x128xf32, #tpu.memory_space<vmem_shared>> -> memref<10000x128xf32, #tpu.memory_space<vmem_shared>>
      tpu.wait_indirect_dma semaphore(%arg15 : memref<!tpu.dma_semaphore, #tpu.memory_space<semaphore_mem>>) src(%arg10 : memref<128x128xf32, #tpu.memory_space<vmem>>) dst(%dma_wait3A_221 : memref<10000x128xf32, #tpu.memory_space<vmem_shared>>)
    } else {
    }
    %mul3A_112 = arith.constant 80 : i32
    %mul3A_113 = arith.muli %add3A, %mul3A_112 : i32
    %add3A_114 = arith.constant 32 : i32
    %add3A_115 = arith.addi %mul3A_113, %add3A_114 : i32
    %add3A_116 = arith.constant 16 : i32
    %add3A_117 = arith.addi %add3A_115, %add3A_116 : i32
    %dma_start3A_118 = arith.constant 0 : i32
    %dma_start3A_119 = tpu.memref_slice %arg4[%add3A_117, %dma_start3A_118] : memref<2560x128xi32, #tpu.memory_space<hbm>> -> memref<16x128xi32, #tpu.memory_space<hbm>>
    %dma_start3A_120 = arith.constant 0 : i32
    %dma_start3A_121 = tpu.memref_slice %arg4[%add3A_117, %dma_start3A_120] : memref<2560x128xi32, #tpu.memory_space<hbm>> -> memref<16x128xi32, #tpu.memory_space<hbm>>
    tpu.enqueue_dma source(%dma_start3A_121 : memref<16x128xi32, #tpu.memory_space<hbm>>) target(%arg8 : memref<16x128xi32, #tpu.memory_space<vmem>>) target_semaphore(%arg16 : memref<!tpu.dma_semaphore, #tpu.memory_space<semaphore_mem>>)
    %scan3A_122 = arith.constant 0 : i32
    %scan3A_123 = arith.constant 0 : i32
    %scan3A_124 = arith.constant 8 : i32
    %scan3A_125 = arith.addi %scan3A_123, %scan3A_124 : i32
    %scan3A_126 = arith.constant 1 : i32
    scf.for %scan3A_208 = %scan3A_123 to %scan3A_125 step %scan3A_126  : i32 {
      %mul3A_209 = arith.constant 2 : i32
      %mul3A_210 = arith.muli %scan3A_208, %mul3A_209 : i32
      %add3A_211 = arith.constant 0 : i32
      %add3A_212 = arith.addi %mul3A_210, %add3A_211 : i32
      %add3A_213 = arith.constant 32 : i32
      %add3A_214 = arith.addi %add3A_213, %add3A_212 : i32
      %lt3A_215 = arith.cmpi slt, %add3A_214, %min3A_4 : i32
      %convert_element_type3A_216 = arith.extui %lt3A_215 : i1 to i32
      %cond3A_217 = arith.constant 0 : i32
      %cond3A_218 = arith.cmpi ne, %convert_element_type3A_216, %cond3A_217 : i32
      scf.if %cond3A_218 {
        %add3A_229 = arith.constant 1 : i32
        %add3A_230 = arith.addi %add3A_214, %add3A_229 : i32
        %lt3A_231 = arith.cmpi slt, %add3A_230, %min3A_4 : i32
        %convert_element_type3A_232 = arith.extui %lt3A_231 : i1 to i32
        %cond3A_233 = arith.constant 0 : i32
        %cond3A_234 = arith.cmpi ne, %convert_element_type3A_232, %cond3A_233 : i32
        scf.if %cond3A_234 {
          %ge3A = arith.constant 1 : i32
          %ge3A_247 = arith.cmpi sge, %add3A_212, %ge3A : i32
          %convert_element_type3A_248 = arith.extui %ge3A_247 : i1 to i32
          %cond3A_249 = arith.constant 0 : i32
          %cond3A_250 = arith.cmpi ne, %convert_element_type3A_248, %cond3A_249 : i32
          scf.if %cond3A_250 {
            %dma_wait3A_259 = arith.constant 0 : i32
            %dma_wait3A_260 = arith.constant 0 : i32
            %dma_wait3A_261 = tpu.memref_slice %arg7[%dma_wait3A_259, %dma_wait3A_260] : memref<16x128xi32, #tpu.memory_space<vmem>> -> memref<1x128xi32, #tpu.memory_space<vmem>>
            %dma_wait3A_262 = tpu.memref_squeeze %dma_wait3A_261 : memref<1x128xi32, #tpu.memory_space<vmem>> -> memref<128xi32, #tpu.memory_space<vmem>>
            %dma_wait3A_263 = arith.constant 0 : i32
            %dma_wait3A_264 = arith.constant 0 : i32
            %dma_wait3A_265 = tpu.memref_slice %arg11[%dma_wait3A_263, %dma_wait3A_264] : memref<10000x128xf32, #tpu.memory_space<vmem_shared>> -> memref<10000x128xf32, #tpu.memory_space<vmem_shared>>
            tpu.wait_indirect_dma semaphore(%arg15 : memref<!tpu.dma_semaphore, #tpu.memory_space<semaphore_mem>>) src(%arg10 : memref<128x128xf32, #tpu.memory_space<vmem>>) dst(%dma_wait3A_265 : memref<10000x128xf32, #tpu.memory_space<vmem_shared>>)
          } else {
          }
          %add3A_251 = arith.constant 1 : i32
          %add3A_252 = arith.addi %add3A_214, %add3A_251 : i32
          %dma_start3A_253 = arith.constant 0 : i32
          %dma_start3A_254 = tpu.memref_slice %arg6[%add3A_252, %dma_start3A_253] : memref<80x128xi32, #tpu.memory_space<vmem>> -> memref<1x128xi32, #tpu.memory_space<vmem>>
          %dma_start3A_255 = tpu.memref_squeeze %dma_start3A_254 : memref<1x128xi32, #tpu.memory_space<vmem>> -> memref<128xi32, #tpu.memory_space<vmem>>
          %dma_start3A_256 = arith.constant 0 : i32
          %dma_start3A_257 = arith.constant 0 : i32
          %dma_start3A_258 = tpu.memref_slice %arg2[%dma_start3A_256, %dma_start3A_257] : memref<10000x128xf32, #tpu.memory_space<hbm>> -> memref<10000x128xf32, #tpu.memory_space<hbm>>
          tpu.enqueue_indirect_dma source(%dma_start3A_258 : memref<10000x128xf32, #tpu.memory_space<hbm>>) target(%arg10 : memref<128x128xf32, #tpu.memory_space<vmem>>) offsets(%dma_start3A_255 : memref<128xi32, #tpu.memory_space<vmem>>) semaphore(%arg13 : memref<!tpu.dma_semaphore, #tpu.memory_space<semaphore_mem>>)
        } else {
        }
        %dma_wait3A_235 = arith.constant 0 : i32
        %dma_wait3A_236 = tpu.memref_slice %arg6[%add3A_214, %dma_wait3A_235] : memref<80x128xi32, #tpu.memory_space<vmem>> -> memref<1x128xi32, #tpu.memory_space<vmem>>
        %dma_wait3A_237 = tpu.memref_squeeze %dma_wait3A_236 : memref<1x128xi32, #tpu.memory_space<vmem>> -> memref<128xi32, #tpu.memory_space<vmem>>
        %dma_wait3A_238 = arith.constant 0 : i32
        %dma_wait3A_239 = arith.constant 0 : i32
        %dma_wait3A_240 = tpu.memref_slice %arg2[%dma_wait3A_238, %dma_wait3A_239] : memref<10000x128xf32, #tpu.memory_space<hbm>> -> memref<10000x128xf32, #tpu.memory_space<hbm>>
        tpu.wait_indirect_dma semaphore(%arg12 : memref<!tpu.dma_semaphore, #tpu.memory_space<semaphore_mem>>) src(%dma_wait3A_240 : memref<10000x128xf32, #tpu.memory_space<hbm>>) dst(%arg9 : memref<128x128xf32, #tpu.memory_space<vmem>>)
        %dma_start3A_241 = arith.constant 0 : i32
        %dma_start3A_242 = tpu.memref_slice %arg7[%add3A_212, %dma_start3A_241] : memref<16x128xi32, #tpu.memory_space<vmem>> -> memref<1x128xi32, #tpu.memory_space<vmem>>
        %dma_start3A_243 = tpu.memref_squeeze %dma_start3A_242 : memref<1x128xi32, #tpu.memory_space<vmem>> -> memref<128xi32, #tpu.memory_space<vmem>>
        %dma_start3A_244 = arith.constant 0 : i32
        %dma_start3A_245 = arith.constant 0 : i32
        %dma_start3A_246 = tpu.memref_slice %arg11[%dma_start3A_244, %dma_start3A_245] : memref<10000x128xf32, #tpu.memory_space<vmem_shared>> -> memref<10000x128xf32, #tpu.memory_space<vmem_shared>>
        tpu.enqueue_indirect_dma source(%arg9 : memref<128x128xf32, #tpu.memory_space<vmem>>) target(%dma_start3A_246 : memref<10000x128xf32, #tpu.memory_space<vmem_shared>>) offsets(%dma_start3A_243 : memref<128xi32, #tpu.memory_space<vmem>>) semaphore(%arg14 : memref<!tpu.dma_semaphore, #tpu.memory_space<semaphore_mem>>) {add = true}
      } else {
      }
      %mul3A_219 = arith.constant 2 : i32
      %mul3A_220 = arith.muli %scan3A_208, %mul3A_219 : i32
      %add3A_221 = arith.constant 1 : i32
      %add3A_222 = arith.addi %mul3A_220, %add3A_221 : i32
      %add3A_223 = arith.constant 32 : i32
      %add3A_224 = arith.addi %add3A_223, %add3A_222 : i32
      %lt3A_225 = arith.cmpi slt, %add3A_224, %min3A_4 : i32
      %convert_element_type3A_226 = arith.extui %lt3A_225 : i1 to i32
      %cond3A_227 = arith.constant 0 : i32
      %cond3A_228 = arith.cmpi ne, %convert_element_type3A_226, %cond3A_227 : i32
      scf.if %cond3A_228 {
        %add3A_229 = arith.constant 1 : i32
        %add3A_230 = arith.addi %add3A_224, %add3A_229 : i32
        %lt3A_231 = arith.cmpi slt, %add3A_230, %min3A_4 : i32
        %convert_element_type3A_232 = arith.extui %lt3A_231 : i1 to i32
        %cond3A_233 = arith.constant 0 : i32
        %cond3A_234 = arith.cmpi ne, %convert_element_type3A_232, %cond3A_233 : i32
        scf.if %cond3A_234 {
          %ge3A = arith.constant 1 : i32
          %ge3A_247 = arith.cmpi sge, %add3A_222, %ge3A : i32
          %convert_element_type3A_248 = arith.extui %ge3A_247 : i1 to i32
          %cond3A_249 = arith.constant 0 : i32
          %cond3A_250 = arith.cmpi ne, %convert_element_type3A_248, %cond3A_249 : i32
          scf.if %cond3A_250 {
            %dma_wait3A_259 = arith.constant 0 : i32
            %dma_wait3A_260 = arith.constant 0 : i32
            %dma_wait3A_261 = tpu.memref_slice %arg7[%dma_wait3A_259, %dma_wait3A_260] : memref<16x128xi32, #tpu.memory_space<vmem>> -> memref<1x128xi32, #tpu.memory_space<vmem>>
            %dma_wait3A_262 = tpu.memref_squeeze %dma_wait3A_261 : memref<1x128xi32, #tpu.memory_space<vmem>> -> memref<128xi32, #tpu.memory_space<vmem>>
            %dma_wait3A_263 = arith.constant 0 : i32
            %dma_wait3A_264 = arith.constant 0 : i32
            %dma_wait3A_265 = tpu.memref_slice %arg11[%dma_wait3A_263, %dma_wait3A_264] : memref<10000x128xf32, #tpu.memory_space<vmem_shared>> -> memref<10000x128xf32, #tpu.memory_space<vmem_shared>>
            tpu.wait_indirect_dma semaphore(%arg14 : memref<!tpu.dma_semaphore, #tpu.memory_space<semaphore_mem>>) src(%arg9 : memref<128x128xf32, #tpu.memory_space<vmem>>) dst(%dma_wait3A_265 : memref<10000x128xf32, #tpu.memory_space<vmem_shared>>)
          } else {
          }
          %add3A_251 = arith.constant 1 : i32
          %add3A_252 = arith.addi %add3A_224, %add3A_251 : i32
          %dma_start3A_253 = arith.constant 0 : i32
          %dma_start3A_254 = tpu.memref_slice %arg6[%add3A_252, %dma_start3A_253] : memref<80x128xi32, #tpu.memory_space<vmem>> -> memref<1x128xi32, #tpu.memory_space<vmem>>
          %dma_start3A_255 = tpu.memref_squeeze %dma_start3A_254 : memref<1x128xi32, #tpu.memory_space<vmem>> -> memref<128xi32, #tpu.memory_space<vmem>>
          %dma_start3A_256 = arith.constant 0 : i32
          %dma_start3A_257 = arith.constant 0 : i32
          %dma_start3A_258 = tpu.memref_slice %arg2[%dma_start3A_256, %dma_start3A_257] : memref<10000x128xf32, #tpu.memory_space<hbm>> -> memref<10000x128xf32, #tpu.memory_space<hbm>>
          tpu.enqueue_indirect_dma source(%dma_start3A_258 : memref<10000x128xf32, #tpu.memory_space<hbm>>) target(%arg9 : memref<128x128xf32, #tpu.memory_space<vmem>>) offsets(%dma_start3A_255 : memref<128xi32, #tpu.memory_space<vmem>>) semaphore(%arg12 : memref<!tpu.dma_semaphore, #tpu.memory_space<semaphore_mem>>)
        } else {
        }
        %dma_wait3A_235 = arith.constant 0 : i32
        %dma_wait3A_236 = tpu.memref_slice %arg6[%add3A_224, %dma_wait3A_235] : memref<80x128xi32, #tpu.memory_space<vmem>> -> memref<1x128xi32, #tpu.memory_space<vmem>>
        %dma_wait3A_237 = tpu.memref_squeeze %dma_wait3A_236 : memref<1x128xi32, #tpu.memory_space<vmem>> -> memref<128xi32, #tpu.memory_space<vmem>>
        %dma_wait3A_238 = arith.constant 0 : i32
        %dma_wait3A_239 = arith.constant 0 : i32
        %dma_wait3A_240 = tpu.memref_slice %arg2[%dma_wait3A_238, %dma_wait3A_239] : memref<10000x128xf32, #tpu.memory_space<hbm>> -> memref<10000x128xf32, #tpu.memory_space<hbm>>
        tpu.wait_indirect_dma semaphore(%arg13 : memref<!tpu.dma_semaphore, #tpu.memory_space<semaphore_mem>>) src(%dma_wait3A_240 : memref<10000x128xf32, #tpu.memory_space<hbm>>) dst(%arg10 : memref<128x128xf32, #tpu.memory_space<vmem>>)
        %dma_start3A_241 = arith.constant 0 : i32
        %dma_start3A_242 = tpu.memref_slice %arg7[%add3A_222, %dma_start3A_241] : memref<16x128xi32, #tpu.memory_space<vmem>> -> memref<1x128xi32, #tpu.memory_space<vmem>>
        %dma_start3A_243 = tpu.memref_squeeze %dma_start3A_242 : memref<1x128xi32, #tpu.memory_space<vmem>> -> memref<128xi32, #tpu.memory_space<vmem>>
        %dma_start3A_244 = arith.constant 0 : i32
        %dma_start3A_245 = arith.constant 0 : i32
        %dma_start3A_246 = tpu.memref_slice %arg11[%dma_start3A_244, %dma_start3A_245] : memref<10000x128xf32, #tpu.memory_space<vmem_shared>> -> memref<10000x128xf32, #tpu.memory_space<vmem_shared>>
        tpu.enqueue_indirect_dma source(%arg10 : memref<128x128xf32, #tpu.memory_space<vmem>>) target(%dma_start3A_246 : memref<10000x128xf32, #tpu.memory_space<vmem_shared>>) offsets(%dma_start3A_243 : memref<128xi32, #tpu.memory_space<vmem>>) semaphore(%arg15 : memref<!tpu.dma_semaphore, #tpu.memory_space<semaphore_mem>>) {add = true}
      } else {
      }
    }
    %scan3A_127 = arith.constant 8 : i32
    %mul3A_128 = arith.constant 80 : i32
    %mul3A_129 = arith.muli %add3A, %mul3A_128 : i32
    %add3A_130 = arith.constant 48 : i32
    %add3A_131 = arith.addi %mul3A_129, %add3A_130 : i32
    %dma_wait3A_132 = arith.constant 0 : i32
    %dma_wait3A_133 = tpu.memref_slice %arg4[%add3A_131, %dma_wait3A_132] : memref<2560x128xi32, #tpu.memory_space<hbm>> -> memref<16x128xi32, #tpu.memory_space<hbm>>
    %dma_wait3A_134 = arith.constant 0 : i32
    %dma_wait3A_135 = tpu.memref_slice %arg4[%add3A_131, %dma_wait3A_134] : memref<2560x128xi32, #tpu.memory_space<hbm>> -> memref<16x128xi32, #tpu.memory_space<hbm>>
    tpu.wait_dma2 semaphore(%arg16 : memref<!tpu.dma_semaphore, #tpu.memory_space<semaphore_mem>>) src(%dma_wait3A_135 : memref<16x128xi32, #tpu.memory_space<hbm>>) dst(%arg8 : memref<16x128xi32, #tpu.memory_space<vmem>>)
    %gt3A_136 = arith.constant 48 : i32
    %gt3A_137 = arith.cmpi sgt, %min3A_4, %gt3A_136 : i32
    %convert_element_type3A_138 = arith.extui %gt3A_137 : i1 to i32
    %cond3A_139 = arith.constant 0 : i32
    %cond3A_140 = arith.cmpi ne, %convert_element_type3A_138, %cond3A_139 : i32
    scf.if %cond3A_140 {
      %dma_wait3A_208 = arith.constant 0 : i32
      %dma_wait3A_209 = arith.constant 0 : i32
      %dma_wait3A_210 = tpu.memref_slice %arg7[%dma_wait3A_208, %dma_wait3A_209] : memref<16x128xi32, #tpu.memory_space<vmem>> -> memref<1x128xi32, #tpu.memory_space<vmem>>
      %dma_wait3A_211 = tpu.memref_squeeze %dma_wait3A_210 : memref<1x128xi32, #tpu.memory_space<vmem>> -> memref<128xi32, #tpu.memory_space<vmem>>
      %dma_wait3A_212 = arith.constant 0 : i32
      %dma_wait3A_213 = arith.constant 0 : i32
      %dma_wait3A_214 = tpu.memref_slice %arg11[%dma_wait3A_212, %dma_wait3A_213] : memref<10000x128xf32, #tpu.memory_space<vmem_shared>> -> memref<10000x128xf32, #tpu.memory_space<vmem_shared>>
      tpu.wait_indirect_dma semaphore(%arg15 : memref<!tpu.dma_semaphore, #tpu.memory_space<semaphore_mem>>) src(%arg10 : memref<128x128xf32, #tpu.memory_space<vmem>>) dst(%dma_wait3A_214 : memref<10000x128xf32, #tpu.memory_space<vmem_shared>>)
    } else {
    }
    %gt3A_141 = arith.constant 32 : i32
    %gt3A_142 = arith.cmpi sgt, %min3A_4, %gt3A_141 : i32
    %le3A_143 = arith.constant 48 : i32
    %le3A_144 = arith.cmpi sle, %min3A_4, %le3A_143 : i32
    %and3A_145 = arith.andi %gt3A_142, %le3A_144 : i1
    %convert_element_type3A_146 = arith.extui %and3A_145 : i1 to i32
    %cond3A_147 = arith.constant 0 : i32
    %cond3A_148 = arith.cmpi ne, %convert_element_type3A_146, %cond3A_147 : i32
    scf.if %cond3A_148 {
      %dma_wait3A_208 = arith.constant 0 : i32
      %dma_wait3A_209 = arith.constant 0 : i32
      %dma_wait3A_210 = tpu.memref_slice %arg7[%dma_wait3A_208, %dma_wait3A_209] : memref<16x128xi32, #tpu.memory_space<vmem>> -> memref<1x128xi32, #tpu.memory_space<vmem>>
      %dma_wait3A_211 = tpu.memref_squeeze %dma_wait3A_210 : memref<1x128xi32, #tpu.memory_space<vmem>> -> memref<128xi32, #tpu.memory_space<vmem>>
      %dma_wait3A_212 = arith.constant 0 : i32
      %dma_wait3A_213 = arith.constant 0 : i32
      %dma_wait3A_214 = tpu.memref_slice %arg11[%dma_wait3A_212, %dma_wait3A_213] : memref<10000x128xf32, #tpu.memory_space<vmem_shared>> -> memref<10000x128xf32, #tpu.memory_space<vmem_shared>>
      tpu.wait_indirect_dma semaphore(%arg14 : memref<!tpu.dma_semaphore, #tpu.memory_space<semaphore_mem>>) src(%arg9 : memref<128x128xf32, #tpu.memory_space<vmem>>) dst(%dma_wait3A_214 : memref<10000x128xf32, #tpu.memory_space<vmem_shared>>)
      %dma_wait3A_215 = arith.constant 0 : i32
      %dma_wait3A_216 = arith.constant 0 : i32
      %dma_wait3A_217 = tpu.memref_slice %arg7[%dma_wait3A_215, %dma_wait3A_216] : memref<16x128xi32, #tpu.memory_space<vmem>> -> memref<1x128xi32, #tpu.memory_space<vmem>>
      %dma_wait3A_218 = tpu.memref_squeeze %dma_wait3A_217 : memref<1x128xi32, #tpu.memory_space<vmem>> -> memref<128xi32, #tpu.memory_space<vmem>>
      %dma_wait3A_219 = arith.constant 0 : i32
      %dma_wait3A_220 = arith.constant 0 : i32
      %dma_wait3A_221 = tpu.memref_slice %arg11[%dma_wait3A_219, %dma_wait3A_220] : memref<10000x128xf32, #tpu.memory_space<vmem_shared>> -> memref<10000x128xf32, #tpu.memory_space<vmem_shared>>
      tpu.wait_indirect_dma semaphore(%arg15 : memref<!tpu.dma_semaphore, #tpu.memory_space<semaphore_mem>>) src(%arg10 : memref<128x128xf32, #tpu.memory_space<vmem>>) dst(%dma_wait3A_221 : memref<10000x128xf32, #tpu.memory_space<vmem_shared>>)
    } else {
    }
    %mul3A_149 = arith.constant 80 : i32
    %mul3A_150 = arith.muli %add3A, %mul3A_149 : i32
    %add3A_151 = arith.constant 48 : i32
    %add3A_152 = arith.addi %mul3A_150, %add3A_151 : i32
    %add3A_153 = arith.constant 16 : i32
    %add3A_154 = arith.addi %add3A_152, %add3A_153 : i32
    %dma_start3A_155 = arith.constant 0 : i32
    %dma_start3A_156 = tpu.memref_slice %arg4[%add3A_154, %dma_start3A_155] : memref<2560x128xi32, #tpu.memory_space<hbm>> -> memref<16x128xi32, #tpu.memory_space<hbm>>
    %dma_start3A_157 = arith.constant 0 : i32
    %dma_start3A_158 = tpu.memref_slice %arg4[%add3A_154, %dma_start3A_157] : memref<2560x128xi32, #tpu.memory_space<hbm>> -> memref<16x128xi32, #tpu.memory_space<hbm>>
    tpu.enqueue_dma source(%dma_start3A_158 : memref<16x128xi32, #tpu.memory_space<hbm>>) target(%arg7 : memref<16x128xi32, #tpu.memory_space<vmem>>) target_semaphore(%arg16 : memref<!tpu.dma_semaphore, #tpu.memory_space<semaphore_mem>>)
    %scan3A_159 = arith.constant 0 : i32
    %scan3A_160 = arith.constant 0 : i32
    %scan3A_161 = arith.constant 8 : i32
    %scan3A_162 = arith.addi %scan3A_160, %scan3A_161 : i32
    %scan3A_163 = arith.constant 1 : i32
    scf.for %scan3A_208 = %scan3A_160 to %scan3A_162 step %scan3A_163  : i32 {
      %mul3A_209 = arith.constant 2 : i32
      %mul3A_210 = arith.muli %scan3A_208, %mul3A_209 : i32
      %add3A_211 = arith.constant 0 : i32
      %add3A_212 = arith.addi %mul3A_210, %add3A_211 : i32
      %add3A_213 = arith.constant 48 : i32
      %add3A_214 = arith.addi %add3A_213, %add3A_212 : i32
      %lt3A_215 = arith.cmpi slt, %add3A_214, %min3A_4 : i32
      %convert_element_type3A_216 = arith.extui %lt3A_215 : i1 to i32
      %cond3A_217 = arith.constant 0 : i32
      %cond3A_218 = arith.cmpi ne, %convert_element_type3A_216, %cond3A_217 : i32
      scf.if %cond3A_218 {
        %add3A_229 = arith.constant 1 : i32
        %add3A_230 = arith.addi %add3A_214, %add3A_229 : i32
        %lt3A_231 = arith.cmpi slt, %add3A_230, %min3A_4 : i32
        %convert_element_type3A_232 = arith.extui %lt3A_231 : i1 to i32
        %cond3A_233 = arith.constant 0 : i32
        %cond3A_234 = arith.cmpi ne, %convert_element_type3A_232, %cond3A_233 : i32
        scf.if %cond3A_234 {
          %ge3A = arith.constant 1 : i32
          %ge3A_247 = arith.cmpi sge, %add3A_212, %ge3A : i32
          %convert_element_type3A_248 = arith.extui %ge3A_247 : i1 to i32
          %cond3A_249 = arith.constant 0 : i32
          %cond3A_250 = arith.cmpi ne, %convert_element_type3A_248, %cond3A_249 : i32
          scf.if %cond3A_250 {
            %dma_wait3A_259 = arith.constant 0 : i32
            %dma_wait3A_260 = arith.constant 0 : i32
            %dma_wait3A_261 = tpu.memref_slice %arg7[%dma_wait3A_259, %dma_wait3A_260] : memref<16x128xi32, #tpu.memory_space<vmem>> -> memref<1x128xi32, #tpu.memory_space<vmem>>
            %dma_wait3A_262 = tpu.memref_squeeze %dma_wait3A_261 : memref<1x128xi32, #tpu.memory_space<vmem>> -> memref<128xi32, #tpu.memory_space<vmem>>
            %dma_wait3A_263 = arith.constant 0 : i32
            %dma_wait3A_264 = arith.constant 0 : i32
            %dma_wait3A_265 = tpu.memref_slice %arg11[%dma_wait3A_263, %dma_wait3A_264] : memref<10000x128xf32, #tpu.memory_space<vmem_shared>> -> memref<10000x128xf32, #tpu.memory_space<vmem_shared>>
            tpu.wait_indirect_dma semaphore(%arg15 : memref<!tpu.dma_semaphore, #tpu.memory_space<semaphore_mem>>) src(%arg10 : memref<128x128xf32, #tpu.memory_space<vmem>>) dst(%dma_wait3A_265 : memref<10000x128xf32, #tpu.memory_space<vmem_shared>>)
          } else {
          }
          %add3A_251 = arith.constant 1 : i32
          %add3A_252 = arith.addi %add3A_214, %add3A_251 : i32
          %dma_start3A_253 = arith.constant 0 : i32
          %dma_start3A_254 = tpu.memref_slice %arg6[%add3A_252, %dma_start3A_253] : memref<80x128xi32, #tpu.memory_space<vmem>> -> memref<1x128xi32, #tpu.memory_space<vmem>>
          %dma_start3A_255 = tpu.memref_squeeze %dma_start3A_254 : memref<1x128xi32, #tpu.memory_space<vmem>> -> memref<128xi32, #tpu.memory_space<vmem>>
          %dma_start3A_256 = arith.constant 0 : i32
          %dma_start3A_257 = arith.constant 0 : i32
          %dma_start3A_258 = tpu.memref_slice %arg2[%dma_start3A_256, %dma_start3A_257] : memref<10000x128xf32, #tpu.memory_space<hbm>> -> memref<10000x128xf32, #tpu.memory_space<hbm>>
          tpu.enqueue_indirect_dma source(%dma_start3A_258 : memref<10000x128xf32, #tpu.memory_space<hbm>>) target(%arg10 : memref<128x128xf32, #tpu.memory_space<vmem>>) offsets(%dma_start3A_255 : memref<128xi32, #tpu.memory_space<vmem>>) semaphore(%arg13 : memref<!tpu.dma_semaphore, #tpu.memory_space<semaphore_mem>>)
        } else {
        }
        %dma_wait3A_235 = arith.constant 0 : i32
        %dma_wait3A_236 = tpu.memref_slice %arg6[%add3A_214, %dma_wait3A_235] : memref<80x128xi32, #tpu.memory_space<vmem>> -> memref<1x128xi32, #tpu.memory_space<vmem>>
        %dma_wait3A_237 = tpu.memref_squeeze %dma_wait3A_236 : memref<1x128xi32, #tpu.memory_space<vmem>> -> memref<128xi32, #tpu.memory_space<vmem>>
        %dma_wait3A_238 = arith.constant 0 : i32
        %dma_wait3A_239 = arith.constant 0 : i32
        %dma_wait3A_240 = tpu.memref_slice %arg2[%dma_wait3A_238, %dma_wait3A_239] : memref<10000x128xf32, #tpu.memory_space<hbm>> -> memref<10000x128xf32, #tpu.memory_space<hbm>>
        tpu.wait_indirect_dma semaphore(%arg12 : memref<!tpu.dma_semaphore, #tpu.memory_space<semaphore_mem>>) src(%dma_wait3A_240 : memref<10000x128xf32, #tpu.memory_space<hbm>>) dst(%arg9 : memref<128x128xf32, #tpu.memory_space<vmem>>)
        %dma_start3A_241 = arith.constant 0 : i32
        %dma_start3A_242 = tpu.memref_slice %arg8[%add3A_212, %dma_start3A_241] : memref<16x128xi32, #tpu.memory_space<vmem>> -> memref<1x128xi32, #tpu.memory_space<vmem>>
        %dma_start3A_243 = tpu.memref_squeeze %dma_start3A_242 : memref<1x128xi32, #tpu.memory_space<vmem>> -> memref<128xi32, #tpu.memory_space<vmem>>
        %dma_start3A_244 = arith.constant 0 : i32
        %dma_start3A_245 = arith.constant 0 : i32
        %dma_start3A_246 = tpu.memref_slice %arg11[%dma_start3A_244, %dma_start3A_245] : memref<10000x128xf32, #tpu.memory_space<vmem_shared>> -> memref<10000x128xf32, #tpu.memory_space<vmem_shared>>
        tpu.enqueue_indirect_dma source(%arg9 : memref<128x128xf32, #tpu.memory_space<vmem>>) target(%dma_start3A_246 : memref<10000x128xf32, #tpu.memory_space<vmem_shared>>) offsets(%dma_start3A_243 : memref<128xi32, #tpu.memory_space<vmem>>) semaphore(%arg14 : memref<!tpu.dma_semaphore, #tpu.memory_space<semaphore_mem>>) {add = true}
      } else {
      }
      %mul3A_219 = arith.constant 2 : i32
      %mul3A_220 = arith.muli %scan3A_208, %mul3A_219 : i32
      %add3A_221 = arith.constant 1 : i32
      %add3A_222 = arith.addi %mul3A_220, %add3A_221 : i32
      %add3A_223 = arith.constant 48 : i32
      %add3A_224 = arith.addi %add3A_223, %add3A_222 : i32
      %lt3A_225 = arith.cmpi slt, %add3A_224, %min3A_4 : i32
      %convert_element_type3A_226 = arith.extui %lt3A_225 : i1 to i32
      %cond3A_227 = arith.constant 0 : i32
      %cond3A_228 = arith.cmpi ne, %convert_element_type3A_226, %cond3A_227 : i32
      scf.if %cond3A_228 {
        %add3A_229 = arith.constant 1 : i32
        %add3A_230 = arith.addi %add3A_224, %add3A_229 : i32
        %lt3A_231 = arith.cmpi slt, %add3A_230, %min3A_4 : i32
        %convert_element_type3A_232 = arith.extui %lt3A_231 : i1 to i32
        %cond3A_233 = arith.constant 0 : i32
        %cond3A_234 = arith.cmpi ne, %convert_element_type3A_232, %cond3A_233 : i32
        scf.if %cond3A_234 {
          %ge3A = arith.constant 1 : i32
          %ge3A_247 = arith.cmpi sge, %add3A_222, %ge3A : i32
          %convert_element_type3A_248 = arith.extui %ge3A_247 : i1 to i32
          %cond3A_249 = arith.constant 0 : i32
          %cond3A_250 = arith.cmpi ne, %convert_element_type3A_248, %cond3A_249 : i32
          scf.if %cond3A_250 {
            %dma_wait3A_259 = arith.constant 0 : i32
            %dma_wait3A_260 = arith.constant 0 : i32
            %dma_wait3A_261 = tpu.memref_slice %arg7[%dma_wait3A_259, %dma_wait3A_260] : memref<16x128xi32, #tpu.memory_space<vmem>> -> memref<1x128xi32, #tpu.memory_space<vmem>>
            %dma_wait3A_262 = tpu.memref_squeeze %dma_wait3A_261 : memref<1x128xi32, #tpu.memory_space<vmem>> -> memref<128xi32, #tpu.memory_space<vmem>>
            %dma_wait3A_263 = arith.constant 0 : i32
            %dma_wait3A_264 = arith.constant 0 : i32
            %dma_wait3A_265 = tpu.memref_slice %arg11[%dma_wait3A_263, %dma_wait3A_264] : memref<10000x128xf32, #tpu.memory_space<vmem_shared>> -> memref<10000x128xf32, #tpu.memory_space<vmem_shared>>
            tpu.wait_indirect_dma semaphore(%arg14 : memref<!tpu.dma_semaphore, #tpu.memory_space<semaphore_mem>>) src(%arg9 : memref<128x128xf32, #tpu.memory_space<vmem>>) dst(%dma_wait3A_265 : memref<10000x128xf32, #tpu.memory_space<vmem_shared>>)
          } else {
          }
          %add3A_251 = arith.constant 1 : i32
          %add3A_252 = arith.addi %add3A_224, %add3A_251 : i32
          %dma_start3A_253 = arith.constant 0 : i32
          %dma_start3A_254 = tpu.memref_slice %arg6[%add3A_252, %dma_start3A_253] : memref<80x128xi32, #tpu.memory_space<vmem>> -> memref<1x128xi32, #tpu.memory_space<vmem>>
          %dma_start3A_255 = tpu.memref_squeeze %dma_start3A_254 : memref<1x128xi32, #tpu.memory_space<vmem>> -> memref<128xi32, #tpu.memory_space<vmem>>
          %dma_start3A_256 = arith.constant 0 : i32
          %dma_start3A_257 = arith.constant 0 : i32
          %dma_start3A_258 = tpu.memref_slice %arg2[%dma_start3A_256, %dma_start3A_257] : memref<10000x128xf32, #tpu.memory_space<hbm>> -> memref<10000x128xf32, #tpu.memory_space<hbm>>
          tpu.enqueue_indirect_dma source(%dma_start3A_258 : memref<10000x128xf32, #tpu.memory_space<hbm>>) target(%arg9 : memref<128x128xf32, #tpu.memory_space<vmem>>) offsets(%dma_start3A_255 : memref<128xi32, #tpu.memory_space<vmem>>) semaphore(%arg12 : memref<!tpu.dma_semaphore, #tpu.memory_space<semaphore_mem>>)
        } else {
        }
        %dma_wait3A_235 = arith.constant 0 : i32
        %dma_wait3A_236 = tpu.memref_slice %arg6[%add3A_224, %dma_wait3A_235] : memref<80x128xi32, #tpu.memory_space<vmem>> -> memref<1x128xi32, #tpu.memory_space<vmem>>
        %dma_wait3A_237 = tpu.memref_squeeze %dma_wait3A_236 : memref<1x128xi32, #tpu.memory_space<vmem>> -> memref<128xi32, #tpu.memory_space<vmem>>
        %dma_wait3A_238 = arith.constant 0 : i32
        %dma_wait3A_239 = arith.constant 0 : i32
        %dma_wait3A_240 = tpu.memref_slice %arg2[%dma_wait3A_238, %dma_wait3A_239] : memref<10000x128xf32, #tpu.memory_space<hbm>> -> memref<10000x128xf32, #tpu.memory_space<hbm>>
        tpu.wait_indirect_dma semaphore(%arg13 : memref<!tpu.dma_semaphore, #tpu.memory_space<semaphore_mem>>) src(%dma_wait3A_240 : memref<10000x128xf32, #tpu.memory_space<hbm>>) dst(%arg10 : memref<128x128xf32, #tpu.memory_space<vmem>>)
        %dma_start3A_241 = arith.constant 0 : i32
        %dma_start3A_242 = tpu.memref_slice %arg8[%add3A_222, %dma_start3A_241] : memref<16x128xi32, #tpu.memory_space<vmem>> -> memref<1x128xi32, #tpu.memory_space<vmem>>
        %dma_start3A_243 = tpu.memref_squeeze %dma_start3A_242 : memref<1x128xi32, #tpu.memory_space<vmem>> -> memref<128xi32, #tpu.memory_space<vmem>>
        %dma_start3A_244 = arith.constant 0 : i32
        %dma_start3A_245 = arith.constant 0 : i32
        %dma_start3A_246 = tpu.memref_slice %arg11[%dma_start3A_244, %dma_start3A_245] : memref<10000x128xf32, #tpu.memory_space<vmem_shared>> -> memref<10000x128xf32, #tpu.memory_space<vmem_shared>>
        tpu.enqueue_indirect_dma source(%arg10 : memref<128x128xf32, #tpu.memory_space<vmem>>) target(%dma_start3A_246 : memref<10000x128xf32, #tpu.memory_space<vmem_shared>>) offsets(%dma_start3A_243 : memref<128xi32, #tpu.memory_space<vmem>>) semaphore(%arg15 : memref<!tpu.dma_semaphore, #tpu.memory_space<semaphore_mem>>) {add = true}
      } else {
      }
    }
    %scan3A_164 = arith.constant 8 : i32
    %mul3A_165 = arith.constant 80 : i32
    %mul3A_166 = arith.muli %add3A, %mul3A_165 : i32
    %add3A_167 = arith.constant 64 : i32
    %add3A_168 = arith.addi %mul3A_166, %add3A_167 : i32
    %dma_wait3A_169 = arith.constant 0 : i32
    %dma_wait3A_170 = tpu.memref_slice %arg4[%add3A_168, %dma_wait3A_169] : memref<2560x128xi32, #tpu.memory_space<hbm>> -> memref<16x128xi32, #tpu.memory_space<hbm>>
    %dma_wait3A_171 = arith.constant 0 : i32
    %dma_wait3A_172 = tpu.memref_slice %arg4[%add3A_168, %dma_wait3A_171] : memref<2560x128xi32, #tpu.memory_space<hbm>> -> memref<16x128xi32, #tpu.memory_space<hbm>>
    tpu.wait_dma2 semaphore(%arg16 : memref<!tpu.dma_semaphore, #tpu.memory_space<semaphore_mem>>) src(%dma_wait3A_172 : memref<16x128xi32, #tpu.memory_space<hbm>>) dst(%arg7 : memref<16x128xi32, #tpu.memory_space<vmem>>)
    %gt3A_173 = arith.constant 64 : i32
    %gt3A_174 = arith.cmpi sgt, %min3A_4, %gt3A_173 : i32
    %convert_element_type3A_175 = arith.extui %gt3A_174 : i1 to i32
    %cond3A_176 = arith.constant 0 : i32
    %cond3A_177 = arith.cmpi ne, %convert_element_type3A_175, %cond3A_176 : i32
    scf.if %cond3A_177 {
      %dma_wait3A_208 = arith.constant 0 : i32
      %dma_wait3A_209 = arith.constant 0 : i32
      %dma_wait3A_210 = tpu.memref_slice %arg7[%dma_wait3A_208, %dma_wait3A_209] : memref<16x128xi32, #tpu.memory_space<vmem>> -> memref<1x128xi32, #tpu.memory_space<vmem>>
      %dma_wait3A_211 = tpu.memref_squeeze %dma_wait3A_210 : memref<1x128xi32, #tpu.memory_space<vmem>> -> memref<128xi32, #tpu.memory_space<vmem>>
      %dma_wait3A_212 = arith.constant 0 : i32
      %dma_wait3A_213 = arith.constant 0 : i32
      %dma_wait3A_214 = tpu.memref_slice %arg11[%dma_wait3A_212, %dma_wait3A_213] : memref<10000x128xf32, #tpu.memory_space<vmem_shared>> -> memref<10000x128xf32, #tpu.memory_space<vmem_shared>>
      tpu.wait_indirect_dma semaphore(%arg15 : memref<!tpu.dma_semaphore, #tpu.memory_space<semaphore_mem>>) src(%arg10 : memref<128x128xf32, #tpu.memory_space<vmem>>) dst(%dma_wait3A_214 : memref<10000x128xf32, #tpu.memory_space<vmem_shared>>)
    } else {
    }
    %gt3A_178 = arith.constant 48 : i32
    %gt3A_179 = arith.cmpi sgt, %min3A_4, %gt3A_178 : i32
    %le3A_180 = arith.constant 64 : i32
    %le3A_181 = arith.cmpi sle, %min3A_4, %le3A_180 : i32
    %and3A_182 = arith.andi %gt3A_179, %le3A_181 : i1
    %convert_element_type3A_183 = arith.extui %and3A_182 : i1 to i32
    %cond3A_184 = arith.constant 0 : i32
    %cond3A_185 = arith.cmpi ne, %convert_element_type3A_183, %cond3A_184 : i32
    scf.if %cond3A_185 {
      %dma_wait3A_208 = arith.constant 0 : i32
      %dma_wait3A_209 = arith.constant 0 : i32
      %dma_wait3A_210 = tpu.memref_slice %arg7[%dma_wait3A_208, %dma_wait3A_209] : memref<16x128xi32, #tpu.memory_space<vmem>> -> memref<1x128xi32, #tpu.memory_space<vmem>>
      %dma_wait3A_211 = tpu.memref_squeeze %dma_wait3A_210 : memref<1x128xi32, #tpu.memory_space<vmem>> -> memref<128xi32, #tpu.memory_space<vmem>>
      %dma_wait3A_212 = arith.constant 0 : i32
      %dma_wait3A_213 = arith.constant 0 : i32
      %dma_wait3A_214 = tpu.memref_slice %arg11[%dma_wait3A_212, %dma_wait3A_213] : memref<10000x128xf32, #tpu.memory_space<vmem_shared>> -> memref<10000x128xf32, #tpu.memory_space<vmem_shared>>
      tpu.wait_indirect_dma semaphore(%arg14 : memref<!tpu.dma_semaphore, #tpu.memory_space<semaphore_mem>>) src(%arg9 : memref<128x128xf32, #tpu.memory_space<vmem>>) dst(%dma_wait3A_214 : memref<10000x128xf32, #tpu.memory_space<vmem_shared>>)
      %dma_wait3A_215 = arith.constant 0 : i32
      %dma_wait3A_216 = arith.constant 0 : i32
      %dma_wait3A_217 = tpu.memref_slice %arg7[%dma_wait3A_215, %dma_wait3A_216] : memref<16x128xi32, #tpu.memory_space<vmem>> -> memref<1x128xi32, #tpu.memory_space<vmem>>
      %dma_wait3A_218 = tpu.memref_squeeze %dma_wait3A_217 : memref<1x128xi32, #tpu.memory_space<vmem>> -> memref<128xi32, #tpu.memory_space<vmem>>
      %dma_wait3A_219 = arith.constant 0 : i32
      %dma_wait3A_220 = arith.constant 0 : i32
      %dma_wait3A_221 = tpu.memref_slice %arg11[%dma_wait3A_219, %dma_wait3A_220] : memref<10000x128xf32, #tpu.memory_space<vmem_shared>> -> memref<10000x128xf32, #tpu.memory_space<vmem_shared>>
      tpu.wait_indirect_dma semaphore(%arg15 : memref<!tpu.dma_semaphore, #tpu.memory_space<semaphore_mem>>) src(%arg10 : memref<128x128xf32, #tpu.memory_space<vmem>>) dst(%dma_wait3A_221 : memref<10000x128xf32, #tpu.memory_space<vmem_shared>>)
    } else {
    }
    %scan3A_186 = arith.constant 0 : i32
    %scan3A_187 = arith.constant 0 : i32
    %scan3A_188 = arith.constant 8 : i32
    %scan3A_189 = arith.addi %scan3A_187, %scan3A_188 : i32
    %scan3A_190 = arith.constant 1 : i32
    scf.for %scan3A_208 = %scan3A_187 to %scan3A_189 step %scan3A_190  : i32 {
      %mul3A_209 = arith.constant 2 : i32
      %mul3A_210 = arith.muli %scan3A_208, %mul3A_209 : i32
      %add3A_211 = arith.constant 0 : i32
      %add3A_212 = arith.addi %mul3A_210, %add3A_211 : i32
      %add3A_213 = arith.constant 64 : i32
      %add3A_214 = arith.addi %add3A_213, %add3A_212 : i32
      %lt3A_215 = arith.cmpi slt, %add3A_214, %min3A_4 : i32
      %convert_element_type3A_216 = arith.extui %lt3A_215 : i1 to i32
      %cond3A_217 = arith.constant 0 : i32
      %cond3A_218 = arith.cmpi ne, %convert_element_type3A_216, %cond3A_217 : i32
      scf.if %cond3A_218 {
        %add3A_229 = arith.constant 1 : i32
        %add3A_230 = arith.addi %add3A_214, %add3A_229 : i32
        %lt3A_231 = arith.cmpi slt, %add3A_230, %min3A_4 : i32
        %convert_element_type3A_232 = arith.extui %lt3A_231 : i1 to i32
        %cond3A_233 = arith.constant 0 : i32
        %cond3A_234 = arith.cmpi ne, %convert_element_type3A_232, %cond3A_233 : i32
        scf.if %cond3A_234 {
          %ge3A = arith.constant 1 : i32
          %ge3A_247 = arith.cmpi sge, %add3A_212, %ge3A : i32
          %convert_element_type3A_248 = arith.extui %ge3A_247 : i1 to i32
          %cond3A_249 = arith.constant 0 : i32
          %cond3A_250 = arith.cmpi ne, %convert_element_type3A_248, %cond3A_249 : i32
          scf.if %cond3A_250 {
            %dma_wait3A_259 = arith.constant 0 : i32
            %dma_wait3A_260 = arith.constant 0 : i32
            %dma_wait3A_261 = tpu.memref_slice %arg7[%dma_wait3A_259, %dma_wait3A_260] : memref<16x128xi32, #tpu.memory_space<vmem>> -> memref<1x128xi32, #tpu.memory_space<vmem>>
            %dma_wait3A_262 = tpu.memref_squeeze %dma_wait3A_261 : memref<1x128xi32, #tpu.memory_space<vmem>> -> memref<128xi32, #tpu.memory_space<vmem>>
            %dma_wait3A_263 = arith.constant 0 : i32
            %dma_wait3A_264 = arith.constant 0 : i32
            %dma_wait3A_265 = tpu.memref_slice %arg11[%dma_wait3A_263, %dma_wait3A_264] : memref<10000x128xf32, #tpu.memory_space<vmem_shared>> -> memref<10000x128xf32, #tpu.memory_space<vmem_shared>>
            tpu.wait_indirect_dma semaphore(%arg15 : memref<!tpu.dma_semaphore, #tpu.memory_space<semaphore_mem>>) src(%arg10 : memref<128x128xf32, #tpu.memory_space<vmem>>) dst(%dma_wait3A_265 : memref<10000x128xf32, #tpu.memory_space<vmem_shared>>)
          } else {
          }
          %add3A_251 = arith.constant 1 : i32
          %add3A_252 = arith.addi %add3A_214, %add3A_251 : i32
          %dma_start3A_253 = arith.constant 0 : i32
          %dma_start3A_254 = tpu.memref_slice %arg6[%add3A_252, %dma_start3A_253] : memref<80x128xi32, #tpu.memory_space<vmem>> -> memref<1x128xi32, #tpu.memory_space<vmem>>
          %dma_start3A_255 = tpu.memref_squeeze %dma_start3A_254 : memref<1x128xi32, #tpu.memory_space<vmem>> -> memref<128xi32, #tpu.memory_space<vmem>>
          %dma_start3A_256 = arith.constant 0 : i32
          %dma_start3A_257 = arith.constant 0 : i32
          %dma_start3A_258 = tpu.memref_slice %arg2[%dma_start3A_256, %dma_start3A_257] : memref<10000x128xf32, #tpu.memory_space<hbm>> -> memref<10000x128xf32, #tpu.memory_space<hbm>>
          tpu.enqueue_indirect_dma source(%dma_start3A_258 : memref<10000x128xf32, #tpu.memory_space<hbm>>) target(%arg10 : memref<128x128xf32, #tpu.memory_space<vmem>>) offsets(%dma_start3A_255 : memref<128xi32, #tpu.memory_space<vmem>>) semaphore(%arg13 : memref<!tpu.dma_semaphore, #tpu.memory_space<semaphore_mem>>)
        } else {
        }
        %dma_wait3A_235 = arith.constant 0 : i32
        %dma_wait3A_236 = tpu.memref_slice %arg6[%add3A_214, %dma_wait3A_235] : memref<80x128xi32, #tpu.memory_space<vmem>> -> memref<1x128xi32, #tpu.memory_space<vmem>>
        %dma_wait3A_237 = tpu.memref_squeeze %dma_wait3A_236 : memref<1x128xi32, #tpu.memory_space<vmem>> -> memref<128xi32, #tpu.memory_space<vmem>>
        %dma_wait3A_238 = arith.constant 0 : i32
        %dma_wait3A_239 = arith.constant 0 : i32
        %dma_wait3A_240 = tpu.memref_slice %arg2[%dma_wait3A_238, %dma_wait3A_239] : memref<10000x128xf32, #tpu.memory_space<hbm>> -> memref<10000x128xf32, #tpu.memory_space<hbm>>
        tpu.wait_indirect_dma semaphore(%arg12 : memref<!tpu.dma_semaphore, #tpu.memory_space<semaphore_mem>>) src(%dma_wait3A_240 : memref<10000x128xf32, #tpu.memory_space<hbm>>) dst(%arg9 : memref<128x128xf32, #tpu.memory_space<vmem>>)
        %dma_start3A_241 = arith.constant 0 : i32
        %dma_start3A_242 = tpu.memref_slice %arg7[%add3A_212, %dma_start3A_241] : memref<16x128xi32, #tpu.memory_space<vmem>> -> memref<1x128xi32, #tpu.memory_space<vmem>>
        %dma_start3A_243 = tpu.memref_squeeze %dma_start3A_242 : memref<1x128xi32, #tpu.memory_space<vmem>> -> memref<128xi32, #tpu.memory_space<vmem>>
        %dma_start3A_244 = arith.constant 0 : i32
        %dma_start3A_245 = arith.constant 0 : i32
        %dma_start3A_246 = tpu.memref_slice %arg11[%dma_start3A_244, %dma_start3A_245] : memref<10000x128xf32, #tpu.memory_space<vmem_shared>> -> memref<10000x128xf32, #tpu.memory_space<vmem_shared>>
        tpu.enqueue_indirect_dma source(%arg9 : memref<128x128xf32, #tpu.memory_space<vmem>>) target(%dma_start3A_246 : memref<10000x128xf32, #tpu.memory_space<vmem_shared>>) offsets(%dma_start3A_243 : memref<128xi32, #tpu.memory_space<vmem>>) semaphore(%arg14 : memref<!tpu.dma_semaphore, #tpu.memory_space<semaphore_mem>>) {add = true}
      } else {
      }
      %mul3A_219 = arith.constant 2 : i32
      %mul3A_220 = arith.muli %scan3A_208, %mul3A_219 : i32
      %add3A_221 = arith.constant 1 : i32
      %add3A_222 = arith.addi %mul3A_220, %add3A_221 : i32
      %add3A_223 = arith.constant 64 : i32
      %add3A_224 = arith.addi %add3A_223, %add3A_222 : i32
      %lt3A_225 = arith.cmpi slt, %add3A_224, %min3A_4 : i32
      %convert_element_type3A_226 = arith.extui %lt3A_225 : i1 to i32
      %cond3A_227 = arith.constant 0 : i32
      %cond3A_228 = arith.cmpi ne, %convert_element_type3A_226, %cond3A_227 : i32
      scf.if %cond3A_228 {
        %add3A_229 = arith.constant 1 : i32
        %add3A_230 = arith.addi %add3A_224, %add3A_229 : i32
        %lt3A_231 = arith.cmpi slt, %add3A_230, %min3A_4 : i32
        %convert_element_type3A_232 = arith.extui %lt3A_231 : i1 to i32
        %cond3A_233 = arith.constant 0 : i32
        %cond3A_234 = arith.cmpi ne, %convert_element_type3A_232, %cond3A_233 : i32
        scf.if %cond3A_234 {
          %ge3A = arith.constant 1 : i32
          %ge3A_247 = arith.cmpi sge, %add3A_222, %ge3A : i32
          %convert_element_type3A_248 = arith.extui %ge3A_247 : i1 to i32
          %cond3A_249 = arith.constant 0 : i32
          %cond3A_250 = arith.cmpi ne, %convert_element_type3A_248, %cond3A_249 : i32
          scf.if %cond3A_250 {
            %dma_wait3A_259 = arith.constant 0 : i32
            %dma_wait3A_260 = arith.constant 0 : i32
            %dma_wait3A_261 = tpu.memref_slice %arg7[%dma_wait3A_259, %dma_wait3A_260] : memref<16x128xi32, #tpu.memory_space<vmem>> -> memref<1x128xi32, #tpu.memory_space<vmem>>
            %dma_wait3A_262 = tpu.memref_squeeze %dma_wait3A_261 : memref<1x128xi32, #tpu.memory_space<vmem>> -> memref<128xi32, #tpu.memory_space<vmem>>
            %dma_wait3A_263 = arith.constant 0 : i32
            %dma_wait3A_264 = arith.constant 0 : i32
            %dma_wait3A_265 = tpu.memref_slice %arg11[%dma_wait3A_263, %dma_wait3A_264] : memref<10000x128xf32, #tpu.memory_space<vmem_shared>> -> memref<10000x128xf32, #tpu.memory_space<vmem_shared>>
            tpu.wait_indirect_dma semaphore(%arg14 : memref<!tpu.dma_semaphore, #tpu.memory_space<semaphore_mem>>) src(%arg9 : memref<128x128xf32, #tpu.memory_space<vmem>>) dst(%dma_wait3A_265 : memref<10000x128xf32, #tpu.memory_space<vmem_shared>>)
          } else {
          }
          %add3A_251 = arith.constant 1 : i32
          %add3A_252 = arith.addi %add3A_224, %add3A_251 : i32
          %dma_start3A_253 = arith.constant 0 : i32
          %dma_start3A_254 = tpu.memref_slice %arg6[%add3A_252, %dma_start3A_253] : memref<80x128xi32, #tpu.memory_space<vmem>> -> memref<1x128xi32, #tpu.memory_space<vmem>>
          %dma_start3A_255 = tpu.memref_squeeze %dma_start3A_254 : memref<1x128xi32, #tpu.memory_space<vmem>> -> memref<128xi32, #tpu.memory_space<vmem>>
          %dma_start3A_256 = arith.constant 0 : i32
          %dma_start3A_257 = arith.constant 0 : i32
          %dma_start3A_258 = tpu.memref_slice %arg2[%dma_start3A_256, %dma_start3A_257] : memref<10000x128xf32, #tpu.memory_space<hbm>> -> memref<10000x128xf32, #tpu.memory_space<hbm>>
          tpu.enqueue_indirect_dma source(%dma_start3A_258 : memref<10000x128xf32, #tpu.memory_space<hbm>>) target(%arg9 : memref<128x128xf32, #tpu.memory_space<vmem>>) offsets(%dma_start3A_255 : memref<128xi32, #tpu.memory_space<vmem>>) semaphore(%arg12 : memref<!tpu.dma_semaphore, #tpu.memory_space<semaphore_mem>>)
        } else {
        }
        %dma_wait3A_235 = arith.constant 0 : i32
        %dma_wait3A_236 = tpu.memref_slice %arg6[%add3A_224, %dma_wait3A_235] : memref<80x128xi32, #tpu.memory_space<vmem>> -> memref<1x128xi32, #tpu.memory_space<vmem>>
        %dma_wait3A_237 = tpu.memref_squeeze %dma_wait3A_236 : memref<1x128xi32, #tpu.memory_space<vmem>> -> memref<128xi32, #tpu.memory_space<vmem>>
        %dma_wait3A_238 = arith.constant 0 : i32
        %dma_wait3A_239 = arith.constant 0 : i32
        %dma_wait3A_240 = tpu.memref_slice %arg2[%dma_wait3A_238, %dma_wait3A_239] : memref<10000x128xf32, #tpu.memory_space<hbm>> -> memref<10000x128xf32, #tpu.memory_space<hbm>>
        tpu.wait_indirect_dma semaphore(%arg13 : memref<!tpu.dma_semaphore, #tpu.memory_space<semaphore_mem>>) src(%dma_wait3A_240 : memref<10000x128xf32, #tpu.memory_space<hbm>>) dst(%arg10 : memref<128x128xf32, #tpu.memory_space<vmem>>)
        %dma_start3A_241 = arith.constant 0 : i32
        %dma_start3A_242 = tpu.memref_slice %arg7[%add3A_222, %dma_start3A_241] : memref<16x128xi32, #tpu.memory_space<vmem>> -> memref<1x128xi32, #tpu.memory_space<vmem>>
        %dma_start3A_243 = tpu.memref_squeeze %dma_start3A_242 : memref<1x128xi32, #tpu.memory_space<vmem>> -> memref<128xi32, #tpu.memory_space<vmem>>
        %dma_start3A_244 = arith.constant 0 : i32
        %dma_start3A_245 = arith.constant 0 : i32
        %dma_start3A_246 = tpu.memref_slice %arg11[%dma_start3A_244, %dma_start3A_245] : memref<10000x128xf32, #tpu.memory_space<vmem_shared>> -> memref<10000x128xf32, #tpu.memory_space<vmem_shared>>
        tpu.enqueue_indirect_dma source(%arg10 : memref<128x128xf32, #tpu.memory_space<vmem>>) target(%dma_start3A_246 : memref<10000x128xf32, #tpu.memory_space<vmem_shared>>) offsets(%dma_start3A_243 : memref<128xi32, #tpu.memory_space<vmem>>) semaphore(%arg15 : memref<!tpu.dma_semaphore, #tpu.memory_space<semaphore_mem>>) {add = true}
      } else {
      }
    }
    %scan3A_191 = arith.constant 8 : i32
    %gt3A_192 = arith.constant 64 : i32
    %gt3A_193 = arith.cmpi sgt, %min3A_4, %gt3A_192 : i32
    %convert_element_type3A_194 = arith.extui %gt3A_193 : i1 to i32
    %cond3A_195 = arith.constant 0 : i32
    %cond3A_196 = arith.cmpi ne, %convert_element_type3A_194, %cond3A_195 : i32
    scf.if %cond3A_196 {
      %dma_wait3A_208 = arith.constant 0 : i32
      %dma_wait3A_209 = arith.constant 0 : i32
      %dma_wait3A_210 = tpu.memref_slice %arg7[%dma_wait3A_208, %dma_wait3A_209] : memref<16x128xi32, #tpu.memory_space<vmem>> -> memref<1x128xi32, #tpu.memory_space<vmem>>
      %dma_wait3A_211 = tpu.memref_squeeze %dma_wait3A_210 : memref<1x128xi32, #tpu.memory_space<vmem>> -> memref<128xi32, #tpu.memory_space<vmem>>
      %dma_wait3A_212 = arith.constant 0 : i32
      %dma_wait3A_213 = arith.constant 0 : i32
      %dma_wait3A_214 = tpu.memref_slice %arg11[%dma_wait3A_212, %dma_wait3A_213] : memref<10000x128xf32, #tpu.memory_space<vmem_shared>> -> memref<10000x128xf32, #tpu.memory_space<vmem_shared>>
      tpu.wait_indirect_dma semaphore(%arg14 : memref<!tpu.dma_semaphore, #tpu.memory_space<semaphore_mem>>) src(%arg9 : memref<128x128xf32, #tpu.memory_space<vmem>>) dst(%dma_wait3A_214 : memref<10000x128xf32, #tpu.memory_space<vmem_shared>>)
      %dma_wait3A_215 = arith.constant 0 : i32
      %dma_wait3A_216 = arith.constant 0 : i32
      %dma_wait3A_217 = tpu.memref_slice %arg7[%dma_wait3A_215, %dma_wait3A_216] : memref<16x128xi32, #tpu.memory_space<vmem>> -> memref<1x128xi32, #tpu.memory_space<vmem>>
      %dma_wait3A_218 = tpu.memref_squeeze %dma_wait3A_217 : memref<1x128xi32, #tpu.memory_space<vmem>> -> memref<128xi32, #tpu.memory_space<vmem>>
      %dma_wait3A_219 = arith.constant 0 : i32
      %dma_wait3A_220 = arith.constant 0 : i32
      %dma_wait3A_221 = tpu.memref_slice %arg11[%dma_wait3A_219, %dma_wait3A_220] : memref<10000x128xf32, #tpu.memory_space<vmem_shared>> -> memref<10000x128xf32, #tpu.memory_space<vmem_shared>>
      tpu.wait_indirect_dma semaphore(%arg15 : memref<!tpu.dma_semaphore, #tpu.memory_space<semaphore_mem>>) src(%arg10 : memref<128x128xf32, #tpu.memory_space<vmem>>) dst(%dma_wait3A_221 : memref<10000x128xf32, #tpu.memory_space<vmem_shared>>)
    } else {
    }
    %barrier3A_197 = arith.constant 0 : index
    tpu.barrier barrier_id(%barrier3A_197)
    %lt3A_198 = arith.constant 15 : i32
    %lt3A_199 = arith.cmpi slt, %arg1, %lt3A_198 : i32
    %convert_element_type3A_200 = arith.extui %lt3A_199 : i1 to i32
    %cond3A_201 = arith.constant 0 : i32
    %cond3A_202 = arith.cmpi ne, %convert_element_type3A_200, %cond3A_201 : i32
    scf.if %cond3A_202 {
      "tpu.region"() ({
        %run_scoped3A = tpu.sem_alloc : memref<!tpu.dma_semaphore, #tpu.memory_space<semaphore_mem>>
        %dma_start3A_208 = arith.constant 0 : i32
        %dma_start3A_209 = tpu.memref_slice %arg5[%arg0, %mul3A_17, %dma_start3A_208] : memref<2x10000x128xf32, #tpu.memory_space<hbm>> -> memref<1x632x128xf32, #tpu.memory_space<hbm>>
        %dma_start3A_210 = tpu.memref_squeeze %dma_start3A_209 : memref<1x632x128xf32, #tpu.memory_space<hbm>> -> memref<632x128xf32, #tpu.memory_space<hbm>>
        %dma_start3A_211 = arith.constant 0 : i32
        %dma_start3A_212 = tpu.memref_slice %arg11[%mul3A_17, %dma_start3A_211] : memref<10000x128xf32, #tpu.memory_space<vmem_shared>> -> memref<632x128xf32, #tpu.memory_space<vmem_shared>>
        tpu.enqueue_dma source(%dma_start3A_212 : memref<632x128xf32, #tpu.memory_space<vmem_shared>>) target(%dma_start3A_210 : memref<632x128xf32, #tpu.memory_space<hbm>>) target_semaphore(%run_scoped3A : memref<!tpu.dma_semaphore, #tpu.memory_space<semaphore_mem>>)
        %dma_wait3A_213 = arith.constant 0 : i32
        %dma_wait3A_214 = tpu.memref_slice %arg5[%arg0, %mul3A_17, %dma_wait3A_213] : memref<2x10000x128xf32, #tpu.memory_space<hbm>> -> memref<1x632x128xf32, #tpu.memory_space<hbm>>
        %dma_wait3A_215 = tpu.memref_squeeze %dma_wait3A_214 : memref<1x632x128xf32, #tpu.memory_space<hbm>> -> memref<632x128xf32, #tpu.memory_space<hbm>>
        %dma_wait3A_216 = arith.constant 0 : i32
        %dma_wait3A_217 = tpu.memref_slice %arg11[%mul3A_17, %dma_wait3A_216] : memref<10000x128xf32, #tpu.memory_space<vmem_shared>> -> memref<632x128xf32, #tpu.memory_space<vmem_shared>>
        tpu.wait_dma2 semaphore(%run_scoped3A : memref<!tpu.dma_semaphore, #tpu.memory_space<semaphore_mem>>) src(%dma_wait3A_217 : memref<632x128xf32, #tpu.memory_space<vmem_shared>>) dst(%dma_wait3A_215 : memref<632x128xf32, #tpu.memory_space<hbm>>)
        tpu.yield
      }) : () -> ()
    } else {
    }
    %eq3A_203 = arith.constant 15 : i32
    %eq3A_204 = arith.cmpi eq, %arg1, %eq3A_203 : i32
    %convert_element_type3A_205 = arith.extui %eq3A_204 : i1 to i32
    %cond3A_206 = arith.constant 0 : i32
    %cond3A_207 = arith.cmpi ne, %convert_element_type3A_205, %cond3A_206 : i32
    scf.if %cond3A_207 {
      "tpu.region"() ({
        %run_scoped3A = tpu.sem_alloc : memref<!tpu.dma_semaphore, #tpu.memory_space<semaphore_mem>>
        %dma_start3A_208 = arith.constant 9480 : i32
        %dma_start3A_209 = arith.constant 0 : i32
        %dma_start3A_210 = tpu.memref_slice %arg5[%arg0, %dma_start3A_208, %dma_start3A_209] : memref<2x10000x128xf32, #tpu.memory_space<hbm>> -> memref<1x520x128xf32, #tpu.memory_space<hbm>>
        %dma_start3A_211 = tpu.memref_squeeze %dma_start3A_210 : memref<1x520x128xf32, #tpu.memory_space<hbm>> -> memref<520x128xf32, #tpu.memory_space<hbm>>
        %dma_start3A_212 = arith.constant 9480 : i32
        %dma_start3A_213 = arith.constant 0 : i32
        %dma_start3A_214 = tpu.memref_slice %arg11[%dma_start3A_212, %dma_start3A_213] : memref<10000x128xf32, #tpu.memory_space<vmem_shared>> -> memref<520x128xf32, #tpu.memory_space<vmem_shared>>
        tpu.enqueue_dma source(%dma_start3A_214 : memref<520x128xf32, #tpu.memory_space<vmem_shared>>) target(%dma_start3A_211 : memref<520x128xf32, #tpu.memory_space<hbm>>) target_semaphore(%run_scoped3A : memref<!tpu.dma_semaphore, #tpu.memory_space<semaphore_mem>>)
        %dma_wait3A_215 = arith.constant 9480 : i32
        %dma_wait3A_216 = arith.constant 0 : i32
        %dma_wait3A_217 = tpu.memref_slice %arg5[%arg0, %dma_wait3A_215, %dma_wait3A_216] : memref<2x10000x128xf32, #tpu.memory_space<hbm>> -> memref<1x520x128xf32, #tpu.memory_space<hbm>>
        %dma_wait3A_218 = tpu.memref_squeeze %dma_wait3A_217 : memref<1x520x128xf32, #tpu.memory_space<hbm>> -> memref<520x128xf32, #tpu.memory_space<hbm>>
        %dma_wait3A_219 = arith.constant 9480 : i32
        %dma_wait3A_220 = arith.constant 0 : i32
        %dma_wait3A_221 = tpu.memref_slice %arg11[%dma_wait3A_219, %dma_wait3A_220] : memref<10000x128xf32, #tpu.memory_space<vmem_shared>> -> memref<520x128xf32, #tpu.memory_space<vmem_shared>>
        tpu.wait_dma2 semaphore(%run_scoped3A : memref<!tpu.dma_semaphore, #tpu.memory_space<semaphore_mem>>) src(%dma_wait3A_221 : memref<520x128xf32, #tpu.memory_space<vmem_shared>>) dst(%dma_wait3A_218 : memref<520x128xf32, #tpu.memory_space<hbm>>)
        tpu.yield
      }) : () -> ()
    } else {
    }
    return
  }
}

module attributes {stable_mosaic.version = 14 : i64} {
  func.func @body(%arg0: memref<10000x128xf32, #tpu.memory_space<vmem>>, %arg1: memref<2x10000x128xf32, #tpu.memory_space<vmem>>, %arg2: memref<1x1xf32, #tpu.memory_space<vmem>>, %arg3: memref<128x128xf32, #tpu.memory_space<vmem>>, %arg4: memref<128x128xf32, #tpu.memory_space<vmem>>, %arg5: memref<1x128xf32, #tpu.memory_space<vmem>>, %arg6: memref<1x128xf32, #tpu.memory_space<vmem>>, %arg7: memref<10000x128xf32, #tpu.memory_space<vmem>>) attributes {dimension_semantics = [], scalar_prefetch = 0 : i64, scratch_operands = 0 : i64, tpu.core_type = #tpu.core_type<tc>} {
    %get3A = arith.constant 0 : index
    %get3A_0 = arith.constant 0 : index
    %get3A_1 = vector.load %arg0[%get3A, %get3A_0] : memref<10000x128xf32, #tpu.memory_space<vmem>>, vector<10000x128xf32>
    %get3A_2 = arith.constant 0 : index
    %get3A_3 = arith.constant 0 : index
    %get3A_4 = arith.constant 0 : index
    %get3A_5 = vector.load %arg1[%get3A_2, %get3A_3, %get3A_4] : memref<2x10000x128xf32, #tpu.memory_space<vmem>>, vector<1x10000x128xf32>
    %get3A_6 = vector.shape_cast %get3A_5 : vector<1x10000x128xf32> to vector<10000x128xf32>
    %add3A = arith.addf %get3A_1, %get3A_6 : vector<10000x128xf32>
    %swap3A = arith.constant 0 : index
    %swap3A_7 = arith.constant 0 : index
    %swap3A_8 = vector.load %arg7[%swap3A, %swap3A_7] : memref<10000x128xf32, #tpu.memory_space<vmem>>, vector<10000x128xf32>
    tpu.vector_store %arg7[%swap3A, %swap3A_7], %add3A {strides = array<i32>} : memref<10000x128xf32, #tpu.memory_space<vmem>>, vector<10000x128xf32>,
    return
  }
}

module attributes {stable_mosaic.version = 14 : i64} {
  func.func @body(%arg0: memref<10000x128xf32, #tpu.memory_space<vmem>>, %arg1: memref<2x10000x128xf32, #tpu.memory_space<vmem>>, %arg2: memref<1x1xf32, #tpu.memory_space<vmem>>, %arg3: memref<128x128xf32, #tpu.memory_space<vmem>>, %arg4: memref<128x128xf32, #tpu.memory_space<vmem>>, %arg5: memref<1x128xf32, #tpu.memory_space<vmem>>, %arg6: memref<1x128xf32, #tpu.memory_space<vmem>>, %arg7: memref<10000x128xf32, #tpu.memory_space<vmem>>) attributes {dimension_semantics = [], scalar_prefetch = 0 : i64, scratch_operands = 0 : i64, tpu.core_type = #tpu.core_type<tc>} {
    %get3A = arith.constant 0 : index
    %get3A_0 = arith.constant 0 : index
    %get3A_1 = vector.load %arg0[%get3A, %get3A_0] : memref<10000x128xf32, #tpu.memory_space<vmem>>, vector<10000x128xf32>
    %get3A_2 = arith.constant 0 : index
    %get3A_3 = arith.constant 0 : index
    %get3A_4 = arith.constant 0 : index
    %get3A_5 = vector.load %arg1[%get3A_2, %get3A_3, %get3A_4] : memref<2x10000x128xf32, #tpu.memory_space<vmem>>, vector<1x10000x128xf32>
    %get3A_6 = vector.shape_cast %get3A_5 : vector<1x10000x128xf32> to vector<10000x128xf32>
    %add3A = arith.addf %get3A_1, %get3A_6 : vector<10000x128xf32>
    %swap3A = arith.constant 0 : index
    %swap3A_7 = arith.constant 0 : index
    %swap3A_8 = vector.load %arg7[%swap3A, %swap3A_7] : memref<10000x128xf32, #tpu.memory_space<vmem>>, vector<10000x128xf32>
    tpu.vector_store %arg7[%swap3A, %swap3A_7], %add3A {strides = array<i32>} : memref<10000x128xf32, #tpu.memory_space<vmem>>, vector<10000x128xf32>,
    return
  }
}

</mosaic_0001>

<sc_bundles>
// kernel: kernel.6.cloned.1.call-start
scs
__scs_entry_jumppad:
0x0: {  	(pc) =	sbr.rel $0x88, $3  }
0x1: {  	(tag) =	ssettag $0x0;
	lr =	simm.s32 $0x1  }
0x2: {  	[smem:$0x3F95] =	sst lr;
	_ =	strace $0xD0000000  }
0x3: {  	_ = 	snop  }
0x4: {  	_ = 	snop  }
0x5: {  	_ = 	snop  }
0x6: {  	_ = 	snop  }
0x7: {  	_ = 	snop  }
__scs_overlays_trampoline_lowered:
0x8: {  	[smem:$0x3FA4] =	sst s0  }
0x9: {  	[smem:$0x3FA5] =	sst s1  }
0xa: {  	[smem:$0x3FA6] =	sst s2  }
0xb: {  	[smem:$0x3FA7] =	sst s3  }
0xc: {  	[smem:$0x3FA8] =	sst s4  }
0xd: {  	[smem:$0x3FA9] =	sst s5  }
0xe: {  	[smem:$0x3FAA] =	sst s6  }
0xf: {  	[smem:$0x3FAB] =	sst s7  }
0x10: {  	[smem:$0x3FAC] =	sst s8  }
0x11: {  	[smem:$0x3FAD] =	sst s9;
	s0 =	simm.s32 @!p0 $0x0  }
0x12: {  	s1 =	sld [smem:$0x3F93];
	s0 =	simm.s32 @p0 $0x1  }
0x13: {  	[smem:$0x3FAE] =	sst s0;
	s0 =	simm.s32 @!p1 $0x0  }
0x14: {  	s2 =	sld [smem:$0x3F92];
	s0 =	simm.s32 @p1 $0x1  }
0x15: {  	[smem:$0x3FAF] =	sst s0;
	s0 =	simm.s32 @!p2 $0x0  }
0x16: {  	s3 =	sld [smem:$0x3FDB];
	s0 =	simm.s32 @p2 $0x1  }
0x17: {  	s4 =	simm.s32 $0x1BF5;
	[smem:$0x3FB1] =	sst s0  }
0x18: {  	s0 =	sld [smem:$0x3F94];
	_ =	swait.ge [sflag:s4], $0x0  }
0x19: {  	s7 =	sld [smem:$0x3F95]  }
0x1a: {  	s8 =	sadd.s32 $0xFFFFE003, lr  }
0x1b: {  	s9 =	sadd.s32 $0xFFFFFEF7, lr;
	s5 =	simm.s32 $0xFFFFFFFF;
	p2 =	slt.u32 s8, $0xFFFFF086  }
0x1c: {  	p1 =	slt.u32 s9, $0xF7A;
	s5 =	simm.s32 @!p2 $0x0  }
0x1d: {  	s5 =	simm.s32 @p1 $0x1;
	p0 =	seq.s32 s7, s2  }
0x1e: {  	s7 =	smul.u32 @!p0 $0xF7A, s2;
	p2 =	seq.s32 @!p0 s5, $0x0  }
0x1f: {  	s9 =	smul.u32 $0xF7A, s1;
	s8 =	simm.s32 @!p0 $0x1BF5;
	p2 =	por !p2, p0  }
0x20: {  	[sflag:s8] =	ssyncset.s32 @!p0 $0xFFFFF086;
	s6 =	sadd.s32 @!p0 s3, s7;
	s7 =	simm.s32 @!p0 $0x108  }
0x21: {  	s3 =	sadd.s32 s3, s9;
	s6 =	sadd.s32 @!p0 $0x88, s6;
	s7 =	simm.s32 @p2 $0x1082  }
0x22: {  	[simem:s7], [sflag:s8] =	dma.local @!p0 [hbm:s6], $0xF7A  }
0x23: {  	s9 =	sor.u32 $0xD0000000, s2;
	s6 =	simm.s32 $0x108;
	_ =	swait.ge @!p0 [sflag:s8], $0x0  }
0x24: {  	s3 =	sadd.s32 $0x88, s3;
	s6 =	simm.s32 @!p1 $0x1082;
	[sflag:s4] =	ssyncset.s32 $0xFFFFF086  }
0x25: {  	[simem:s6], [sflag:s4] =	dma.local [hbm:s3], $0xF7A  }
0x26: {  	[smem:$0x3F95] =	sst s1;
	(tag) =	ssettag s2;
	_ =	strace s9  }
0x27: {  	s1 =	sld [smem:$0x3FA5]  }
0x28: {  	s2 =	sld [smem:$0x3FA6]  }
0x29: {  	s4 =	sld [smem:$0x3FA8]  }
0x2a: {  	p0 =	seq.s32 s5, $0x0;
	s5 =	sld [smem:$0x3FA9]  }
0x2b: {  	s6 =	sld [smem:$0x3FAA]  }
0x2c: {  	s7 =	sld [smem:$0x3FAB]  }
0x2d: {  	s3 =	simm.s32 $0x108;
	s8 =	sld [smem:$0x3FAC]  }
0x2e: {  	s3 =	simm.s32 @!p0 $0x1082;
	s9 =	sld [smem:$0x3FAD]  }
0x2f: {  	lr =	sadd.s32 s0, s3;
	s0 =	sld [smem:$0x3FA4]  }
0x30: {  	s3 =	sld [smem:$0x3FA7]  }
0x31: {  	[smem:$0x3FB0] =	sst s10  }
0x32: {  	s10 =	sld [smem:$0x3FAE];
	_ =	sdelay $0x3  }
0x33: {  	p0 =	seq.s32 s10, $0x1;
	s10 =	sld [smem:$0x3FB0];
	_ =	sdelay $0x3  }
0x34: {  	[smem:$0x3FB0] =	sst s10  }
0x35: {  	s10 =	sld [smem:$0x3FAF];
	_ =	sdelay $0x3  }
0x36: {  	p1 =	seq.s32 s10, $0x1;
	s10 =	sld [smem:$0x3FB0];
	_ =	sdelay $0x3  }
0x37: {  	[smem:$0x3FB0] =	sst s10  }
0x38: {  	s10 =	sld [smem:$0x3FB1]  }
0x39: {  	_ = 	snop;
	(pc) =	sbr.ind lr, $3  }
0x3a: {  	_ = 	snop  }
0x3b: {  	_ = 	snop  }
0x3c: {  	p2 =	seq.s32 s10, $0x1;
	s10 =	sld [smem:$0x3FB0]  }
0x3d: {  	_ =	shalt  }
0x3e: {  	_ =	shalt  }
0x3f: {  	_ =	shalt  }
0x40: {  	_ =	shalt  }
0x41: {  	_ =	shalt  }
0x42: {  	_ =	shalt  }
0x43: {  	_ =	shalt  }
0x44: {  	_ =	shalt  }
0x45: {  	_ =	shalt  }
0x46: {  	_ =	shalt  }
0x47: {  	_ =	shalt  }
0x48: {  	_ =	shalt  }
0x49: {  	_ =	shalt  }
0x4a: {  	_ =	shalt  }
0x4b: {  	_ =	shalt  }
0x4c: {  	_ =	shalt  }
0x4d: {  	_ =	shalt  }
0x4e: {  	_ =	shalt  }
0x4f: {  	_ =	shalt  }
0x50: {  	_ =	shalt  }
0x51: {  	_ =	shalt  }
0x52: {  	_ =	shalt  }
0x53: {  	_ =	shalt  }
0x54: {  	_ =	shalt  }
0x55: {  	_ =	shalt  }
0x56: {  	_ =	shalt  }
0x57: {  	_ =	shalt  }
0x58: {  	_ =	shalt  }
0x59: {  	_ =	shalt  }
0x5a: {  	_ =	shalt  }
0x5b: {  	_ =	shalt  }
0x5c: {  	_ =	shalt  }
0x5d: {  	_ =	shalt  }
0x5e: {  	_ =	shalt  }
0x5f: {  	_ =	shalt  }
0x60: {  	_ =	shalt  }
0x61: {  	_ =	shalt  }
0x62: {  	_ =	shalt  }
0x63: {  	_ =	shalt  }
0x64: {  	_ =	shalt  }
0x65: {  	_ =	shalt  }
0x66: {  	_ =	shalt  }
0x67: {  	_ =	shalt  }
0x68: {  	_ =	shalt  }
0x69: {  	_ =	shalt  }
0x6a: {  	_ =	shalt  }
0x6b: {  	_ =	shalt  }
0x6c: {  	_ =	shalt  }
0x6d: {  	_ =	shalt  }
0x6e: {  	_ =	shalt  }
0x6f: {  	_ =	shalt  }
0x70: {  	_ =	shalt  }
0x71: {  	_ =	shalt  }
0x72: {  	_ =	shalt  }
0x73: {  	_ =	shalt  }
0x74: {  	_ =	shalt  }
0x75: {  	_ =	shalt  }
0x76: {  	_ =	shalt  }
0x77: {  	_ =	shalt  }
0x78: {  	_ =	shalt  }
0x79: {  	_ =	shalt  }
0x7a: {  	_ =	shalt  }
0x7b: {  	_ =	shalt  }
0x7c: {  	_ =	shalt  }
0x7d: {  	_ =	shalt  }
0x7e: {  	_ =	shalt  }
0x7f: {  	_ =	shalt  }
0x80: {  	_ =	shalt  }
0x81: {  	_ =	shalt  }
0x82: {  	_ =	shalt  }
0x83: {  	_ =	shalt  }
0x84: {  	_ =	shalt  }
0x85: {  	_ =	shalt  }
0x86: {  	_ =	shalt  }
0x87: {  	_ =	shalt  }
.Lfunc_end0:
.L_simem_size_0:
called_computation_lowered:
.L_overlay_start_0:
0x88: {  	s2 =	sld [smem:$0x3FD9]  }
0x89: {  	s3 =	sld [smem:$0x3FFE];
	_ =	sdelay $0x1  }
0x8a: {  	s1 =	srdreg.scid  }
0x8b: {  	s0 =	sand.u32 $0x1, s1  }
0x8c: {  	s17 =	sshll.u32 s0, $0xA;
	s2 =	sadd.s32 s3, s2  }
0x8d: {  	s2 =	sadd.s32 s2, s17  }
0x8e: {  	[smem:$0x3FBC] =	sst s2  }
0x8f: {  	_ = 	snop  }
0x90: {  	s2 =	sld [smem:$0x3FC9];
	(tm) =	ssettm $0x1  }
0x91: {  	s18 =	sld [smem:$0x3FFB];
	_ =	sdelay $0x3  }
0x92: {  	_ =	strace s18  }
0x93: {  	s3 =	sld [smem:$0x3FFC];
	_ =	sdelay $0x3  }
0x94: {  	_ =	strace s3  }
0x95: {  	s3 =	sld [smem:$0x3FFD];
	_ =	sdelay $0x3  }
0x96: {  	_ =	strace s3  }
0x97: {  	_ =	strace $0x8FFFFFFF  }
0x98: {  	s19 =	sld [smem:$0x3FDB];
	_ =	sdelay $0x1  }
0x99: {  	s4 =	simm.s32 $_scs_section_size  }
0x9a: {  	s5 =	simm.s32 $_size__tile_overlayer_lowered;
	s6 =	simm.s32 $_tile_overlayer_lowered  }
0x9b: {  	s22 =	simm.s32 $0x1BFF;
	s21 =	sshll.u32 s6, $0x1;
	s3 =	sadd.s32 s4, s19  }
0x9c: {  	s7 =	simm.s32 $0x0;
	s20 =	sshll.u32 s5, $0x1;
	s5 =	sadd.s32 s21, s3  }
0x9d: {  	[timem:s7], [sflag:s22] =	dma.local [hbm:s5], s20  }
0x9e: {  	_ =	swait.ge [sflag:s22], s20  }
0x9f: {  	s4 =	ssub.s32 $0x0, s20;
	[sflag:s22] =	ssyncset.done $0x0  }
0xa0: {  	[sflag:s22] =	ssyncadd.s32 s4;
	_ =	sdelay $0x1  }
0xa1: {  	s23 =	simm.s32 $0x1B8B  }
0xa2: {  	_ =	swait.ge [sflag:s23], $0x1  }
0xa3: {  	[sflag:s23] =	ssyncset.done $0x0  }
0xa4: {  	s25 =	simm.s32 $0x1B8E;
	s24 =	sld [smem:$0x3FFE];
	[sflag:s23] =	ssyncadd.s32 $0xFFFFFFFF  }
0xa5: {  	s26 =	simm.s32 $execute0_lowered;
	[smem:$0x3FD2] =	sst s25  }
0xa6: {  	s5 =	sshll.u32 s26, $0x1;
	_ =	strace $0x80000046;
	[dreg:$0x1] =	wrdreg $0xFFFFFFFF  }
0xa7: {  	s28 =	simm.s32 $_size_execute0_lowered;
	s3 =	sadd.s32 s3, s5;
	[dreg:$0x0] =	wrdreg $0x0  }
0xa8: {  	s5 =	sshll.u32 s28, $0x1;
	[dreg:$0x2] =	wrdreg s3  }
0xa9: {  	[dreg:$0x3] =	wrdreg s5  }
0xaa: {  	[dreg:$0x4] =	wrdreg $0xC0  }
0xab: {  	_ =	task [dreg:s7], $0x5FFFF  }
0xac: {  	[dreg:$0x1] =	wrdreg $0xFFFFFFFF  }
0xad: {  	[dreg:$0x0] =	wrdreg $0x60  }
0xae: {  	[dreg:$0x2] =	wrdreg s2  }
0xaf: {  	[dreg:$0x3] =	wrdreg s24  }
0xb0: {  	[dreg:$0x4] =	wrdreg $0xB8000  }
0xb1: {  	[dreg:$0x5] =	wrdreg $0x9  }
0xb2: {  	_ =	task.clear_ibuf [dreg:s7], $0x6FFFF;
	_ =	strace $0x90000046  }
0xb3: {  	s29 =	simm.s32 $0x9;
	_ =	strace $0x80000048  }
0xb4: {  	_ =	swait.ge [sflag:s29], $0x1  }
0xb5: {  	[sflag:s29] =	ssyncadd.s32 $0xFFFFFFFF  }
0xb6: {  	_ =	strace $0x90000048  }
0xb7: {  	_ =	sfence  }
0xb8: {  	s30 =	sld [smem:$0x0];
	_ =	sdelay $0x2  }
0xb9: {  	s31 =	sshll.u32 s1, $0xD;
	s1 =	sshrl.u32 s1, $0x2  }
0xba: {  	s3 =	sand.u32 $0x4000, s31;
	s1 =	sadd.s32 s1, s30  }
0xbb: {  	s0 =	sor.u32 s3, s0;
	s1 =	sshll.u32 s1, $0x11  }
0xbc: {  	s0 =	sor.u32 s1, s0  }
0xbd: {  	s0 =	sadd.s32 $0x8F2B, s0  }
0xbe: {  	[sflag:s0] =	ssyncadd.remote.s32 $0x1  }
0xbf: {  	_ =	sfence.sel $0xFFFF  }
0xc0: {  	[dreg:$0x0] =	wrdreg $0xFFFFFFFF;
	(pc) =	sbr.abs _section_cstart, $3  }
0xc1: {  	[dreg:$0x1] =	wrdreg $0xFFFFFFFF  }
0xc2: {  	_ =	task.clear_ibuf [dreg:s7], $0x2FFFF;
	_ =	strace $0x9FFFFFFF  }
0xc3: {  	(tm) =	ssettm $0x7FFFFFFF  }
tec
execute0_lowered:
.L_overlay_start_1:
0x0: {  	(tag) =	ssettag $0x1  }
0x1: {  	s1 =	rddreg [dreg:$0x0]  }
0x2: {  	s2 =	srdreg.scid;
	s7 =	rddreg [dreg:$0x1]  }
0x3: {  	s0 =	stileid.u32;
	s4 =	rddreg [dreg:$0x2];
	s5 =	simm.s32 $0x0  }
0x4: {  	s26 =	simm.s32 $0x100;
	s6 =	sand.u32 $0x1, s2;
	s2 =	rddreg [dreg:$0x3]  }
0x5: {  	s28 =	simm.s32 $0x2880;
	[smem:$0x7FF] =	sst s5;
	s19 =	sadd.s32 $0x25080, s1  }
0x6: {  	s29 =	simm.s32 $0x180;
	_ =	strace $0x80000047;
	[dreg:$0x8] =	wrdreg s19  }
0x7: {  	s30 =	simm.s32 $0x2900;
	s31 =	simm.s32 $0x200;
	[dreg:$0xf] =	wrdreg s26  }
0x8: {  	s14 =	sshll.u32 s0, $0x1;
	s10 =	smul.u32 $0x4F000, s0;
	[dreg:$0x10] =	wrdreg s28  }
0x9: {  	s11 =	sadd.s32 $0x2200, s7;
	s15 =	smul.u32 $0x2780, s0;
	[dreg:$0x11] =	wrdreg s29  }
0xa: {  	s23 =	smul.u32 $0x13C00, s0;
	s3 =	sor.u32 s6, s14;
	[dreg:$0x12] =	wrdreg s30  }
0xb: {  	s21 =	smul.u32 $0x138800, s6;
	[dreg:$0x13] =	wrdreg s31;
	s14 =	simm.s32 $0x380  }
0xc: {  	s13 =	ssub.s32 $0x2, s6;
	s19 =	simm.s32 $0x480;
	[dreg:$0x19] =	wrdreg s14  }
0xd: {  	s26 =	simm.s32 $0x2D80;
	s28 =	simm.s32 $0x680;
	[dreg:$0x1d] =	wrdreg s19  }
0xe: {  	s29 =	simm.s32 $0x2E00;
	s30 =	simm.s32 $0x3100;
	[smem:$0x7D5] =	sst s26  }
0xf: {  	s31 =	simm.s32 $0x3180;
	s8 =	smul.u32 $0x500, s3;
	[smem:$0x7D7] =	sst s28  }
0x10: {  	s10 =	sshrl.u32 s10, $0x2;
	s12 =	smul.u32 $0x2800, s3;
	[smem:$0x7D8] =	sst s29  }
0x11: {  	s17 =	sadd.s32 s1, s15;
	s15 =	sshrl.u32 s13, $0x1;
	[smem:$0x7E2] =	sst s30  }
0x12: {  	s6 =	smul.u32 $0xFFFFFFB0, s3;
	s14 =	simm.s32 $0x2E80;
	[smem:$0x7E3] =	sst s31  }
0x13: {  	s19 =	simm.s32 $0x880;
	s16 =	sadd.s32 s10, s4;
	[dreg:$0x7] =	wrdreg s17  }
0x14: {  	s25 =	sadd.s32 s23, s21;
	s10 =	sshrl.u32 s21, $0x3;
	[smem:$0x7DA] =	sst s14  }
0x15: {  	s17 =	simm.s32 $0x400;
	s21 =	simm.s32 $0x500;
	[smem:$0x7DF] =	sst s19  }
0x16: {  	s23 =	simm.s32 $0x580;
	s14 =	simm.s32 $0x3800;
	[dreg:$0x6] =	wrdreg s16  }
0x17: {  	s19 =	simm.s32 $0x2;
	s9 =	sadd.s32 s8, s7;
	[dreg:$0x1b] =	wrdreg s17  }
0x18: {  	s8 =	sadd.s32 s11, s8;
	s18 =	sshrl.u32 s12, $0x3;
	[dreg:$0x1f] =	wrdreg s21  }
0x19: {  	s7 =	sadd.s32 $0x16200, s7;
	s12 =	simm.s32 $0x2A80;
	[smem:$0x7D2] =	sst s23  }
0x1a: {  	s16 =	simm.s32 $0x2B00;
	p0 =	slt.s32 s6, $0xFFFFF68C;
	[dreg:$0x5] =	wrdreg s8  }
0x1b: {  	s17 =	simm.s32 $0x800;
	s21 =	simm.s32 $0x3080;
	[dreg:$0x18] =	wrdreg s12  }
0x1c: {  	s9 =	sadd.s32 $0xC200, s9;
	s8 =	sshrl.u32 s25, $0x3;
	[dreg:$0x1a] =	wrdreg s16  }
0x1d: {  	s6 =	simm.s32 @!p0 $0xFFFFF68C;
	p0 =	seq.s32 s0, $0xF;
	[smem:$0x7DD] =	sst s17  }
0x1e: {  	s25 =	simm.s32 $0x600;
	s16 =	simm.s32 $0x2F00;
	[smem:$0x7E1] =	sst s21  }
0x1f: {  	s17 =	simm.s32 $0x1;
	[dreg:$0x4] =	wrdreg s9;
	s9 =	sadd.s32 s11, s18  }
0x20: {  	s8 =	sadd.s32 s7, s8;
	s7 =	sadd.s32 s7, s10;
	s10 =	simm.s32 $0x2A00  }
0x21: {  	s11 =	simm.s32 $0x300;
	s18 =	simm.s32 $0x2B80;
	p4 =	slt.u32 s6, $0xFFFFF652  }
0x22: {  	[smem:$0x7D4] =	sst s25;
	p1 =	slt.u32 s6, $0xFFFFF650;
	s21 =	simm.s32 @!p4 $0x0  }
0x23: {  	[smem:$0x7DC] =	sst s16;
	s21 =	simm.s32 @p4 $0x1;
	p4 =	slt.u32 s6, $0xFFFFF653  }
0x24: {  	s12 =	simm.s32 @!p1 $0x0;
	[smem:$0x7E4] =	sst s21;
	s21 =	simm.s32 @!p4 $0x0  }
0x25: {  	p2 =	slt.u32 s6, $0xFFFFF65D;
	s12 =	simm.s32 @p1 $0x1;
	s21 =	simm.s32 @p4 $0x1  }
0x26: {  	p1 =	slt.u32 @!p2 s6, $0xFFFFF65E;
	[smem:$0x7E5] =	sst s21;
	s21 =	simm.s32 @!p2 $0x0  }
0x27: {  	[dreg:$0xd] =	wrdreg s8;
	p1 =	por p1, p2;
	s21 =	simm.s32 @p2 $0x1  }
0x28: {  	s16 =	simm.s32 $0x7800;
	[smem:$0x7E6] =	sst s21;
	s21 =	simm.s32 @!p1 $0x0  }
0x29: {  	[dreg:$0x16] =	wrdreg s10;
	s21 =	simm.s32 @p1 $0x1;
	p1 =	slt.u32 s6, $0xFFFFF654  }
0x2a: {  	p3 =	slt.u32 s6, $0xFFFFF651;
	[smem:$0x7E7] =	sst s21;
	s21 =	simm.s32 @!p1 $0x0  }
0x2b: {  	[dreg:$0x17] =	wrdreg s11;
	s21 =	simm.s32 @p1 $0x1;
	p1 =	slt.u32 s6, $0xFFFFF655  }
0x2c: {  	s20 =	sadd.s32 $0x100, s9;
	[smem:$0x7E8] =	sst s21;
	s21 =	simm.s32 @!p1 $0x0  }
0x2d: {  	[dreg:$0x1c] =	wrdreg s18;
	s21 =	simm.s32 @p1 $0x1;
	p1 =	slt.u32 s6, $0xFFFFF656  }
0x2e: {  	s22 =	sadd.s32 $0x200, s9;
	[smem:$0x7E9] =	sst s21;
	s21 =	simm.s32 @!p1 $0x0  }
0x2f: {  	[dreg:$0x9] =	wrdreg s20;
	s21 =	simm.s32 @p1 $0x1;
	p1 =	slt.u32 s6, $0xFFFFF657  }
0x30: {  	s24 =	sadd.s32 $0x300, s9;
	[smem:$0x7EA] =	sst s21;
	s21 =	simm.s32 @!p1 $0x0  }
0x31: {  	[dreg:$0xa] =	wrdreg s22;
	s21 =	simm.s32 @p1 $0x1;
	p1 =	slt.u32 s6, $0xFFFFF658  }
0x32: {  	s9 =	sadd.s32 $0x400, s9;
	[smem:$0x7EB] =	sst s21;
	s21 =	simm.s32 @!p1 $0x0  }
0x33: {  	[dreg:$0xb] =	wrdreg s24;
	s21 =	simm.s32 @p1 $0x1;
	p1 =	slt.u32 s6, $0xFFFFF659  }
0x34: {  	s7 =	sadd.s32 $0x25080, s7;
	[smem:$0x7EC] =	sst s21;
	s21 =	simm.s32 @!p1 $0x0  }
0x35: {  	[dreg:$0xc] =	wrdreg s9;
	s21 =	simm.s32 @p1 $0x1;
	p1 =	slt.u32 s6, $0xFFFFF65A  }
0x36: {  	s8 =	simm.s32 $0x2980;
	[smem:$0x7ED] =	sst s21;
	s21 =	simm.s32 @!p1 $0x0  }
0x37: {  	[dreg:$0xe] =	wrdreg s7;
	s21 =	simm.s32 @p1 $0x1;
	p1 =	slt.u32 s6, $0xFFFFF65B  }
0x38: {  	s11 =	sshll.u32 @!p0 s0, $0x6;
	[smem:$0x7EE] =	sst s21;
	s21 =	simm.s32 @!p1 $0x0  }
0x39: {  	[dreg:$0x14] =	wrdreg s8;
	s21 =	simm.s32 @p1 $0x1;
	p1 =	slt.u32 s6, $0xFFFFF65C  }
0x3a: {  	s18 =	simm.s32 $0x2F80;
	[smem:$0x7EF] =	sst s21;
	s21 =	simm.s32 @!p1 $0x0  }
0x3b: {  	s9 =	simm.s32 $0x280;
	s21 =	simm.s32 @p1 $0x1;
	p1 =	sne.s32 s3, $0x1F  }
0x3c: {  	s7 =	ssub.s32 s13, s15;
	[smem:$0x7F0] =	sst s21;
	s21 =	simm.s32 @!p1 $0x0  }
0x3d: {  	s20 =	simm.s32 $0x2C00;
	s21 =	simm.s32 @p1 $0x1;
	p1 =	slt.u32 s6, $0xFFFFF65F  }
0x3e: {  	s22 =	simm.s32 $0x2C80;
	[smem:$0x7F1] =	sst s21;
	s21 =	simm.s32 @!p1 $0x0  }
0x3f: {  	s8 =	simm.s32 $0x2800;
	s21 =	simm.s32 @p1 $0x1;
	p1 =	slt.u32 s6, $0xFFFFF660  }
0x40: {  	s24 =	simm.s32 $0x2D00;
	[smem:$0x7F2] =	sst s21;
	s21 =	simm.s32 @!p1 $0x0  }
0x41: {  	s10 =	sor.u32 @!p0 $0x1C07, s11;
	s21 =	simm.s32 @p1 $0x1;
	p1 =	slt.u32 s6, $0xFFFFF661  }
0x42: {  	s11 =	simm.s32 $0x5;
	[smem:$0x7F3] =	sst s21;
	s21 =	simm.s32 @!p1 $0x0  }
0x43: {  	[smem:$0x7DE] =	sst s18;
	s21 =	simm.s32 @p1 $0x1;
	p1 =	slt.u32 s6, $0xFFFFF662  }
0x44: {  	s13 =	simm.s32 $0x700;
	[smem:$0x7F4] =	sst s21;
	s21 =	simm.s32 @!p1 $0x0  }
0x45: {  	[dreg:$0x15] =	wrdreg s9;
	s21 =	simm.s32 @p1 $0x1;
	p1 =	slt.u32 s6, $0xFFFFF663  }
0x46: {  	s15 =	simm.s32 $0x780;
	[smem:$0x7F5] =	sst s21;
	s21 =	simm.s32 @!p1 $0x0  }
0x47: {  	[dreg:$0x1e] =	wrdreg s20;
	s21 =	simm.s32 @p1 $0x1;
	p1 =	slt.u32 s6, $0xFFFFF664  }
0x48: {  	s18 =	simm.s32 $0x3;
	[smem:$0x7F6] =	sst s21;
	s21 =	simm.s32 @!p1 $0x0  }
0x49: {  	[smem:$0x7D1] =	sst s22;
	s21 =	simm.s32 @p1 $0x1;
	p1 =	slt.u32 s6, $0xFFFFF665  }
0x4a: {  	s9 =	sadd.s32 $0x128400, s4;
	[smem:$0x7F7] =	sst s21;
	s21 =	simm.s32 @!p1 $0x0  }
0x4b: {  	[smem:$0x7D3] =	sst s24;
	s21 =	simm.s32 @p1 $0x1;
	p1 =	slt.u32 s6, $0xFFFFF666  }
0x4c: {  	s7 =	smax.u32 s7, $0x1;
	[smem:$0x7F8] =	sst s21;
	s21 =	simm.s32 @!p1 $0x0  }
0x4d: {  	[smem:$0x7D6] =	sst s12;
	s21 =	simm.s32 @p1 $0x1;
	p1 =	slt.u32 s6, $0xFFFFF667  }
0x4e: {  	s12 =	simm.s32 $0x6;
	[smem:$0x7F9] =	sst s21;
	s21 =	simm.s32 @!p1 $0x0  }
0x4f: {  	[smem:$0x7D9] =	sst s13;
	s21 =	simm.s32 @p1 $0x1;
	p1 =	slt.u32 s6, $0xFFFFF668  }
0x50: {  	s13 =	simm.s32 $0x80;
	[smem:$0x7FA] =	sst s21;
	s21 =	simm.s32 @!p1 $0x0  }
0x51: {  	[smem:$0x7DB] =	sst s15;
	s21 =	simm.s32 @p1 $0x1;
	p1 =	slt.u32 s6, $0xFFFFF669  }
0x52: {  	s15 =	simm.s32 $0x3000;
	[smem:$0x7FB] =	sst s21;
	s21 =	simm.s32 @!p1 $0x0  }
0x53: {  	s20 =	simm.s32 $0x900;
	s21 =	simm.s32 @p1 $0x1;
	p1 =	slt.u32 s6, $0xFFFFF66A  }
0x54: {  	s9 =	sshrl.u32 @p0 s9, $0x3;
	[smem:$0x7FC] =	sst s21;
	s21 =	simm.s32 @!p1 $0x0  }
0x55: {  	[smem:$0x7E0] =	sst s20;
	s20 =	simm.s32 $0x4;
	s21 =	simm.s32 @p1 $0x1  }
0x56: {  	p4 =	slt.u32 s6, $0xFFFFF66C;
	p2 =	slt.u32 s6, $0xFFFFF66B;
	[smem:$0x7FD] =	sst s21  }
.LBB2_1:
0x57: {  	s21 =	rddreg [dreg:$0x4]  }
0x58: {  	s22 =	rddreg [dreg:$0x5]  }
0x59: {  	[tilespmem:s5], [sflag:$0x5] =	stream.linear.gather [hbm4b:s21+s5], $0x2800, $0x38;
	[tilespmem:$0x1F080] =	vst v63  }
0x5a: {  	s23 =	simm.s32 @p0 $0x1FC7;
	s21 =	rddreg [dreg:$0x8]  }
0x5b: {  	[tilespmem:s8], [sflag:$0x6] =	stream.linear.gather [hbm4b:s22+s5], $0x800, $0x38;
	[tilespmem:$0x1F080] =	vst v63  }
0x5c: {  	[spmem:s9], [sflag:s23] =	dma.local @p0 [hbm:s21], $0x2080  }
0x5d: {  	s21 =	simm.s32 @p0 $0x7  }
0x5e: {  	_ =	swait.ge @p0 [sflag:s21], $0x2080  }
0x5f: {  	s22 =	rddreg [dreg:$0x6]  }
0x60: {  	s25 =	rddreg [dreg:$0x7];
	[sflag:s21] =	ssyncset.done @p0 $0x0  }
0x61: {  	[sflag:s21] =	ssyncadd.s32 @p0 $0xFFFFDF80;
	s24 =	sshrl.u32 @!p0 s22, $0x3;
	s22 =	simm.s32 @!p0 $0x7  }
0x62: {  	[spmem:s24], [sflag:s10] =	dma.local @!p0 [hbm:s25], $0x2780  }
0x63: {  	_ =	swait.ge @!p0 [sflag:s22], $0x2780  }
0x64: {  	[sflag:s22] =	ssyncset.done @!p0 $0x0  }
0x65: {  	[sflag:s22] =	ssyncadd.s32 @!p0 $0xFFFFD880  }
0x66: {  	_ =	swait.ge [sflag:s11], $0x2800  }
0x67: {  	[sflag:s11] =	ssyncset.done $0x0  }
0x68: {  	[sflag:s11] =	ssyncadd.s32 $0xFFFFD800  }
0x69: {  	_ =	swait.ge [sflag:s12], $0x800  }
0x6a: {  	[sflag:s12] =	ssyncset.done $0x0  }
0x6b: {  	[sflag:s12] =	ssyncadd.s32 $0xFFFFF800  }
0x6c: {  	[tilespmem:s14], [sflag:$0x1] =	stream.indirect.gather [hbm4b:s1+s13], $0x80, s5, s13, $0xb8;
	[tilespmem:$0x1F080] =	vst v63  }
0x6d: {  	[bflag:$0x0] =	sbarrier.arrive $0xFFFF  }
0x6e: {  	s30 =	rddreg [dreg:$0x9]  }
0x6f: {  	[tilespmem:s15], [sflag:$0x5] =	stream.linear.gather [hbm4b:s30+s5], $0x800, $0x38;
	[tilespmem:$0x1F080] =	vst v63  }
0x70: {  	_ = 	snop  }
0x71: {  	[tilespmem:s16], [sflag:$0x2] =	stream.indirect.gather [hbm4b:s1+s13], $0x80, s13, s13, $0xb8;
	[tilespmem:$0x1F080] =	vst v63  }
0x72: {  	_ =	swait.ge [sflag:s17], $0x4000  }
0x73: {  	[sflag:s17] =	ssyncset.done $0x0  }
0x74: {  	[sflag:s17] =	ssyncadd.s32 $0xFFFFC000  }
0x75: {  	[spmem:s4] =	stream.indirect.scatter.add.f32 [tilespmem:s14], [sflag:$0x3], $0x80, s8, s13, $0xb8;
	[tilespmem:$0x1F080] =	vst v63  }
0x76: {  	_ =	swait.ge [sflag:s18], $0x4000  }
0x77: {  	[sflag:s18] =	ssyncset.done $0x0  }
0x78: {  	s31 =	rddreg [dreg:$0xf];
	[sflag:s18] =	ssyncadd.s32 $0xFFFFC000  }
0x79: {  	[tilespmem:s14], [sflag:$0x1] =	stream.indirect.gather [hbm4b:s1+s13], $0x80, s31, s13, $0xb8;
	[tilespmem:$0x1F080] =	vst v63  }
0x7a: {  	_ =	swait.ge [sflag:s19], $0x4000  }
0x7b: {  	[sflag:s19] =	ssyncset.done $0x0  }
0x7c: {  	s26 =	rddreg [dreg:$0x10];
	[sflag:s19] =	ssyncadd.s32 $0xFFFFC000  }
0x7d: {  	[spmem:s4] =	stream.indirect.scatter.add.f32 [tilespmem:s16], [sflag:$0x4], $0x80, s26, s13, $0xb8;
	[tilespmem:$0x1F080] =	vst v63  }
0x7e: {  	_ =	swait.ge [sflag:s20], $0x4000  }
0x7f: {  	[sflag:s20] =	ssyncset.done $0x0  }
0x80: {  	s28 =	rddreg [dreg:$0x11];
	[sflag:s20] =	ssyncadd.s32 $0xFFFFC000  }
0x81: {  	[tilespmem:s16], [sflag:$0x2] =	stream.indirect.gather [hbm4b:s1+s13], $0x80, s28, s13, $0xb8;
	[tilespmem:$0x1F080] =	vst v63  }
0x82: {  	_ =	swait.ge [sflag:s17], $0x4000  }
0x83: {  	[sflag:s17] =	ssyncset.done $0x0  }
0x84: {  	s29 =	rddreg [dreg:$0x12];
	[sflag:s17] =	ssyncadd.s32 $0xFFFFC000  }
0x85: {  	[spmem:s4] =	stream.indirect.scatter.add.f32 [tilespmem:s14], [sflag:$0x3], $0x80, s29, s13, $0xb8;
	[tilespmem:$0x1F080] =	vst v63  }
0x86: {  	_ =	swait.ge [sflag:s18], $0x4000  }
0x87: {  	[sflag:s18] =	ssyncset.done $0x0  }
0x88: {  	s30 =	rddreg [dreg:$0x13];
	[sflag:s18] =	ssyncadd.s32 $0xFFFFC000  }
0x89: {  	[tilespmem:s14], [sflag:$0x1] =	stream.indirect.gather [hbm4b:s1+s13], $0x80, s30, s13, $0xb8;
	[tilespmem:$0x1F080] =	vst v63  }
0x8a: {  	_ =	swait.ge [sflag:s19], $0x4000  }
0x8b: {  	[sflag:s19] =	ssyncset.done $0x0  }
0x8c: {  	s31 =	rddreg [dreg:$0x14];
	[sflag:s19] =	ssyncadd.s32 $0xFFFFC000  }
0x8d: {  	[spmem:s4] =	stream.indirect.scatter.add.f32 [tilespmem:s16], [sflag:$0x4], $0x80, s31, s13, $0xb8;
	[tilespmem:$0x1F080] =	vst v63  }
0x8e: {  	_ =	swait.ge [sflag:s20], $0x4000  }
0x8f: {  	[sflag:s20] =	ssyncset.done $0x0  }
0x90: {  	s26 =	rddreg [dreg:$0x15];
	[sflag:s20] =	ssyncadd.s32 $0xFFFFC000  }
0x91: {  	[tilespmem:s16], [sflag:$0x2] =	stream.indirect.gather [hbm4b:s1+s13], $0x80, s26, s13, $0xb8;
	[tilespmem:$0x1F080] =	vst v63  }
0x92: {  	_ =	swait.ge [sflag:s17], $0x4000  }
0x93: {  	[sflag:s17] =	ssyncset.done $0x0  }
0x94: {  	s28 =	rddreg [dreg:$0x16];
	[sflag:s17] =	ssyncadd.s32 $0xFFFFC000  }
0x95: {  	[spmem:s4] =	stream.indirect.scatter.add.f32 [tilespmem:s14], [sflag:$0x3], $0x80, s28, s13, $0xb8;
	[tilespmem:$0x1F080] =	vst v63  }
0x96: {  	_ =	swait.ge [sflag:s18], $0x4000  }
0x97: {  	[sflag:s18] =	ssyncset.done $0x0  }
0x98: {  	s29 =	rddreg [dreg:$0x17];
	[sflag:s18] =	ssyncadd.s32 $0xFFFFC000  }
0x99: {  	[tilespmem:s14], [sflag:$0x1] =	stream.indirect.gather [hbm4b:s1+s13], $0x80, s29, s13, $0xb8;
	[tilespmem:$0x1F080] =	vst v63  }
0x9a: {  	_ =	swait.ge [sflag:s19], $0x4000  }
0x9b: {  	[sflag:s19] =	ssyncset.done $0x0  }
0x9c: {  	s30 =	rddreg [dreg:$0x18];
	[sflag:s19] =	ssyncadd.s32 $0xFFFFC000  }
0x9d: {  	[spmem:s4] =	stream.indirect.scatter.add.f32 [tilespmem:s16], [sflag:$0x4], $0x80, s30, s13, $0xb8;
	[tilespmem:$0x1F080] =	vst v63  }
0x9e: {  	_ =	swait.ge [sflag:s20], $0x4000  }
0x9f: {  	[sflag:s20] =	ssyncset.done $0x0  }
0xa0: {  	s31 =	rddreg [dreg:$0x19];
	[sflag:s20] =	ssyncadd.s32 $0xFFFFC000  }
0xa1: {  	[tilespmem:s16], [sflag:$0x2] =	stream.indirect.gather [hbm4b:s1+s13], $0x80, s31, s13, $0xb8;
	[tilespmem:$0x1F080] =	vst v63  }
0xa2: {  	_ =	swait.ge [sflag:s17], $0x4000  }
0xa3: {  	[sflag:s17] =	ssyncset.done $0x0  }
0xa4: {  	s26 =	rddreg [dreg:$0x1a];
	[sflag:s17] =	ssyncadd.s32 $0xFFFFC000  }
0xa5: {  	[spmem:s4] =	stream.indirect.scatter.add.f32 [tilespmem:s14], [sflag:$0x3], $0x80, s26, s13, $0xb8;
	[tilespmem:$0x1F080] =	vst v63  }
0xa6: {  	_ =	swait.ge [sflag:s18], $0x4000  }
0xa7: {  	[sflag:s18] =	ssyncset.done $0x0  }
0xa8: {  	s28 =	rddreg [dreg:$0x1b];
	[sflag:s18] =	ssyncadd.s32 $0xFFFFC000  }
0xa9: {  	[tilespmem:s14], [sflag:$0x1] =	stream.indirect.gather [hbm4b:s1+s13], $0x80, s28, s13, $0xb8;
	[tilespmem:$0x1F080] =	vst v63  }
0xaa: {  	_ =	swait.ge [sflag:s19], $0x4000  }
0xab: {  	[sflag:s19] =	ssyncset.done $0x0  }
0xac: {  	s29 =	rddreg [dreg:$0x1c];
	[sflag:s19] =	ssyncadd.s32 $0xFFFFC000  }
0xad: {  	[spmem:s4] =	stream.indirect.scatter.add.f32 [tilespmem:s16], [sflag:$0x4], $0x80, s29, s13, $0xb8;
	[tilespmem:$0x1F080] =	vst v63  }
0xae: {  	_ =	swait.ge [sflag:s20], $0x4000  }
0xaf: {  	[sflag:s20] =	ssyncset.done $0x0  }
0xb0: {  	s30 =	rddreg [dreg:$0x1d];
	[sflag:s20] =	ssyncadd.s32 $0xFFFFC000  }
0xb1: {  	[tilespmem:s16], [sflag:$0x2] =	stream.indirect.gather [hbm4b:s1+s13], $0x80, s30, s13, $0xb8;
	[tilespmem:$0x1F080] =	vst v63  }
0xb2: {  	_ =	swait.ge [sflag:s17], $0x4000  }
0xb3: {  	[sflag:s17] =	ssyncset.done $0x0  }
0xb4: {  	s31 =	rddreg [dreg:$0x1e];
	[sflag:s17] =	ssyncadd.s32 $0xFFFFC000  }
0xb5: {  	[spmem:s4] =	stream.indirect.scatter.add.f32 [tilespmem:s14], [sflag:$0x3], $0x80, s31, s13, $0xb8;
	[tilespmem:$0x1F080] =	vst v63  }
0xb6: {  	_ =	swait.ge [sflag:s18], $0x4000  }
0xb7: {  	[sflag:s18] =	ssyncset.done $0x0  }
0xb8: {  	s26 =	rddreg [dreg:$0x1f];
	[sflag:s18] =	ssyncadd.s32 $0xFFFFC000  }
0xb9: {  	[tilespmem:s14], [sflag:$0x1] =	stream.indirect.gather [hbm4b:s1+s13], $0x80, s26, s13, $0xb8;
	[tilespmem:$0x1F080] =	vst v63  }
0xba: {  	_ =	swait.ge [sflag:s19], $0x4000  }
0xbb: {  	s28 =	sld [smem:$0x7D1]  }
0xbc: {  	[sflag:s19] =	ssyncset.done $0x0  }
0xbd: {  	[sflag:s19] =	ssyncadd.s32 $0xFFFFC000  }
0xbe: {  	[spmem:s4] =	stream.indirect.scatter.add.f32 [tilespmem:s16], [sflag:$0x4], $0x80, s28, s13, $0xb8;
	[tilespmem:$0x1F080] =	vst v63  }
0xbf: {  	_ =	swait.ge [sflag:s20], $0x4000  }
0xc0: {  	s29 =	sld [smem:$0x7D2]  }
0xc1: {  	[sflag:s20] =	ssyncset.done $0x0  }
0xc2: {  	[sflag:s20] =	ssyncadd.s32 $0xFFFFC000  }
0xc3: {  	[tilespmem:s16], [sflag:$0x2] =	stream.indirect.gather [hbm4b:s1+s13], $0x80, s29, s13, $0xb8;
	[tilespmem:$0x1F080] =	vst v63  }
0xc4: {  	_ =	swait.ge [sflag:s17], $0x4000  }
0xc5: {  	s30 =	sld [smem:$0x7D3]  }
0xc6: {  	[sflag:s17] =	ssyncset.done $0x0  }
0xc7: {  	[sflag:s17] =	ssyncadd.s32 $0xFFFFC000  }
0xc8: {  	[spmem:s4] =	stream.indirect.scatter.add.f32 [tilespmem:s14], [sflag:$0x3], $0x80, s30, s13, $0xb8;
	[tilespmem:$0x1F080] =	vst v63  }
0xc9: {  	_ =	swait.ge [sflag:s18], $0x4000  }
0xca: {  	s31 =	sld [smem:$0x7D4]  }
0xcb: {  	[sflag:s18] =	ssyncset.done $0x0  }
0xcc: {  	[sflag:s18] =	ssyncadd.s32 $0xFFFFC000  }
0xcd: {  	[tilespmem:s14], [sflag:$0x1] =	stream.indirect.gather [hbm4b:s1+s13], $0x80, s31, s13, $0xb8;
	[tilespmem:$0x1F080] =	vst v63  }
0xce: {  	_ =	swait.ge [sflag:s19], $0x4000  }
0xcf: {  	s26 =	sld [smem:$0x7D5]  }
0xd0: {  	[sflag:s19] =	ssyncset.done $0x0  }
0xd1: {  	[sflag:s19] =	ssyncadd.s32 $0xFFFFC000  }
0xd2: {  	[spmem:s4] =	stream.indirect.scatter.add.f32 [tilespmem:s16], [sflag:$0x4], $0x80, s26, s13, $0xb8;
	[tilespmem:$0x1F080] =	vst v63  }
0xd3: {  	_ =	swait.ge [sflag:s20], $0x4000  }
0xd4: {  	s28 =	sld [smem:$0x7D7]  }
0xd5: {  	[sflag:s20] =	ssyncset.done $0x0  }
0xd6: {  	[sflag:s20] =	ssyncadd.s32 $0xFFFFC000  }
0xd7: {  	[tilespmem:s16], [sflag:$0x2] =	stream.indirect.gather [hbm4b:s1+s13], $0x80, s28, s13, $0xb8;
	[tilespmem:$0x1F080] =	vst v63  }
0xd8: {  	_ =	swait.ge [sflag:s17], $0x4000  }
0xd9: {  	s29 =	sld [smem:$0x7D8]  }
0xda: {  	[sflag:s17] =	ssyncset.done $0x0  }
0xdb: {  	[sflag:s17] =	ssyncadd.s32 $0xFFFFC000  }
0xdc: {  	[spmem:s4] =	stream.indirect.scatter.add.f32 [tilespmem:s14], [sflag:$0x3], $0x80, s29, s13, $0xb8;
	[tilespmem:$0x1F080] =	vst v63  }
0xdd: {  	_ =	swait.ge [sflag:s18], $0x4000  }
0xde: {  	s30 =	sld [smem:$0x7D9]  }
0xdf: {  	[sflag:s18] =	ssyncset.done $0x0  }
0xe0: {  	[sflag:s18] =	ssyncadd.s32 $0xFFFFC000  }
0xe1: {  	[tilespmem:s14], [sflag:$0x1] =	stream.indirect.gather [hbm4b:s1+s13], $0x80, s30, s13, $0xb8;
	[tilespmem:$0x1F080] =	vst v63  }
0xe2: {  	_ =	swait.ge [sflag:s19], $0x4000  }
0xe3: {  	s31 =	sld [smem:$0x7DA]  }
0xe4: {  	[sflag:s19] =	ssyncset.done $0x0  }
0xe5: {  	[sflag:s19] =	ssyncadd.s32 $0xFFFFC000  }
0xe6: {  	[spmem:s4] =	stream.indirect.scatter.add.f32 [tilespmem:s16], [sflag:$0x4], $0x80, s31, s13, $0xb8;
	[tilespmem:$0x1F080] =	vst v63  }
0xe7: {  	_ =	swait.ge [sflag:s20], $0x4000  }
0xe8: {  	s26 =	sld [smem:$0x7DB]  }
0xe9: {  	[sflag:s20] =	ssyncset.done $0x0  }
0xea: {  	[sflag:s20] =	ssyncadd.s32 $0xFFFFC000  }
0xeb: {  	[tilespmem:s16], [sflag:$0x2] =	stream.indirect.gather [hbm4b:s1+s13], $0x80, s26, s13, $0xb8;
	[tilespmem:$0x1F080] =	vst v63  }
0xec: {  	_ =	swait.ge [sflag:s17], $0x4000  }
0xed: {  	s28 =	sld [smem:$0x7DC]  }
0xee: {  	[sflag:s17] =	ssyncset.done $0x0  }
0xef: {  	[sflag:s17] =	ssyncadd.s32 $0xFFFFC000  }
0xf0: {  	[spmem:s4] =	stream.indirect.scatter.add.f32 [tilespmem:s14], [sflag:$0x3], $0x80, s28, s13, $0xb8;
	[tilespmem:$0x1F080] =	vst v63  }
0xf1: {  	_ =	swait.ge [sflag:s18], $0x4000  }
0xf2: {  	s29 =	sld [smem:$0x7DD]  }
0xf3: {  	[sflag:s18] =	ssyncset.done $0x0  }
0xf4: {  	[sflag:s18] =	ssyncadd.s32 $0xFFFFC000  }
0xf5: {  	[tilespmem:s14], [sflag:$0x1] =	stream.indirect.gather [hbm4b:s1+s13], $0x80, s29, s13, $0xb8;
	[tilespmem:$0x1F080] =	vst v63  }
0xf6: {  	_ =	swait.ge [sflag:s19], $0x4000  }
0xf7: {  	s30 =	sld [smem:$0x7DE]  }
0xf8: {  	[sflag:s19] =	ssyncset.done $0x0  }
0xf9: {  	[sflag:s19] =	ssyncadd.s32 $0xFFFFC000  }
0xfa: {  	[spmem:s4] =	stream.indirect.scatter.add.f32 [tilespmem:s16], [sflag:$0x4], $0x80, s30, s13, $0xb8;
	[tilespmem:$0x1F080] =	vst v63  }
0xfb: {  	_ =	swait.ge [sflag:s11], $0x800  }
0xfc: {  	[sflag:s11] =	ssyncset.done $0x0  }
0xfd: {  	[sflag:s11] =	ssyncadd.s32 $0xFFFFF800  }
0xfe: {  	_ =	swait.ge [sflag:s20], $0x4000  }
0xff: {  	s31 =	rddreg [dreg:$0xa];
	[sflag:s20] =	ssyncset.done $0x0  }
0x100: {  	s26 =	sld [smem:$0x7DF];
	[sflag:s20] =	ssyncadd.s32 $0xFFFFC000  }
0x101: {  	[tilespmem:s8], [sflag:$0x5] =	stream.linear.gather [hbm4b:s31+s5], $0x800, $0x38;
	[tilespmem:$0x1F080] =	vst v63  }
0x102: {  	_ = 	snop  }
0x103: {  	[tilespmem:s16], [sflag:$0x2] =	stream.indirect.gather [hbm4b:s1+s13], $0x80, s26, s13, $0xb8;
	[tilespmem:$0x1F080] =	vst v63  }
0x104: {  	_ =	swait.ge [sflag:s17], $0x4000  }
0x105: {  	[sflag:s17] =	ssyncset.done $0x0  }
0x106: {  	[sflag:s17] =	ssyncadd.s32 $0xFFFFC000  }
0x107: {  	[spmem:s4] =	stream.indirect.scatter.add.f32 [tilespmem:s14], [sflag:$0x3], $0x80, s15, s13, $0xb8;
	[tilespmem:$0x1F080] =	vst v63  }
0x108: {  	_ =	swait.ge [sflag:s18], $0x4000  }
0x109: {  	s26 =	sld [smem:$0x7E0]  }
0x10a: {  	[sflag:s18] =	ssyncset.done $0x0  }
0x10b: {  	[sflag:s18] =	ssyncadd.s32 $0xFFFFC000  }
0x10c: {  	[tilespmem:s14], [sflag:$0x1] =	stream.indirect.gather [hbm4b:s1+s13], $0x80, s26, s13, $0xb8;
	[tilespmem:$0x1F080] =	vst v63  }
0x10d: {  	_ =	swait.ge [sflag:s19], $0x4000  }
0x10e: {  	s28 =	sld [smem:$0x7E1]  }
0x10f: {  	[sflag:s19] =	ssyncset.done $0x0;
	s29 =	sld [smem:$0x7D6]  }
0x110: {  	[sflag:s19] =	ssyncadd.s32 $0xFFFFC000  }
0x111: {  	[spmem:s4] =	stream.indirect.scatter.add.f32 [tilespmem:s16], [sflag:$0x4], $0x80, s28, s13, $0xb8;
	[tilespmem:$0x1F080] =	vst v63  }
0x112: {  	p1 =	seq.s32 s29, $0x1  }
0x113: {  	s25 =	simm.s32 @!p1 $0x4  }
0x114: {  	_ =	swait.ge @!p1 [sflag:s25], $0x4000  }
0x115: {  	s26 =	simm.s32 @!p1 $0x980;
	[sflag:s25] =	ssyncset.done @!p1 $0x0  }
0x116: {  	s28 =	simm.s32 @!p1 $0x7800;
	[sflag:s25] =	ssyncadd.s32 @!p1 $0xFFFFC000;
	s25 =	simm.s32 @!p1 $0x80  }
0x117: {  	[tilespmem:s28], [sflag:$0x2] =	stream.indirect.gather @!p1 [hbm4b:s1+s25], $0x80, s26, s25, $0xb8;
	[tilespmem:$0x1F080] =	vst v63  }
0x118: {  	_ =	swait.ge [sflag:s17], $0x4000  }
0x119: {  	s30 =	sld [smem:$0x7E2]  }
0x11a: {  	[sflag:s17] =	ssyncset.done $0x0  }
0x11b: {  	s25 =	simm.s32 @!p3 $0x3;
	[sflag:s17] =	ssyncadd.s32 $0xFFFFC000  }
0x11c: {  	[spmem:s4] =	stream.indirect.scatter.add.f32 [tilespmem:s14], [sflag:$0x3], $0x80, s30, s13, $0xb8;
	[tilespmem:$0x1F080] =	vst v63  }
0x11d: {  	_ =	swait.ge @!p3 [sflag:s25], $0x4000  }
0x11e: {  	s26 =	simm.s32 @!p3 $0xA00;
	[sflag:s25] =	ssyncset.done @!p3 $0x0  }
0x11f: {  	s28 =	simm.s32 @!p3 $0x3800;
	[sflag:s25] =	ssyncadd.s32 @!p3 $0xFFFFC000;
	s25 =	simm.s32 @!p3 $0x80  }
0x120: {  	[tilespmem:s28], [sflag:$0x1] =	stream.indirect.gather @!p3 [hbm4b:s1+s25], $0x80, s26, s25, $0xb8;
	[tilespmem:$0x1F080] =	vst v63  }
0x121: {  	_ =	swait.ge [sflag:s19], $0x4000  }
0x122: {  	s31 =	sld [smem:$0x7E3]  }
0x123: {  	[sflag:s19] =	ssyncset.done $0x0  }
0x124: {  	s26 =	simm.s32 @!p3 $0x4;
	[sflag:s19] =	ssyncadd.s32 $0xFFFFC000  }
0x125: {  	[spmem:s4] =	stream.indirect.scatter.add.f32 [tilespmem:s16], [sflag:$0x4], $0x80, s31, s13, $0xb8;
	[tilespmem:$0x1F080] =	vst v63  }
0x126: {  	_ =	swait.ge @!p3 [sflag:s26], $0x4000  }
0x127: {  	[sflag:s26] =	ssyncset.done @!p3 $0x0  }
0x128: {  	s29 =	simm.s32 @!p3 $0x7800;
	[sflag:s26] =	ssyncadd.s32 @!p3 $0xFFFFC000;
	s26 =	simm.s32 @!p3 $0xA80  }
0x129: {  	[tilespmem:s29], [sflag:$0x2] =	stream.indirect.gather @!p3 [hbm4b:s1+s25], $0x80, s26, s25, $0xb8;
	[tilespmem:$0x1F080] =	vst v63  }
0x12a: {  	s26 =	simm.s32 @!p3 $0x1  }
0x12b: {  	_ =	swait.ge @!p3 [sflag:s26], $0x4000  }
0x12c: {  	[sflag:s26] =	ssyncset.done @!p3 $0x0;
	s29 =	sld [smem:$0x7E4]  }
0x12d: {  	[sflag:s26] =	ssyncadd.s32 @!p3 $0xFFFFC000;
	s26 =	simm.s32 @!p3 $0x3200  }
0x12e: {  	[spmem:s4] =	stream.indirect.scatter.add.f32 @!p3 [tilespmem:s28], [sflag:$0x3], $0x80, s26, s25, $0xb8;
	[tilespmem:$0x1F080] =	vst v63  }
0x12f: {  	p1 =	seq.s32 s29, $0x1  }
0x130: {  	s25 =	simm.s32 @!p1 $0x3  }
0x131: {  	_ =	swait.ge @!p1 [sflag:s25], $0x4000  }
0x132: {  	s26 =	simm.s32 @!p1 $0xB00;
	[sflag:s25] =	ssyncset.done @!p1 $0x0  }
0x133: {  	s28 =	simm.s32 @!p1 $0x3800;
	[sflag:s25] =	ssyncadd.s32 @!p1 $0xFFFFC000;
	s25 =	simm.s32 @!p1 $0x80  }
0x134: {  	[tilespmem:s28], [sflag:$0x1] =	stream.indirect.gather @!p1 [hbm4b:s1+s25], $0x80, s26, s25, $0xb8;
	[tilespmem:$0x1F080] =	vst v63  }
0x135: {  	s26 =	simm.s32 @!p1 $0x2  }
0x136: {  	_ =	swait.ge @!p1 [sflag:s26], $0x4000  }
0x137: {  	[sflag:s26] =	ssyncset.done @!p1 $0x0;
	s30 =	sld [smem:$0x7E5]  }
0x138: {  	s28 =	simm.s32 @!p1 $0x7800;
	[sflag:s26] =	ssyncadd.s32 @!p1 $0xFFFFC000;
	s26 =	simm.s32 @!p1 $0x3280  }
0x139: {  	[spmem:s4] =	stream.indirect.scatter.add.f32 @!p1 [tilespmem:s28], [sflag:$0x4], $0x80, s26, s25, $0xb8;
	[tilespmem:$0x1F080] =	vst v63  }
0x13a: {  	p1 =	seq.s32 s30, $0x1  }
0x13b: {  	s25 =	simm.s32 @!p1 $0x4  }
0x13c: {  	_ =	swait.ge @!p1 [sflag:s25], $0x4000  }
0x13d: {  	s26 =	simm.s32 @!p1 $0xB80;
	[sflag:s25] =	ssyncset.done @!p1 $0x0  }
0x13e: {  	s28 =	simm.s32 @!p1 $0x7800;
	[sflag:s25] =	ssyncadd.s32 @!p1 $0xFFFFC000;
	s25 =	simm.s32 @!p1 $0x80  }
0x13f: {  	[tilespmem:s28], [sflag:$0x2] =	stream.indirect.gather @!p1 [hbm4b:s1+s25], $0x80, s26, s25, $0xb8;
	[tilespmem:$0x1F080] =	vst v63  }
0x140: {  	s26 =	simm.s32 @!p1 $0x1  }
0x141: {  	_ =	swait.ge @!p1 [sflag:s26], $0x4000  }
0x142: {  	[sflag:s26] =	ssyncset.done @!p1 $0x0;
	s31 =	sld [smem:$0x7E8]  }
0x143: {  	s28 =	simm.s32 @!p1 $0x3800;
	[sflag:s26] =	ssyncadd.s32 @!p1 $0xFFFFC000;
	s26 =	simm.s32 @!p1 $0x3300  }
0x144: {  	[spmem:s4] =	stream.indirect.scatter.add.f32 @!p1 [tilespmem:s28], [sflag:$0x3], $0x80, s26, s25, $0xb8;
	[tilespmem:$0x1F080] =	vst v63  }
0x145: {  	p1 =	seq.s32 s31, $0x1  }
0x146: {  	s25 =	simm.s32 @!p1 $0x3  }
0x147: {  	_ =	swait.ge @!p1 [sflag:s25], $0x4000  }
0x148: {  	s26 =	simm.s32 @!p1 $0xC00;
	[sflag:s25] =	ssyncset.done @!p1 $0x0  }
0x149: {  	s28 =	simm.s32 @!p1 $0x3800;
	[sflag:s25] =	ssyncadd.s32 @!p1 $0xFFFFC000;
	s25 =	simm.s32 @!p1 $0x80  }
0x14a: {  	[tilespmem:s28], [sflag:$0x1] =	stream.indirect.gather @!p1 [hbm4b:s1+s25], $0x80, s26, s25, $0xb8;
	[tilespmem:$0x1F080] =	vst v63  }
0x14b: {  	s26 =	simm.s32 @!p1 $0x2  }
0x14c: {  	_ =	swait.ge @!p1 [sflag:s26], $0x4000  }
0x14d: {  	[sflag:s26] =	ssyncset.done @!p1 $0x0  }
0x14e: {  	s28 =	simm.s32 @!p1 $0x7800;
	[sflag:s26] =	ssyncadd.s32 @!p1 $0xFFFFC000;
	s26 =	simm.s32 @!p1 $0x3380  }
0x14f: {  	[spmem:s4] =	stream.indirect.scatter.add.f32 @!p1 [tilespmem:s28], [sflag:$0x4], $0x80, s26, s25, $0xb8;
	[tilespmem:$0x1F080] =	vst v63  }
0x150: {  	s26 =	sld [smem:$0x7E9];
	_ =	sdelay $0x2  }
0x151: {  	p1 =	seq.s32 s26, $0x1  }
0x152: {  	s25 =	simm.s32 @!p1 $0x4  }
0x153: {  	_ =	swait.ge @!p1 [sflag:s25], $0x4000  }
0x154: {  	s26 =	simm.s32 @!p1 $0xC80;
	[sflag:s25] =	ssyncset.done @!p1 $0x0  }
0x155: {  	s28 =	simm.s32 @!p1 $0x7800;
	[sflag:s25] =	ssyncadd.s32 @!p1 $0xFFFFC000;
	s25 =	simm.s32 @!p1 $0x80  }
0x156: {  	[tilespmem:s28], [sflag:$0x2] =	stream.indirect.gather @!p1 [hbm4b:s1+s25], $0x80, s26, s25, $0xb8;
	[tilespmem:$0x1F080] =	vst v63  }
0x157: {  	s26 =	simm.s32 @!p1 $0x1  }
0x158: {  	_ =	swait.ge @!p1 [sflag:s26], $0x4000  }
0x159: {  	[sflag:s26] =	ssyncset.done @!p1 $0x0  }
0x15a: {  	s28 =	simm.s32 @!p1 $0x3800;
	[sflag:s26] =	ssyncadd.s32 @!p1 $0xFFFFC000;
	s26 =	simm.s32 @!p1 $0x3400  }
0x15b: {  	[spmem:s4] =	stream.indirect.scatter.add.f32 @!p1 [tilespmem:s28], [sflag:$0x3], $0x80, s26, s25, $0xb8;
	[tilespmem:$0x1F080] =	vst v63  }
0x15c: {  	s28 =	sld [smem:$0x7EA];
	_ =	sdelay $0x2  }
0x15d: {  	p1 =	seq.s32 s28, $0x1  }
0x15e: {  	s25 =	simm.s32 @!p1 $0x3  }
0x15f: {  	_ =	swait.ge @!p1 [sflag:s25], $0x4000  }
0x160: {  	s26 =	simm.s32 @!p1 $0xD00;
	[sflag:s25] =	ssyncset.done @!p1 $0x0  }
0x161: {  	s28 =	simm.s32 @!p1 $0x3800;
	[sflag:s25] =	ssyncadd.s32 @!p1 $0xFFFFC000;
	s25 =	simm.s32 @!p1 $0x80  }
0x162: {  	[tilespmem:s28], [sflag:$0x1] =	stream.indirect.gather @!p1 [hbm4b:s1+s25], $0x80, s26, s25, $0xb8;
	[tilespmem:$0x1F080] =	vst v63  }
0x163: {  	s26 =	simm.s32 @!p1 $0x2  }
0x164: {  	_ =	swait.ge @!p1 [sflag:s26], $0x4000  }
0x165: {  	[sflag:s26] =	ssyncset.done @!p1 $0x0;
	s29 =	sld [smem:$0x7EB]  }
0x166: {  	s28 =	simm.s32 @!p1 $0x7800;
	[sflag:s26] =	ssyncadd.s32 @!p1 $0xFFFFC000;
	s26 =	simm.s32 @!p1 $0x3480  }
0x167: {  	[spmem:s4] =	stream.indirect.scatter.add.f32 @!p1 [tilespmem:s28], [sflag:$0x4], $0x80, s26, s25, $0xb8;
	[tilespmem:$0x1F080] =	vst v63  }
0x168: {  	p1 =	seq.s32 s29, $0x1  }
0x169: {  	s25 =	simm.s32 @!p1 $0x4  }
0x16a: {  	_ =	swait.ge @!p1 [sflag:s25], $0x4000  }
0x16b: {  	s26 =	simm.s32 @!p1 $0xD80;
	[sflag:s25] =	ssyncset.done @!p1 $0x0  }
0x16c: {  	s28 =	simm.s32 @!p1 $0x7800;
	[sflag:s25] =	ssyncadd.s32 @!p1 $0xFFFFC000;
	s25 =	simm.s32 @!p1 $0x80  }
0x16d: {  	[tilespmem:s28], [sflag:$0x2] =	stream.indirect.gather @!p1 [hbm4b:s1+s25], $0x80, s26, s25, $0xb8;
	[tilespmem:$0x1F080] =	vst v63  }
0x16e: {  	s26 =	simm.s32 @!p1 $0x1  }
0x16f: {  	_ =	swait.ge @!p1 [sflag:s26], $0x4000  }
0x170: {  	[sflag:s26] =	ssyncset.done @!p1 $0x0;
	s30 =	sld [smem:$0x7EC]  }
0x171: {  	s28 =	simm.s32 @!p1 $0x3800;
	[sflag:s26] =	ssyncadd.s32 @!p1 $0xFFFFC000;
	s26 =	simm.s32 @!p1 $0x3500  }
0x172: {  	[spmem:s4] =	stream.indirect.scatter.add.f32 @!p1 [tilespmem:s28], [sflag:$0x3], $0x80, s26, s25, $0xb8;
	[tilespmem:$0x1F080] =	vst v63  }
0x173: {  	p1 =	seq.s32 s30, $0x1  }
0x174: {  	s25 =	simm.s32 @!p1 $0x3  }
0x175: {  	_ =	swait.ge @!p1 [sflag:s25], $0x4000  }
0x176: {  	s26 =	simm.s32 @!p1 $0xE00;
	[sflag:s25] =	ssyncset.done @!p1 $0x0  }
0x177: {  	s28 =	simm.s32 @!p1 $0x3800;
	[sflag:s25] =	ssyncadd.s32 @!p1 $0xFFFFC000;
	s25 =	simm.s32 @!p1 $0x80  }
0x178: {  	[tilespmem:s28], [sflag:$0x1] =	stream.indirect.gather @!p1 [hbm4b:s1+s25], $0x80, s26, s25, $0xb8;
	[tilespmem:$0x1F080] =	vst v63  }
0x179: {  	s26 =	simm.s32 @!p1 $0x2  }
0x17a: {  	_ =	swait.ge @!p1 [sflag:s26], $0x4000  }
0x17b: {  	[sflag:s26] =	ssyncset.done @!p1 $0x0;
	s31 =	sld [smem:$0x7ED]  }
0x17c: {  	s28 =	simm.s32 @!p1 $0x7800;
	[sflag:s26] =	ssyncadd.s32 @!p1 $0xFFFFC000;
	s26 =	simm.s32 @!p1 $0x3580  }
0x17d: {  	[spmem:s4] =	stream.indirect.scatter.add.f32 @!p1 [tilespmem:s28], [sflag:$0x4], $0x80, s26, s25, $0xb8;
	[tilespmem:$0x1F080] =	vst v63  }
0x17e: {  	p1 =	seq.s32 s31, $0x1  }
0x17f: {  	s25 =	simm.s32 @!p1 $0x4  }
0x180: {  	_ =	swait.ge @!p1 [sflag:s25], $0x4000  }
0x181: {  	s26 =	simm.s32 @!p1 $0xE80;
	[sflag:s25] =	ssyncset.done @!p1 $0x0  }
0x182: {  	s28 =	simm.s32 @!p1 $0x7800;
	[sflag:s25] =	ssyncadd.s32 @!p1 $0xFFFFC000;
	s25 =	simm.s32 @!p1 $0x80  }
0x183: {  	[tilespmem:s28], [sflag:$0x2] =	stream.indirect.gather @!p1 [hbm4b:s1+s25], $0x80, s26, s25, $0xb8;
	[tilespmem:$0x1F080] =	vst v63  }
0x184: {  	s26 =	simm.s32 @!p1 $0x1  }
0x185: {  	_ =	swait.ge @!p1 [sflag:s26], $0x4000  }
0x186: {  	[sflag:s26] =	ssyncset.done @!p1 $0x0  }
0x187: {  	s28 =	simm.s32 @!p1 $0x3800;
	[sflag:s26] =	ssyncadd.s32 @!p1 $0xFFFFC000;
	s26 =	simm.s32 @!p1 $0x3600  }
0x188: {  	[spmem:s4] =	stream.indirect.scatter.add.f32 @!p1 [tilespmem:s28], [sflag:$0x3], $0x80, s26, s25, $0xb8;
	[tilespmem:$0x1F080] =	vst v63  }
0x189: {  	s26 =	sld [smem:$0x7EE];
	_ =	sdelay $0x2  }
0x18a: {  	p1 =	seq.s32 s26, $0x1  }
0x18b: {  	s25 =	simm.s32 @!p1 $0x3  }
0x18c: {  	_ =	swait.ge @!p1 [sflag:s25], $0x4000  }
0x18d: {  	s26 =	simm.s32 @!p1 $0xF00;
	[sflag:s25] =	ssyncset.done @!p1 $0x0  }
0x18e: {  	s28 =	simm.s32 @!p1 $0x3800;
	[sflag:s25] =	ssyncadd.s32 @!p1 $0xFFFFC000;
	s25 =	simm.s32 @!p1 $0x80  }
0x18f: {  	[tilespmem:s28], [sflag:$0x1] =	stream.indirect.gather @!p1 [hbm4b:s1+s25], $0x80, s26, s25, $0xb8;
	[tilespmem:$0x1F080] =	vst v63  }
0x190: {  	s26 =	simm.s32 @!p1 $0x2  }
0x191: {  	_ =	swait.ge @!p1 [sflag:s26], $0x4000  }
0x192: {  	[sflag:s26] =	ssyncset.done @!p1 $0x0  }
0x193: {  	s28 =	simm.s32 @!p1 $0x7800;
	[sflag:s26] =	ssyncadd.s32 @!p1 $0xFFFFC000;
	s26 =	simm.s32 @!p1 $0x3680  }
0x194: {  	[spmem:s4] =	stream.indirect.scatter.add.f32 @!p1 [tilespmem:s28], [sflag:$0x4], $0x80, s26, s25, $0xb8;
	[tilespmem:$0x1F080] =	vst v63  }
0x195: {  	s28 =	sld [smem:$0x7EF];
	_ =	sdelay $0x2  }
0x196: {  	p1 =	seq.s32 s28, $0x1  }
0x197: {  	s25 =	simm.s32 @!p1 $0x4  }
0x198: {  	_ =	swait.ge @!p1 [sflag:s25], $0x4000  }
0x199: {  	s26 =	simm.s32 @!p1 $0xF80;
	[sflag:s25] =	ssyncset.done @!p1 $0x0  }
0x19a: {  	s28 =	simm.s32 @!p1 $0x7800;
	[sflag:s25] =	ssyncadd.s32 @!p1 $0xFFFFC000;
	s25 =	simm.s32 @!p1 $0x80  }
0x19b: {  	[tilespmem:s28], [sflag:$0x2] =	stream.indirect.gather @!p1 [hbm4b:s1+s25], $0x80, s26, s25, $0xb8;
	[tilespmem:$0x1F080] =	vst v63  }
0x19c: {  	s26 =	simm.s32 @!p1 $0x1  }
0x19d: {  	_ =	swait.ge @!p1 [sflag:s26], $0x4000  }
0x19e: {  	[sflag:s26] =	ssyncset.done @!p1 $0x0;
	s29 =	sld [smem:$0x7F0]  }
0x19f: {  	s28 =	simm.s32 @!p1 $0x3800;
	[sflag:s26] =	ssyncadd.s32 @!p1 $0xFFFFC000;
	s26 =	simm.s32 @!p1 $0x3700  }
0x1a0: {  	[spmem:s4] =	stream.indirect.scatter.add.f32 @!p1 [tilespmem:s28], [sflag:$0x3], $0x80, s26, s25, $0xb8;
	[tilespmem:$0x1F080] =	vst v63  }
0x1a1: {  	p1 =	seq.s32 s29, $0x1  }
0x1a2: {  	s25 =	simm.s32 @!p1 $0x3  }
0x1a3: {  	_ =	swait.ge @!p1 [sflag:s25], $0x4000  }
0x1a4: {  	s26 =	simm.s32 @!p1 $0x1000;
	[sflag:s25] =	ssyncset.done @!p1 $0x0  }
0x1a5: {  	s28 =	simm.s32 @!p1 $0x3800;
	[sflag:s25] =	ssyncadd.s32 @!p1 $0xFFFFC000;
	s25 =	simm.s32 @!p1 $0x80  }
0x1a6: {  	[tilespmem:s28], [sflag:$0x1] =	stream.indirect.gather @!p1 [hbm4b:s1+s25], $0x80, s26, s25, $0xb8;
	[tilespmem:$0x1F080] =	vst v63  }
0x1a7: {  	s26 =	simm.s32 @!p1 $0x2  }
0x1a8: {  	_ =	swait.ge @!p1 [sflag:s26], $0x4000  }
0x1a9: {  	[sflag:s26] =	ssyncset.done @!p1 $0x0  }
0x1aa: {  	s28 =	simm.s32 @!p1 $0x7800;
	[sflag:s26] =	ssyncadd.s32 @!p1 $0xFFFFC000;
	s26 =	simm.s32 @!p1 $0x3780  }
0x1ab: {  	[spmem:s4] =	stream.indirect.scatter.add.f32 @!p1 [tilespmem:s28], [sflag:$0x4], $0x80, s26, s25, $0xb8;
	[tilespmem:$0x1F080] =	vst v63  }
0x1ac: {  	_ =	swait.ge [sflag:s11], $0x800  }
0x1ad: {  	s30 =	sld [smem:$0x7F1];
	_ =	sdelay $0x2  }
0x1ae: {  	[sflag:s11] =	ssyncset.done $0x0;
	p1 =	seq.s32 s30, $0x1  }
0x1af: {  	[sflag:s11] =	ssyncadd.s32 $0xFFFFF800;
	s25 =	simm.s32 @!p1 $0x3  }
0x1b0: {  	_ =	swait.ge @!p1 [sflag:s25], $0x4000  }
0x1b1: {  	[sflag:s25] =	ssyncset.done @!p1 $0x0  }
0x1b2: {  	[sflag:s25] =	ssyncadd.s32 @!p1 $0xFFFFC000  }
0x1b3: {  	_ =	swait.ge [sflag:s20], $0x4000  }
0x1b4: {  	[sflag:s20] =	ssyncset.done $0x0;
	s26 =	sld [smem:$0x7E6]  }
0x1b5: {  	s31 =	rddreg [dreg:$0xb];
	[sflag:s20] =	ssyncadd.s32 $0xFFFFC000  }
0x1b6: {  	[tilespmem:s15], [sflag:$0x5] =	stream.linear.gather [hbm4b:s31+s5], $0x800, $0x38;
	[tilespmem:$0x1F080] =	vst v63  }
0x1b7: {  	p1 =	seq.s32 s26, $0x1  }
0x1b8: {  	s25 =	simm.s32 @!p1 $0x80;
	s26 =	simm.s32 @!p1 $0x1080;
	s28 =	simm.s32 @!p1 $0x7800  }
0x1b9: {  	[tilespmem:s28], [sflag:$0x2] =	stream.indirect.gather @!p1 [hbm4b:s1+s25], $0x80, s26, s25, $0xb8;
	[tilespmem:$0x1F080] =	vst v63  }
0x1ba: {  	s26 =	simm.s32 @!p1 $0x1  }
0x1bb: {  	_ =	swait.ge @!p1 [sflag:s26], $0x4000  }
0x1bc: {  	[sflag:s26] =	ssyncset.done @!p1 $0x0  }
0x1bd: {  	s28 =	simm.s32 @!p1 $0x3800;
	[sflag:s26] =	ssyncadd.s32 @!p1 $0xFFFFC000;
	s26 =	simm.s32 @!p1 $0x2800  }
0x1be: {  	[spmem:s4] =	stream.indirect.scatter.add.f32 @!p1 [tilespmem:s28], [sflag:$0x3], $0x80, s26, s25, $0xb8;
	[tilespmem:$0x1F080] =	vst v63  }
0x1bf: {  	s28 =	sld [smem:$0x7E7];
	_ =	sdelay $0x2  }
0x1c0: {  	p1 =	seq.s32 s28, $0x1  }
0x1c1: {  	s25 =	simm.s32 @!p1 $0x3  }
0x1c2: {  	_ =	swait.ge @!p1 [sflag:s25], $0x4000  }
0x1c3: {  	s26 =	simm.s32 @!p1 $0x1100;
	[sflag:s25] =	ssyncset.done @!p1 $0x0  }
0x1c4: {  	s28 =	simm.s32 @!p1 $0x3800;
	[sflag:s25] =	ssyncadd.s32 @!p1 $0xFFFFC000;
	s25 =	simm.s32 @!p1 $0x80  }
0x1c5: {  	[tilespmem:s28], [sflag:$0x1] =	stream.indirect.gather @!p1 [hbm4b:s1+s25], $0x80, s26, s25, $0xb8;
	[tilespmem:$0x1F080] =	vst v63  }
0x1c6: {  	s26 =	simm.s32 @!p1 $0x2  }
0x1c7: {  	_ =	swait.ge @!p1 [sflag:s26], $0x4000  }
0x1c8: {  	[sflag:s26] =	ssyncset.done @!p1 $0x0;
	s29 =	sld [smem:$0x7F2]  }
0x1c9: {  	s28 =	simm.s32 @!p1 $0x7800;
	[sflag:s26] =	ssyncadd.s32 @!p1 $0xFFFFC000;
	s26 =	simm.s32 @!p1 $0x2880  }
0x1ca: {  	[spmem:s4] =	stream.indirect.scatter.add.f32 @!p1 [tilespmem:s28], [sflag:$0x4], $0x80, s26, s25, $0xb8;
	[tilespmem:$0x1F080] =	vst v63  }
0x1cb: {  	p1 =	seq.s32 s29, $0x1  }
0x1cc: {  	s25 =	simm.s32 @!p1 $0x4  }
0x1cd: {  	_ =	swait.ge @!p1 [sflag:s25], $0x4000  }
0x1ce: {  	s26 =	simm.s32 @!p1 $0x1180;
	[sflag:s25] =	ssyncset.done @!p1 $0x0  }
0x1cf: {  	s28 =	simm.s32 @!p1 $0x7800;
	[sflag:s25] =	ssyncadd.s32 @!p1 $0xFFFFC000;
	s25 =	simm.s32 @!p1 $0x80  }
0x1d0: {  	[tilespmem:s28], [sflag:$0x2] =	stream.indirect.gather @!p1 [hbm4b:s1+s25], $0x80, s26, s25, $0xb8;
	[tilespmem:$0x1F080] =	vst v63  }
0x1d1: {  	s26 =	simm.s32 @!p1 $0x1  }
0x1d2: {  	_ =	swait.ge @!p1 [sflag:s26], $0x4000  }
0x1d3: {  	[sflag:s26] =	ssyncset.done @!p1 $0x0;
	s30 =	sld [smem:$0x7F3]  }
0x1d4: {  	s28 =	simm.s32 @!p1 $0x3800;
	[sflag:s26] =	ssyncadd.s32 @!p1 $0xFFFFC000;
	s26 =	simm.s32 @!p1 $0x2900  }
0x1d5: {  	[spmem:s4] =	stream.indirect.scatter.add.f32 @!p1 [tilespmem:s28], [sflag:$0x3], $0x80, s26, s25, $0xb8;
	[tilespmem:$0x1F080] =	vst v63  }
0x1d6: {  	p1 =	seq.s32 s30, $0x1  }
0x1d7: {  	s25 =	simm.s32 @!p1 $0x3  }
0x1d8: {  	_ =	swait.ge @!p1 [sflag:s25], $0x4000  }
0x1d9: {  	s26 =	simm.s32 @!p1 $0x1200;
	[sflag:s25] =	ssyncset.done @!p1 $0x0  }
0x1da: {  	s28 =	simm.s32 @!p1 $0x3800;
	[sflag:s25] =	ssyncadd.s32 @!p1 $0xFFFFC000;
	s25 =	simm.s32 @!p1 $0x80  }
0x1db: {  	[tilespmem:s28], [sflag:$0x1] =	stream.indirect.gather @!p1 [hbm4b:s1+s25], $0x80, s26, s25, $0xb8;
	[tilespmem:$0x1F080] =	vst v63  }
0x1dc: {  	s26 =	simm.s32 @!p1 $0x2  }
0x1dd: {  	_ =	swait.ge @!p1 [sflag:s26], $0x4000  }
0x1de: {  	[sflag:s26] =	ssyncset.done @!p1 $0x0;
	s31 =	sld [smem:$0x7F4]  }
0x1df: {  	s28 =	simm.s32 @!p1 $0x7800;
	[sflag:s26] =	ssyncadd.s32 @!p1 $0xFFFFC000;
	s26 =	simm.s32 @!p1 $0x2980  }
0x1e0: {  	[spmem:s4] =	stream.indirect.scatter.add.f32 @!p1 [tilespmem:s28], [sflag:$0x4], $0x80, s26, s25, $0xb8;
	[tilespmem:$0x1F080] =	vst v63  }
0x1e1: {  	p1 =	seq.s32 s31, $0x1  }
0x1e2: {  	s25 =	simm.s32 @!p1 $0x4  }
0x1e3: {  	_ =	swait.ge @!p1 [sflag:s25], $0x4000  }
0x1e4: {  	s26 =	simm.s32 @!p1 $0x1280;
	[sflag:s25] =	ssyncset.done @!p1 $0x0  }
0x1e5: {  	s28 =	simm.s32 @!p1 $0x7800;
	[sflag:s25] =	ssyncadd.s32 @!p1 $0xFFFFC000;
	s25 =	simm.s32 @!p1 $0x80  }
0x1e6: {  	[tilespmem:s28], [sflag:$0x2] =	stream.indirect.gather @!p1 [hbm4b:s1+s25], $0x80, s26, s25, $0xb8;
	[tilespmem:$0x1F080] =	vst v63  }
0x1e7: {  	s26 =	simm.s32 @!p1 $0x1  }
0x1e8: {  	_ =	swait.ge @!p1 [sflag:s26], $0x4000  }
0x1e9: {  	[sflag:s26] =	ssyncset.done @!p1 $0x0  }
0x1ea: {  	s28 =	simm.s32 @!p1 $0x3800;
	[sflag:s26] =	ssyncadd.s32 @!p1 $0xFFFFC000;
	s26 =	simm.s32 @!p1 $0x2A00  }
0x1eb: {  	[spmem:s4] =	stream.indirect.scatter.add.f32 @!p1 [tilespmem:s28], [sflag:$0x3], $0x80, s26, s25, $0xb8;
	[tilespmem:$0x1F080] =	vst v63  }
0x1ec: {  	s26 =	sld [smem:$0x7F5];
	_ =	sdelay $0x2  }
0x1ed: {  	p1 =	seq.s32 s26, $0x1  }
0x1ee: {  	s25 =	simm.s32 @!p1 $0x3  }
0x1ef: {  	_ =	swait.ge @!p1 [sflag:s25], $0x4000  }
0x1f0: {  	s26 =	simm.s32 @!p1 $0x1300;
	[sflag:s25] =	ssyncset.done @!p1 $0x0  }
0x1f1: {  	s28 =	simm.s32 @!p1 $0x3800;
	[sflag:s25] =	ssyncadd.s32 @!p1 $0xFFFFC000;
	s25 =	simm.s32 @!p1 $0x80  }
0x1f2: {  	[tilespmem:s28], [sflag:$0x1] =	stream.indirect.gather @!p1 [hbm4b:s1+s25], $0x80, s26, s25, $0xb8;
	[tilespmem:$0x1F080] =	vst v63  }
0x1f3: {  	s26 =	simm.s32 @!p1 $0x2  }
0x1f4: {  	_ =	swait.ge @!p1 [sflag:s26], $0x4000  }
0x1f5: {  	[sflag:s26] =	ssyncset.done @!p1 $0x0  }
0x1f6: {  	s28 =	simm.s32 @!p1 $0x7800;
	[sflag:s26] =	ssyncadd.s32 @!p1 $0xFFFFC000;
	s26 =	simm.s32 @!p1 $0x2A80  }
0x1f7: {  	[spmem:s4] =	stream.indirect.scatter.add.f32 @!p1 [tilespmem:s28], [sflag:$0x4], $0x80, s26, s25, $0xb8;
	[tilespmem:$0x1F080] =	vst v63  }
0x1f8: {  	s28 =	sld [smem:$0x7F6];
	_ =	sdelay $0x2  }
0x1f9: {  	p1 =	seq.s32 s28, $0x1  }
0x1fa: {  	s25 =	simm.s32 @!p1 $0x4  }
0x1fb: {  	_ =	swait.ge @!p1 [sflag:s25], $0x4000  }
0x1fc: {  	s26 =	simm.s32 @!p1 $0x1380;
	[sflag:s25] =	ssyncset.done @!p1 $0x0  }
0x1fd: {  	s28 =	simm.s32 @!p1 $0x7800;
	[sflag:s25] =	ssyncadd.s32 @!p1 $0xFFFFC000;
	s25 =	simm.s32 @!p1 $0x80  }
0x1fe: {  	[tilespmem:s28], [sflag:$0x2] =	stream.indirect.gather @!p1 [hbm4b:s1+s25], $0x80, s26, s25, $0xb8;
	[tilespmem:$0x1F080] =	vst v63  }
0x1ff: {  	s26 =	simm.s32 @!p1 $0x1  }
0x200: {  	_ =	swait.ge @!p1 [sflag:s26], $0x4000  }
0x201: {  	[sflag:s26] =	ssyncset.done @!p1 $0x0;
	s29 =	sld [smem:$0x7F7]  }
0x202: {  	s28 =	simm.s32 @!p1 $0x3800;
	[sflag:s26] =	ssyncadd.s32 @!p1 $0xFFFFC000;
	s26 =	simm.s32 @!p1 $0x2B00  }
0x203: {  	[spmem:s4] =	stream.indirect.scatter.add.f32 @!p1 [tilespmem:s28], [sflag:$0x3], $0x80, s26, s25, $0xb8;
	[tilespmem:$0x1F080] =	vst v63  }
0x204: {  	p1 =	seq.s32 s29, $0x1  }
0x205: {  	s25 =	simm.s32 @!p1 $0x3  }
0x206: {  	_ =	swait.ge @!p1 [sflag:s25], $0x4000  }
0x207: {  	s26 =	simm.s32 @!p1 $0x1400;
	[sflag:s25] =	ssyncset.done @!p1 $0x0  }
0x208: {  	s28 =	simm.s32 @!p1 $0x3800;
	[sflag:s25] =	ssyncadd.s32 @!p1 $0xFFFFC000;
	s25 =	simm.s32 @!p1 $0x80  }
0x209: {  	[tilespmem:s28], [sflag:$0x1] =	stream.indirect.gather @!p1 [hbm4b:s1+s25], $0x80, s26, s25, $0xb8;
	[tilespmem:$0x1F080] =	vst v63  }
0x20a: {  	s26 =	simm.s32 @!p1 $0x2  }
0x20b: {  	_ =	swait.ge @!p1 [sflag:s26], $0x4000  }
0x20c: {  	[sflag:s26] =	ssyncset.done @!p1 $0x0;
	s30 =	sld [smem:$0x7F8]  }
0x20d: {  	s28 =	simm.s32 @!p1 $0x7800;
	[sflag:s26] =	ssyncadd.s32 @!p1 $0xFFFFC000;
	s26 =	simm.s32 @!p1 $0x2B80  }
0x20e: {  	[spmem:s4] =	stream.indirect.scatter.add.f32 @!p1 [tilespmem:s28], [sflag:$0x4], $0x80, s26, s25, $0xb8;
	[tilespmem:$0x1F080] =	vst v63  }
0x20f: {  	p1 =	seq.s32 s30, $0x1  }
0x210: {  	s25 =	simm.s32 @!p1 $0x4  }
0x211: {  	_ =	swait.ge @!p1 [sflag:s25], $0x4000  }
0x212: {  	s26 =	simm.s32 @!p1 $0x1480;
	[sflag:s25] =	ssyncset.done @!p1 $0x0  }
0x213: {  	s28 =	simm.s32 @!p1 $0x7800;
	[sflag:s25] =	ssyncadd.s32 @!p1 $0xFFFFC000;
	s25 =	simm.s32 @!p1 $0x80  }
0x214: {  	[tilespmem:s28], [sflag:$0x2] =	stream.indirect.gather @!p1 [hbm4b:s1+s25], $0x80, s26, s25, $0xb8;
	[tilespmem:$0x1F080] =	vst v63  }
0x215: {  	s26 =	simm.s32 @!p1 $0x1  }
0x216: {  	_ =	swait.ge @!p1 [sflag:s26], $0x4000  }
0x217: {  	[sflag:s26] =	ssyncset.done @!p1 $0x0;
	s31 =	sld [smem:$0x7F9]  }
0x218: {  	s28 =	simm.s32 @!p1 $0x3800;
	[sflag:s26] =	ssyncadd.s32 @!p1 $0xFFFFC000;
	s26 =	simm.s32 @!p1 $0x2C00  }
0x219: {  	[spmem:s4] =	stream.indirect.scatter.add.f32 @!p1 [tilespmem:s28], [sflag:$0x3], $0x80, s26, s25, $0xb8;
	[tilespmem:$0x1F080] =	vst v63  }
0x21a: {  	p1 =	seq.s32 s31, $0x1  }
0x21b: {  	s25 =	simm.s32 @!p1 $0x3  }
0x21c: {  	_ =	swait.ge @!p1 [sflag:s25], $0x4000  }
0x21d: {  	s26 =	simm.s32 @!p1 $0x1500;
	[sflag:s25] =	ssyncset.done @!p1 $0x0  }
0x21e: {  	s28 =	simm.s32 @!p1 $0x3800;
	[sflag:s25] =	ssyncadd.s32 @!p1 $0xFFFFC000;
	s25 =	simm.s32 @!p1 $0x80  }
0x21f: {  	[tilespmem:s28], [sflag:$0x1] =	stream.indirect.gather @!p1 [hbm4b:s1+s25], $0x80, s26, s25, $0xb8;
	[tilespmem:$0x1F080] =	vst v63  }
0x220: {  	s26 =	simm.s32 @!p1 $0x2  }
0x221: {  	_ =	swait.ge @!p1 [sflag:s26], $0x4000  }
0x222: {  	[sflag:s26] =	ssyncset.done @!p1 $0x0  }
0x223: {  	s28 =	simm.s32 @!p1 $0x7800;
	[sflag:s26] =	ssyncadd.s32 @!p1 $0xFFFFC000;
	s26 =	simm.s32 @!p1 $0x2C80  }
0x224: {  	[spmem:s4] =	stream.indirect.scatter.add.f32 @!p1 [tilespmem:s28], [sflag:$0x4], $0x80, s26, s25, $0xb8;
	[tilespmem:$0x1F080] =	vst v63  }
0x225: {  	s26 =	sld [smem:$0x7FA];
	_ =	sdelay $0x2  }
0x226: {  	p1 =	seq.s32 s26, $0x1  }
0x227: {  	s25 =	simm.s32 @!p1 $0x4  }
0x228: {  	_ =	swait.ge @!p1 [sflag:s25], $0x4000  }
0x229: {  	s26 =	simm.s32 @!p1 $0x1580;
	[sflag:s25] =	ssyncset.done @!p1 $0x0  }
0x22a: {  	s28 =	simm.s32 @!p1 $0x7800;
	[sflag:s25] =	ssyncadd.s32 @!p1 $0xFFFFC000;
	s25 =	simm.s32 @!p1 $0x80  }
0x22b: {  	[tilespmem:s28], [sflag:$0x2] =	stream.indirect.gather @!p1 [hbm4b:s1+s25], $0x80, s26, s25, $0xb8;
	[tilespmem:$0x1F080] =	vst v63  }
0x22c: {  	s26 =	simm.s32 @!p1 $0x1  }
0x22d: {  	_ =	swait.ge @!p1 [sflag:s26], $0x4000  }
0x22e: {  	[sflag:s26] =	ssyncset.done @!p1 $0x0  }
0x22f: {  	s28 =	simm.s32 @!p1 $0x3800;
	[sflag:s26] =	ssyncadd.s32 @!p1 $0xFFFFC000;
	s26 =	simm.s32 @!p1 $0x2D00  }
0x230: {  	[spmem:s4] =	stream.indirect.scatter.add.f32 @!p1 [tilespmem:s28], [sflag:$0x3], $0x80, s26, s25, $0xb8;
	[tilespmem:$0x1F080] =	vst v63  }
0x231: {  	s28 =	sld [smem:$0x7FB];
	_ =	sdelay $0x2  }
0x232: {  	p1 =	seq.s32 s28, $0x1  }
0x233: {  	s25 =	simm.s32 @!p1 $0x3  }
0x234: {  	_ =	swait.ge @!p1 [sflag:s25], $0x4000  }
0x235: {  	s26 =	simm.s32 @!p1 $0x1600;
	[sflag:s25] =	ssyncset.done @!p1 $0x0  }
0x236: {  	s28 =	simm.s32 @!p1 $0x3800;
	[sflag:s25] =	ssyncadd.s32 @!p1 $0xFFFFC000;
	s25 =	simm.s32 @!p1 $0x80  }
0x237: {  	[tilespmem:s28], [sflag:$0x1] =	stream.indirect.gather @!p1 [hbm4b:s1+s25], $0x80, s26, s25, $0xb8;
	[tilespmem:$0x1F080] =	vst v63  }
0x238: {  	s26 =	simm.s32 @!p1 $0x2  }
0x239: {  	_ =	swait.ge @!p1 [sflag:s26], $0x4000  }
0x23a: {  	[sflag:s26] =	ssyncset.done @!p1 $0x0;
	s29 =	sld [smem:$0x7FC]  }
0x23b: {  	s28 =	simm.s32 @!p1 $0x7800;
	[sflag:s26] =	ssyncadd.s32 @!p1 $0xFFFFC000;
	s26 =	simm.s32 @!p1 $0x2D80  }
0x23c: {  	[spmem:s4] =	stream.indirect.scatter.add.f32 @!p1 [tilespmem:s28], [sflag:$0x4], $0x80, s26, s25, $0xb8;
	[tilespmem:$0x1F080] =	vst v63  }
0x23d: {  	p1 =	seq.s32 s29, $0x1  }
0x23e: {  	s25 =	simm.s32 @!p1 $0x4  }
0x23f: {  	_ =	swait.ge @!p1 [sflag:s25], $0x4000  }
0x240: {  	s26 =	simm.s32 @!p1 $0x1680;
	[sflag:s25] =	ssyncset.done @!p1 $0x0  }
0x241: {  	s28 =	simm.s32 @!p1 $0x7800;
	[sflag:s25] =	ssyncadd.s32 @!p1 $0xFFFFC000;
	s25 =	simm.s32 @!p1 $0x80  }
0x242: {  	[tilespmem:s28], [sflag:$0x2] =	stream.indirect.gather @!p1 [hbm4b:s1+s25], $0x80, s26, s25, $0xb8;
	[tilespmem:$0x1F080] =	vst v63  }
0x243: {  	s26 =	simm.s32 @!p1 $0x1  }
0x244: {  	_ =	swait.ge @!p1 [sflag:s26], $0x4000  }
0x245: {  	[sflag:s26] =	ssyncset.done @!p1 $0x0;
	s30 =	sld [smem:$0x7FD]  }
0x246: {  	s28 =	simm.s32 @!p1 $0x3800;
	[sflag:s26] =	ssyncadd.s32 @!p1 $0xFFFFC000;
	s26 =	simm.s32 @!p1 $0x2E00  }
0x247: {  	[spmem:s4] =	stream.indirect.scatter.add.f32 @!p1 [tilespmem:s28], [sflag:$0x3], $0x80, s26, s25, $0xb8;
	[tilespmem:$0x1F080] =	vst v63  }
0x248: {  	p1 =	seq.s32 s30, $0x1  }
0x249: {  	s25 =	simm.s32 @!p1 $0x3  }
0x24a: {  	_ =	swait.ge @!p1 [sflag:s25], $0x4000  }
0x24b: {  	s26 =	simm.s32 @!p1 $0x1700;
	[sflag:s25] =	ssyncset.done @!p1 $0x0  }
0x24c: {  	s28 =	simm.s32 @!p1 $0x3800;
	[sflag:s25] =	ssyncadd.s32 @!p1 $0xFFFFC000;
	s25 =	simm.s32 @!p1 $0x80  }
0x24d: {  	[tilespmem:s28], [sflag:$0x1] =	stream.indirect.gather @!p1 [hbm4b:s1+s25], $0x80, s26, s25, $0xb8;
	[tilespmem:$0x1F080] =	vst v63  }
0x24e: {  	s26 =	simm.s32 @!p1 $0x2  }
0x24f: {  	_ =	swait.ge @!p1 [sflag:s26], $0x4000  }
0x250: {  	[sflag:s26] =	ssyncset.done @!p1 $0x0  }
0x251: {  	s28 =	simm.s32 @!p1 $0x7800;
	[sflag:s26] =	ssyncadd.s32 @!p1 $0xFFFFC000;
	s26 =	simm.s32 @!p1 $0x2E80  }
0x252: {  	[spmem:s4] =	stream.indirect.scatter.add.f32 @!p1 [tilespmem:s28], [sflag:$0x4], $0x80, s26, s25, $0xb8;
	[tilespmem:$0x1F080] =	vst v63  }
0x253: {  	s25 =	simm.s32 @!p2 $0x4  }
0x254: {  	_ =	swait.ge @!p2 [sflag:s25], $0x4000  }
0x255: {  	s26 =	simm.s32 @!p2 $0x1780;
	[sflag:s25] =	ssyncset.done @!p2 $0x0  }
0x256: {  	s28 =	simm.s32 @!p2 $0x7800;
	[sflag:s25] =	ssyncadd.s32 @!p2 $0xFFFFC000;
	s25 =	simm.s32 @!p2 $0x80  }
0x257: {  	[tilespmem:s28], [sflag:$0x2] =	stream.indirect.gather @!p2 [hbm4b:s1+s25], $0x80, s26, s25, $0xb8;
	[tilespmem:$0x1F080] =	vst v63  }
0x258: {  	s26 =	simm.s32 @!p2 $0x1  }
0x259: {  	_ =	swait.ge @!p2 [sflag:s26], $0x4000  }
0x25a: {  	[sflag:s26] =	ssyncset.done @!p2 $0x0  }
0x25b: {  	s28 =	simm.s32 @!p2 $0x3800;
	[sflag:s26] =	ssyncadd.s32 @!p2 $0xFFFFC000;
	s26 =	simm.s32 @!p2 $0x2F00  }
0x25c: {  	[spmem:s4] =	stream.indirect.scatter.add.f32 @!p2 [tilespmem:s28], [sflag:$0x3], $0x80, s26, s25, $0xb8;
	[tilespmem:$0x1F080] =	vst v63  }
0x25d: {  	s25 =	simm.s32 @!p4 $0x3  }
0x25e: {  	_ =	swait.ge @!p4 [sflag:s25], $0x4000  }
0x25f: {  	s26 =	simm.s32 @!p4 $0x1800;
	[sflag:s25] =	ssyncset.done @!p4 $0x0  }
0x260: {  	s28 =	simm.s32 @!p4 $0x3800;
	[sflag:s25] =	ssyncadd.s32 @!p4 $0xFFFFC000;
	s25 =	simm.s32 @!p4 $0x80  }
0x261: {  	[tilespmem:s28], [sflag:$0x1] =	stream.indirect.gather @!p4 [hbm4b:s1+s25], $0x80, s26, s25, $0xb8;
	[tilespmem:$0x1F080] =	vst v63  }
0x262: {  	s26 =	simm.s32 @!p4 $0x2  }
0x263: {  	_ =	swait.ge @!p4 [sflag:s26], $0x4000  }
0x264: {  	[sflag:s26] =	ssyncset.done @!p4 $0x0  }
0x265: {  	s28 =	simm.s32 @!p4 $0x7800;
	[sflag:s26] =	ssyncadd.s32 @!p4 $0xFFFFC000;
	s26 =	simm.s32 @!p4 $0x2F80  }
0x266: {  	[spmem:s4] =	stream.indirect.scatter.add.f32 @!p4 [tilespmem:s28], [sflag:$0x4], $0x80, s26, s25, $0xb8;
	[tilespmem:$0x1F080] =	vst v63  }
0x267: {  	_ =	swait.ge [sflag:s11], $0x800  }
0x268: {  	p5 =	seq.s32 s3, $0x1F;
	[sflag:s11] =	ssyncset.done $0x0  }
0x269: {  	s25 =	simm.s32 @!p5 $0x4;
	[sflag:s11] =	ssyncadd.s32 $0xFFFFF800  }
0x26a: {  	_ =	swait.ge @!p5 [sflag:s25], $0x4000  }
0x26b: {  	[sflag:s25] =	ssyncset.done @!p5 $0x0  }
0x26c: {  	p6 =	slt.u32 s6, $0xFFFFF66D;
	s31 =	rddreg [dreg:$0xc];
	[sflag:s25] =	ssyncadd.s32 @!p5 $0xFFFFC000  }
0x26d: {  	[tilespmem:s8], [sflag:$0x5] =	stream.linear.gather [hbm4b:s31+s5], $0x800, $0x38;
	[tilespmem:$0x1F080] =	vst v63  }
0x26e: {  	s29 =	simm.s32 @!p6 $0x7800;
	s26 =	simm.s32 @!p6 $0x80;
	s28 =	simm.s32 @!p6 $0x1880  }
0x26f: {  	[tilespmem:s29], [sflag:$0x2] =	stream.indirect.gather @!p6 [hbm4b:s1+s26], $0x80, s28, s26, $0xb8;
	[tilespmem:$0x1F080] =	vst v63  }
0x270: {  	s28 =	simm.s32 @!p6 $0x1  }
0x271: {  	_ =	swait.ge @!p6 [sflag:s28], $0x4000  }
0x272: {  	p1 =	slt.u32 @!p6 s6, $0xFFFFF66E;
	[sflag:s28] =	ssyncset.done @!p6 $0x0  }
0x273: {  	s29 =	simm.s32 @!p6 $0x3800;
	[sflag:s28] =	ssyncadd.s32 @!p6 $0xFFFFC000;
	s28 =	simm.s32 @!p6 $0x3000  }
0x274: {  	[spmem:s4] =	stream.indirect.scatter.add.f32 @!p6 [tilespmem:s29], [sflag:$0x3], $0x80, s28, s26, $0xb8;
	[tilespmem:$0x1F080] =	vst v63  }
0x275: {  	p6 =	por p1, p6  }
0x276: {  	s26 =	simm.s32 @!p6 $0x3  }
0x277: {  	_ =	swait.ge @!p6 [sflag:s26], $0x4000  }
0x278: {  	s28 =	simm.s32 @!p6 $0x1900;
	[sflag:s26] =	ssyncset.done @!p6 $0x0  }
0x279: {  	s29 =	simm.s32 @!p6 $0x3800;
	[sflag:s26] =	ssyncadd.s32 @!p6 $0xFFFFC000;
	s26 =	simm.s32 @!p6 $0x80  }
0x27a: {  	[tilespmem:s29], [sflag:$0x1] =	stream.indirect.gather @!p6 [hbm4b:s1+s26], $0x80, s28, s26, $0xb8;
	[tilespmem:$0x1F080] =	vst v63  }
0x27b: {  	s28 =	simm.s32 @!p6 $0x2  }
0x27c: {  	_ =	swait.ge @!p6 [sflag:s28], $0x4000  }
0x27d: {  	[sflag:s28] =	ssyncset.done @!p6 $0x0  }
0x27e: {  	s29 =	simm.s32 @!p6 $0x7800;
	[sflag:s28] =	ssyncadd.s32 @!p6 $0xFFFFC000;
	s28 =	simm.s32 @!p6 $0x3080  }
0x27f: {  	[spmem:s4] =	stream.indirect.scatter.add.f32 @!p6 [tilespmem:s29], [sflag:$0x4], $0x80, s28, s26, $0xb8;
	[tilespmem:$0x1F080] =	vst v63  }
0x280: {  	p6 =	slt.u32 s6, $0xFFFFF66F  }
0x281: {  	s26 =	simm.s32 @!p6 $0x4  }
0x282: {  	_ =	swait.ge @!p6 [sflag:s26], $0x4000  }
0x283: {  	s28 =	simm.s32 @!p6 $0x1980;
	[sflag:s26] =	ssyncset.done @!p6 $0x0  }
0x284: {  	s29 =	simm.s32 @!p6 $0x7800;
	[sflag:s26] =	ssyncadd.s32 @!p6 $0xFFFFC000;
	s26 =	simm.s32 @!p6 $0x80  }
0x285: {  	[tilespmem:s29], [sflag:$0x2] =	stream.indirect.gather @!p6 [hbm4b:s1+s26], $0x80, s28, s26, $0xb8;
	[tilespmem:$0x1F080] =	vst v63  }
0x286: {  	s28 =	simm.s32 @!p6 $0x1  }
0x287: {  	_ =	swait.ge @!p6 [sflag:s28], $0x4000  }
0x288: {  	[sflag:s28] =	ssyncset.done @!p6 $0x0  }
0x289: {  	s29 =	simm.s32 @!p6 $0x3800;
	[sflag:s28] =	ssyncadd.s32 @!p6 $0xFFFFC000;
	s28 =	simm.s32 @!p6 $0x3100  }
0x28a: {  	[spmem:s4] =	stream.indirect.scatter.add.f32 @!p6 [tilespmem:s29], [sflag:$0x3], $0x80, s28, s26, $0xb8;
	[tilespmem:$0x1F080] =	vst v63  }
0x28b: {  	p6 =	slt.u32 s6, $0xFFFFF670  }
0x28c: {  	s26 =	simm.s32 @!p6 $0x3  }
0x28d: {  	_ =	swait.ge @!p6 [sflag:s26], $0x4000  }
0x28e: {  	s28 =	simm.s32 @!p6 $0x1A00;
	[sflag:s26] =	ssyncset.done @!p6 $0x0  }
0x28f: {  	s29 =	simm.s32 @!p6 $0x3800;
	[sflag:s26] =	ssyncadd.s32 @!p6 $0xFFFFC000;
	s26 =	simm.s32 @!p6 $0x80  }
0x290: {  	[tilespmem:s29], [sflag:$0x1] =	stream.indirect.gather @!p6 [hbm4b:s1+s26], $0x80, s28, s26, $0xb8;
	[tilespmem:$0x1F080] =	vst v63  }
0x291: {  	s28 =	simm.s32 @!p6 $0x2  }
0x292: {  	_ =	swait.ge @!p6 [sflag:s28], $0x4000  }
0x293: {  	[sflag:s28] =	ssyncset.done @!p6 $0x0  }
0x294: {  	s29 =	simm.s32 @!p6 $0x7800;
	[sflag:s28] =	ssyncadd.s32 @!p6 $0xFFFFC000;
	s28 =	simm.s32 @!p6 $0x3180  }
0x295: {  	[spmem:s4] =	stream.indirect.scatter.add.f32 @!p6 [tilespmem:s29], [sflag:$0x4], $0x80, s28, s26, $0xb8;
	[tilespmem:$0x1F080] =	vst v63  }
0x296: {  	p6 =	slt.u32 s6, $0xFFFFF671  }
0x297: {  	s26 =	simm.s32 @!p6 $0x4  }
0x298: {  	_ =	swait.ge @!p6 [sflag:s26], $0x4000  }
0x299: {  	s28 =	simm.s32 @!p6 $0x1A80;
	[sflag:s26] =	ssyncset.done @!p6 $0x0  }
0x29a: {  	s29 =	simm.s32 @!p6 $0x7800;
	[sflag:s26] =	ssyncadd.s32 @!p6 $0xFFFFC000;
	s26 =	simm.s32 @!p6 $0x80  }
0x29b: {  	[tilespmem:s29], [sflag:$0x2] =	stream.indirect.gather @!p6 [hbm4b:s1+s26], $0x80, s28, s26, $0xb8;
	[tilespmem:$0x1F080] =	vst v63  }
0x29c: {  	s28 =	simm.s32 @!p6 $0x1  }
0x29d: {  	_ =	swait.ge @!p6 [sflag:s28], $0x4000  }
0x29e: {  	[sflag:s28] =	ssyncset.done @!p6 $0x0  }
0x29f: {  	s29 =	simm.s32 @!p6 $0x3800;
	[sflag:s28] =	ssyncadd.s32 @!p6 $0xFFFFC000;
	s28 =	simm.s32 @!p6 $0x3200  }
0x2a0: {  	[spmem:s4] =	stream.indirect.scatter.add.f32 @!p6 [tilespmem:s29], [sflag:$0x3], $0x80, s28, s26, $0xb8;
	[tilespmem:$0x1F080] =	vst v63  }
0x2a1: {  	p6 =	slt.u32 s6, $0xFFFFF672  }
0x2a2: {  	s26 =	simm.s32 @!p6 $0x3  }
0x2a3: {  	_ =	swait.ge @!p6 [sflag:s26], $0x4000  }
0x2a4: {  	s28 =	simm.s32 @!p6 $0x1B00;
	[sflag:s26] =	ssyncset.done @!p6 $0x0  }
0x2a5: {  	s29 =	simm.s32 @!p6 $0x3800;
	[sflag:s26] =	ssyncadd.s32 @!p6 $0xFFFFC000;
	s26 =	simm.s32 @!p6 $0x80  }
0x2a6: {  	[tilespmem:s29], [sflag:$0x1] =	stream.indirect.gather @!p6 [hbm4b:s1+s26], $0x80, s28, s26, $0xb8;
	[tilespmem:$0x1F080] =	vst v63  }
0x2a7: {  	s28 =	simm.s32 @!p6 $0x2  }
0x2a8: {  	_ =	swait.ge @!p6 [sflag:s28], $0x4000  }
0x2a9: {  	[sflag:s28] =	ssyncset.done @!p6 $0x0  }
0x2aa: {  	s29 =	simm.s32 @!p6 $0x7800;
	[sflag:s28] =	ssyncadd.s32 @!p6 $0xFFFFC000;
	s28 =	simm.s32 @!p6 $0x3280  }
0x2ab: {  	[spmem:s4] =	stream.indirect.scatter.add.f32 @!p6 [tilespmem:s29], [sflag:$0x4], $0x80, s28, s26, $0xb8;
	[tilespmem:$0x1F080] =	vst v63  }
0x2ac: {  	p6 =	slt.u32 s6, $0xFFFFF673  }
0x2ad: {  	s26 =	simm.s32 @!p6 $0x4  }
0x2ae: {  	_ =	swait.ge @!p6 [sflag:s26], $0x4000  }
0x2af: {  	s28 =	simm.s32 @!p6 $0x1B80;
	[sflag:s26] =	ssyncset.done @!p6 $0x0  }
0x2b0: {  	s29 =	simm.s32 @!p6 $0x7800;
	[sflag:s26] =	ssyncadd.s32 @!p6 $0xFFFFC000;
	s26 =	simm.s32 @!p6 $0x80  }
0x2b1: {  	[tilespmem:s29], [sflag:$0x2] =	stream.indirect.gather @!p6 [hbm4b:s1+s26], $0x80, s28, s26, $0xb8;
	[tilespmem:$0x1F080] =	vst v63  }
0x2b2: {  	s28 =	simm.s32 @!p6 $0x1  }
0x2b3: {  	_ =	swait.ge @!p6 [sflag:s28], $0x4000  }
0x2b4: {  	[sflag:s28] =	ssyncset.done @!p6 $0x0  }
0x2b5: {  	s29 =	simm.s32 @!p6 $0x3800;
	[sflag:s28] =	ssyncadd.s32 @!p6 $0xFFFFC000;
	s28 =	simm.s32 @!p6 $0x3300  }
0x2b6: {  	[spmem:s4] =	stream.indirect.scatter.add.f32 @!p6 [tilespmem:s29], [sflag:$0x3], $0x80, s28, s26, $0xb8;
	[tilespmem:$0x1F080] =	vst v63  }
0x2b7: {  	p6 =	slt.u32 s6, $0xFFFFF674  }
0x2b8: {  	s26 =	simm.s32 @!p6 $0x3  }
0x2b9: {  	_ =	swait.ge @!p6 [sflag:s26], $0x4000  }
0x2ba: {  	s28 =	simm.s32 @!p6 $0x1C00;
	[sflag:s26] =	ssyncset.done @!p6 $0x0  }
0x2bb: {  	s29 =	simm.s32 @!p6 $0x3800;
	[sflag:s26] =	ssyncadd.s32 @!p6 $0xFFFFC000;
	s26 =	simm.s32 @!p6 $0x80  }
0x2bc: {  	[tilespmem:s29], [sflag:$0x1] =	stream.indirect.gather @!p6 [hbm4b:s1+s26], $0x80, s28, s26, $0xb8;
	[tilespmem:$0x1F080] =	vst v63  }
0x2bd: {  	s28 =	simm.s32 @!p6 $0x2  }
0x2be: {  	_ =	swait.ge @!p6 [sflag:s28], $0x4000  }
0x2bf: {  	[sflag:s28] =	ssyncset.done @!p6 $0x0  }
0x2c0: {  	s29 =	simm.s32 @!p6 $0x7800;
	[sflag:s28] =	ssyncadd.s32 @!p6 $0xFFFFC000;
	s28 =	simm.s32 @!p6 $0x3380  }
0x2c1: {  	[spmem:s4] =	stream.indirect.scatter.add.f32 @!p6 [tilespmem:s29], [sflag:$0x4], $0x80, s28, s26, $0xb8;
	[tilespmem:$0x1F080] =	vst v63  }
0x2c2: {  	p6 =	slt.u32 s6, $0xFFFFF675  }
0x2c3: {  	s26 =	simm.s32 @!p6 $0x4  }
0x2c4: {  	_ =	swait.ge @!p6 [sflag:s26], $0x4000  }
0x2c5: {  	s28 =	simm.s32 @!p6 $0x1C80;
	[sflag:s26] =	ssyncset.done @!p6 $0x0  }
0x2c6: {  	s29 =	simm.s32 @!p6 $0x7800;
	[sflag:s26] =	ssyncadd.s32 @!p6 $0xFFFFC000;
	s26 =	simm.s32 @!p6 $0x80  }
0x2c7: {  	[tilespmem:s29], [sflag:$0x2] =	stream.indirect.gather @!p6 [hbm4b:s1+s26], $0x80, s28, s26, $0xb8;
	[tilespmem:$0x1F080] =	vst v63  }
0x2c8: {  	s28 =	simm.s32 @!p6 $0x1  }
0x2c9: {  	_ =	swait.ge @!p6 [sflag:s28], $0x4000  }
0x2ca: {  	[sflag:s28] =	ssyncset.done @!p6 $0x0  }
0x2cb: {  	s29 =	simm.s32 @!p6 $0x3800;
	[sflag:s28] =	ssyncadd.s32 @!p6 $0xFFFFC000;
	s28 =	simm.s32 @!p6 $0x3400  }
0x2cc: {  	[spmem:s4] =	stream.indirect.scatter.add.f32 @!p6 [tilespmem:s29], [sflag:$0x3], $0x80, s28, s26, $0xb8;
	[tilespmem:$0x1F080] =	vst v63  }
0x2cd: {  	p6 =	slt.u32 s6, $0xFFFFF676  }
0x2ce: {  	s26 =	simm.s32 @!p6 $0x3  }
0x2cf: {  	_ =	swait.ge @!p6 [sflag:s26], $0x4000  }
0x2d0: {  	s28 =	simm.s32 @!p6 $0x1D00;
	[sflag:s26] =	ssyncset.done @!p6 $0x0  }
0x2d1: {  	s29 =	simm.s32 @!p6 $0x3800;
	[sflag:s26] =	ssyncadd.s32 @!p6 $0xFFFFC000;
	s26 =	simm.s32 @!p6 $0x80  }
0x2d2: {  	[tilespmem:s29], [sflag:$0x1] =	stream.indirect.gather @!p6 [hbm4b:s1+s26], $0x80, s28, s26, $0xb8;
	[tilespmem:$0x1F080] =	vst v63  }
0x2d3: {  	s28 =	simm.s32 @!p6 $0x2  }
0x2d4: {  	_ =	swait.ge @!p6 [sflag:s28], $0x4000  }
0x2d5: {  	[sflag:s28] =	ssyncset.done @!p6 $0x0  }
0x2d6: {  	s29 =	simm.s32 @!p6 $0x7800;
	[sflag:s28] =	ssyncadd.s32 @!p6 $0xFFFFC000;
	s28 =	simm.s32 @!p6 $0x3480  }
0x2d7: {  	[spmem:s4] =	stream.indirect.scatter.add.f32 @!p6 [tilespmem:s29], [sflag:$0x4], $0x80, s28, s26, $0xb8;
	[tilespmem:$0x1F080] =	vst v63  }
0x2d8: {  	p6 =	slt.u32 s6, $0xFFFFF677  }
0x2d9: {  	s26 =	simm.s32 @!p6 $0x4  }
0x2da: {  	_ =	swait.ge @!p6 [sflag:s26], $0x4000  }
0x2db: {  	s28 =	simm.s32 @!p6 $0x1D80;
	[sflag:s26] =	ssyncset.done @!p6 $0x0  }
0x2dc: {  	s29 =	simm.s32 @!p6 $0x7800;
	[sflag:s26] =	ssyncadd.s32 @!p6 $0xFFFFC000;
	s26 =	simm.s32 @!p6 $0x80  }
0x2dd: {  	[tilespmem:s29], [sflag:$0x2] =	stream.indirect.gather @!p6 [hbm4b:s1+s26], $0x80, s28, s26, $0xb8;
	[tilespmem:$0x1F080] =	vst v63  }
0x2de: {  	s28 =	simm.s32 @!p6 $0x1  }
0x2df: {  	_ =	swait.ge @!p6 [sflag:s28], $0x4000  }
0x2e0: {  	[sflag:s28] =	ssyncset.done @!p6 $0x0  }
0x2e1: {  	s29 =	simm.s32 @!p6 $0x3800;
	[sflag:s28] =	ssyncadd.s32 @!p6 $0xFFFFC000;
	s28 =	simm.s32 @!p6 $0x3500  }
0x2e2: {  	[spmem:s4] =	stream.indirect.scatter.add.f32 @!p6 [tilespmem:s29], [sflag:$0x3], $0x80, s28, s26, $0xb8;
	[tilespmem:$0x1F080] =	vst v63  }
0x2e3: {  	p6 =	slt.u32 s6, $0xFFFFF678  }
0x2e4: {  	s26 =	simm.s32 @!p6 $0x3  }
0x2e5: {  	_ =	swait.ge @!p6 [sflag:s26], $0x4000  }
0x2e6: {  	s28 =	simm.s32 @!p6 $0x1E00;
	[sflag:s26] =	ssyncset.done @!p6 $0x0  }
0x2e7: {  	s29 =	simm.s32 @!p6 $0x3800;
	[sflag:s26] =	ssyncadd.s32 @!p6 $0xFFFFC000;
	s26 =	simm.s32 @!p6 $0x80  }
0x2e8: {  	[tilespmem:s29], [sflag:$0x1] =	stream.indirect.gather @!p6 [hbm4b:s1+s26], $0x80, s28, s26, $0xb8;
	[tilespmem:$0x1F080] =	vst v63  }
0x2e9: {  	s28 =	simm.s32 @!p6 $0x2  }
0x2ea: {  	_ =	swait.ge @!p6 [sflag:s28], $0x4000  }
0x2eb: {  	[sflag:s28] =	ssyncset.done @!p6 $0x0  }
0x2ec: {  	s29 =	simm.s32 @!p6 $0x7800;
	[sflag:s28] =	ssyncadd.s32 @!p6 $0xFFFFC000;
	s28 =	simm.s32 @!p6 $0x3580  }
0x2ed: {  	[spmem:s4] =	stream.indirect.scatter.add.f32 @!p6 [tilespmem:s29], [sflag:$0x4], $0x80, s28, s26, $0xb8;
	[tilespmem:$0x1F080] =	vst v63  }
0x2ee: {  	p6 =	slt.u32 s6, $0xFFFFF679  }
0x2ef: {  	s26 =	simm.s32 @!p6 $0x4  }
0x2f0: {  	_ =	swait.ge @!p6 [sflag:s26], $0x4000  }
0x2f1: {  	s28 =	simm.s32 @!p6 $0x1E80;
	[sflag:s26] =	ssyncset.done @!p6 $0x0  }
0x2f2: {  	s29 =	simm.s32 @!p6 $0x7800;
	[sflag:s26] =	ssyncadd.s32 @!p6 $0xFFFFC000;
	s26 =	simm.s32 @!p6 $0x80  }
0x2f3: {  	[tilespmem:s29], [sflag:$0x2] =	stream.indirect.gather @!p6 [hbm4b:s1+s26], $0x80, s28, s26, $0xb8;
	[tilespmem:$0x1F080] =	vst v63  }
0x2f4: {  	s28 =	simm.s32 @!p6 $0x1  }
0x2f5: {  	_ =	swait.ge @!p6 [sflag:s28], $0x4000  }
0x2f6: {  	[sflag:s28] =	ssyncset.done @!p6 $0x0  }
0x2f7: {  	s29 =	simm.s32 @!p6 $0x3800;
	[sflag:s28] =	ssyncadd.s32 @!p6 $0xFFFFC000;
	s28 =	simm.s32 @!p6 $0x3600  }
0x2f8: {  	[spmem:s4] =	stream.indirect.scatter.add.f32 @!p6 [tilespmem:s29], [sflag:$0x3], $0x80, s28, s26, $0xb8;
	[tilespmem:$0x1F080] =	vst v63  }
0x2f9: {  	p6 =	slt.u32 s6, $0xFFFFF67A  }
0x2fa: {  	s26 =	simm.s32 @!p6 $0x3  }
0x2fb: {  	_ =	swait.ge @!p6 [sflag:s26], $0x4000  }
0x2fc: {  	s28 =	simm.s32 @!p6 $0x1F00;
	[sflag:s26] =	ssyncset.done @!p6 $0x0  }
0x2fd: {  	s29 =	simm.s32 @!p6 $0x3800;
	[sflag:s26] =	ssyncadd.s32 @!p6 $0xFFFFC000;
	s26 =	simm.s32 @!p6 $0x80  }
0x2fe: {  	[tilespmem:s29], [sflag:$0x1] =	stream.indirect.gather @!p6 [hbm4b:s1+s26], $0x80, s28, s26, $0xb8;
	[tilespmem:$0x1F080] =	vst v63  }
0x2ff: {  	s28 =	simm.s32 @!p6 $0x2  }
0x300: {  	_ =	swait.ge @!p6 [sflag:s28], $0x4000  }
0x301: {  	[sflag:s28] =	ssyncset.done @!p6 $0x0  }
0x302: {  	s29 =	simm.s32 @!p6 $0x7800;
	[sflag:s28] =	ssyncadd.s32 @!p6 $0xFFFFC000;
	s28 =	simm.s32 @!p6 $0x3680  }
0x303: {  	[spmem:s4] =	stream.indirect.scatter.add.f32 @!p6 [tilespmem:s29], [sflag:$0x4], $0x80, s28, s26, $0xb8;
	[tilespmem:$0x1F080] =	vst v63  }
0x304: {  	p6 =	slt.u32 s6, $0xFFFFF67B  }
0x305: {  	s26 =	simm.s32 @!p6 $0x4  }
0x306: {  	_ =	swait.ge @!p6 [sflag:s26], $0x4000  }
0x307: {  	s28 =	simm.s32 @!p6 $0x1F80;
	[sflag:s26] =	ssyncset.done @!p6 $0x0  }
0x308: {  	s29 =	simm.s32 @!p6 $0x7800;
	[sflag:s26] =	ssyncadd.s32 @!p6 $0xFFFFC000;
	s26 =	simm.s32 @!p6 $0x80  }
0x309: {  	[tilespmem:s29], [sflag:$0x2] =	stream.indirect.gather @!p6 [hbm4b:s1+s26], $0x80, s28, s26, $0xb8;
	[tilespmem:$0x1F080] =	vst v63  }
0x30a: {  	s28 =	simm.s32 @!p6 $0x1  }
0x30b: {  	_ =	swait.ge @!p6 [sflag:s28], $0x4000  }
0x30c: {  	[sflag:s28] =	ssyncset.done @!p6 $0x0  }
0x30d: {  	s29 =	simm.s32 @!p6 $0x3800;
	[sflag:s28] =	ssyncadd.s32 @!p6 $0xFFFFC000;
	s28 =	simm.s32 @!p6 $0x3700  }
0x30e: {  	[spmem:s4] =	stream.indirect.scatter.add.f32 @!p6 [tilespmem:s29], [sflag:$0x3], $0x80, s28, s26, $0xb8;
	[tilespmem:$0x1F080] =	vst v63  }
0x30f: {  	p6 =	slt.u32 s6, $0xFFFFF67C  }
0x310: {  	s26 =	simm.s32 @!p6 $0x3  }
0x311: {  	_ =	swait.ge @!p6 [sflag:s26], $0x4000  }
0x312: {  	s28 =	simm.s32 @!p6 $0x2000;
	[sflag:s26] =	ssyncset.done @!p6 $0x0  }
0x313: {  	s29 =	simm.s32 @!p6 $0x3800;
	[sflag:s26] =	ssyncadd.s32 @!p6 $0xFFFFC000;
	s26 =	simm.s32 @!p6 $0x80  }
0x314: {  	[tilespmem:s29], [sflag:$0x1] =	stream.indirect.gather @!p6 [hbm4b:s1+s26], $0x80, s28, s26, $0xb8;
	[tilespmem:$0x1F080] =	vst v63  }
0x315: {  	s28 =	simm.s32 @!p6 $0x2  }
0x316: {  	_ =	swait.ge @!p6 [sflag:s28], $0x4000  }
0x317: {  	[sflag:s28] =	ssyncset.done @!p6 $0x0  }
0x318: {  	s29 =	simm.s32 @!p6 $0x7800;
	[sflag:s28] =	ssyncadd.s32 @!p6 $0xFFFFC000;
	s28 =	simm.s32 @!p6 $0x3780  }
0x319: {  	[spmem:s4] =	stream.indirect.scatter.add.f32 @!p6 [tilespmem:s29], [sflag:$0x4], $0x80, s28, s26, $0xb8;
	[tilespmem:$0x1F080] =	vst v63  }
0x31a: {  	_ =	swait.ge [sflag:s11], $0x800  }
0x31b: {  	[sflag:s11] =	ssyncset.done $0x0  }
0x31c: {  	[sflag:s11] =	ssyncadd.s32 $0xFFFFF800  }
0x31d: {  	p1 =	slt.u32 s6, $0xFFFFF67D;
	_ =	swait.ge @!p5 [sflag:s25], $0x4000  }
0x31e: {  	s26 =	simm.s32 @!p1 $0x80;
	[sflag:s25] =	ssyncset.done @!p5 $0x0  }
0x31f: {  	s28 =	simm.s32 @!p1 $0x2080;
	s29 =	simm.s32 @!p1 $0x7800;
	[sflag:s25] =	ssyncadd.s32 @!p5 $0xFFFFC000  }
0x320: {  	[tilespmem:s29], [sflag:$0x2] =	stream.indirect.gather @!p1 [hbm4b:s1+s26], $0x80, s28, s26, $0xb8;
	[tilespmem:$0x1F080] =	vst v63  }
0x321: {  	s28 =	simm.s32 @!p1 $0x1  }
0x322: {  	p6 =	slt.u32 @!p1 s6, $0xFFFFF67E;
	_ =	swait.ge @!p1 [sflag:s28], $0x4000  }
0x323: {  	p6 =	por p6, p1;
	[sflag:s28] =	ssyncset.done @!p1 $0x0  }
0x324: {  	s29 =	simm.s32 @!p1 $0x3800;
	[sflag:s28] =	ssyncadd.s32 @!p1 $0xFFFFC000;
	s28 =	simm.s32 @!p1 $0x2800  }
0x325: {  	[spmem:s4] =	stream.indirect.scatter.add.f32 @!p1 [tilespmem:s29], [sflag:$0x3], $0x80, s28, s26, $0xb8;
	[tilespmem:$0x1F080] =	vst v63  }
0x326: {  	s26 =	simm.s32 @!p6 $0x3  }
0x327: {  	_ =	swait.ge @!p6 [sflag:s26], $0x4000  }
0x328: {  	s28 =	simm.s32 @!p6 $0x2100;
	[sflag:s26] =	ssyncset.done @!p6 $0x0  }
0x329: {  	s29 =	simm.s32 @!p6 $0x3800;
	[sflag:s26] =	ssyncadd.s32 @!p6 $0xFFFFC000;
	s26 =	simm.s32 @!p6 $0x80  }
0x32a: {  	[tilespmem:s29], [sflag:$0x1] =	stream.indirect.gather @!p6 [hbm4b:s1+s26], $0x80, s28, s26, $0xb8;
	[tilespmem:$0x1F080] =	vst v63  }
0x32b: {  	s28 =	simm.s32 @!p6 $0x2  }
0x32c: {  	_ =	swait.ge @!p6 [sflag:s28], $0x4000  }
0x32d: {  	[sflag:s28] =	ssyncset.done @!p6 $0x0  }
0x32e: {  	s29 =	simm.s32 @!p6 $0x7800;
	[sflag:s28] =	ssyncadd.s32 @!p6 $0xFFFFC000;
	s28 =	simm.s32 @!p6 $0x2880  }
0x32f: {  	[spmem:s4] =	stream.indirect.scatter.add.f32 @!p6 [tilespmem:s29], [sflag:$0x4], $0x80, s28, s26, $0xb8;
	[tilespmem:$0x1F080] =	vst v63  }
0x330: {  	p6 =	slt.u32 s6, $0xFFFFF67F  }
0x331: {  	s26 =	simm.s32 @!p6 $0x4  }
0x332: {  	_ =	swait.ge @!p6 [sflag:s26], $0x4000  }
0x333: {  	s28 =	simm.s32 @!p6 $0x2180;
	[sflag:s26] =	ssyncset.done @!p6 $0x0  }
0x334: {  	s29 =	simm.s32 @!p6 $0x7800;
	[sflag:s26] =	ssyncadd.s32 @!p6 $0xFFFFC000;
	s26 =	simm.s32 @!p6 $0x80  }
0x335: {  	[tilespmem:s29], [sflag:$0x2] =	stream.indirect.gather @!p6 [hbm4b:s1+s26], $0x80, s28, s26, $0xb8;
	[tilespmem:$0x1F080] =	vst v63  }
0x336: {  	s28 =	simm.s32 @!p6 $0x1  }
0x337: {  	_ =	swait.ge @!p6 [sflag:s28], $0x4000  }
0x338: {  	[sflag:s28] =	ssyncset.done @!p6 $0x0  }
0x339: {  	s29 =	simm.s32 @!p6 $0x3800;
	[sflag:s28] =	ssyncadd.s32 @!p6 $0xFFFFC000;
	s28 =	simm.s32 @!p6 $0x2900  }
0x33a: {  	[spmem:s4] =	stream.indirect.scatter.add.f32 @!p6 [tilespmem:s29], [sflag:$0x3], $0x80, s28, s26, $0xb8;
	[tilespmem:$0x1F080] =	vst v63  }
0x33b: {  	p6 =	slt.u32 s6, $0xFFFFF680  }
0x33c: {  	s26 =	simm.s32 @!p6 $0x3  }
0x33d: {  	_ =	swait.ge @!p6 [sflag:s26], $0x4000  }
0x33e: {  	s28 =	simm.s32 @!p6 $0x2200;
	[sflag:s26] =	ssyncset.done @!p6 $0x0  }
0x33f: {  	s29 =	simm.s32 @!p6 $0x3800;
	[sflag:s26] =	ssyncadd.s32 @!p6 $0xFFFFC000;
	s26 =	simm.s32 @!p6 $0x80  }
0x340: {  	[tilespmem:s29], [sflag:$0x1] =	stream.indirect.gather @!p6 [hbm4b:s1+s26], $0x80, s28, s26, $0xb8;
	[tilespmem:$0x1F080] =	vst v63  }
0x341: {  	s28 =	simm.s32 @!p6 $0x2  }
0x342: {  	_ =	swait.ge @!p6 [sflag:s28], $0x4000  }
0x343: {  	[sflag:s28] =	ssyncset.done @!p6 $0x0  }
0x344: {  	s29 =	simm.s32 @!p6 $0x7800;
	[sflag:s28] =	ssyncadd.s32 @!p6 $0xFFFFC000;
	s28 =	simm.s32 @!p6 $0x2980  }
0x345: {  	[spmem:s4] =	stream.indirect.scatter.add.f32 @!p6 [tilespmem:s29], [sflag:$0x4], $0x80, s28, s26, $0xb8;
	[tilespmem:$0x1F080] =	vst v63  }
0x346: {  	p6 =	slt.u32 s6, $0xFFFFF681  }
0x347: {  	s26 =	simm.s32 @!p6 $0x4  }
0x348: {  	_ =	swait.ge @!p6 [sflag:s26], $0x4000  }
0x349: {  	s28 =	simm.s32 @!p6 $0x2280;
	[sflag:s26] =	ssyncset.done @!p6 $0x0  }
0x34a: {  	s29 =	simm.s32 @!p6 $0x7800;
	[sflag:s26] =	ssyncadd.s32 @!p6 $0xFFFFC000;
	s26 =	simm.s32 @!p6 $0x80  }
0x34b: {  	[tilespmem:s29], [sflag:$0x2] =	stream.indirect.gather @!p6 [hbm4b:s1+s26], $0x80, s28, s26, $0xb8;
	[tilespmem:$0x1F080] =	vst v63  }
0x34c: {  	s28 =	simm.s32 @!p6 $0x1  }
0x34d: {  	_ =	swait.ge @!p6 [sflag:s28], $0x4000  }
0x34e: {  	[sflag:s28] =	ssyncset.done @!p6 $0x0  }
0x34f: {  	s29 =	simm.s32 @!p6 $0x3800;
	[sflag:s28] =	ssyncadd.s32 @!p6 $0xFFFFC000;
	s28 =	simm.s32 @!p6 $0x2A00  }
0x350: {  	[spmem:s4] =	stream.indirect.scatter.add.f32 @!p6 [tilespmem:s29], [sflag:$0x3], $0x80, s28, s26, $0xb8;
	[tilespmem:$0x1F080] =	vst v63  }
0x351: {  	p6 =	slt.u32 s6, $0xFFFFF682  }
0x352: {  	s26 =	simm.s32 @!p6 $0x3  }
0x353: {  	_ =	swait.ge @!p6 [sflag:s26], $0x4000  }
0x354: {  	s28 =	simm.s32 @!p6 $0x2300;
	[sflag:s26] =	ssyncset.done @!p6 $0x0  }
0x355: {  	s29 =	simm.s32 @!p6 $0x3800;
	[sflag:s26] =	ssyncadd.s32 @!p6 $0xFFFFC000;
	s26 =	simm.s32 @!p6 $0x80  }
0x356: {  	[tilespmem:s29], [sflag:$0x1] =	stream.indirect.gather @!p6 [hbm4b:s1+s26], $0x80, s28, s26, $0xb8;
	[tilespmem:$0x1F080] =	vst v63  }
0x357: {  	s28 =	simm.s32 @!p6 $0x2  }
0x358: {  	_ =	swait.ge @!p6 [sflag:s28], $0x4000  }
0x359: {  	[sflag:s28] =	ssyncset.done @!p6 $0x0  }
0x35a: {  	s29 =	simm.s32 @!p6 $0x7800;
	[sflag:s28] =	ssyncadd.s32 @!p6 $0xFFFFC000;
	s28 =	simm.s32 @!p6 $0x2A80  }
0x35b: {  	[spmem:s4] =	stream.indirect.scatter.add.f32 @!p6 [tilespmem:s29], [sflag:$0x4], $0x80, s28, s26, $0xb8;
	[tilespmem:$0x1F080] =	vst v63  }
0x35c: {  	p6 =	slt.u32 s6, $0xFFFFF683  }
0x35d: {  	s26 =	simm.s32 @!p6 $0x4  }
0x35e: {  	_ =	swait.ge @!p6 [sflag:s26], $0x4000  }
0x35f: {  	s28 =	simm.s32 @!p6 $0x2380;
	[sflag:s26] =	ssyncset.done @!p6 $0x0  }
0x360: {  	s29 =	simm.s32 @!p6 $0x7800;
	[sflag:s26] =	ssyncadd.s32 @!p6 $0xFFFFC000;
	s26 =	simm.s32 @!p6 $0x80  }
0x361: {  	[tilespmem:s29], [sflag:$0x2] =	stream.indirect.gather @!p6 [hbm4b:s1+s26], $0x80, s28, s26, $0xb8;
	[tilespmem:$0x1F080] =	vst v63  }
0x362: {  	s28 =	simm.s32 @!p6 $0x1  }
0x363: {  	_ =	swait.ge @!p6 [sflag:s28], $0x4000  }
0x364: {  	[sflag:s28] =	ssyncset.done @!p6 $0x0  }
0x365: {  	s29 =	simm.s32 @!p6 $0x3800;
	[sflag:s28] =	ssyncadd.s32 @!p6 $0xFFFFC000;
	s28 =	simm.s32 @!p6 $0x2B00  }
0x366: {  	[spmem:s4] =	stream.indirect.scatter.add.f32 @!p6 [tilespmem:s29], [sflag:$0x3], $0x80, s28, s26, $0xb8;
	[tilespmem:$0x1F080] =	vst v63  }
0x367: {  	p6 =	slt.u32 s6, $0xFFFFF684  }
0x368: {  	s26 =	simm.s32 @!p6 $0x3  }
0x369: {  	_ =	swait.ge @!p6 [sflag:s26], $0x4000  }
0x36a: {  	s28 =	simm.s32 @!p6 $0x2400;
	[sflag:s26] =	ssyncset.done @!p6 $0x0  }
0x36b: {  	s29 =	simm.s32 @!p6 $0x3800;
	[sflag:s26] =	ssyncadd.s32 @!p6 $0xFFFFC000;
	s26 =	simm.s32 @!p6 $0x80  }
0x36c: {  	[tilespmem:s29], [sflag:$0x1] =	stream.indirect.gather @!p6 [hbm4b:s1+s26], $0x80, s28, s26, $0xb8;
	[tilespmem:$0x1F080] =	vst v63  }
0x36d: {  	s28 =	simm.s32 @!p6 $0x2  }
0x36e: {  	_ =	swait.ge @!p6 [sflag:s28], $0x4000  }
0x36f: {  	[sflag:s28] =	ssyncset.done @!p6 $0x0  }
0x370: {  	s29 =	simm.s32 @!p6 $0x7800;
	[sflag:s28] =	ssyncadd.s32 @!p6 $0xFFFFC000;
	s28 =	simm.s32 @!p6 $0x2B80  }
0x371: {  	[spmem:s4] =	stream.indirect.scatter.add.f32 @!p6 [tilespmem:s29], [sflag:$0x4], $0x80, s28, s26, $0xb8;
	[tilespmem:$0x1F080] =	vst v63  }
0x372: {  	p6 =	slt.u32 s6, $0xFFFFF685  }
0x373: {  	s26 =	simm.s32 @!p6 $0x4  }
0x374: {  	_ =	swait.ge @!p6 [sflag:s26], $0x4000  }
0x375: {  	s28 =	simm.s32 @!p6 $0x2480;
	[sflag:s26] =	ssyncset.done @!p6 $0x0  }
0x376: {  	s29 =	simm.s32 @!p6 $0x7800;
	[sflag:s26] =	ssyncadd.s32 @!p6 $0xFFFFC000;
	s26 =	simm.s32 @!p6 $0x80  }
0x377: {  	[tilespmem:s29], [sflag:$0x2] =	stream.indirect.gather @!p6 [hbm4b:s1+s26], $0x80, s28, s26, $0xb8;
	[tilespmem:$0x1F080] =	vst v63  }
0x378: {  	s28 =	simm.s32 @!p6 $0x1  }
0x379: {  	_ =	swait.ge @!p6 [sflag:s28], $0x4000  }
0x37a: {  	[sflag:s28] =	ssyncset.done @!p6 $0x0  }
0x37b: {  	s29 =	simm.s32 @!p6 $0x3800;
	[sflag:s28] =	ssyncadd.s32 @!p6 $0xFFFFC000;
	s28 =	simm.s32 @!p6 $0x2C00  }
0x37c: {  	[spmem:s4] =	stream.indirect.scatter.add.f32 @!p6 [tilespmem:s29], [sflag:$0x3], $0x80, s28, s26, $0xb8;
	[tilespmem:$0x1F080] =	vst v63  }
0x37d: {  	p6 =	slt.u32 s6, $0xFFFFF686  }
0x37e: {  	s26 =	simm.s32 @!p6 $0x3  }
0x37f: {  	_ =	swait.ge @!p6 [sflag:s26], $0x4000  }
0x380: {  	s28 =	simm.s32 @!p6 $0x2500;
	[sflag:s26] =	ssyncset.done @!p6 $0x0  }
0x381: {  	s29 =	simm.s32 @!p6 $0x3800;
	[sflag:s26] =	ssyncadd.s32 @!p6 $0xFFFFC000;
	s26 =	simm.s32 @!p6 $0x80  }
0x382: {  	[tilespmem:s29], [sflag:$0x1] =	stream.indirect.gather @!p6 [hbm4b:s1+s26], $0x80, s28, s26, $0xb8;
	[tilespmem:$0x1F080] =	vst v63  }
0x383: {  	s28 =	simm.s32 @!p6 $0x2  }
0x384: {  	_ =	swait.ge @!p6 [sflag:s28], $0x4000  }
0x385: {  	[sflag:s28] =	ssyncset.done @!p6 $0x0  }
0x386: {  	s29 =	simm.s32 @!p6 $0x7800;
	[sflag:s28] =	ssyncadd.s32 @!p6 $0xFFFFC000;
	s28 =	simm.s32 @!p6 $0x2C80  }
0x387: {  	[spmem:s4] =	stream.indirect.scatter.add.f32 @!p6 [tilespmem:s29], [sflag:$0x4], $0x80, s28, s26, $0xb8;
	[tilespmem:$0x1F080] =	vst v63  }
0x388: {  	p6 =	slt.u32 s6, $0xFFFFF687  }
0x389: {  	s26 =	simm.s32 @!p6 $0x4  }
0x38a: {  	_ =	swait.ge @!p6 [sflag:s26], $0x4000  }
0x38b: {  	s28 =	simm.s32 @!p6 $0x2580;
	[sflag:s26] =	ssyncset.done @!p6 $0x0  }
0x38c: {  	s29 =	simm.s32 @!p6 $0x7800;
	[sflag:s26] =	ssyncadd.s32 @!p6 $0xFFFFC000;
	s26 =	simm.s32 @!p6 $0x80  }
0x38d: {  	[tilespmem:s29], [sflag:$0x2] =	stream.indirect.gather @!p6 [hbm4b:s1+s26], $0x80, s28, s26, $0xb8;
	[tilespmem:$0x1F080] =	vst v63  }
0x38e: {  	s28 =	simm.s32 @!p6 $0x1  }
0x38f: {  	_ =	swait.ge @!p6 [sflag:s28], $0x4000  }
0x390: {  	[sflag:s28] =	ssyncset.done @!p6 $0x0  }
0x391: {  	s29 =	simm.s32 @!p6 $0x3800;
	[sflag:s28] =	ssyncadd.s32 @!p6 $0xFFFFC000;
	s28 =	simm.s32 @!p6 $0x2D00  }
0x392: {  	[spmem:s4] =	stream.indirect.scatter.add.f32 @!p6 [tilespmem:s29], [sflag:$0x3], $0x80, s28, s26, $0xb8;
	[tilespmem:$0x1F080] =	vst v63  }
0x393: {  	p6 =	slt.u32 s6, $0xFFFFF688  }
0x394: {  	s26 =	simm.s32 @!p6 $0x3  }
0x395: {  	_ =	swait.ge @!p6 [sflag:s26], $0x4000  }
0x396: {  	s28 =	simm.s32 @!p6 $0x2600;
	[sflag:s26] =	ssyncset.done @!p6 $0x0  }
0x397: {  	s29 =	simm.s32 @!p6 $0x3800;
	[sflag:s26] =	ssyncadd.s32 @!p6 $0xFFFFC000;
	s26 =	simm.s32 @!p6 $0x80  }
0x398: {  	[tilespmem:s29], [sflag:$0x1] =	stream.indirect.gather @!p6 [hbm4b:s1+s26], $0x80, s28, s26, $0xb8;
	[tilespmem:$0x1F080] =	vst v63  }
0x399: {  	s28 =	simm.s32 @!p6 $0x2  }
0x39a: {  	_ =	swait.ge @!p6 [sflag:s28], $0x4000  }
0x39b: {  	[sflag:s28] =	ssyncset.done @!p6 $0x0  }
0x39c: {  	s29 =	simm.s32 @!p6 $0x7800;
	[sflag:s28] =	ssyncadd.s32 @!p6 $0xFFFFC000;
	s28 =	simm.s32 @!p6 $0x2D80  }
0x39d: {  	[spmem:s4] =	stream.indirect.scatter.add.f32 @!p6 [tilespmem:s29], [sflag:$0x4], $0x80, s28, s26, $0xb8;
	[tilespmem:$0x1F080] =	vst v63  }
0x39e: {  	p6 =	slt.u32 s6, $0xFFFFF689  }
0x39f: {  	s26 =	simm.s32 @!p6 $0x4  }
0x3a0: {  	_ =	swait.ge @!p6 [sflag:s26], $0x4000  }
0x3a1: {  	s28 =	simm.s32 @!p6 $0x2680;
	[sflag:s26] =	ssyncset.done @!p6 $0x0  }
0x3a2: {  	s29 =	simm.s32 @!p6 $0x7800;
	[sflag:s26] =	ssyncadd.s32 @!p6 $0xFFFFC000;
	s26 =	simm.s32 @!p6 $0x80  }
0x3a3: {  	[tilespmem:s29], [sflag:$0x2] =	stream.indirect.gather @!p6 [hbm4b:s1+s26], $0x80, s28, s26, $0xb8;
	[tilespmem:$0x1F080] =	vst v63  }
0x3a4: {  	s28 =	simm.s32 @!p6 $0x1  }
0x3a5: {  	_ =	swait.ge @!p6 [sflag:s28], $0x4000  }
0x3a6: {  	[sflag:s28] =	ssyncset.done @!p6 $0x0  }
0x3a7: {  	s29 =	simm.s32 @!p6 $0x3800;
	[sflag:s28] =	ssyncadd.s32 @!p6 $0xFFFFC000;
	s28 =	simm.s32 @!p6 $0x2E00  }
0x3a8: {  	[spmem:s4] =	stream.indirect.scatter.add.f32 @!p6 [tilespmem:s29], [sflag:$0x3], $0x80, s28, s26, $0xb8;
	[tilespmem:$0x1F080] =	vst v63  }
0x3a9: {  	p6 =	slt.u32 s6, $0xFFFFF68A  }
0x3aa: {  	s26 =	simm.s32 @!p6 $0x3  }
0x3ab: {  	_ =	swait.ge @!p6 [sflag:s26], $0x4000  }
0x3ac: {  	s28 =	simm.s32 @!p6 $0x2700;
	[sflag:s26] =	ssyncset.done @!p6 $0x0  }
0x3ad: {  	s29 =	simm.s32 @!p6 $0x3800;
	[sflag:s26] =	ssyncadd.s32 @!p6 $0xFFFFC000;
	s26 =	simm.s32 @!p6 $0x80  }
0x3ae: {  	[tilespmem:s29], [sflag:$0x1] =	stream.indirect.gather @!p6 [hbm4b:s1+s26], $0x80, s28, s26, $0xb8;
	[tilespmem:$0x1F080] =	vst v63  }
0x3af: {  	s28 =	simm.s32 @!p6 $0x2  }
0x3b0: {  	_ =	swait.ge @!p6 [sflag:s28], $0x4000  }
0x3b1: {  	[sflag:s28] =	ssyncset.done @!p6 $0x0  }
0x3b2: {  	s29 =	simm.s32 @!p6 $0x7800;
	[sflag:s28] =	ssyncadd.s32 @!p6 $0xFFFFC000;
	s28 =	simm.s32 @!p6 $0x2E80  }
0x3b3: {  	[spmem:s4] =	stream.indirect.scatter.add.f32 @!p6 [tilespmem:s29], [sflag:$0x4], $0x80, s28, s26, $0xb8;
	[tilespmem:$0x1F080] =	vst v63  }
0x3b4: {  	p6 =	slt.u32 s6, $0xFFFFF68B  }
0x3b5: {  	s26 =	simm.s32 @!p6 $0x4  }
0x3b6: {  	_ =	swait.ge @!p6 [sflag:s26], $0x4000  }
0x3b7: {  	s28 =	simm.s32 @!p6 $0x2780;
	[sflag:s26] =	ssyncset.done @!p6 $0x0  }
0x3b8: {  	s29 =	simm.s32 @!p6 $0x7800;
	[sflag:s26] =	ssyncadd.s32 @!p6 $0xFFFFC000;
	s26 =	simm.s32 @!p6 $0x80  }
0x3b9: {  	[tilespmem:s29], [sflag:$0x2] =	stream.indirect.gather @!p6 [hbm4b:s1+s26], $0x80, s28, s26, $0xb8;
	[tilespmem:$0x1F080] =	vst v63  }
0x3ba: {  	s28 =	simm.s32 @!p6 $0x1  }
0x3bb: {  	_ =	swait.ge @!p6 [sflag:s28], $0x4000  }
0x3bc: {  	p1 =	slt.u32 s6, $0xFFFFF68C;
	[sflag:s28] =	ssyncset.done @!p6 $0x0  }
0x3bd: {  	s29 =	simm.s32 @!p6 $0x3800;
	[sflag:s28] =	ssyncadd.s32 @!p6 $0xFFFFC000;
	s28 =	simm.s32 @!p6 $0x2F00  }
0x3be: {  	[spmem:s4] =	stream.indirect.scatter.add.f32 @!p6 [tilespmem:s29], [sflag:$0x3], $0x80, s28, s26, $0xb8;
	[tilespmem:$0x1F080] =	vst v63  }
0x3bf: {  	s26 =	simm.s32 @!p1 $0x2  }
0x3c0: {  	_ =	swait.ge @!p1 [sflag:s26], $0x4000  }
0x3c1: {  	s28 =	simm.s32 @!p1 $0x2F80;
	[sflag:s26] =	ssyncset.done @!p1 $0x0  }
0x3c2: {  	s29 =	simm.s32 @!p1 $0x7800;
	[sflag:s26] =	ssyncadd.s32 @!p1 $0xFFFFC000;
	s26 =	simm.s32 @!p1 $0x80  }
0x3c3: {  	[spmem:s4] =	stream.indirect.scatter.add.f32 @!p1 [tilespmem:s29], [sflag:$0x4], $0x80, s28, s26, $0xb8;
	[tilespmem:$0x1F080] =	vst v63  }
0x3c4: {  	s26 =	simm.s32 @!p5 $0x3  }
0x3c5: {  	_ =	swait.ge @!p5 [sflag:s26], $0x4000  }
0x3c6: {  	[sflag:s26] =	ssyncset.done @!p5 $0x0  }
0x3c7: {  	[sflag:s26] =	ssyncadd.s32 @!p5 $0xFFFFC000  }
0x3c8: {  	_ =	swait.ge @!p5 [sflag:s25], $0x4000  }
0x3c9: {  	[sflag:s25] =	ssyncset.done @!p5 $0x0  }
0x3ca: {  	[sflag:s25] =	ssyncadd.s32 @!p5 $0xFFFFC000  }
0x3cb: {  	[bflag:$0x0] =	sbarrier.arrive $0xFFFF  }
0x3cc: {  	s25 =	rddreg [dreg:$0xe]  }
0x3cd: {  	[hbm:s25], [sflag:s23] =	dma.local @p0 [spmem:s9], $0x2080  }
0x3ce: {  	s7 =	sadd.s32 $0xFFFFFFFF, s7;
	_ =	swait.ge @p0 [sflag:s21], $0x2080  }
0x3cf: {  	p1 =	sne.s32 s7, $0x0;
	[sflag:s21] =	ssyncset.done @p0 $0x0  }
.Ltmp0:
0x3d0: {  	s23 =	rddreg [dreg:$0xd];
	[sflag:s21] =	ssyncadd.s32 @p0 $0xFFFFDF80;
	(pc) =	sbr.rel @p1 .LBB2_1-.Ltmp0, $4  }
0x3d1: {  	[hbm:s23], [sflag:s10] =	dma.local @!p0 [spmem:s24], $0x2780  }
0x3d2: {  	_ =	swait.ge @!p0 [sflag:s22], $0x2780  }
0x3d3: {  	[sflag:s22] =	ssyncset.done @!p0 $0x0  }
0x3d4: {  	[sflag:s22] =	ssyncadd.s32 @!p0 $0xFFFFD880  }
0x3d5: {  	_ =	sfence.sel $0x180000  }
0x3d6: {  	[bflag:$0x0] =	sbarrier.arrive $0xFFFF  }
0x3d7: {  	p0 =	sne.s32 s0, $0x0;
	_ =	strace $0x90000047  }
0x3d8: {  	s0 =	sadd.s32 @!p0 $0x100000, s2;
	[bflag:$0x2] =	sbarrier.arrive $0xFFFF  }
0x3d9: {  	[sflag:s0] =	ssyncadd.tile.s32 @!p0 $0x1;
	_ =	shalt  }
.Lfunc_end2:
_tile_overlayer_lowered:
.L_overlay_start_2:
0x3da: {  	(tag) =	ssettag $0x2  }
0x3db: {  	s0 =	rddreg [dreg:$0x0];
	s2 =	stileid.u32  }
0x3dc: {  	s1 =	rddreg [dreg:$0x1];
	p0 =	sne.s32 s2, $0x0  }
0x3dd: {  	s3 =	rddreg [dreg:$0x2];
	[bflag:$0x3] =	sbarrier.arrive $0xFFFF;
	s2 =	simm.s32 @!p0 $0x1C07  }
0x3de: {  	[timem:s3], [sflag:s2] =	dma.local @!p0 [hbm:s0], s1  }
0x3df: {  	s0 =	simm.s32 @!p0 $0x7  }
0x3e0: {  	_ =	swait.ge @!p0 [sflag:s0], s1  }
0x3e1: {  	s1 =	ssub.s32 @!p0 $0x0, s1;
	[sflag:s0] =	ssyncset.done @!p0 $0x0  }
0x3e2: {  	[sflag:s0] =	ssyncadd.s32 @!p0 s1  }
0x3e3: {  	[bflag:$0x3] =	sbarrier.arrive $0xFFFF  }
0x3e4: {  	_ =	shalt  }

// kernel: kernel.9.cloned.1.call-start
scs
__scs_entry_jumppad:
0x0: {  	(pc) =	sbr.rel $0x88, $3  }
0x1: {  	(tag) =	ssettag $0x0;
	lr =	simm.s32 $0x1  }
0x2: {  	[smem:$0x3F95] =	sst lr;
	_ =	strace $0xD0000000  }
0x3: {  	_ = 	snop  }
0x4: {  	_ = 	snop  }
0x5: {  	_ = 	snop  }
0x6: {  	_ = 	snop  }
0x7: {  	_ = 	snop  }
__scs_overlays_trampoline_lowered:
0x8: {  	[smem:$0x3FA4] =	sst s0  }
0x9: {  	[smem:$0x3FA5] =	sst s1  }
0xa: {  	[smem:$0x3FA6] =	sst s2  }
0xb: {  	[smem:$0x3FA7] =	sst s3  }
0xc: {  	[smem:$0x3FA8] =	sst s4  }
0xd: {  	[smem:$0x3FA9] =	sst s5  }
0xe: {  	[smem:$0x3FAA] =	sst s6  }
0xf: {  	[smem:$0x3FAB] =	sst s7  }
0x10: {  	[smem:$0x3FAC] =	sst s8  }
0x11: {  	[smem:$0x3FAD] =	sst s9;
	s0 =	simm.s32 @!p0 $0x0  }
0x12: {  	s1 =	sld [smem:$0x3F93];
	s0 =	simm.s32 @p0 $0x1  }
0x13: {  	[smem:$0x3FAE] =	sst s0;
	s0 =	simm.s32 @!p1 $0x0  }
0x14: {  	s2 =	sld [smem:$0x3F92];
	s0 =	simm.s32 @p1 $0x1  }
0x15: {  	[smem:$0x3FAF] =	sst s0;
	s0 =	simm.s32 @!p2 $0x0  }
0x16: {  	s3 =	sld [smem:$0x3FDB];
	s0 =	simm.s32 @p2 $0x1  }
0x17: {  	s4 =	simm.s32 $0x1BF5;
	[smem:$0x3FB1] =	sst s0  }
0x18: {  	s0 =	sld [smem:$0x3F94];
	_ =	swait.ge [sflag:s4], $0x0  }
0x19: {  	s7 =	sld [smem:$0x3F95]  }
0x1a: {  	s8 =	sadd.s32 $0xFFFFE003, lr  }
0x1b: {  	s9 =	sadd.s32 $0xFFFFFEF7, lr;
	s5 =	simm.s32 $0xFFFFFFFF;
	p2 =	slt.u32 s8, $0xFFFFF086  }
0x1c: {  	p1 =	slt.u32 s9, $0xF7A;
	s5 =	simm.s32 @!p2 $0x0  }
0x1d: {  	s5 =	simm.s32 @p1 $0x1;
	p0 =	seq.s32 s7, s2  }
0x1e: {  	s7 =	smul.u32 @!p0 $0xF7A, s2;
	p2 =	seq.s32 @!p0 s5, $0x0  }
0x1f: {  	s9 =	smul.u32 $0xF7A, s1;
	s8 =	simm.s32 @!p0 $0x1BF5;
	p2 =	por !p2, p0  }
0x20: {  	[sflag:s8] =	ssyncset.s32 @!p0 $0xFFFFF086;
	s6 =	sadd.s32 @!p0 s3, s7;
	s7 =	simm.s32 @!p0 $0x108  }
0x21: {  	s3 =	sadd.s32 s3, s9;
	s6 =	sadd.s32 @!p0 $0x88, s6;
	s7 =	simm.s32 @p2 $0x1082  }
0x22: {  	[simem:s7], [sflag:s8] =	dma.local @!p0 [hbm:s6], $0xF7A  }
0x23: {  	s9 =	sor.u32 $0xD0000000, s2;
	s6 =	simm.s32 $0x108;
	_ =	swait.ge @!p0 [sflag:s8], $0x0  }
0x24: {  	s3 =	sadd.s32 $0x88, s3;
	s6 =	simm.s32 @!p1 $0x1082;
	[sflag:s4] =	ssyncset.s32 $0xFFFFF086  }
0x25: {  	[simem:s6], [sflag:s4] =	dma.local [hbm:s3], $0xF7A  }
0x26: {  	[smem:$0x3F95] =	sst s1;
	(tag) =	ssettag s2;
	_ =	strace s9  }
0x27: {  	s1 =	sld [smem:$0x3FA5]  }
0x28: {  	s2 =	sld [smem:$0x3FA6]  }
0x29: {  	s4 =	sld [smem:$0x3FA8]  }
0x2a: {  	p0 =	seq.s32 s5, $0x0;
	s5 =	sld [smem:$0x3FA9]  }
0x2b: {  	s6 =	sld [smem:$0x3FAA]  }
0x2c: {  	s7 =	sld [smem:$0x3FAB]  }
0x2d: {  	s3 =	simm.s32 $0x108;
	s8 =	sld [smem:$0x3FAC]  }
0x2e: {  	s3 =	simm.s32 @!p0 $0x1082;
	s9 =	sld [smem:$0x3FAD]  }
0x2f: {  	lr =	sadd.s32 s0, s3;
	s0 =	sld [smem:$0x3FA4]  }
0x30: {  	s3 =	sld [smem:$0x3FA7]  }
0x31: {  	[smem:$0x3FB0] =	sst s10  }
0x32: {  	s10 =	sld [smem:$0x3FAE];
	_ =	sdelay $0x3  }
0x33: {  	p0 =	seq.s32 s10, $0x1;
	s10 =	sld [smem:$0x3FB0];
	_ =	sdelay $0x3  }
0x34: {  	[smem:$0x3FB0] =	sst s10  }
0x35: {  	s10 =	sld [smem:$0x3FAF];
	_ =	sdelay $0x3  }
0x36: {  	p1 =	seq.s32 s10, $0x1;
	s10 =	sld [smem:$0x3FB0];
	_ =	sdelay $0x3  }
0x37: {  	[smem:$0x3FB0] =	sst s10  }
0x38: {  	s10 =	sld [smem:$0x3FB1]  }
0x39: {  	_ = 	snop;
	(pc) =	sbr.ind lr, $3  }
0x3a: {  	_ = 	snop  }
0x3b: {  	_ = 	snop  }
0x3c: {  	p2 =	seq.s32 s10, $0x1;
	s10 =	sld [smem:$0x3FB0]  }
0x3d: {  	_ =	shalt  }
0x3e: {  	_ =	shalt  }
0x3f: {  	_ =	shalt  }
0x40: {  	_ =	shalt  }
0x41: {  	_ =	shalt  }
0x42: {  	_ =	shalt  }
0x43: {  	_ =	shalt  }
0x44: {  	_ =	shalt  }
0x45: {  	_ =	shalt  }
0x46: {  	_ =	shalt  }
0x47: {  	_ =	shalt  }
0x48: {  	_ =	shalt  }
0x49: {  	_ =	shalt  }
0x4a: {  	_ =	shalt  }
0x4b: {  	_ =	shalt  }
0x4c: {  	_ =	shalt  }
0x4d: {  	_ =	shalt  }
0x4e: {  	_ =	shalt  }
0x4f: {  	_ =	shalt  }
0x50: {  	_ =	shalt  }
0x51: {  	_ =	shalt  }
0x52: {  	_ =	shalt  }
0x53: {  	_ =	shalt  }
0x54: {  	_ =	shalt  }
0x55: {  	_ =	shalt  }
0x56: {  	_ =	shalt  }
0x57: {  	_ =	shalt  }
0x58: {  	_ =	shalt  }
0x59: {  	_ =	shalt  }
0x5a: {  	_ =	shalt  }
0x5b: {  	_ =	shalt  }
0x5c: {  	_ =	shalt  }
0x5d: {  	_ =	shalt  }
0x5e: {  	_ =	shalt  }
0x5f: {  	_ =	shalt  }
0x60: {  	_ =	shalt  }
0x61: {  	_ =	shalt  }
0x62: {  	_ =	shalt  }
0x63: {  	_ =	shalt  }
0x64: {  	_ =	shalt  }
0x65: {  	_ =	shalt  }
0x66: {  	_ =	shalt  }
0x67: {  	_ =	shalt  }
0x68: {  	_ =	shalt  }
0x69: {  	_ =	shalt  }
0x6a: {  	_ =	shalt  }
0x6b: {  	_ =	shalt  }
0x6c: {  	_ =	shalt  }
0x6d: {  	_ =	shalt  }
0x6e: {  	_ =	shalt  }
0x6f: {  	_ =	shalt  }
0x70: {  	_ =	shalt  }
0x71: {  	_ =	shalt  }
0x72: {  	_ =	shalt  }
0x73: {  	_ =	shalt  }
0x74: {  	_ =	shalt  }
0x75: {  	_ =	shalt  }
0x76: {  	_ =	shalt  }
0x77: {  	_ =	shalt  }
0x78: {  	_ =	shalt  }
0x79: {  	_ =	shalt  }
0x7a: {  	_ =	shalt  }
0x7b: {  	_ =	shalt  }
0x7c: {  	_ =	shalt  }
0x7d: {  	_ =	shalt  }
0x7e: {  	_ =	shalt  }
0x7f: {  	_ =	shalt  }
0x80: {  	_ =	shalt  }
0x81: {  	_ =	shalt  }
0x82: {  	_ =	shalt  }
0x83: {  	_ =	shalt  }
0x84: {  	_ =	shalt  }
0x85: {  	_ =	shalt  }
0x86: {  	_ =	shalt  }
0x87: {  	_ =	shalt  }
.Lfunc_end0:
.L_simem_size_0:
called_computation.1_lowered:
.L_overlay_start_0:
0x88: {  	s2 =	sld [smem:$0x3FD9]  }
0x89: {  	s3 =	sld [smem:$0x3FFE];
	_ =	sdelay $0x1  }
0x8a: {  	s1 =	srdreg.scid  }
0x8b: {  	s0 =	sand.u32 $0x1, s1  }
0x8c: {  	s17 =	sshll.u32 s0, $0xA;
	s2 =	sadd.s32 s3, s2  }
0x8d: {  	s2 =	sadd.s32 s2, s17  }
0x8e: {  	[smem:$0x3FBC] =	sst s2  }
0x8f: {  	_ = 	snop  }
0x90: {  	s2 =	sld [smem:$0x3FD0];
	(tm) =	ssettm $0x1  }
0x91: {  	s18 =	sld [smem:$0x3FFB];
	_ =	sdelay $0x3  }
0x92: {  	_ =	strace s18  }
0x93: {  	s3 =	sld [smem:$0x3FFC];
	_ =	sdelay $0x3  }
0x94: {  	_ =	strace s3  }
0x95: {  	s3 =	sld [smem:$0x3FFD];
	_ =	sdelay $0x3  }
0x96: {  	_ =	strace s3  }
0x97: {  	_ =	strace $0x8FFFFFFF  }
0x98: {  	s19 =	sld [smem:$0x3FDB];
	_ =	sdelay $0x1  }
0x99: {  	s4 =	simm.s32 $_scs_section_size  }
0x9a: {  	s5 =	simm.s32 $_size__tile_overlayer_lowered;
	s6 =	simm.s32 $_tile_overlayer_lowered  }
0x9b: {  	s22 =	simm.s32 $0x1BFF;
	s21 =	sshll.u32 s6, $0x1;
	s3 =	sadd.s32 s4, s19  }
0x9c: {  	s7 =	simm.s32 $0x0;
	s20 =	sshll.u32 s5, $0x1;
	s5 =	sadd.s32 s21, s3  }
0x9d: {  	[timem:s7], [sflag:s22] =	dma.local [hbm:s5], s20  }
0x9e: {  	_ =	swait.ge [sflag:s22], s20  }
0x9f: {  	s4 =	ssub.s32 $0x0, s20;
	[sflag:s22] =	ssyncset.done $0x0  }
0xa0: {  	[sflag:s22] =	ssyncadd.s32 s4;
	_ =	sdelay $0x1  }
0xa1: {  	s23 =	simm.s32 $0x1B8B  }
0xa2: {  	_ =	swait.ge [sflag:s23], $0x1  }
0xa3: {  	[sflag:s23] =	ssyncset.done $0x0  }
0xa4: {  	s25 =	simm.s32 $0x1B8E;
	s24 =	sld [smem:$0x3FFE];
	[sflag:s23] =	ssyncadd.s32 $0xFFFFFFFF  }
0xa5: {  	s26 =	simm.s32 $execute0_lowered;
	[smem:$0x3FD2] =	sst s25  }
0xa6: {  	s5 =	sshll.u32 s26, $0x1;
	_ =	strace $0x80000049;
	[dreg:$0x1] =	wrdreg $0xFFFFFFFF  }
0xa7: {  	s28 =	simm.s32 $_size_execute0_lowered;
	s3 =	sadd.s32 s3, s5;
	[dreg:$0x0] =	wrdreg $0x0  }
0xa8: {  	s5 =	sshll.u32 s28, $0x1;
	[dreg:$0x2] =	wrdreg s3  }
0xa9: {  	[dreg:$0x3] =	wrdreg s5  }
0xaa: {  	[dreg:$0x4] =	wrdreg $0xC0  }
0xab: {  	_ =	task [dreg:s7], $0x5FFFF  }
0xac: {  	[dreg:$0x1] =	wrdreg $0xFFFFFFFF  }
0xad: {  	[dreg:$0x0] =	wrdreg $0x60  }
0xae: {  	[dreg:$0x2] =	wrdreg s2  }
0xaf: {  	[dreg:$0x3] =	wrdreg s24  }
0xb0: {  	[dreg:$0x4] =	wrdreg $0xB8000  }
0xb1: {  	[dreg:$0x5] =	wrdreg $0x9  }
0xb2: {  	_ =	task.clear_ibuf [dreg:s7], $0x6FFFF;
	_ =	strace $0x90000049  }
0xb3: {  	s29 =	simm.s32 $0x9;
	_ =	strace $0x8000004B  }
0xb4: {  	_ =	swait.ge [sflag:s29], $0x1  }
0xb5: {  	[sflag:s29] =	ssyncadd.s32 $0xFFFFFFFF  }
0xb6: {  	_ =	strace $0x9000004B  }
0xb7: {  	_ =	sfence  }
0xb8: {  	s30 =	sld [smem:$0x0];
	_ =	sdelay $0x2  }
0xb9: {  	s31 =	sshll.u32 s1, $0xD;
	s1 =	sshrl.u32 s1, $0x2  }
0xba: {  	s3 =	sand.u32 $0x4000, s31;
	s1 =	sadd.s32 s1, s30  }
0xbb: {  	s0 =	sor.u32 s3, s0;
	s1 =	sshll.u32 s1, $0x11  }
0xbc: {  	s0 =	sor.u32 s1, s0  }
0xbd: {  	s0 =	sadd.s32 $0x8F2B, s0  }
0xbe: {  	[sflag:s0] =	ssyncadd.remote.s32 $0x1  }
0xbf: {  	_ =	sfence.sel $0xFFFF  }
0xc0: {  	[dreg:$0x0] =	wrdreg $0xFFFFFFFF;
	(pc) =	sbr.abs _section_cstart, $3  }
0xc1: {  	[dreg:$0x1] =	wrdreg $0xFFFFFFFF  }
0xc2: {  	_ =	task.clear_ibuf [dreg:s7], $0x2FFFF;
	_ =	strace $0x9FFFFFFF  }
0xc3: {  	(tm) =	ssettm $0x7FFFFFFF  }
tec
execute0_lowered:
.L_overlay_start_1:
0x0: {  	(tag) =	ssettag $0x1  }
0x1: {  	s1 =	rddreg [dreg:$0x0]  }
0x2: {  	s2 =	srdreg.scid;
	s7 =	rddreg [dreg:$0x1]  }
0x3: {  	s0 =	stileid.u32;
	s4 =	rddreg [dreg:$0x2];
	s5 =	simm.s32 $0x0  }
0x4: {  	s26 =	simm.s32 $0x100;
	s6 =	sand.u32 $0x1, s2;
	s2 =	rddreg [dreg:$0x3]  }
0x5: {  	s28 =	simm.s32 $0x2880;
	[smem:$0x7FF] =	sst s5;
	s19 =	sadd.s32 $0x25080, s1  }
0x6: {  	s29 =	simm.s32 $0x180;
	_ =	strace $0x8000004A;
	[dreg:$0x8] =	wrdreg s19  }
0x7: {  	s30 =	simm.s32 $0x2900;
	s31 =	simm.s32 $0x200;
	[dreg:$0xf] =	wrdreg s26  }
0x8: {  	s14 =	sshll.u32 s0, $0x1;
	s10 =	smul.u32 $0x4F000, s0;
	[dreg:$0x10] =	wrdreg s28  }
0x9: {  	s11 =	sadd.s32 $0x2200, s7;
	s15 =	smul.u32 $0x2780, s0;
	[dreg:$0x11] =	wrdreg s29  }
0xa: {  	s23 =	smul.u32 $0x13C00, s0;
	s3 =	sor.u32 s6, s14;
	[dreg:$0x12] =	wrdreg s30  }
0xb: {  	s21 =	smul.u32 $0x138800, s6;
	[dreg:$0x13] =	wrdreg s31;
	s14 =	simm.s32 $0x380  }
0xc: {  	s13 =	ssub.s32 $0x2, s6;
	s19 =	simm.s32 $0x480;
	[dreg:$0x19] =	wrdreg s14  }
0xd: {  	s26 =	simm.s32 $0x2D80;
	s28 =	simm.s32 $0x680;
	[dreg:$0x1d] =	wrdreg s19  }
0xe: {  	s29 =	simm.s32 $0x2E00;
	s30 =	simm.s32 $0x3100;
	[smem:$0x7D5] =	sst s26  }
0xf: {  	s31 =	simm.s32 $0x3180;
	s8 =	smul.u32 $0x500, s3;
	[smem:$0x7D7] =	sst s28  }
0x10: {  	s10 =	sshrl.u32 s10, $0x2;
	s12 =	smul.u32 $0x2800, s3;
	[smem:$0x7D8] =	sst s29  }
0x11: {  	s17 =	sadd.s32 s1, s15;
	s15 =	sshrl.u32 s13, $0x1;
	[smem:$0x7E2] =	sst s30  }
0x12: {  	s6 =	smul.u32 $0xFFFFFFB0, s3;
	s14 =	simm.s32 $0x2E80;
	[smem:$0x7E3] =	sst s31  }
0x13: {  	s19 =	simm.s32 $0x880;
	s16 =	sadd.s32 s10, s4;
	[dreg:$0x7] =	wrdreg s17  }
0x14: {  	s25 =	sadd.s32 s23, s21;
	s10 =	sshrl.u32 s21, $0x3;
	[smem:$0x7DA] =	sst s14  }
0x15: {  	s17 =	simm.s32 $0x400;
	s21 =	simm.s32 $0x500;
	[smem:$0x7DF] =	sst s19  }
0x16: {  	s23 =	simm.s32 $0x580;
	s14 =	simm.s32 $0x3800;
	[dreg:$0x6] =	wrdreg s16  }
0x17: {  	s19 =	simm.s32 $0x2;
	s9 =	sadd.s32 s8, s7;
	[dreg:$0x1b] =	wrdreg s17  }
0x18: {  	s8 =	sadd.s32 s11, s8;
	s18 =	sshrl.u32 s12, $0x3;
	[dreg:$0x1f] =	wrdreg s21  }
0x19: {  	s7 =	sadd.s32 $0x16200, s7;
	s12 =	simm.s32 $0x2A80;
	[smem:$0x7D2] =	sst s23  }
0x1a: {  	s16 =	simm.s32 $0x2B00;
	p0 =	slt.s32 s6, $0xFFFFF68C;
	[dreg:$0x5] =	wrdreg s8  }
0x1b: {  	s17 =	simm.s32 $0x800;
	s21 =	simm.s32 $0x3080;
	[dreg:$0x18] =	wrdreg s12  }
0x1c: {  	s9 =	sadd.s32 $0xC200, s9;
	s8 =	sshrl.u32 s25, $0x3;
	[dreg:$0x1a] =	wrdreg s16  }
0x1d: {  	s6 =	simm.s32 @!p0 $0xFFFFF68C;
	p0 =	seq.s32 s0, $0xF;
	[smem:$0x7DD] =	sst s17  }
0x1e: {  	s25 =	simm.s32 $0x600;
	s16 =	simm.s32 $0x2F00;
	[smem:$0x7E1] =	sst s21  }
0x1f: {  	s17 =	simm.s32 $0x1;
	[dreg:$0x4] =	wrdreg s9;
	s9 =	sadd.s32 s11, s18  }
0x20: {  	s8 =	sadd.s32 s7, s8;
	s7 =	sadd.s32 s7, s10;
	s10 =	simm.s32 $0x2A00  }
0x21: {  	s11 =	simm.s32 $0x300;
	s18 =	simm.s32 $0x2B80;
	p4 =	slt.u32 s6, $0xFFFFF652  }
0x22: {  	[smem:$0x7D4] =	sst s25;
	p1 =	slt.u32 s6, $0xFFFFF650;
	s21 =	simm.s32 @!p4 $0x0  }
0x23: {  	[smem:$0x7DC] =	sst s16;
	s21 =	simm.s32 @p4 $0x1;
	p4 =	slt.u32 s6, $0xFFFFF653  }
0x24: {  	s12 =	simm.s32 @!p1 $0x0;
	[smem:$0x7E4] =	sst s21;
	s21 =	simm.s32 @!p4 $0x0  }
0x25: {  	p2 =	slt.u32 s6, $0xFFFFF65D;
	s12 =	simm.s32 @p1 $0x1;
	s21 =	simm.s32 @p4 $0x1  }
0x26: {  	p1 =	slt.u32 @!p2 s6, $0xFFFFF65E;
	[smem:$0x7E5] =	sst s21;
	s21 =	simm.s32 @!p2 $0x0  }
0x27: {  	[dreg:$0xd] =	wrdreg s8;
	p1 =	por p1, p2;
	s21 =	simm.s32 @p2 $0x1  }
0x28: {  	s16 =	simm.s32 $0x7800;
	[smem:$0x7E6] =	sst s21;
	s21 =	simm.s32 @!p1 $0x0  }
0x29: {  	[dreg:$0x16] =	wrdreg s10;
	s21 =	simm.s32 @p1 $0x1;
	p1 =	slt.u32 s6, $0xFFFFF654  }
0x2a: {  	p3 =	slt.u32 s6, $0xFFFFF651;
	[smem:$0x7E7] =	sst s21;
	s21 =	simm.s32 @!p1 $0x0  }
0x2b: {  	[dreg:$0x17] =	wrdreg s11;
	s21 =	simm.s32 @p1 $0x1;
	p1 =	slt.u32 s6, $0xFFFFF655  }
0x2c: {  	s20 =	sadd.s32 $0x100, s9;
	[smem:$0x7E8] =	sst s21;
	s21 =	simm.s32 @!p1 $0x0  }
0x2d: {  	[dreg:$0x1c] =	wrdreg s18;
	s21 =	simm.s32 @p1 $0x1;
	p1 =	slt.u32 s6, $0xFFFFF656  }
0x2e: {  	s22 =	sadd.s32 $0x200, s9;
	[smem:$0x7E9] =	sst s21;
	s21 =	simm.s32 @!p1 $0x0  }
0x2f: {  	[dreg:$0x9] =	wrdreg s20;
	s21 =	simm.s32 @p1 $0x1;
	p1 =	slt.u32 s6, $0xFFFFF657  }
0x30: {  	s24 =	sadd.s32 $0x300, s9;
	[smem:$0x7EA] =	sst s21;
	s21 =	simm.s32 @!p1 $0x0  }
0x31: {  	[dreg:$0xa] =	wrdreg s22;
	s21 =	simm.s32 @p1 $0x1;
	p1 =	slt.u32 s6, $0xFFFFF658  }
0x32: {  	s9 =	sadd.s32 $0x400, s9;
	[smem:$0x7EB] =	sst s21;
	s21 =	simm.s32 @!p1 $0x0  }
0x33: {  	[dreg:$0xb] =	wrdreg s24;
	s21 =	simm.s32 @p1 $0x1;
	p1 =	slt.u32 s6, $0xFFFFF659  }
0x34: {  	s7 =	sadd.s32 $0x25080, s7;
	[smem:$0x7EC] =	sst s21;
	s21 =	simm.s32 @!p1 $0x0  }
0x35: {  	[dreg:$0xc] =	wrdreg s9;
	s21 =	simm.s32 @p1 $0x1;
	p1 =	slt.u32 s6, $0xFFFFF65A  }
0x36: {  	s8 =	simm.s32 $0x2980;
	[smem:$0x7ED] =	sst s21;
	s21 =	simm.s32 @!p1 $0x0  }
0x37: {  	[dreg:$0xe] =	wrdreg s7;
	s21 =	simm.s32 @p1 $0x1;
	p1 =	slt.u32 s6, $0xFFFFF65B  }
0x38: {  	s11 =	sshll.u32 @!p0 s0, $0x6;
	[smem:$0x7EE] =	sst s21;
	s21 =	simm.s32 @!p1 $0x0  }
0x39: {  	[dreg:$0x14] =	wrdreg s8;
	s21 =	simm.s32 @p1 $0x1;
	p1 =	slt.u32 s6, $0xFFFFF65C  }
0x3a: {  	s18 =	simm.s32 $0x2F80;
	[smem:$0x7EF] =	sst s21;
	s21 =	simm.s32 @!p1 $0x0  }
0x3b: {  	s9 =	simm.s32 $0x280;
	s21 =	simm.s32 @p1 $0x1;
	p1 =	sne.s32 s3, $0x1F  }
0x3c: {  	s7 =	ssub.s32 s13, s15;
	[smem:$0x7F0] =	sst s21;
	s21 =	simm.s32 @!p1 $0x0  }
0x3d: {  	s20 =	simm.s32 $0x2C00;
	s21 =	simm.s32 @p1 $0x1;
	p1 =	slt.u32 s6, $0xFFFFF65F  }
0x3e: {  	s22 =	simm.s32 $0x2C80;
	[smem:$0x7F1] =	sst s21;
	s21 =	simm.s32 @!p1 $0x0  }
0x3f: {  	s8 =	simm.s32 $0x2800;
	s21 =	simm.s32 @p1 $0x1;
	p1 =	slt.u32 s6, $0xFFFFF660  }
0x40: {  	s24 =	simm.s32 $0x2D00;
	[smem:$0x7F2] =	sst s21;
	s21 =	simm.s32 @!p1 $0x0  }
0x41: {  	s10 =	sor.u32 @!p0 $0x1C07, s11;
	s21 =	simm.s32 @p1 $0x1;
	p1 =	slt.u32 s6, $0xFFFFF661  }
0x42: {  	s11 =	simm.s32 $0x5;
	[smem:$0x7F3] =	sst s21;
	s21 =	simm.s32 @!p1 $0x0  }
0x43: {  	[smem:$0x7DE] =	sst s18;
	s21 =	simm.s32 @p1 $0x1;
	p1 =	slt.u32 s6, $0xFFFFF662  }
0x44: {  	s13 =	simm.s32 $0x700;
	[smem:$0x7F4] =	sst s21;
	s21 =	simm.s32 @!p1 $0x0  }
0x45: {  	[dreg:$0x15] =	wrdreg s9;
	s21 =	simm.s32 @p1 $0x1;
	p1 =	slt.u32 s6, $0xFFFFF663  }
0x46: {  	s15 =	simm.s32 $0x780;
	[smem:$0x7F5] =	sst s21;
	s21 =	simm.s32 @!p1 $0x0  }
0x47: {  	[dreg:$0x1e] =	wrdreg s20;
	s21 =	simm.s32 @p1 $0x1;
	p1 =	slt.u32 s6, $0xFFFFF664  }
0x48: {  	s18 =	simm.s32 $0x3;
	[smem:$0x7F6] =	sst s21;
	s21 =	simm.s32 @!p1 $0x0  }
0x49: {  	[smem:$0x7D1] =	sst s22;
	s21 =	simm.s32 @p1 $0x1;
	p1 =	slt.u32 s6, $0xFFFFF665  }
0x4a: {  	s9 =	sadd.s32 $0x128400, s4;
	[smem:$0x7F7] =	sst s21;
	s21 =	simm.s32 @!p1 $0x0  }
0x4b: {  	[smem:$0x7D3] =	sst s24;
	s21 =	simm.s32 @p1 $0x1;
	p1 =	slt.u32 s6, $0xFFFFF666  }
0x4c: {  	s7 =	smax.u32 s7, $0x1;
	[smem:$0x7F8] =	sst s21;
	s21 =	simm.s32 @!p1 $0x0  }
0x4d: {  	[smem:$0x7D6] =	sst s12;
	s21 =	simm.s32 @p1 $0x1;
	p1 =	slt.u32 s6, $0xFFFFF667  }
0x4e: {  	s12 =	simm.s32 $0x6;
	[smem:$0x7F9] =	sst s21;
	s21 =	simm.s32 @!p1 $0x0  }
0x4f: {  	[smem:$0x7D9] =	sst s13;
	s21 =	simm.s32 @p1 $0x1;
	p1 =	slt.u32 s6, $0xFFFFF668  }
0x50: {  	s13 =	simm.s32 $0x80;
	[smem:$0x7FA] =	sst s21;
	s21 =	simm.s32 @!p1 $0x0  }
0x51: {  	[smem:$0x7DB] =	sst s15;
	s21 =	simm.s32 @p1 $0x1;
	p1 =	slt.u32 s6, $0xFFFFF669  }
0x52: {  	s15 =	simm.s32 $0x3000;
	[smem:$0x7FB] =	sst s21;
	s21 =	simm.s32 @!p1 $0x0  }
0x53: {  	s20 =	simm.s32 $0x900;
	s21 =	simm.s32 @p1 $0x1;
	p1 =	slt.u32 s6, $0xFFFFF66A  }
0x54: {  	s9 =	sshrl.u32 @p0 s9, $0x3;
	[smem:$0x7FC] =	sst s21;
	s21 =	simm.s32 @!p1 $0x0  }
0x55: {  	[smem:$0x7E0] =	sst s20;
	s20 =	simm.s32 $0x4;
	s21 =	simm.s32 @p1 $0x1  }
0x56: {  	p4 =	slt.u32 s6, $0xFFFFF66C;
	p2 =	slt.u32 s6, $0xFFFFF66B;
	[smem:$0x7FD] =	sst s21  }
.LBB2_1:
0x57: {  	s21 =	rddreg [dreg:$0x4]  }
0x58: {  	s22 =	rddreg [dreg:$0x5]  }
0x59: {  	[tilespmem:s5], [sflag:$0x5] =	stream.linear.gather [hbm4b:s21+s5], $0x2800, $0x38;
	[tilespmem:$0x1F080] =	vst v63  }
0x5a: {  	s23 =	simm.s32 @p0 $0x1FC7;
	s21 =	rddreg [dreg:$0x8]  }
0x5b: {  	[tilespmem:s8], [sflag:$0x6] =	stream.linear.gather [hbm4b:s22+s5], $0x800, $0x38;
	[tilespmem:$0x1F080] =	vst v63  }
0x5c: {  	[spmem:s9], [sflag:s23] =	dma.local @p0 [hbm:s21], $0x2080  }
0x5d: {  	s21 =	simm.s32 @p0 $0x7  }
0x5e: {  	_ =	swait.ge @p0 [sflag:s21], $0x2080  }
0x5f: {  	s22 =	rddreg [dreg:$0x6]  }
0x60: {  	s25 =	rddreg [dreg:$0x7];
	[sflag:s21] =	ssyncset.done @p0 $0x0  }
0x61: {  	[sflag:s21] =	ssyncadd.s32 @p0 $0xFFFFDF80;
	s24 =	sshrl.u32 @!p0 s22, $0x3;
	s22 =	simm.s32 @!p0 $0x7  }
0x62: {  	[spmem:s24], [sflag:s10] =	dma.local @!p0 [hbm:s25], $0x2780  }
0x63: {  	_ =	swait.ge @!p0 [sflag:s22], $0x2780  }
0x64: {  	[sflag:s22] =	ssyncset.done @!p0 $0x0  }
0x65: {  	[sflag:s22] =	ssyncadd.s32 @!p0 $0xFFFFD880  }
0x66: {  	_ =	swait.ge [sflag:s11], $0x2800  }
0x67: {  	[sflag:s11] =	ssyncset.done $0x0  }
0x68: {  	[sflag:s11] =	ssyncadd.s32 $0xFFFFD800  }
0x69: {  	_ =	swait.ge [sflag:s12], $0x800  }
0x6a: {  	[sflag:s12] =	ssyncset.done $0x0  }
0x6b: {  	[sflag:s12] =	ssyncadd.s32 $0xFFFFF800  }
0x6c: {  	[tilespmem:s14], [sflag:$0x1] =	stream.indirect.gather [hbm4b:s1+s13], $0x80, s5, s13, $0xb8;
	[tilespmem:$0x1F080] =	vst v63  }
0x6d: {  	[bflag:$0x0] =	sbarrier.arrive $0xFFFF  }
0x6e: {  	s30 =	rddreg [dreg:$0x9]  }
0x6f: {  	[tilespmem:s15], [sflag:$0x5] =	stream.linear.gather [hbm4b:s30+s5], $0x800, $0x38;
	[tilespmem:$0x1F080] =	vst v63  }
0x70: {  	_ = 	snop  }
0x71: {  	[tilespmem:s16], [sflag:$0x2] =	stream.indirect.gather [hbm4b:s1+s13], $0x80, s13, s13, $0xb8;
	[tilespmem:$0x1F080] =	vst v63  }
0x72: {  	_ =	swait.ge [sflag:s17], $0x4000  }
0x73: {  	[sflag:s17] =	ssyncset.done $0x0  }
0x74: {  	[sflag:s17] =	ssyncadd.s32 $0xFFFFC000  }
0x75: {  	[spmem:s4] =	stream.indirect.scatter.add.f32 [tilespmem:s14], [sflag:$0x3], $0x80, s8, s13, $0xb8;
	[tilespmem:$0x1F080] =	vst v63  }
0x76: {  	_ =	swait.ge [sflag:s18], $0x4000  }
0x77: {  	[sflag:s18] =	ssyncset.done $0x0  }
0x78: {  	s31 =	rddreg [dreg:$0xf];
	[sflag:s18] =	ssyncadd.s32 $0xFFFFC000  }
0x79: {  	[tilespmem:s14], [sflag:$0x1] =	stream.indirect.gather [hbm4b:s1+s13], $0x80, s31, s13, $0xb8;
	[tilespmem:$0x1F080] =	vst v63  }
0x7a: {  	_ =	swait.ge [sflag:s19], $0x4000  }
0x7b: {  	[sflag:s19] =	ssyncset.done $0x0  }
0x7c: {  	s26 =	rddreg [dreg:$0x10];
	[sflag:s19] =	ssyncadd.s32 $0xFFFFC000  }
0x7d: {  	[spmem:s4] =	stream.indirect.scatter.add.f32 [tilespmem:s16], [sflag:$0x4], $0x80, s26, s13, $0xb8;
	[tilespmem:$0x1F080] =	vst v63  }
0x7e: {  	_ =	swait.ge [sflag:s20], $0x4000  }
0x7f: {  	[sflag:s20] =	ssyncset.done $0x0  }
0x80: {  	s28 =	rddreg [dreg:$0x11];
	[sflag:s20] =	ssyncadd.s32 $0xFFFFC000  }
0x81: {  	[tilespmem:s16], [sflag:$0x2] =	stream.indirect.gather [hbm4b:s1+s13], $0x80, s28, s13, $0xb8;
	[tilespmem:$0x1F080] =	vst v63  }
0x82: {  	_ =	swait.ge [sflag:s17], $0x4000  }
0x83: {  	[sflag:s17] =	ssyncset.done $0x0  }
0x84: {  	s29 =	rddreg [dreg:$0x12];
	[sflag:s17] =	ssyncadd.s32 $0xFFFFC000  }
0x85: {  	[spmem:s4] =	stream.indirect.scatter.add.f32 [tilespmem:s14], [sflag:$0x3], $0x80, s29, s13, $0xb8;
	[tilespmem:$0x1F080] =	vst v63  }
0x86: {  	_ =	swait.ge [sflag:s18], $0x4000  }
0x87: {  	[sflag:s18] =	ssyncset.done $0x0  }
0x88: {  	s30 =	rddreg [dreg:$0x13];
	[sflag:s18] =	ssyncadd.s32 $0xFFFFC000  }
0x89: {  	[tilespmem:s14], [sflag:$0x1] =	stream.indirect.gather [hbm4b:s1+s13], $0x80, s30, s13, $0xb8;
	[tilespmem:$0x1F080] =	vst v63  }
0x8a: {  	_ =	swait.ge [sflag:s19], $0x4000  }
0x8b: {  	[sflag:s19] =	ssyncset.done $0x0  }
0x8c: {  	s31 =	rddreg [dreg:$0x14];
	[sflag:s19] =	ssyncadd.s32 $0xFFFFC000  }
0x8d: {  	[spmem:s4] =	stream.indirect.scatter.add.f32 [tilespmem:s16], [sflag:$0x4], $0x80, s31, s13, $0xb8;
	[tilespmem:$0x1F080] =	vst v63  }
0x8e: {  	_ =	swait.ge [sflag:s20], $0x4000  }
0x8f: {  	[sflag:s20] =	ssyncset.done $0x0  }
0x90: {  	s26 =	rddreg [dreg:$0x15];
	[sflag:s20] =	ssyncadd.s32 $0xFFFFC000  }
0x91: {  	[tilespmem:s16], [sflag:$0x2] =	stream.indirect.gather [hbm4b:s1+s13], $0x80, s26, s13, $0xb8;
	[tilespmem:$0x1F080] =	vst v63  }
0x92: {  	_ =	swait.ge [sflag:s17], $0x4000  }
0x93: {  	[sflag:s17] =	ssyncset.done $0x0  }
0x94: {  	s28 =	rddreg [dreg:$0x16];
	[sflag:s17] =	ssyncadd.s32 $0xFFFFC000  }
0x95: {  	[spmem:s4] =	stream.indirect.scatter.add.f32 [tilespmem:s14], [sflag:$0x3], $0x80, s28, s13, $0xb8;
	[tilespmem:$0x1F080] =	vst v63  }
0x96: {  	_ =	swait.ge [sflag:s18], $0x4000  }
0x97: {  	[sflag:s18] =	ssyncset.done $0x0  }
0x98: {  	s29 =	rddreg [dreg:$0x17];
	[sflag:s18] =	ssyncadd.s32 $0xFFFFC000  }
0x99: {  	[tilespmem:s14], [sflag:$0x1] =	stream.indirect.gather [hbm4b:s1+s13], $0x80, s29, s13, $0xb8;
	[tilespmem:$0x1F080] =	vst v63  }
0x9a: {  	_ =	swait.ge [sflag:s19], $0x4000  }
0x9b: {  	[sflag:s19] =	ssyncset.done $0x0  }
0x9c: {  	s30 =	rddreg [dreg:$0x18];
	[sflag:s19] =	ssyncadd.s32 $0xFFFFC000  }
0x9d: {  	[spmem:s4] =	stream.indirect.scatter.add.f32 [tilespmem:s16], [sflag:$0x4], $0x80, s30, s13, $0xb8;
	[tilespmem:$0x1F080] =	vst v63  }
0x9e: {  	_ =	swait.ge [sflag:s20], $0x4000  }
0x9f: {  	[sflag:s20] =	ssyncset.done $0x0  }
0xa0: {  	s31 =	rddreg [dreg:$0x19];
	[sflag:s20] =	ssyncadd.s32 $0xFFFFC000  }
0xa1: {  	[tilespmem:s16], [sflag:$0x2] =	stream.indirect.gather [hbm4b:s1+s13], $0x80, s31, s13, $0xb8;
	[tilespmem:$0x1F080] =	vst v63  }
0xa2: {  	_ =	swait.ge [sflag:s17], $0x4000  }
0xa3: {  	[sflag:s17] =	ssyncset.done $0x0  }
0xa4: {  	s26 =	rddreg [dreg:$0x1a];
	[sflag:s17] =	ssyncadd.s32 $0xFFFFC000  }
0xa5: {  	[spmem:s4] =	stream.indirect.scatter.add.f32 [tilespmem:s14], [sflag:$0x3], $0x80, s26, s13, $0xb8;
	[tilespmem:$0x1F080] =	vst v63  }
0xa6: {  	_ =	swait.ge [sflag:s18], $0x4000  }
0xa7: {  	[sflag:s18] =	ssyncset.done $0x0  }
0xa8: {  	s28 =	rddreg [dreg:$0x1b];
	[sflag:s18] =	ssyncadd.s32 $0xFFFFC000  }
0xa9: {  	[tilespmem:s14], [sflag:$0x1] =	stream.indirect.gather [hbm4b:s1+s13], $0x80, s28, s13, $0xb8;
	[tilespmem:$0x1F080] =	vst v63  }
0xaa: {  	_ =	swait.ge [sflag:s19], $0x4000  }
0xab: {  	[sflag:s19] =	ssyncset.done $0x0  }
0xac: {  	s29 =	rddreg [dreg:$0x1c];
	[sflag:s19] =	ssyncadd.s32 $0xFFFFC000  }
0xad: {  	[spmem:s4] =	stream.indirect.scatter.add.f32 [tilespmem:s16], [sflag:$0x4], $0x80, s29, s13, $0xb8;
	[tilespmem:$0x1F080] =	vst v63  }
0xae: {  	_ =	swait.ge [sflag:s20], $0x4000  }
0xaf: {  	[sflag:s20] =	ssyncset.done $0x0  }
0xb0: {  	s30 =	rddreg [dreg:$0x1d];
	[sflag:s20] =	ssyncadd.s32 $0xFFFFC000  }
0xb1: {  	[tilespmem:s16], [sflag:$0x2] =	stream.indirect.gather [hbm4b:s1+s13], $0x80, s30, s13, $0xb8;
	[tilespmem:$0x1F080] =	vst v63  }
0xb2: {  	_ =	swait.ge [sflag:s17], $0x4000  }
0xb3: {  	[sflag:s17] =	ssyncset.done $0x0  }
0xb4: {  	s31 =	rddreg [dreg:$0x1e];
	[sflag:s17] =	ssyncadd.s32 $0xFFFFC000  }
0xb5: {  	[spmem:s4] =	stream.indirect.scatter.add.f32 [tilespmem:s14], [sflag:$0x3], $0x80, s31, s13, $0xb8;
	[tilespmem:$0x1F080] =	vst v63  }
0xb6: {  	_ =	swait.ge [sflag:s18], $0x4000  }
0xb7: {  	[sflag:s18] =	ssyncset.done $0x0  }
0xb8: {  	s26 =	rddreg [dreg:$0x1f];
	[sflag:s18] =	ssyncadd.s32 $0xFFFFC000  }
0xb9: {  	[tilespmem:s14], [sflag:$0x1] =	stream.indirect.gather [hbm4b:s1+s13], $0x80, s26, s13, $0xb8;
	[tilespmem:$0x1F080] =	vst v63  }
0xba: {  	_ =	swait.ge [sflag:s19], $0x4000  }
0xbb: {  	s28 =	sld [smem:$0x7D1]  }
0xbc: {  	[sflag:s19] =	ssyncset.done $0x0  }
0xbd: {  	[sflag:s19] =	ssyncadd.s32 $0xFFFFC000  }
0xbe: {  	[spmem:s4] =	stream.indirect.scatter.add.f32 [tilespmem:s16], [sflag:$0x4], $0x80, s28, s13, $0xb8;
	[tilespmem:$0x1F080] =	vst v63  }
0xbf: {  	_ =	swait.ge [sflag:s20], $0x4000  }
0xc0: {  	s29 =	sld [smem:$0x7D2]  }
0xc1: {  	[sflag:s20] =	ssyncset.done $0x0  }
0xc2: {  	[sflag:s20] =	ssyncadd.s32 $0xFFFFC000  }
0xc3: {  	[tilespmem:s16], [sflag:$0x2] =	stream.indirect.gather [hbm4b:s1+s13], $0x80, s29, s13, $0xb8;
	[tilespmem:$0x1F080] =	vst v63  }
0xc4: {  	_ =	swait.ge [sflag:s17], $0x4000  }
0xc5: {  	s30 =	sld [smem:$0x7D3]  }
0xc6: {  	[sflag:s17] =	ssyncset.done $0x0  }
0xc7: {  	[sflag:s17] =	ssyncadd.s32 $0xFFFFC000  }
0xc8: {  	[spmem:s4] =	stream.indirect.scatter.add.f32 [tilespmem:s14], [sflag:$0x3], $0x80, s30, s13, $0xb8;
	[tilespmem:$0x1F080] =	vst v63  }
0xc9: {  	_ =	swait.ge [sflag:s18], $0x4000  }
0xca: {  	s31 =	sld [smem:$0x7D4]  }
0xcb: {  	[sflag:s18] =	ssyncset.done $0x0  }
0xcc: {  	[sflag:s18] =	ssyncadd.s32 $0xFFFFC000  }
0xcd: {  	[tilespmem:s14], [sflag:$0x1] =	stream.indirect.gather [hbm4b:s1+s13], $0x80, s31, s13, $0xb8;
	[tilespmem:$0x1F080] =	vst v63  }
0xce: {  	_ =	swait.ge [sflag:s19], $0x4000  }
0xcf: {  	s26 =	sld [smem:$0x7D5]  }
0xd0: {  	[sflag:s19] =	ssyncset.done $0x0  }
0xd1: {  	[sflag:s19] =	ssyncadd.s32 $0xFFFFC000  }
0xd2: {  	[spmem:s4] =	stream.indirect.scatter.add.f32 [tilespmem:s16], [sflag:$0x4], $0x80, s26, s13, $0xb8;
	[tilespmem:$0x1F080] =	vst v63  }
0xd3: {  	_ =	swait.ge [sflag:s20], $0x4000  }
0xd4: {  	s28 =	sld [smem:$0x7D7]  }
0xd5: {  	[sflag:s20] =	ssyncset.done $0x0  }
0xd6: {  	[sflag:s20] =	ssyncadd.s32 $0xFFFFC000  }
0xd7: {  	[tilespmem:s16], [sflag:$0x2] =	stream.indirect.gather [hbm4b:s1+s13], $0x80, s28, s13, $0xb8;
	[tilespmem:$0x1F080] =	vst v63  }
0xd8: {  	_ =	swait.ge [sflag:s17], $0x4000  }
0xd9: {  	s29 =	sld [smem:$0x7D8]  }
0xda: {  	[sflag:s17] =	ssyncset.done $0x0  }
0xdb: {  	[sflag:s17] =	ssyncadd.s32 $0xFFFFC000  }
0xdc: {  	[spmem:s4] =	stream.indirect.scatter.add.f32 [tilespmem:s14], [sflag:$0x3], $0x80, s29, s13, $0xb8;
	[tilespmem:$0x1F080] =	vst v63  }
0xdd: {  	_ =	swait.ge [sflag:s18], $0x4000  }
0xde: {  	s30 =	sld [smem:$0x7D9]  }
0xdf: {  	[sflag:s18] =	ssyncset.done $0x0  }
0xe0: {  	[sflag:s18] =	ssyncadd.s32 $0xFFFFC000  }
0xe1: {  	[tilespmem:s14], [sflag:$0x1] =	stream.indirect.gather [hbm4b:s1+s13], $0x80, s30, s13, $0xb8;
	[tilespmem:$0x1F080] =	vst v63  }
0xe2: {  	_ =	swait.ge [sflag:s19], $0x4000  }
0xe3: {  	s31 =	sld [smem:$0x7DA]  }
0xe4: {  	[sflag:s19] =	ssyncset.done $0x0  }
0xe5: {  	[sflag:s19] =	ssyncadd.s32 $0xFFFFC000  }
0xe6: {  	[spmem:s4] =	stream.indirect.scatter.add.f32 [tilespmem:s16], [sflag:$0x4], $0x80, s31, s13, $0xb8;
	[tilespmem:$0x1F080] =	vst v63  }
0xe7: {  	_ =	swait.ge [sflag:s20], $0x4000  }
0xe8: {  	s26 =	sld [smem:$0x7DB]  }
0xe9: {  	[sflag:s20] =	ssyncset.done $0x0  }
0xea: {  	[sflag:s20] =	ssyncadd.s32 $0xFFFFC000  }
0xeb: {  	[tilespmem:s16], [sflag:$0x2] =	stream.indirect.gather [hbm4b:s1+s13], $0x80, s26, s13, $0xb8;
	[tilespmem:$0x1F080] =	vst v63  }
0xec: {  	_ =	swait.ge [sflag:s17], $0x4000  }
0xed: {  	s28 =	sld [smem:$0x7DC]  }
0xee: {  	[sflag:s17] =	ssyncset.done $0x0  }
0xef: {  	[sflag:s17] =	ssyncadd.s32 $0xFFFFC000  }
0xf0: {  	[spmem:s4] =	stream.indirect.scatter.add.f32 [tilespmem:s14], [sflag:$0x3], $0x80, s28, s13, $0xb8;
	[tilespmem:$0x1F080] =	vst v63  }
0xf1: {  	_ =	swait.ge [sflag:s18], $0x4000  }
0xf2: {  	s29 =	sld [smem:$0x7DD]  }
0xf3: {  	[sflag:s18] =	ssyncset.done $0x0  }
0xf4: {  	[sflag:s18] =	ssyncadd.s32 $0xFFFFC000  }
0xf5: {  	[tilespmem:s14], [sflag:$0x1] =	stream.indirect.gather [hbm4b:s1+s13], $0x80, s29, s13, $0xb8;
	[tilespmem:$0x1F080] =	vst v63  }
0xf6: {  	_ =	swait.ge [sflag:s19], $0x4000  }
0xf7: {  	s30 =	sld [smem:$0x7DE]  }
0xf8: {  	[sflag:s19] =	ssyncset.done $0x0  }
0xf9: {  	[sflag:s19] =	ssyncadd.s32 $0xFFFFC000  }
0xfa: {  	[spmem:s4] =	stream.indirect.scatter.add.f32 [tilespmem:s16], [sflag:$0x4], $0x80, s30, s13, $0xb8;
	[tilespmem:$0x1F080] =	vst v63  }
0xfb: {  	_ =	swait.ge [sflag:s11], $0x800  }
0xfc: {  	[sflag:s11] =	ssyncset.done $0x0  }
0xfd: {  	[sflag:s11] =	ssyncadd.s32 $0xFFFFF800  }
0xfe: {  	_ =	swait.ge [sflag:s20], $0x4000  }
0xff: {  	s31 =	rddreg [dreg:$0xa];
	[sflag:s20] =	ssyncset.done $0x0  }
0x100: {  	s26 =	sld [smem:$0x7DF];
	[sflag:s20] =	ssyncadd.s32 $0xFFFFC000  }
0x101: {  	[tilespmem:s8], [sflag:$0x5] =	stream.linear.gather [hbm4b:s31+s5], $0x800, $0x38;
	[tilespmem:$0x1F080] =	vst v63  }
0x102: {  	_ = 	snop  }
0x103: {  	[tilespmem:s16], [sflag:$0x2] =	stream.indirect.gather [hbm4b:s1+s13], $0x80, s26, s13, $0xb8;
	[tilespmem:$0x1F080] =	vst v63  }
0x104: {  	_ =	swait.ge [sflag:s17], $0x4000  }
0x105: {  	[sflag:s17] =	ssyncset.done $0x0  }
0x106: {  	[sflag:s17] =	ssyncadd.s32 $0xFFFFC000  }
0x107: {  	[spmem:s4] =	stream.indirect.scatter.add.f32 [tilespmem:s14], [sflag:$0x3], $0x80, s15, s13, $0xb8;
	[tilespmem:$0x1F080] =	vst v63  }
0x108: {  	_ =	swait.ge [sflag:s18], $0x4000  }
0x109: {  	s26 =	sld [smem:$0x7E0]  }
0x10a: {  	[sflag:s18] =	ssyncset.done $0x0  }
0x10b: {  	[sflag:s18] =	ssyncadd.s32 $0xFFFFC000  }
0x10c: {  	[tilespmem:s14], [sflag:$0x1] =	stream.indirect.gather [hbm4b:s1+s13], $0x80, s26, s13, $0xb8;
	[tilespmem:$0x1F080] =	vst v63  }
0x10d: {  	_ =	swait.ge [sflag:s19], $0x4000  }
0x10e: {  	s28 =	sld [smem:$0x7E1]  }
0x10f: {  	[sflag:s19] =	ssyncset.done $0x0;
	s29 =	sld [smem:$0x7D6]  }
0x110: {  	[sflag:s19] =	ssyncadd.s32 $0xFFFFC000  }
0x111: {  	[spmem:s4] =	stream.indirect.scatter.add.f32 [tilespmem:s16], [sflag:$0x4], $0x80, s28, s13, $0xb8;
	[tilespmem:$0x1F080] =	vst v63  }
0x112: {  	p1 =	seq.s32 s29, $0x1  }
0x113: {  	s25 =	simm.s32 @!p1 $0x4  }
0x114: {  	_ =	swait.ge @!p1 [sflag:s25], $0x4000  }
0x115: {  	s26 =	simm.s32 @!p1 $0x980;
	[sflag:s25] =	ssyncset.done @!p1 $0x0  }
0x116: {  	s28 =	simm.s32 @!p1 $0x7800;
	[sflag:s25] =	ssyncadd.s32 @!p1 $0xFFFFC000;
	s25 =	simm.s32 @!p1 $0x80  }
0x117: {  	[tilespmem:s28], [sflag:$0x2] =	stream.indirect.gather @!p1 [hbm4b:s1+s25], $0x80, s26, s25, $0xb8;
	[tilespmem:$0x1F080] =	vst v63  }
0x118: {  	_ =	swait.ge [sflag:s17], $0x4000  }
0x119: {  	s30 =	sld [smem:$0x7E2]  }
0x11a: {  	[sflag:s17] =	ssyncset.done $0x0  }
0x11b: {  	s25 =	simm.s32 @!p3 $0x3;
	[sflag:s17] =	ssyncadd.s32 $0xFFFFC000  }
0x11c: {  	[spmem:s4] =	stream.indirect.scatter.add.f32 [tilespmem:s14], [sflag:$0x3], $0x80, s30, s13, $0xb8;
	[tilespmem:$0x1F080] =	vst v63  }
0x11d: {  	_ =	swait.ge @!p3 [sflag:s25], $0x4000  }
0x11e: {  	s26 =	simm.s32 @!p3 $0xA00;
	[sflag:s25] =	ssyncset.done @!p3 $0x0  }
0x11f: {  	s28 =	simm.s32 @!p3 $0x3800;
	[sflag:s25] =	ssyncadd.s32 @!p3 $0xFFFFC000;
	s25 =	simm.s32 @!p3 $0x80  }
0x120: {  	[tilespmem:s28], [sflag:$0x1] =	stream.indirect.gather @!p3 [hbm4b:s1+s25], $0x80, s26, s25, $0xb8;
	[tilespmem:$0x1F080] =	vst v63  }
0x121: {  	_ =	swait.ge [sflag:s19], $0x4000  }
0x122: {  	s31 =	sld [smem:$0x7E3]  }
0x123: {  	[sflag:s19] =	ssyncset.done $0x0  }
0x124: {  	s26 =	simm.s32 @!p3 $0x4;
	[sflag:s19] =	ssyncadd.s32 $0xFFFFC000  }
0x125: {  	[spmem:s4] =	stream.indirect.scatter.add.f32 [tilespmem:s16], [sflag:$0x4], $0x80, s31, s13, $0xb8;
	[tilespmem:$0x1F080] =	vst v63  }
0x126: {  	_ =	swait.ge @!p3 [sflag:s26], $0x4000  }
0x127: {  	[sflag:s26] =	ssyncset.done @!p3 $0x0  }
0x128: {  	s29 =	simm.s32 @!p3 $0x7800;
	[sflag:s26] =	ssyncadd.s32 @!p3 $0xFFFFC000;
	s26 =	simm.s32 @!p3 $0xA80  }
0x129: {  	[tilespmem:s29], [sflag:$0x2] =	stream.indirect.gather @!p3 [hbm4b:s1+s25], $0x80, s26, s25, $0xb8;
	[tilespmem:$0x1F080] =	vst v63  }
0x12a: {  	s26 =	simm.s32 @!p3 $0x1  }
0x12b: {  	_ =	swait.ge @!p3 [sflag:s26], $0x4000  }
0x12c: {  	[sflag:s26] =	ssyncset.done @!p3 $0x0;
	s29 =	sld [smem:$0x7E4]  }
0x12d: {  	[sflag:s26] =	ssyncadd.s32 @!p3 $0xFFFFC000;
	s26 =	simm.s32 @!p3 $0x3200  }
0x12e: {  	[spmem:s4] =	stream.indirect.scatter.add.f32 @!p3 [tilespmem:s28], [sflag:$0x3], $0x80, s26, s25, $0xb8;
	[tilespmem:$0x1F080] =	vst v63  }
0x12f: {  	p1 =	seq.s32 s29, $0x1  }
0x130: {  	s25 =	simm.s32 @!p1 $0x3  }
0x131: {  	_ =	swait.ge @!p1 [sflag:s25], $0x4000  }
0x132: {  	s26 =	simm.s32 @!p1 $0xB00;
	[sflag:s25] =	ssyncset.done @!p1 $0x0  }
0x133: {  	s28 =	simm.s32 @!p1 $0x3800;
	[sflag:s25] =	ssyncadd.s32 @!p1 $0xFFFFC000;
	s25 =	simm.s32 @!p1 $0x80  }
0x134: {  	[tilespmem:s28], [sflag:$0x1] =	stream.indirect.gather @!p1 [hbm4b:s1+s25], $0x80, s26, s25, $0xb8;
	[tilespmem:$0x1F080] =	vst v63  }
0x135: {  	s26 =	simm.s32 @!p1 $0x2  }
0x136: {  	_ =	swait.ge @!p1 [sflag:s26], $0x4000  }
0x137: {  	[sflag:s26] =	ssyncset.done @!p1 $0x0;
	s30 =	sld [smem:$0x7E5]  }
0x138: {  	s28 =	simm.s32 @!p1 $0x7800;
	[sflag:s26] =	ssyncadd.s32 @!p1 $0xFFFFC000;
	s26 =	simm.s32 @!p1 $0x3280  }
0x139: {  	[spmem:s4] =	stream.indirect.scatter.add.f32 @!p1 [tilespmem:s28], [sflag:$0x4], $0x80, s26, s25, $0xb8;
	[tilespmem:$0x1F080] =	vst v63  }
0x13a: {  	p1 =	seq.s32 s30, $0x1  }
0x13b: {  	s25 =	simm.s32 @!p1 $0x4  }
0x13c: {  	_ =	swait.ge @!p1 [sflag:s25], $0x4000  }
0x13d: {  	s26 =	simm.s32 @!p1 $0xB80;
	[sflag:s25] =	ssyncset.done @!p1 $0x0  }
0x13e: {  	s28 =	simm.s32 @!p1 $0x7800;
	[sflag:s25] =	ssyncadd.s32 @!p1 $0xFFFFC000;
	s25 =	simm.s32 @!p1 $0x80  }
0x13f: {  	[tilespmem:s28], [sflag:$0x2] =	stream.indirect.gather @!p1 [hbm4b:s1+s25], $0x80, s26, s25, $0xb8;
	[tilespmem:$0x1F080] =	vst v63  }
0x140: {  	s26 =	simm.s32 @!p1 $0x1  }
0x141: {  	_ =	swait.ge @!p1 [sflag:s26], $0x4000  }
0x142: {  	[sflag:s26] =	ssyncset.done @!p1 $0x0;
	s31 =	sld [smem:$0x7E8]  }
0x143: {  	s28 =	simm.s32 @!p1 $0x3800;
	[sflag:s26] =	ssyncadd.s32 @!p1 $0xFFFFC000;
	s26 =	simm.s32 @!p1 $0x3300  }
0x144: {  	[spmem:s4] =	stream.indirect.scatter.add.f32 @!p1 [tilespmem:s28], [sflag:$0x3], $0x80, s26, s25, $0xb8;
	[tilespmem:$0x1F080] =	vst v63  }
0x145: {  	p1 =	seq.s32 s31, $0x1  }
0x146: {  	s25 =	simm.s32 @!p1 $0x3  }
0x147: {  	_ =	swait.ge @!p1 [sflag:s25], $0x4000  }
0x148: {  	s26 =	simm.s32 @!p1 $0xC00;
	[sflag:s25] =	ssyncset.done @!p1 $0x0  }
0x149: {  	s28 =	simm.s32 @!p1 $0x3800;
	[sflag:s25] =	ssyncadd.s32 @!p1 $0xFFFFC000;
	s25 =	simm.s32 @!p1 $0x80  }
0x14a: {  	[tilespmem:s28], [sflag:$0x1] =	stream.indirect.gather @!p1 [hbm4b:s1+s25], $0x80, s26, s25, $0xb8;
	[tilespmem:$0x1F080] =	vst v63  }
0x14b: {  	s26 =	simm.s32 @!p1 $0x2  }
0x14c: {  	_ =	swait.ge @!p1 [sflag:s26], $0x4000  }
0x14d: {  	[sflag:s26] =	ssyncset.done @!p1 $0x0  }
0x14e: {  	s28 =	simm.s32 @!p1 $0x7800;
	[sflag:s26] =	ssyncadd.s32 @!p1 $0xFFFFC000;
	s26 =	simm.s32 @!p1 $0x3380  }
0x14f: {  	[spmem:s4] =	stream.indirect.scatter.add.f32 @!p1 [tilespmem:s28], [sflag:$0x4], $0x80, s26, s25, $0xb8;
	[tilespmem:$0x1F080] =	vst v63  }
0x150: {  	s26 =	sld [smem:$0x7E9];
	_ =	sdelay $0x2  }
0x151: {  	p1 =	seq.s32 s26, $0x1  }
0x152: {  	s25 =	simm.s32 @!p1 $0x4  }
0x153: {  	_ =	swait.ge @!p1 [sflag:s25], $0x4000  }
0x154: {  	s26 =	simm.s32 @!p1 $0xC80;
	[sflag:s25] =	ssyncset.done @!p1 $0x0  }
0x155: {  	s28 =	simm.s32 @!p1 $0x7800;
	[sflag:s25] =	ssyncadd.s32 @!p1 $0xFFFFC000;
	s25 =	simm.s32 @!p1 $0x80  }
0x156: {  	[tilespmem:s28], [sflag:$0x2] =	stream.indirect.gather @!p1 [hbm4b:s1+s25], $0x80, s26, s25, $0xb8;
	[tilespmem:$0x1F080] =	vst v63  }
0x157: {  	s26 =	simm.s32 @!p1 $0x1  }
0x158: {  	_ =	swait.ge @!p1 [sflag:s26], $0x4000  }
0x159: {  	[sflag:s26] =	ssyncset.done @!p1 $0x0  }
0x15a: {  	s28 =	simm.s32 @!p1 $0x3800;
	[sflag:s26] =	ssyncadd.s32 @!p1 $0xFFFFC000;
	s26 =	simm.s32 @!p1 $0x3400  }
0x15b: {  	[spmem:s4] =	stream.indirect.scatter.add.f32 @!p1 [tilespmem:s28], [sflag:$0x3], $0x80, s26, s25, $0xb8;
	[tilespmem:$0x1F080] =	vst v63  }
0x15c: {  	s28 =	sld [smem:$0x7EA];
	_ =	sdelay $0x2  }
0x15d: {  	p1 =	seq.s32 s28, $0x1  }
0x15e: {  	s25 =	simm.s32 @!p1 $0x3  }
0x15f: {  	_ =	swait.ge @!p1 [sflag:s25], $0x4000  }
0x160: {  	s26 =	simm.s32 @!p1 $0xD00;
	[sflag:s25] =	ssyncset.done @!p1 $0x0  }
0x161: {  	s28 =	simm.s32 @!p1 $0x3800;
	[sflag:s25] =	ssyncadd.s32 @!p1 $0xFFFFC000;
	s25 =	simm.s32 @!p1 $0x80  }
0x162: {  	[tilespmem:s28], [sflag:$0x1] =	stream.indirect.gather @!p1 [hbm4b:s1+s25], $0x80, s26, s25, $0xb8;
	[tilespmem:$0x1F080] =	vst v63  }
0x163: {  	s26 =	simm.s32 @!p1 $0x2  }
0x164: {  	_ =	swait.ge @!p1 [sflag:s26], $0x4000  }
0x165: {  	[sflag:s26] =	ssyncset.done @!p1 $0x0;
	s29 =	sld [smem:$0x7EB]  }
0x166: {  	s28 =	simm.s32 @!p1 $0x7800;
	[sflag:s26] =	ssyncadd.s32 @!p1 $0xFFFFC000;
	s26 =	simm.s32 @!p1 $0x3480  }
0x167: {  	[spmem:s4] =	stream.indirect.scatter.add.f32 @!p1 [tilespmem:s28], [sflag:$0x4], $0x80, s26, s25, $0xb8;
	[tilespmem:$0x1F080] =	vst v63  }
0x168: {  	p1 =	seq.s32 s29, $0x1  }
0x169: {  	s25 =	simm.s32 @!p1 $0x4  }
0x16a: {  	_ =	swait.ge @!p1 [sflag:s25], $0x4000  }
0x16b: {  	s26 =	simm.s32 @!p1 $0xD80;
	[sflag:s25] =	ssyncset.done @!p1 $0x0  }
0x16c: {  	s28 =	simm.s32 @!p1 $0x7800;
	[sflag:s25] =	ssyncadd.s32 @!p1 $0xFFFFC000;
	s25 =	simm.s32 @!p1 $0x80  }
0x16d: {  	[tilespmem:s28], [sflag:$0x2] =	stream.indirect.gather @!p1 [hbm4b:s1+s25], $0x80, s26, s25, $0xb8;
	[tilespmem:$0x1F080] =	vst v63  }
0x16e: {  	s26 =	simm.s32 @!p1 $0x1  }
0x16f: {  	_ =	swait.ge @!p1 [sflag:s26], $0x4000  }
0x170: {  	[sflag:s26] =	ssyncset.done @!p1 $0x0;
	s30 =	sld [smem:$0x7EC]  }
0x171: {  	s28 =	simm.s32 @!p1 $0x3800;
	[sflag:s26] =	ssyncadd.s32 @!p1 $0xFFFFC000;
	s26 =	simm.s32 @!p1 $0x3500  }
0x172: {  	[spmem:s4] =	stream.indirect.scatter.add.f32 @!p1 [tilespmem:s28], [sflag:$0x3], $0x80, s26, s25, $0xb8;
	[tilespmem:$0x1F080] =	vst v63  }
0x173: {  	p1 =	seq.s32 s30, $0x1  }
0x174: {  	s25 =	simm.s32 @!p1 $0x3  }
0x175: {  	_ =	swait.ge @!p1 [sflag:s25], $0x4000  }
0x176: {  	s26 =	simm.s32 @!p1 $0xE00;
	[sflag:s25] =	ssyncset.done @!p1 $0x0  }
0x177: {  	s28 =	simm.s32 @!p1 $0x3800;
	[sflag:s25] =	ssyncadd.s32 @!p1 $0xFFFFC000;
	s25 =	simm.s32 @!p1 $0x80  }
0x178: {  	[tilespmem:s28], [sflag:$0x1] =	stream.indirect.gather @!p1 [hbm4b:s1+s25], $0x80, s26, s25, $0xb8;
	[tilespmem:$0x1F080] =	vst v63  }
0x179: {  	s26 =	simm.s32 @!p1 $0x2  }
0x17a: {  	_ =	swait.ge @!p1 [sflag:s26], $0x4000  }
0x17b: {  	[sflag:s26] =	ssyncset.done @!p1 $0x0;
	s31 =	sld [smem:$0x7ED]  }
0x17c: {  	s28 =	simm.s32 @!p1 $0x7800;
	[sflag:s26] =	ssyncadd.s32 @!p1 $0xFFFFC000;
	s26 =	simm.s32 @!p1 $0x3580  }
0x17d: {  	[spmem:s4] =	stream.indirect.scatter.add.f32 @!p1 [tilespmem:s28], [sflag:$0x4], $0x80, s26, s25, $0xb8;
	[tilespmem:$0x1F080] =	vst v63  }
0x17e: {  	p1 =	seq.s32 s31, $0x1  }
0x17f: {  	s25 =	simm.s32 @!p1 $0x4  }
0x180: {  	_ =	swait.ge @!p1 [sflag:s25], $0x4000  }
0x181: {  	s26 =	simm.s32 @!p1 $0xE80;
	[sflag:s25] =	ssyncset.done @!p1 $0x0  }
0x182: {  	s28 =	simm.s32 @!p1 $0x7800;
	[sflag:s25] =	ssyncadd.s32 @!p1 $0xFFFFC000;
	s25 =	simm.s32 @!p1 $0x80  }
0x183: {  	[tilespmem:s28], [sflag:$0x2] =	stream.indirect.gather @!p1 [hbm4b:s1+s25], $0x80, s26, s25, $0xb8;
	[tilespmem:$0x1F080] =	vst v63  }
0x184: {  	s26 =	simm.s32 @!p1 $0x1  }
0x185: {  	_ =	swait.ge @!p1 [sflag:s26], $0x4000  }
0x186: {  	[sflag:s26] =	ssyncset.done @!p1 $0x0  }
0x187: {  	s28 =	simm.s32 @!p1 $0x3800;
	[sflag:s26] =	ssyncadd.s32 @!p1 $0xFFFFC000;
	s26 =	simm.s32 @!p1 $0x3600  }
0x188: {  	[spmem:s4] =	stream.indirect.scatter.add.f32 @!p1 [tilespmem:s28], [sflag:$0x3], $0x80, s26, s25, $0xb8;
	[tilespmem:$0x1F080] =	vst v63  }
0x189: {  	s26 =	sld [smem:$0x7EE];
	_ =	sdelay $0x2  }
0x18a: {  	p1 =	seq.s32 s26, $0x1  }
0x18b: {  	s25 =	simm.s32 @!p1 $0x3  }
0x18c: {  	_ =	swait.ge @!p1 [sflag:s25], $0x4000  }
0x18d: {  	s26 =	simm.s32 @!p1 $0xF00;
	[sflag:s25] =	ssyncset.done @!p1 $0x0  }
0x18e: {  	s28 =	simm.s32 @!p1 $0x3800;
	[sflag:s25] =	ssyncadd.s32 @!p1 $0xFFFFC000;
	s25 =	simm.s32 @!p1 $0x80  }
0x18f: {  	[tilespmem:s28], [sflag:$0x1] =	stream.indirect.gather @!p1 [hbm4b:s1+s25], $0x80, s26, s25, $0xb8;
	[tilespmem:$0x1F080] =	vst v63  }
0x190: {  	s26 =	simm.s32 @!p1 $0x2  }
0x191: {  	_ =	swait.ge @!p1 [sflag:s26], $0x4000  }
0x192: {  	[sflag:s26] =	ssyncset.done @!p1 $0x0  }
0x193: {  	s28 =	simm.s32 @!p1 $0x7800;
	[sflag:s26] =	ssyncadd.s32 @!p1 $0xFFFFC000;
	s26 =	simm.s32 @!p1 $0x3680  }
0x194: {  	[spmem:s4] =	stream.indirect.scatter.add.f32 @!p1 [tilespmem:s28], [sflag:$0x4], $0x80, s26, s25, $0xb8;
	[tilespmem:$0x1F080] =	vst v63  }
0x195: {  	s28 =	sld [smem:$0x7EF];
	_ =	sdelay $0x2  }
0x196: {  	p1 =	seq.s32 s28, $0x1  }
0x197: {  	s25 =	simm.s32 @!p1 $0x4  }
0x198: {  	_ =	swait.ge @!p1 [sflag:s25], $0x4000  }
0x199: {  	s26 =	simm.s32 @!p1 $0xF80;
	[sflag:s25] =	ssyncset.done @!p1 $0x0  }
0x19a: {  	s28 =	simm.s32 @!p1 $0x7800;
	[sflag:s25] =	ssyncadd.s32 @!p1 $0xFFFFC000;
	s25 =	simm.s32 @!p1 $0x80  }
0x19b: {  	[tilespmem:s28], [sflag:$0x2] =	stream.indirect.gather @!p1 [hbm4b:s1+s25], $0x80, s26, s25, $0xb8;
	[tilespmem:$0x1F080] =	vst v63  }
0x19c: {  	s26 =	simm.s32 @!p1 $0x1  }
0x19d: {  	_ =	swait.ge @!p1 [sflag:s26], $0x4000  }
0x19e: {  	[sflag:s26] =	ssyncset.done @!p1 $0x0;
	s29 =	sld [smem:$0x7F0]  }
0x19f: {  	s28 =	simm.s32 @!p1 $0x3800;
	[sflag:s26] =	ssyncadd.s32 @!p1 $0xFFFFC000;
	s26 =	simm.s32 @!p1 $0x3700  }
0x1a0: {  	[spmem:s4] =	stream.indirect.scatter.add.f32 @!p1 [tilespmem:s28], [sflag:$0x3], $0x80, s26, s25, $0xb8;
	[tilespmem:$0x1F080] =	vst v63  }
0x1a1: {  	p1 =	seq.s32 s29, $0x1  }
0x1a2: {  	s25 =	simm.s32 @!p1 $0x3  }
0x1a3: {  	_ =	swait.ge @!p1 [sflag:s25], $0x4000  }
0x1a4: {  	s26 =	simm.s32 @!p1 $0x1000;
	[sflag:s25] =	ssyncset.done @!p1 $0x0  }
0x1a5: {  	s28 =	simm.s32 @!p1 $0x3800;
	[sflag:s25] =	ssyncadd.s32 @!p1 $0xFFFFC000;
	s25 =	simm.s32 @!p1 $0x80  }
0x1a6: {  	[tilespmem:s28], [sflag:$0x1] =	stream.indirect.gather @!p1 [hbm4b:s1+s25], $0x80, s26, s25, $0xb8;
	[tilespmem:$0x1F080] =	vst v63  }
0x1a7: {  	s26 =	simm.s32 @!p1 $0x2  }
0x1a8: {  	_ =	swait.ge @!p1 [sflag:s26], $0x4000  }
0x1a9: {  	[sflag:s26] =	ssyncset.done @!p1 $0x0  }
0x1aa: {  	s28 =	simm.s32 @!p1 $0x7800;
	[sflag:s26] =	ssyncadd.s32 @!p1 $0xFFFFC000;
	s26 =	simm.s32 @!p1 $0x3780  }
0x1ab: {  	[spmem:s4] =	stream.indirect.scatter.add.f32 @!p1 [tilespmem:s28], [sflag:$0x4], $0x80, s26, s25, $0xb8;
	[tilespmem:$0x1F080] =	vst v63  }
0x1ac: {  	_ =	swait.ge [sflag:s11], $0x800  }
0x1ad: {  	s30 =	sld [smem:$0x7F1];
	_ =	sdelay $0x2  }
0x1ae: {  	[sflag:s11] =	ssyncset.done $0x0;
	p1 =	seq.s32 s30, $0x1  }
0x1af: {  	[sflag:s11] =	ssyncadd.s32 $0xFFFFF800;
	s25 =	simm.s32 @!p1 $0x3  }
0x1b0: {  	_ =	swait.ge @!p1 [sflag:s25], $0x4000  }
0x1b1: {  	[sflag:s25] =	ssyncset.done @!p1 $0x0  }
0x1b2: {  	[sflag:s25] =	ssyncadd.s32 @!p1 $0xFFFFC000  }
0x1b3: {  	_ =	swait.ge [sflag:s20], $0x4000  }
0x1b4: {  	[sflag:s20] =	ssyncset.done $0x0;
	s26 =	sld [smem:$0x7E6]  }
0x1b5: {  	s31 =	rddreg [dreg:$0xb];
	[sflag:s20] =	ssyncadd.s32 $0xFFFFC000  }
0x1b6: {  	[tilespmem:s15], [sflag:$0x5] =	stream.linear.gather [hbm4b:s31+s5], $0x800, $0x38;
	[tilespmem:$0x1F080] =	vst v63  }
0x1b7: {  	p1 =	seq.s32 s26, $0x1  }
0x1b8: {  	s25 =	simm.s32 @!p1 $0x80;
	s26 =	simm.s32 @!p1 $0x1080;
	s28 =	simm.s32 @!p1 $0x7800  }
0x1b9: {  	[tilespmem:s28], [sflag:$0x2] =	stream.indirect.gather @!p1 [hbm4b:s1+s25], $0x80, s26, s25, $0xb8;
	[tilespmem:$0x1F080] =	vst v63  }
0x1ba: {  	s26 =	simm.s32 @!p1 $0x1  }
0x1bb: {  	_ =	swait.ge @!p1 [sflag:s26], $0x4000  }
0x1bc: {  	[sflag:s26] =	ssyncset.done @!p1 $0x0  }
0x1bd: {  	s28 =	simm.s32 @!p1 $0x3800;
	[sflag:s26] =	ssyncadd.s32 @!p1 $0xFFFFC000;
	s26 =	simm.s32 @!p1 $0x2800  }
0x1be: {  	[spmem:s4] =	stream.indirect.scatter.add.f32 @!p1 [tilespmem:s28], [sflag:$0x3], $0x80, s26, s25, $0xb8;
	[tilespmem:$0x1F080] =	vst v63  }
0x1bf: {  	s28 =	sld [smem:$0x7E7];
	_ =	sdelay $0x2  }
0x1c0: {  	p1 =	seq.s32 s28, $0x1  }
0x1c1: {  	s25 =	simm.s32 @!p1 $0x3  }
0x1c2: {  	_ =	swait.ge @!p1 [sflag:s25], $0x4000  }
0x1c3: {  	s26 =	simm.s32 @!p1 $0x1100;
	[sflag:s25] =	ssyncset.done @!p1 $0x0  }
0x1c4: {  	s28 =	simm.s32 @!p1 $0x3800;
	[sflag:s25] =	ssyncadd.s32 @!p1 $0xFFFFC000;
	s25 =	simm.s32 @!p1 $0x80  }
0x1c5: {  	[tilespmem:s28], [sflag:$0x1] =	stream.indirect.gather @!p1 [hbm4b:s1+s25], $0x80, s26, s25, $0xb8;
	[tilespmem:$0x1F080] =	vst v63  }
0x1c6: {  	s26 =	simm.s32 @!p1 $0x2  }
0x1c7: {  	_ =	swait.ge @!p1 [sflag:s26], $0x4000  }
0x1c8: {  	[sflag:s26] =	ssyncset.done @!p1 $0x0;
	s29 =	sld [smem:$0x7F2]  }
0x1c9: {  	s28 =	simm.s32 @!p1 $0x7800;
	[sflag:s26] =	ssyncadd.s32 @!p1 $0xFFFFC000;
	s26 =	simm.s32 @!p1 $0x2880  }
0x1ca: {  	[spmem:s4] =	stream.indirect.scatter.add.f32 @!p1 [tilespmem:s28], [sflag:$0x4], $0x80, s26, s25, $0xb8;
	[tilespmem:$0x1F080] =	vst v63  }
0x1cb: {  	p1 =	seq.s32 s29, $0x1  }
0x1cc: {  	s25 =	simm.s32 @!p1 $0x4  }
0x1cd: {  	_ =	swait.ge @!p1 [sflag:s25], $0x4000  }
0x1ce: {  	s26 =	simm.s32 @!p1 $0x1180;
	[sflag:s25] =	ssyncset.done @!p1 $0x0  }
0x1cf: {  	s28 =	simm.s32 @!p1 $0x7800;
	[sflag:s25] =	ssyncadd.s32 @!p1 $0xFFFFC000;
	s25 =	simm.s32 @!p1 $0x80  }
0x1d0: {  	[tilespmem:s28], [sflag:$0x2] =	stream.indirect.gather @!p1 [hbm4b:s1+s25], $0x80, s26, s25, $0xb8;
	[tilespmem:$0x1F080] =	vst v63  }
0x1d1: {  	s26 =	simm.s32 @!p1 $0x1  }
0x1d2: {  	_ =	swait.ge @!p1 [sflag:s26], $0x4000  }
0x1d3: {  	[sflag:s26] =	ssyncset.done @!p1 $0x0;
	s30 =	sld [smem:$0x7F3]  }
0x1d4: {  	s28 =	simm.s32 @!p1 $0x3800;
	[sflag:s26] =	ssyncadd.s32 @!p1 $0xFFFFC000;
	s26 =	simm.s32 @!p1 $0x2900  }
0x1d5: {  	[spmem:s4] =	stream.indirect.scatter.add.f32 @!p1 [tilespmem:s28], [sflag:$0x3], $0x80, s26, s25, $0xb8;
	[tilespmem:$0x1F080] =	vst v63  }
0x1d6: {  	p1 =	seq.s32 s30, $0x1  }
0x1d7: {  	s25 =	simm.s32 @!p1 $0x3  }
0x1d8: {  	_ =	swait.ge @!p1 [sflag:s25], $0x4000  }
0x1d9: {  	s26 =	simm.s32 @!p1 $0x1200;
	[sflag:s25] =	ssyncset.done @!p1 $0x0  }
0x1da: {  	s28 =	simm.s32 @!p1 $0x3800;
	[sflag:s25] =	ssyncadd.s32 @!p1 $0xFFFFC000;
	s25 =	simm.s32 @!p1 $0x80  }
0x1db: {  	[tilespmem:s28], [sflag:$0x1] =	stream.indirect.gather @!p1 [hbm4b:s1+s25], $0x80, s26, s25, $0xb8;
	[tilespmem:$0x1F080] =	vst v63  }
0x1dc: {  	s26 =	simm.s32 @!p1 $0x2  }
0x1dd: {  	_ =	swait.ge @!p1 [sflag:s26], $0x4000  }
0x1de: {  	[sflag:s26] =	ssyncset.done @!p1 $0x0;
	s31 =	sld [smem:$0x7F4]  }
0x1df: {  	s28 =	simm.s32 @!p1 $0x7800;
	[sflag:s26] =	ssyncadd.s32 @!p1 $0xFFFFC000;
	s26 =	simm.s32 @!p1 $0x2980  }
0x1e0: {  	[spmem:s4] =	stream.indirect.scatter.add.f32 @!p1 [tilespmem:s28], [sflag:$0x4], $0x80, s26, s25, $0xb8;
	[tilespmem:$0x1F080] =	vst v63  }
0x1e1: {  	p1 =	seq.s32 s31, $0x1  }
0x1e2: {  	s25 =	simm.s32 @!p1 $0x4  }
0x1e3: {  	_ =	swait.ge @!p1 [sflag:s25], $0x4000  }
0x1e4: {  	s26 =	simm.s32 @!p1 $0x1280;
	[sflag:s25] =	ssyncset.done @!p1 $0x0  }
0x1e5: {  	s28 =	simm.s32 @!p1 $0x7800;
	[sflag:s25] =	ssyncadd.s32 @!p1 $0xFFFFC000;
	s25 =	simm.s32 @!p1 $0x80  }
0x1e6: {  	[tilespmem:s28], [sflag:$0x2] =	stream.indirect.gather @!p1 [hbm4b:s1+s25], $0x80, s26, s25, $0xb8;
	[tilespmem:$0x1F080] =	vst v63  }
0x1e7: {  	s26 =	simm.s32 @!p1 $0x1  }
0x1e8: {  	_ =	swait.ge @!p1 [sflag:s26], $0x4000  }
0x1e9: {  	[sflag:s26] =	ssyncset.done @!p1 $0x0  }
0x1ea: {  	s28 =	simm.s32 @!p1 $0x3800;
	[sflag:s26] =	ssyncadd.s32 @!p1 $0xFFFFC000;
	s26 =	simm.s32 @!p1 $0x2A00  }
0x1eb: {  	[spmem:s4] =	stream.indirect.scatter.add.f32 @!p1 [tilespmem:s28], [sflag:$0x3], $0x80, s26, s25, $0xb8;
	[tilespmem:$0x1F080] =	vst v63  }
0x1ec: {  	s26 =	sld [smem:$0x7F5];
	_ =	sdelay $0x2  }
0x1ed: {  	p1 =	seq.s32 s26, $0x1  }
0x1ee: {  	s25 =	simm.s32 @!p1 $0x3  }
0x1ef: {  	_ =	swait.ge @!p1 [sflag:s25], $0x4000  }
0x1f0: {  	s26 =	simm.s32 @!p1 $0x1300;
	[sflag:s25] =	ssyncset.done @!p1 $0x0  }
0x1f1: {  	s28 =	simm.s32 @!p1 $0x3800;
	[sflag:s25] =	ssyncadd.s32 @!p1 $0xFFFFC000;
	s25 =	simm.s32 @!p1 $0x80  }
0x1f2: {  	[tilespmem:s28], [sflag:$0x1] =	stream.indirect.gather @!p1 [hbm4b:s1+s25], $0x80, s26, s25, $0xb8;
	[tilespmem:$0x1F080] =	vst v63  }
0x1f3: {  	s26 =	simm.s32 @!p1 $0x2  }
0x1f4: {  	_ =	swait.ge @!p1 [sflag:s26], $0x4000  }
0x1f5: {  	[sflag:s26] =	ssyncset.done @!p1 $0x0  }
0x1f6: {  	s28 =	simm.s32 @!p1 $0x7800;
	[sflag:s26] =	ssyncadd.s32 @!p1 $0xFFFFC000;
	s26 =	simm.s32 @!p1 $0x2A80  }
0x1f7: {  	[spmem:s4] =	stream.indirect.scatter.add.f32 @!p1 [tilespmem:s28], [sflag:$0x4], $0x80, s26, s25, $0xb8;
	[tilespmem:$0x1F080] =	vst v63  }
0x1f8: {  	s28 =	sld [smem:$0x7F6];
	_ =	sdelay $0x2  }
0x1f9: {  	p1 =	seq.s32 s28, $0x1  }
0x1fa: {  	s25 =	simm.s32 @!p1 $0x4  }
0x1fb: {  	_ =	swait.ge @!p1 [sflag:s25], $0x4000  }
0x1fc: {  	s26 =	simm.s32 @!p1 $0x1380;
	[sflag:s25] =	ssyncset.done @!p1 $0x0  }
0x1fd: {  	s28 =	simm.s32 @!p1 $0x7800;
	[sflag:s25] =	ssyncadd.s32 @!p1 $0xFFFFC000;
	s25 =	simm.s32 @!p1 $0x80  }
0x1fe: {  	[tilespmem:s28], [sflag:$0x2] =	stream.indirect.gather @!p1 [hbm4b:s1+s25], $0x80, s26, s25, $0xb8;
	[tilespmem:$0x1F080] =	vst v63  }
0x1ff: {  	s26 =	simm.s32 @!p1 $0x1  }
0x200: {  	_ =	swait.ge @!p1 [sflag:s26], $0x4000  }
0x201: {  	[sflag:s26] =	ssyncset.done @!p1 $0x0;
	s29 =	sld [smem:$0x7F7]  }
0x202: {  	s28 =	simm.s32 @!p1 $0x3800;
	[sflag:s26] =	ssyncadd.s32 @!p1 $0xFFFFC000;
	s26 =	simm.s32 @!p1 $0x2B00  }
0x203: {  	[spmem:s4] =	stream.indirect.scatter.add.f32 @!p1 [tilespmem:s28], [sflag:$0x3], $0x80, s26, s25, $0xb8;
	[tilespmem:$0x1F080] =	vst v63  }
0x204: {  	p1 =	seq.s32 s29, $0x1  }
0x205: {  	s25 =	simm.s32 @!p1 $0x3  }
0x206: {  	_ =	swait.ge @!p1 [sflag:s25], $0x4000  }
0x207: {  	s26 =	simm.s32 @!p1 $0x1400;
	[sflag:s25] =	ssyncset.done @!p1 $0x0  }
0x208: {  	s28 =	simm.s32 @!p1 $0x3800;
	[sflag:s25] =	ssyncadd.s32 @!p1 $0xFFFFC000;
	s25 =	simm.s32 @!p1 $0x80  }
0x209: {  	[tilespmem:s28], [sflag:$0x1] =	stream.indirect.gather @!p1 [hbm4b:s1+s25], $0x80, s26, s25, $0xb8;
	[tilespmem:$0x1F080] =	vst v63  }
0x20a: {  	s26 =	simm.s32 @!p1 $0x2  }
0x20b: {  	_ =	swait.ge @!p1 [sflag:s26], $0x4000  }
0x20c: {  	[sflag:s26] =	ssyncset.done @!p1 $0x0;
	s30 =	sld [smem:$0x7F8]  }
0x20d: {  	s28 =	simm.s32 @!p1 $0x7800;
	[sflag:s26] =	ssyncadd.s32 @!p1 $0xFFFFC000;
	s26 =	simm.s32 @!p1 $0x2B80  }
0x20e: {  	[spmem:s4] =	stream.indirect.scatter.add.f32 @!p1 [tilespmem:s28], [sflag:$0x4], $0x80, s26, s25, $0xb8;
	[tilespmem:$0x1F080] =	vst v63  }
0x20f: {  	p1 =	seq.s32 s30, $0x1  }
0x210: {  	s25 =	simm.s32 @!p1 $0x4  }
0x211: {  	_ =	swait.ge @!p1 [sflag:s25], $0x4000  }
0x212: {  	s26 =	simm.s32 @!p1 $0x1480;
	[sflag:s25] =	ssyncset.done @!p1 $0x0  }
0x213: {  	s28 =	simm.s32 @!p1 $0x7800;
	[sflag:s25] =	ssyncadd.s32 @!p1 $0xFFFFC000;
	s25 =	simm.s32 @!p1 $0x80  }
0x214: {  	[tilespmem:s28], [sflag:$0x2] =	stream.indirect.gather @!p1 [hbm4b:s1+s25], $0x80, s26, s25, $0xb8;
	[tilespmem:$0x1F080] =	vst v63  }
0x215: {  	s26 =	simm.s32 @!p1 $0x1  }
0x216: {  	_ =	swait.ge @!p1 [sflag:s26], $0x4000  }
0x217: {  	[sflag:s26] =	ssyncset.done @!p1 $0x0;
	s31 =	sld [smem:$0x7F9]  }
0x218: {  	s28 =	simm.s32 @!p1 $0x3800;
	[sflag:s26] =	ssyncadd.s32 @!p1 $0xFFFFC000;
	s26 =	simm.s32 @!p1 $0x2C00  }
0x219: {  	[spmem:s4] =	stream.indirect.scatter.add.f32 @!p1 [tilespmem:s28], [sflag:$0x3], $0x80, s26, s25, $0xb8;
	[tilespmem:$0x1F080] =	vst v63  }
0x21a: {  	p1 =	seq.s32 s31, $0x1  }
0x21b: {  	s25 =	simm.s32 @!p1 $0x3  }
0x21c: {  	_ =	swait.ge @!p1 [sflag:s25], $0x4000  }
0x21d: {  	s26 =	simm.s32 @!p1 $0x1500;
	[sflag:s25] =	ssyncset.done @!p1 $0x0  }
0x21e: {  	s28 =	simm.s32 @!p1 $0x3800;
	[sflag:s25] =	ssyncadd.s32 @!p1 $0xFFFFC000;
	s25 =	simm.s32 @!p1 $0x80  }
0x21f: {  	[tilespmem:s28], [sflag:$0x1] =	stream.indirect.gather @!p1 [hbm4b:s1+s25], $0x80, s26, s25, $0xb8;
	[tilespmem:$0x1F080] =	vst v63  }
0x220: {  	s26 =	simm.s32 @!p1 $0x2  }
0x221: {  	_ =	swait.ge @!p1 [sflag:s26], $0x4000  }
0x222: {  	[sflag:s26] =	ssyncset.done @!p1 $0x0  }
0x223: {  	s28 =	simm.s32 @!p1 $0x7800;
	[sflag:s26] =	ssyncadd.s32 @!p1 $0xFFFFC000;
	s26 =	simm.s32 @!p1 $0x2C80  }
0x224: {  	[spmem:s4] =	stream.indirect.scatter.add.f32 @!p1 [tilespmem:s28], [sflag:$0x4], $0x80, s26, s25, $0xb8;
	[tilespmem:$0x1F080] =	vst v63  }
0x225: {  	s26 =	sld [smem:$0x7FA];
	_ =	sdelay $0x2  }
0x226: {  	p1 =	seq.s32 s26, $0x1  }
0x227: {  	s25 =	simm.s32 @!p1 $0x4  }
0x228: {  	_ =	swait.ge @!p1 [sflag:s25], $0x4000  }
0x229: {  	s26 =	simm.s32 @!p1 $0x1580;
	[sflag:s25] =	ssyncset.done @!p1 $0x0  }
0x22a: {  	s28 =	simm.s32 @!p1 $0x7800;
	[sflag:s25] =	ssyncadd.s32 @!p1 $0xFFFFC000;
	s25 =	simm.s32 @!p1 $0x80  }
0x22b: {  	[tilespmem:s28], [sflag:$0x2] =	stream.indirect.gather @!p1 [hbm4b:s1+s25], $0x80, s26, s25, $0xb8;
	[tilespmem:$0x1F080] =	vst v63  }
0x22c: {  	s26 =	simm.s32 @!p1 $0x1  }
0x22d: {  	_ =	swait.ge @!p1 [sflag:s26], $0x4000  }
0x22e: {  	[sflag:s26] =	ssyncset.done @!p1 $0x0  }
0x22f: {  	s28 =	simm.s32 @!p1 $0x3800;
	[sflag:s26] =	ssyncadd.s32 @!p1 $0xFFFFC000;
	s26 =	simm.s32 @!p1 $0x2D00  }
0x230: {  	[spmem:s4] =	stream.indirect.scatter.add.f32 @!p1 [tilespmem:s28], [sflag:$0x3], $0x80, s26, s25, $0xb8;
	[tilespmem:$0x1F080] =	vst v63  }
0x231: {  	s28 =	sld [smem:$0x7FB];
	_ =	sdelay $0x2  }
0x232: {  	p1 =	seq.s32 s28, $0x1  }
0x233: {  	s25 =	simm.s32 @!p1 $0x3  }
0x234: {  	_ =	swait.ge @!p1 [sflag:s25], $0x4000  }
0x235: {  	s26 =	simm.s32 @!p1 $0x1600;
	[sflag:s25] =	ssyncset.done @!p1 $0x0  }
0x236: {  	s28 =	simm.s32 @!p1 $0x3800;
	[sflag:s25] =	ssyncadd.s32 @!p1 $0xFFFFC000;
	s25 =	simm.s32 @!p1 $0x80  }
0x237: {  	[tilespmem:s28], [sflag:$0x1] =	stream.indirect.gather @!p1 [hbm4b:s1+s25], $0x80, s26, s25, $0xb8;
	[tilespmem:$0x1F080] =	vst v63  }
0x238: {  	s26 =	simm.s32 @!p1 $0x2  }
0x239: {  	_ =	swait.ge @!p1 [sflag:s26], $0x4000  }
0x23a: {  	[sflag:s26] =	ssyncset.done @!p1 $0x0;
	s29 =	sld [smem:$0x7FC]  }
0x23b: {  	s28 =	simm.s32 @!p1 $0x7800;
	[sflag:s26] =	ssyncadd.s32 @!p1 $0xFFFFC000;
	s26 =	simm.s32 @!p1 $0x2D80  }
0x23c: {  	[spmem:s4] =	stream.indirect.scatter.add.f32 @!p1 [tilespmem:s28], [sflag:$0x4], $0x80, s26, s25, $0xb8;
	[tilespmem:$0x1F080] =	vst v63  }
0x23d: {  	p1 =	seq.s32 s29, $0x1  }
0x23e: {  	s25 =	simm.s32 @!p1 $0x4  }
0x23f: {  	_ =	swait.ge @!p1 [sflag:s25], $0x4000  }
0x240: {  	s26 =	simm.s32 @!p1 $0x1680;
	[sflag:s25] =	ssyncset.done @!p1 $0x0  }
0x241: {  	s28 =	simm.s32 @!p1 $0x7800;
	[sflag:s25] =	ssyncadd.s32 @!p1 $0xFFFFC000;
	s25 =	simm.s32 @!p1 $0x80  }
0x242: {  	[tilespmem:s28], [sflag:$0x2] =	stream.indirect.gather @!p1 [hbm4b:s1+s25], $0x80, s26, s25, $0xb8;
	[tilespmem:$0x1F080] =	vst v63  }
0x243: {  	s26 =	simm.s32 @!p1 $0x1  }
0x244: {  	_ =	swait.ge @!p1 [sflag:s26], $0x4000  }
0x245: {  	[sflag:s26] =	ssyncset.done @!p1 $0x0;
	s30 =	sld [smem:$0x7FD]  }
0x246: {  	s28 =	simm.s32 @!p1 $0x3800;
	[sflag:s26] =	ssyncadd.s32 @!p1 $0xFFFFC000;
	s26 =	simm.s32 @!p1 $0x2E00  }
0x247: {  	[spmem:s4] =	stream.indirect.scatter.add.f32 @!p1 [tilespmem:s28], [sflag:$0x3], $0x80, s26, s25, $0xb8;
	[tilespmem:$0x1F080] =	vst v63  }
0x248: {  	p1 =	seq.s32 s30, $0x1  }
0x249: {  	s25 =	simm.s32 @!p1 $0x3  }
0x24a: {  	_ =	swait.ge @!p1 [sflag:s25], $0x4000  }
0x24b: {  	s26 =	simm.s32 @!p1 $0x1700;
	[sflag:s25] =	ssyncset.done @!p1 $0x0  }
0x24c: {  	s28 =	simm.s32 @!p1 $0x3800;
	[sflag:s25] =	ssyncadd.s32 @!p1 $0xFFFFC000;
	s25 =	simm.s32 @!p1 $0x80  }
0x24d: {  	[tilespmem:s28], [sflag:$0x1] =	stream.indirect.gather @!p1 [hbm4b:s1+s25], $0x80, s26, s25, $0xb8;
	[tilespmem:$0x1F080] =	vst v63  }
0x24e: {  	s26 =	simm.s32 @!p1 $0x2  }
0x24f: {  	_ =	swait.ge @!p1 [sflag:s26], $0x4000  }
0x250: {  	[sflag:s26] =	ssyncset.done @!p1 $0x0  }
0x251: {  	s28 =	simm.s32 @!p1 $0x7800;
	[sflag:s26] =	ssyncadd.s32 @!p1 $0xFFFFC000;
	s26 =	simm.s32 @!p1 $0x2E80  }
0x252: {  	[spmem:s4] =	stream.indirect.scatter.add.f32 @!p1 [tilespmem:s28], [sflag:$0x4], $0x80, s26, s25, $0xb8;
	[tilespmem:$0x1F080] =	vst v63  }
0x253: {  	s25 =	simm.s32 @!p2 $0x4  }
0x254: {  	_ =	swait.ge @!p2 [sflag:s25], $0x4000  }
0x255: {  	s26 =	simm.s32 @!p2 $0x1780;
	[sflag:s25] =	ssyncset.done @!p2 $0x0  }
0x256: {  	s28 =	simm.s32 @!p2 $0x7800;
	[sflag:s25] =	ssyncadd.s32 @!p2 $0xFFFFC000;
	s25 =	simm.s32 @!p2 $0x80  }
0x257: {  	[tilespmem:s28], [sflag:$0x2] =	stream.indirect.gather @!p2 [hbm4b:s1+s25], $0x80, s26, s25, $0xb8;
	[tilespmem:$0x1F080] =	vst v63  }
0x258: {  	s26 =	simm.s32 @!p2 $0x1  }
0x259: {  	_ =	swait.ge @!p2 [sflag:s26], $0x4000  }
0x25a: {  	[sflag:s26] =	ssyncset.done @!p2 $0x0  }
0x25b: {  	s28 =	simm.s32 @!p2 $0x3800;
	[sflag:s26] =	ssyncadd.s32 @!p2 $0xFFFFC000;
	s26 =	simm.s32 @!p2 $0x2F00  }
0x25c: {  	[spmem:s4] =	stream.indirect.scatter.add.f32 @!p2 [tilespmem:s28], [sflag:$0x3], $0x80, s26, s25, $0xb8;
	[tilespmem:$0x1F080] =	vst v63  }
0x25d: {  	s25 =	simm.s32 @!p4 $0x3  }
0x25e: {  	_ =	swait.ge @!p4 [sflag:s25], $0x4000  }
0x25f: {  	s26 =	simm.s32 @!p4 $0x1800;
	[sflag:s25] =	ssyncset.done @!p4 $0x0  }
0x260: {  	s28 =	simm.s32 @!p4 $0x3800;
	[sflag:s25] =	ssyncadd.s32 @!p4 $0xFFFFC000;
	s25 =	simm.s32 @!p4 $0x80  }
0x261: {  	[tilespmem:s28], [sflag:$0x1] =	stream.indirect.gather @!p4 [hbm4b:s1+s25], $0x80, s26, s25, $0xb8;
	[tilespmem:$0x1F080] =	vst v63  }
0x262: {  	s26 =	simm.s32 @!p4 $0x2  }
0x263: {  	_ =	swait.ge @!p4 [sflag:s26], $0x4000  }
0x264: {  	[sflag:s26] =	ssyncset.done @!p4 $0x0  }
0x265: {  	s28 =	simm.s32 @!p4 $0x7800;
	[sflag:s26] =	ssyncadd.s32 @!p4 $0xFFFFC000;
	s26 =	simm.s32 @!p4 $0x2F80  }
0x266: {  	[spmem:s4] =	stream.indirect.scatter.add.f32 @!p4 [tilespmem:s28], [sflag:$0x4], $0x80, s26, s25, $0xb8;
	[tilespmem:$0x1F080] =	vst v63  }
0x267: {  	_ =	swait.ge [sflag:s11], $0x800  }
0x268: {  	p5 =	seq.s32 s3, $0x1F;
	[sflag:s11] =	ssyncset.done $0x0  }
0x269: {  	s25 =	simm.s32 @!p5 $0x4;
	[sflag:s11] =	ssyncadd.s32 $0xFFFFF800  }
0x26a: {  	_ =	swait.ge @!p5 [sflag:s25], $0x4000  }
0x26b: {  	[sflag:s25] =	ssyncset.done @!p5 $0x0  }
0x26c: {  	p6 =	slt.u32 s6, $0xFFFFF66D;
	s31 =	rddreg [dreg:$0xc];
	[sflag:s25] =	ssyncadd.s32 @!p5 $0xFFFFC000  }
0x26d: {  	[tilespmem:s8], [sflag:$0x5] =	stream.linear.gather [hbm4b:s31+s5], $0x800, $0x38;
	[tilespmem:$0x1F080] =	vst v63  }
0x26e: {  	s29 =	simm.s32 @!p6 $0x7800;
	s26 =	simm.s32 @!p6 $0x80;
	s28 =	simm.s32 @!p6 $0x1880  }
0x26f: {  	[tilespmem:s29], [sflag:$0x2] =	stream.indirect.gather @!p6 [hbm4b:s1+s26], $0x80, s28, s26, $0xb8;
	[tilespmem:$0x1F080] =	vst v63  }
0x270: {  	s28 =	simm.s32 @!p6 $0x1  }
0x271: {  	_ =	swait.ge @!p6 [sflag:s28], $0x4000  }
0x272: {  	p1 =	slt.u32 @!p6 s6, $0xFFFFF66E;
	[sflag:s28] =	ssyncset.done @!p6 $0x0  }
0x273: {  	s29 =	simm.s32 @!p6 $0x3800;
	[sflag:s28] =	ssyncadd.s32 @!p6 $0xFFFFC000;
	s28 =	simm.s32 @!p6 $0x3000  }
0x274: {  	[spmem:s4] =	stream.indirect.scatter.add.f32 @!p6 [tilespmem:s29], [sflag:$0x3], $0x80, s28, s26, $0xb8;
	[tilespmem:$0x1F080] =	vst v63  }
0x275: {  	p6 =	por p1, p6  }
0x276: {  	s26 =	simm.s32 @!p6 $0x3  }
0x277: {  	_ =	swait.ge @!p6 [sflag:s26], $0x4000  }
0x278: {  	s28 =	simm.s32 @!p6 $0x1900;
	[sflag:s26] =	ssyncset.done @!p6 $0x0  }
0x279: {  	s29 =	simm.s32 @!p6 $0x3800;
	[sflag:s26] =	ssyncadd.s32 @!p6 $0xFFFFC000;
	s26 =	simm.s32 @!p6 $0x80  }
0x27a: {  	[tilespmem:s29], [sflag:$0x1] =	stream.indirect.gather @!p6 [hbm4b:s1+s26], $0x80, s28, s26, $0xb8;
	[tilespmem:$0x1F080] =	vst v63  }
0x27b: {  	s28 =	simm.s32 @!p6 $0x2  }
0x27c: {  	_ =	swait.ge @!p6 [sflag:s28], $0x4000  }
0x27d: {  	[sflag:s28] =	ssyncset.done @!p6 $0x0  }
0x27e: {  	s29 =	simm.s32 @!p6 $0x7800;
	[sflag:s28] =	ssyncadd.s32 @!p6 $0xFFFFC000;
	s28 =	simm.s32 @!p6 $0x3080  }
0x27f: {  	[spmem:s4] =	stream.indirect.scatter.add.f32 @!p6 [tilespmem:s29], [sflag:$0x4], $0x80, s28, s26, $0xb8;
	[tilespmem:$0x1F080] =	vst v63  }
0x280: {  	p6 =	slt.u32 s6, $0xFFFFF66F  }
0x281: {  	s26 =	simm.s32 @!p6 $0x4  }
0x282: {  	_ =	swait.ge @!p6 [sflag:s26], $0x4000  }
0x283: {  	s28 =	simm.s32 @!p6 $0x1980;
	[sflag:s26] =	ssyncset.done @!p6 $0x0  }
0x284: {  	s29 =	simm.s32 @!p6 $0x7800;
	[sflag:s26] =	ssyncadd.s32 @!p6 $0xFFFFC000;
	s26 =	simm.s32 @!p6 $0x80  }
0x285: {  	[tilespmem:s29], [sflag:$0x2] =	stream.indirect.gather @!p6 [hbm4b:s1+s26], $0x80, s28, s26, $0xb8;
	[tilespmem:$0x1F080] =	vst v63  }
0x286: {  	s28 =	simm.s32 @!p6 $0x1  }
0x287: {  	_ =	swait.ge @!p6 [sflag:s28], $0x4000  }
0x288: {  	[sflag:s28] =	ssyncset.done @!p6 $0x0  }
0x289: {  	s29 =	simm.s32 @!p6 $0x3800;
	[sflag:s28] =	ssyncadd.s32 @!p6 $0xFFFFC000;
	s28 =	simm.s32 @!p6 $0x3100  }
0x28a: {  	[spmem:s4] =	stream.indirect.scatter.add.f32 @!p6 [tilespmem:s29], [sflag:$0x3], $0x80, s28, s26, $0xb8;
	[tilespmem:$0x1F080] =	vst v63  }
0x28b: {  	p6 =	slt.u32 s6, $0xFFFFF670  }
0x28c: {  	s26 =	simm.s32 @!p6 $0x3  }
0x28d: {  	_ =	swait.ge @!p6 [sflag:s26], $0x4000  }
0x28e: {  	s28 =	simm.s32 @!p6 $0x1A00;
	[sflag:s26] =	ssyncset.done @!p6 $0x0  }
0x28f: {  	s29 =	simm.s32 @!p6 $0x3800;
	[sflag:s26] =	ssyncadd.s32 @!p6 $0xFFFFC000;
	s26 =	simm.s32 @!p6 $0x80  }
0x290: {  	[tilespmem:s29], [sflag:$0x1] =	stream.indirect.gather @!p6 [hbm4b:s1+s26], $0x80, s28, s26, $0xb8;
	[tilespmem:$0x1F080] =	vst v63  }
0x291: {  	s28 =	simm.s32 @!p6 $0x2  }
0x292: {  	_ =	swait.ge @!p6 [sflag:s28], $0x4000  }
0x293: {  	[sflag:s28] =	ssyncset.done @!p6 $0x0  }
0x294: {  	s29 =	simm.s32 @!p6 $0x7800;
	[sflag:s28] =	ssyncadd.s32 @!p6 $0xFFFFC000;
	s28 =	simm.s32 @!p6 $0x3180  }
0x295: {  	[spmem:s4] =	stream.indirect.scatter.add.f32 @!p6 [tilespmem:s29], [sflag:$0x4], $0x80, s28, s26, $0xb8;
	[tilespmem:$0x1F080] =	vst v63  }
0x296: {  	p6 =	slt.u32 s6, $0xFFFFF671  }
0x297: {  	s26 =	simm.s32 @!p6 $0x4  }
0x298: {  	_ =	swait.ge @!p6 [sflag:s26], $0x4000  }
0x299: {  	s28 =	simm.s32 @!p6 $0x1A80;
	[sflag:s26] =	ssyncset.done @!p6 $0x0  }
0x29a: {  	s29 =	simm.s32 @!p6 $0x7800;
	[sflag:s26] =	ssyncadd.s32 @!p6 $0xFFFFC000;
	s26 =	simm.s32 @!p6 $0x80  }
0x29b: {  	[tilespmem:s29], [sflag:$0x2] =	stream.indirect.gather @!p6 [hbm4b:s1+s26], $0x80, s28, s26, $0xb8;
	[tilespmem:$0x1F080] =	vst v63  }
0x29c: {  	s28 =	simm.s32 @!p6 $0x1  }
0x29d: {  	_ =	swait.ge @!p6 [sflag:s28], $0x4000  }
0x29e: {  	[sflag:s28] =	ssyncset.done @!p6 $0x0  }
0x29f: {  	s29 =	simm.s32 @!p6 $0x3800;
	[sflag:s28] =	ssyncadd.s32 @!p6 $0xFFFFC000;
	s28 =	simm.s32 @!p6 $0x3200  }
0x2a0: {  	[spmem:s4] =	stream.indirect.scatter.add.f32 @!p6 [tilespmem:s29], [sflag:$0x3], $0x80, s28, s26, $0xb8;
	[tilespmem:$0x1F080] =	vst v63  }
0x2a1: {  	p6 =	slt.u32 s6, $0xFFFFF672  }
0x2a2: {  	s26 =	simm.s32 @!p6 $0x3  }
0x2a3: {  	_ =	swait.ge @!p6 [sflag:s26], $0x4000  }
0x2a4: {  	s28 =	simm.s32 @!p6 $0x1B00;
	[sflag:s26] =	ssyncset.done @!p6 $0x0  }
0x2a5: {  	s29 =	simm.s32 @!p6 $0x3800;
	[sflag:s26] =	ssyncadd.s32 @!p6 $0xFFFFC000;
	s26 =	simm.s32 @!p6 $0x80  }
0x2a6: {  	[tilespmem:s29], [sflag:$0x1] =	stream.indirect.gather @!p6 [hbm4b:s1+s26], $0x80, s28, s26, $0xb8;
	[tilespmem:$0x1F080] =	vst v63  }
0x2a7: {  	s28 =	simm.s32 @!p6 $0x2  }
0x2a8: {  	_ =	swait.ge @!p6 [sflag:s28], $0x4000  }
0x2a9: {  	[sflag:s28] =	ssyncset.done @!p6 $0x0  }
0x2aa: {  	s29 =	simm.s32 @!p6 $0x7800;
	[sflag:s28] =	ssyncadd.s32 @!p6 $0xFFFFC000;
	s28 =	simm.s32 @!p6 $0x3280  }
0x2ab: {  	[spmem:s4] =	stream.indirect.scatter.add.f32 @!p6 [tilespmem:s29], [sflag:$0x4], $0x80, s28, s26, $0xb8;
	[tilespmem:$0x1F080] =	vst v63  }
0x2ac: {  	p6 =	slt.u32 s6, $0xFFFFF673  }
0x2ad: {  	s26 =	simm.s32 @!p6 $0x4  }
0x2ae: {  	_ =	swait.ge @!p6 [sflag:s26], $0x4000  }
0x2af: {  	s28 =	simm.s32 @!p6 $0x1B80;
	[sflag:s26] =	ssyncset.done @!p6 $0x0  }
0x2b0: {  	s29 =	simm.s32 @!p6 $0x7800;
	[sflag:s26] =	ssyncadd.s32 @!p6 $0xFFFFC000;
	s26 =	simm.s32 @!p6 $0x80  }
0x2b1: {  	[tilespmem:s29], [sflag:$0x2] =	stream.indirect.gather @!p6 [hbm4b:s1+s26], $0x80, s28, s26, $0xb8;
	[tilespmem:$0x1F080] =	vst v63  }
0x2b2: {  	s28 =	simm.s32 @!p6 $0x1  }
0x2b3: {  	_ =	swait.ge @!p6 [sflag:s28], $0x4000  }
0x2b4: {  	[sflag:s28] =	ssyncset.done @!p6 $0x0  }
0x2b5: {  	s29 =	simm.s32 @!p6 $0x3800;
	[sflag:s28] =	ssyncadd.s32 @!p6 $0xFFFFC000;
	s28 =	simm.s32 @!p6 $0x3300  }
0x2b6: {  	[spmem:s4] =	stream.indirect.scatter.add.f32 @!p6 [tilespmem:s29], [sflag:$0x3], $0x80, s28, s26, $0xb8;
	[tilespmem:$0x1F080] =	vst v63  }
0x2b7: {  	p6 =	slt.u32 s6, $0xFFFFF674  }
0x2b8: {  	s26 =	simm.s32 @!p6 $0x3  }
0x2b9: {  	_ =	swait.ge @!p6 [sflag:s26], $0x4000  }
0x2ba: {  	s28 =	simm.s32 @!p6 $0x1C00;
	[sflag:s26] =	ssyncset.done @!p6 $0x0  }
0x2bb: {  	s29 =	simm.s32 @!p6 $0x3800;
	[sflag:s26] =	ssyncadd.s32 @!p6 $0xFFFFC000;
	s26 =	simm.s32 @!p6 $0x80  }
0x2bc: {  	[tilespmem:s29], [sflag:$0x1] =	stream.indirect.gather @!p6 [hbm4b:s1+s26], $0x80, s28, s26, $0xb8;
	[tilespmem:$0x1F080] =	vst v63  }
0x2bd: {  	s28 =	simm.s32 @!p6 $0x2  }
0x2be: {  	_ =	swait.ge @!p6 [sflag:s28], $0x4000  }
0x2bf: {  	[sflag:s28] =	ssyncset.done @!p6 $0x0  }
0x2c0: {  	s29 =	simm.s32 @!p6 $0x7800;
	[sflag:s28] =	ssyncadd.s32 @!p6 $0xFFFFC000;
	s28 =	simm.s32 @!p6 $0x3380  }
0x2c1: {  	[spmem:s4] =	stream.indirect.scatter.add.f32 @!p6 [tilespmem:s29], [sflag:$0x4], $0x80, s28, s26, $0xb8;
	[tilespmem:$0x1F080] =	vst v63  }
0x2c2: {  	p6 =	slt.u32 s6, $0xFFFFF675  }
0x2c3: {  	s26 =	simm.s32 @!p6 $0x4  }
0x2c4: {  	_ =	swait.ge @!p6 [sflag:s26], $0x4000  }
0x2c5: {  	s28 =	simm.s32 @!p6 $0x1C80;
	[sflag:s26] =	ssyncset.done @!p6 $0x0  }
0x2c6: {  	s29 =	simm.s32 @!p6 $0x7800;
	[sflag:s26] =	ssyncadd.s32 @!p6 $0xFFFFC000;
	s26 =	simm.s32 @!p6 $0x80  }
0x2c7: {  	[tilespmem:s29], [sflag:$0x2] =	stream.indirect.gather @!p6 [hbm4b:s1+s26], $0x80, s28, s26, $0xb8;
	[tilespmem:$0x1F080] =	vst v63  }
0x2c8: {  	s28 =	simm.s32 @!p6 $0x1  }
0x2c9: {  	_ =	swait.ge @!p6 [sflag:s28], $0x4000  }
0x2ca: {  	[sflag:s28] =	ssyncset.done @!p6 $0x0  }
0x2cb: {  	s29 =	simm.s32 @!p6 $0x3800;
	[sflag:s28] =	ssyncadd.s32 @!p6 $0xFFFFC000;
	s28 =	simm.s32 @!p6 $0x3400  }
0x2cc: {  	[spmem:s4] =	stream.indirect.scatter.add.f32 @!p6 [tilespmem:s29], [sflag:$0x3], $0x80, s28, s26, $0xb8;
	[tilespmem:$0x1F080] =	vst v63  }
0x2cd: {  	p6 =	slt.u32 s6, $0xFFFFF676  }
0x2ce: {  	s26 =	simm.s32 @!p6 $0x3  }
0x2cf: {  	_ =	swait.ge @!p6 [sflag:s26], $0x4000  }
0x2d0: {  	s28 =	simm.s32 @!p6 $0x1D00;
	[sflag:s26] =	ssyncset.done @!p6 $0x0  }
0x2d1: {  	s29 =	simm.s32 @!p6 $0x3800;
	[sflag:s26] =	ssyncadd.s32 @!p6 $0xFFFFC000;
	s26 =	simm.s32 @!p6 $0x80  }
0x2d2: {  	[tilespmem:s29], [sflag:$0x1] =	stream.indirect.gather @!p6 [hbm4b:s1+s26], $0x80, s28, s26, $0xb8;
	[tilespmem:$0x1F080] =	vst v63  }
0x2d3: {  	s28 =	simm.s32 @!p6 $0x2  }
0x2d4: {  	_ =	swait.ge @!p6 [sflag:s28], $0x4000  }
0x2d5: {  	[sflag:s28] =	ssyncset.done @!p6 $0x0  }
0x2d6: {  	s29 =	simm.s32 @!p6 $0x7800;
	[sflag:s28] =	ssyncadd.s32 @!p6 $0xFFFFC000;
	s28 =	simm.s32 @!p6 $0x3480  }
0x2d7: {  	[spmem:s4] =	stream.indirect.scatter.add.f32 @!p6 [tilespmem:s29], [sflag:$0x4], $0x80, s28, s26, $0xb8;
	[tilespmem:$0x1F080] =	vst v63  }
0x2d8: {  	p6 =	slt.u32 s6, $0xFFFFF677  }
0x2d9: {  	s26 =	simm.s32 @!p6 $0x4  }
0x2da: {  	_ =	swait.ge @!p6 [sflag:s26], $0x4000  }
0x2db: {  	s28 =	simm.s32 @!p6 $0x1D80;
	[sflag:s26] =	ssyncset.done @!p6 $0x0  }
0x2dc: {  	s29 =	simm.s32 @!p6 $0x7800;
	[sflag:s26] =	ssyncadd.s32 @!p6 $0xFFFFC000;
	s26 =	simm.s32 @!p6 $0x80  }
0x2dd: {  	[tilespmem:s29], [sflag:$0x2] =	stream.indirect.gather @!p6 [hbm4b:s1+s26], $0x80, s28, s26, $0xb8;
	[tilespmem:$0x1F080] =	vst v63  }
0x2de: {  	s28 =	simm.s32 @!p6 $0x1  }
0x2df: {  	_ =	swait.ge @!p6 [sflag:s28], $0x4000  }
0x2e0: {  	[sflag:s28] =	ssyncset.done @!p6 $0x0  }
0x2e1: {  	s29 =	simm.s32 @!p6 $0x3800;
	[sflag:s28] =	ssyncadd.s32 @!p6 $0xFFFFC000;
	s28 =	simm.s32 @!p6 $0x3500  }
0x2e2: {  	[spmem:s4] =	stream.indirect.scatter.add.f32 @!p6 [tilespmem:s29], [sflag:$0x3], $0x80, s28, s26, $0xb8;
	[tilespmem:$0x1F080] =	vst v63  }
0x2e3: {  	p6 =	slt.u32 s6, $0xFFFFF678  }
0x2e4: {  	s26 =	simm.s32 @!p6 $0x3  }
0x2e5: {  	_ =	swait.ge @!p6 [sflag:s26], $0x4000  }
0x2e6: {  	s28 =	simm.s32 @!p6 $0x1E00;
	[sflag:s26] =	ssyncset.done @!p6 $0x0  }
0x2e7: {  	s29 =	simm.s32 @!p6 $0x3800;
	[sflag:s26] =	ssyncadd.s32 @!p6 $0xFFFFC000;
	s26 =	simm.s32 @!p6 $0x80  }
0x2e8: {  	[tilespmem:s29], [sflag:$0x1] =	stream.indirect.gather @!p6 [hbm4b:s1+s26], $0x80, s28, s26, $0xb8;
	[tilespmem:$0x1F080] =	vst v63  }
0x2e9: {  	s28 =	simm.s32 @!p6 $0x2  }
0x2ea: {  	_ =	swait.ge @!p6 [sflag:s28], $0x4000  }
0x2eb: {  	[sflag:s28] =	ssyncset.done @!p6 $0x0  }
0x2ec: {  	s29 =	simm.s32 @!p6 $0x7800;
	[sflag:s28] =	ssyncadd.s32 @!p6 $0xFFFFC000;
	s28 =	simm.s32 @!p6 $0x3580  }
0x2ed: {  	[spmem:s4] =	stream.indirect.scatter.add.f32 @!p6 [tilespmem:s29], [sflag:$0x4], $0x80, s28, s26, $0xb8;
	[tilespmem:$0x1F080] =	vst v63  }
0x2ee: {  	p6 =	slt.u32 s6, $0xFFFFF679  }
0x2ef: {  	s26 =	simm.s32 @!p6 $0x4  }
0x2f0: {  	_ =	swait.ge @!p6 [sflag:s26], $0x4000  }
0x2f1: {  	s28 =	simm.s32 @!p6 $0x1E80;
	[sflag:s26] =	ssyncset.done @!p6 $0x0  }
0x2f2: {  	s29 =	simm.s32 @!p6 $0x7800;
	[sflag:s26] =	ssyncadd.s32 @!p6 $0xFFFFC000;
	s26 =	simm.s32 @!p6 $0x80  }
0x2f3: {  	[tilespmem:s29], [sflag:$0x2] =	stream.indirect.gather @!p6 [hbm4b:s1+s26], $0x80, s28, s26, $0xb8;
	[tilespmem:$0x1F080] =	vst v63  }
0x2f4: {  	s28 =	simm.s32 @!p6 $0x1  }
0x2f5: {  	_ =	swait.ge @!p6 [sflag:s28], $0x4000  }
0x2f6: {  	[sflag:s28] =	ssyncset.done @!p6 $0x0  }
0x2f7: {  	s29 =	simm.s32 @!p6 $0x3800;
	[sflag:s28] =	ssyncadd.s32 @!p6 $0xFFFFC000;
	s28 =	simm.s32 @!p6 $0x3600  }
0x2f8: {  	[spmem:s4] =	stream.indirect.scatter.add.f32 @!p6 [tilespmem:s29], [sflag:$0x3], $0x80, s28, s26, $0xb8;
	[tilespmem:$0x1F080] =	vst v63  }
0x2f9: {  	p6 =	slt.u32 s6, $0xFFFFF67A  }
0x2fa: {  	s26 =	simm.s32 @!p6 $0x3  }
0x2fb: {  	_ =	swait.ge @!p6 [sflag:s26], $0x4000  }
0x2fc: {  	s28 =	simm.s32 @!p6 $0x1F00;
	[sflag:s26] =	ssyncset.done @!p6 $0x0  }
0x2fd: {  	s29 =	simm.s32 @!p6 $0x3800;
	[sflag:s26] =	ssyncadd.s32 @!p6 $0xFFFFC000;
	s26 =	simm.s32 @!p6 $0x80  }
0x2fe: {  	[tilespmem:s29], [sflag:$0x1] =	stream.indirect.gather @!p6 [hbm4b:s1+s26], $0x80, s28, s26, $0xb8;
	[tilespmem:$0x1F080] =	vst v63  }
0x2ff: {  	s28 =	simm.s32 @!p6 $0x2  }
0x300: {  	_ =	swait.ge @!p6 [sflag:s28], $0x4000  }
0x301: {  	[sflag:s28] =	ssyncset.done @!p6 $0x0  }
0x302: {  	s29 =	simm.s32 @!p6 $0x7800;
	[sflag:s28] =	ssyncadd.s32 @!p6 $0xFFFFC000;
	s28 =	simm.s32 @!p6 $0x3680  }
0x303: {  	[spmem:s4] =	stream.indirect.scatter.add.f32 @!p6 [tilespmem:s29], [sflag:$0x4], $0x80, s28, s26, $0xb8;
	[tilespmem:$0x1F080] =	vst v63  }
0x304: {  	p6 =	slt.u32 s6, $0xFFFFF67B  }
0x305: {  	s26 =	simm.s32 @!p6 $0x4  }
0x306: {  	_ =	swait.ge @!p6 [sflag:s26], $0x4000  }
0x307: {  	s28 =	simm.s32 @!p6 $0x1F80;
	[sflag:s26] =	ssyncset.done @!p6 $0x0  }
0x308: {  	s29 =	simm.s32 @!p6 $0x7800;
	[sflag:s26] =	ssyncadd.s32 @!p6 $0xFFFFC000;
	s26 =	simm.s32 @!p6 $0x80  }
0x309: {  	[tilespmem:s29], [sflag:$0x2] =	stream.indirect.gather @!p6 [hbm4b:s1+s26], $0x80, s28, s26, $0xb8;
	[tilespmem:$0x1F080] =	vst v63  }
0x30a: {  	s28 =	simm.s32 @!p6 $0x1  }
0x30b: {  	_ =	swait.ge @!p6 [sflag:s28], $0x4000  }
0x30c: {  	[sflag:s28] =	ssyncset.done @!p6 $0x0  }
0x30d: {  	s29 =	simm.s32 @!p6 $0x3800;
	[sflag:s28] =	ssyncadd.s32 @!p6 $0xFFFFC000;
	s28 =	simm.s32 @!p6 $0x3700  }
0x30e: {  	[spmem:s4] =	stream.indirect.scatter.add.f32 @!p6 [tilespmem:s29], [sflag:$0x3], $0x80, s28, s26, $0xb8;
	[tilespmem:$0x1F080] =	vst v63  }
0x30f: {  	p6 =	slt.u32 s6, $0xFFFFF67C  }
0x310: {  	s26 =	simm.s32 @!p6 $0x3  }
0x311: {  	_ =	swait.ge @!p6 [sflag:s26], $0x4000  }
0x312: {  	s28 =	simm.s32 @!p6 $0x2000;
	[sflag:s26] =	ssyncset.done @!p6 $0x0  }
0x313: {  	s29 =	simm.s32 @!p6 $0x3800;
	[sflag:s26] =	ssyncadd.s32 @!p6 $0xFFFFC000;
	s26 =	simm.s32 @!p6 $0x80  }
0x314: {  	[tilespmem:s29], [sflag:$0x1] =	stream.indirect.gather @!p6 [hbm4b:s1+s26], $0x80, s28, s26, $0xb8;
	[tilespmem:$0x1F080] =	vst v63  }
0x315: {  	s28 =	simm.s32 @!p6 $0x2  }
0x316: {  	_ =	swait.ge @!p6 [sflag:s28], $0x4000  }
0x317: {  	[sflag:s28] =	ssyncset.done @!p6 $0x0  }
0x318: {  	s29 =	simm.s32 @!p6 $0x7800;
	[sflag:s28] =	ssyncadd.s32 @!p6 $0xFFFFC000;
	s28 =	simm.s32 @!p6 $0x3780  }
0x319: {  	[spmem:s4] =	stream.indirect.scatter.add.f32 @!p6 [tilespmem:s29], [sflag:$0x4], $0x80, s28, s26, $0xb8;
	[tilespmem:$0x1F080] =	vst v63  }
0x31a: {  	_ =	swait.ge [sflag:s11], $0x800  }
0x31b: {  	[sflag:s11] =	ssyncset.done $0x0  }
0x31c: {  	[sflag:s11] =	ssyncadd.s32 $0xFFFFF800  }
0x31d: {  	p1 =	slt.u32 s6, $0xFFFFF67D;
	_ =	swait.ge @!p5 [sflag:s25], $0x4000  }
0x31e: {  	s26 =	simm.s32 @!p1 $0x80;
	[sflag:s25] =	ssyncset.done @!p5 $0x0  }
0x31f: {  	s28 =	simm.s32 @!p1 $0x2080;
	s29 =	simm.s32 @!p1 $0x7800;
	[sflag:s25] =	ssyncadd.s32 @!p5 $0xFFFFC000  }
0x320: {  	[tilespmem:s29], [sflag:$0x2] =	stream.indirect.gather @!p1 [hbm4b:s1+s26], $0x80, s28, s26, $0xb8;
	[tilespmem:$0x1F080] =	vst v63  }
0x321: {  	s28 =	simm.s32 @!p1 $0x1  }
0x322: {  	p6 =	slt.u32 @!p1 s6, $0xFFFFF67E;
	_ =	swait.ge @!p1 [sflag:s28], $0x4000  }
0x323: {  	p6 =	por p6, p1;
	[sflag:s28] =	ssyncset.done @!p1 $0x0  }
0x324: {  	s29 =	simm.s32 @!p1 $0x3800;
	[sflag:s28] =	ssyncadd.s32 @!p1 $0xFFFFC000;
	s28 =	simm.s32 @!p1 $0x2800  }
0x325: {  	[spmem:s4] =	stream.indirect.scatter.add.f32 @!p1 [tilespmem:s29], [sflag:$0x3], $0x80, s28, s26, $0xb8;
	[tilespmem:$0x1F080] =	vst v63  }
0x326: {  	s26 =	simm.s32 @!p6 $0x3  }
0x327: {  	_ =	swait.ge @!p6 [sflag:s26], $0x4000  }
0x328: {  	s28 =	simm.s32 @!p6 $0x2100;
	[sflag:s26] =	ssyncset.done @!p6 $0x0  }
0x329: {  	s29 =	simm.s32 @!p6 $0x3800;
	[sflag:s26] =	ssyncadd.s32 @!p6 $0xFFFFC000;
	s26 =	simm.s32 @!p6 $0x80  }
0x32a: {  	[tilespmem:s29], [sflag:$0x1] =	stream.indirect.gather @!p6 [hbm4b:s1+s26], $0x80, s28, s26, $0xb8;
	[tilespmem:$0x1F080] =	vst v63  }
0x32b: {  	s28 =	simm.s32 @!p6 $0x2  }
0x32c: {  	_ =	swait.ge @!p6 [sflag:s28], $0x4000  }
0x32d: {  	[sflag:s28] =	ssyncset.done @!p6 $0x0  }
0x32e: {  	s29 =	simm.s32 @!p6 $0x7800;
	[sflag:s28] =	ssyncadd.s32 @!p6 $0xFFFFC000;
	s28 =	simm.s32 @!p6 $0x2880  }
0x32f: {  	[spmem:s4] =	stream.indirect.scatter.add.f32 @!p6 [tilespmem:s29], [sflag:$0x4], $0x80, s28, s26, $0xb8;
	[tilespmem:$0x1F080] =	vst v63  }
0x330: {  	p6 =	slt.u32 s6, $0xFFFFF67F  }
0x331: {  	s26 =	simm.s32 @!p6 $0x4  }
0x332: {  	_ =	swait.ge @!p6 [sflag:s26], $0x4000  }
0x333: {  	s28 =	simm.s32 @!p6 $0x2180;
	[sflag:s26] =	ssyncset.done @!p6 $0x0  }
0x334: {  	s29 =	simm.s32 @!p6 $0x7800;
	[sflag:s26] =	ssyncadd.s32 @!p6 $0xFFFFC000;
	s26 =	simm.s32 @!p6 $0x80  }
0x335: {  	[tilespmem:s29], [sflag:$0x2] =	stream.indirect.gather @!p6 [hbm4b:s1+s26], $0x80, s28, s26, $0xb8;
	[tilespmem:$0x1F080] =	vst v63  }
0x336: {  	s28 =	simm.s32 @!p6 $0x1  }
0x337: {  	_ =	swait.ge @!p6 [sflag:s28], $0x4000  }
0x338: {  	[sflag:s28] =	ssyncset.done @!p6 $0x0  }
0x339: {  	s29 =	simm.s32 @!p6 $0x3800;
	[sflag:s28] =	ssyncadd.s32 @!p6 $0xFFFFC000;
	s28 =	simm.s32 @!p6 $0x2900  }
0x33a: {  	[spmem:s4] =	stream.indirect.scatter.add.f32 @!p6 [tilespmem:s29], [sflag:$0x3], $0x80, s28, s26, $0xb8;
	[tilespmem:$0x1F080] =	vst v63  }
0x33b: {  	p6 =	slt.u32 s6, $0xFFFFF680  }
0x33c: {  	s26 =	simm.s32 @!p6 $0x3  }
0x33d: {  	_ =	swait.ge @!p6 [sflag:s26], $0x4000  }
0x33e: {  	s28 =	simm.s32 @!p6 $0x2200;
	[sflag:s26] =	ssyncset.done @!p6 $0x0  }
0x33f: {  	s29 =	simm.s32 @!p6 $0x3800;
	[sflag:s26] =	ssyncadd.s32 @!p6 $0xFFFFC000;
	s26 =	simm.s32 @!p6 $0x80  }
0x340: {  	[tilespmem:s29], [sflag:$0x1] =	stream.indirect.gather @!p6 [hbm4b:s1+s26], $0x80, s28, s26, $0xb8;
	[tilespmem:$0x1F080] =	vst v63  }
0x341: {  	s28 =	simm.s32 @!p6 $0x2  }
0x342: {  	_ =	swait.ge @!p6 [sflag:s28], $0x4000  }
0x343: {  	[sflag:s28] =	ssyncset.done @!p6 $0x0  }
0x344: {  	s29 =	simm.s32 @!p6 $0x7800;
	[sflag:s28] =	ssyncadd.s32 @!p6 $0xFFFFC000;
	s28 =	simm.s32 @!p6 $0x2980  }
0x345: {  	[spmem:s4] =	stream.indirect.scatter.add.f32 @!p6 [tilespmem:s29], [sflag:$0x4], $0x80, s28, s26, $0xb8;
	[tilespmem:$0x1F080] =	vst v63  }
0x346: {  	p6 =	slt.u32 s6, $0xFFFFF681  }
0x347: {  	s26 =	simm.s32 @!p6 $0x4  }
0x348: {  	_ =	swait.ge @!p6 [sflag:s26], $0x4000  }
0x349: {  	s28 =	simm.s32 @!p6 $0x2280;
	[sflag:s26] =	ssyncset.done @!p6 $0x0  }
0x34a: {  	s29 =	simm.s32 @!p6 $0x7800;
	[sflag:s26] =	ssyncadd.s32 @!p6 $0xFFFFC000;
	s26 =	simm.s32 @!p6 $0x80  }
0x34b: {  	[tilespmem:s29], [sflag:$0x2] =	stream.indirect.gather @!p6 [hbm4b:s1+s26], $0x80, s28, s26, $0xb8;
	[tilespmem:$0x1F080] =	vst v63  }
0x34c: {  	s28 =	simm.s32 @!p6 $0x1  }
0x34d: {  	_ =	swait.ge @!p6 [sflag:s28], $0x4000  }
0x34e: {  	[sflag:s28] =	ssyncset.done @!p6 $0x0  }
0x34f: {  	s29 =	simm.s32 @!p6 $0x3800;
	[sflag:s28] =	ssyncadd.s32 @!p6 $0xFFFFC000;
	s28 =	simm.s32 @!p6 $0x2A00  }
0x350: {  	[spmem:s4] =	stream.indirect.scatter.add.f32 @!p6 [tilespmem:s29], [sflag:$0x3], $0x80, s28, s26, $0xb8;
	[tilespmem:$0x1F080] =	vst v63  }
0x351: {  	p6 =	slt.u32 s6, $0xFFFFF682  }
0x352: {  	s26 =	simm.s32 @!p6 $0x3  }
0x353: {  	_ =	swait.ge @!p6 [sflag:s26], $0x4000  }
0x354: {  	s28 =	simm.s32 @!p6 $0x2300;
	[sflag:s26] =	ssyncset.done @!p6 $0x0  }
0x355: {  	s29 =	simm.s32 @!p6 $0x3800;
	[sflag:s26] =	ssyncadd.s32 @!p6 $0xFFFFC000;
	s26 =	simm.s32 @!p6 $0x80  }
0x356: {  	[tilespmem:s29], [sflag:$0x1] =	stream.indirect.gather @!p6 [hbm4b:s1+s26], $0x80, s28, s26, $0xb8;
	[tilespmem:$0x1F080] =	vst v63  }
0x357: {  	s28 =	simm.s32 @!p6 $0x2  }
0x358: {  	_ =	swait.ge @!p6 [sflag:s28], $0x4000  }
0x359: {  	[sflag:s28] =	ssyncset.done @!p6 $0x0  }
0x35a: {  	s29 =	simm.s32 @!p6 $0x7800;
	[sflag:s28] =	ssyncadd.s32 @!p6 $0xFFFFC000;
	s28 =	simm.s32 @!p6 $0x2A80  }
0x35b: {  	[spmem:s4] =	stream.indirect.scatter.add.f32 @!p6 [tilespmem:s29], [sflag:$0x4], $0x80, s28, s26, $0xb8;
	[tilespmem:$0x1F080] =	vst v63  }
0x35c: {  	p6 =	slt.u32 s6, $0xFFFFF683  }
0x35d: {  	s26 =	simm.s32 @!p6 $0x4  }
0x35e: {  	_ =	swait.ge @!p6 [sflag:s26], $0x4000  }
0x35f: {  	s28 =	simm.s32 @!p6 $0x2380;
	[sflag:s26] =	ssyncset.done @!p6 $0x0  }
0x360: {  	s29 =	simm.s32 @!p6 $0x7800;
	[sflag:s26] =	ssyncadd.s32 @!p6 $0xFFFFC000;
	s26 =	simm.s32 @!p6 $0x80  }
0x361: {  	[tilespmem:s29], [sflag:$0x2] =	stream.indirect.gather @!p6 [hbm4b:s1+s26], $0x80, s28, s26, $0xb8;
	[tilespmem:$0x1F080] =	vst v63  }
0x362: {  	s28 =	simm.s32 @!p6 $0x1  }
0x363: {  	_ =	swait.ge @!p6 [sflag:s28], $0x4000  }
0x364: {  	[sflag:s28] =	ssyncset.done @!p6 $0x0  }
0x365: {  	s29 =	simm.s32 @!p6 $0x3800;
	[sflag:s28] =	ssyncadd.s32 @!p6 $0xFFFFC000;
	s28 =	simm.s32 @!p6 $0x2B00  }
0x366: {  	[spmem:s4] =	stream.indirect.scatter.add.f32 @!p6 [tilespmem:s29], [sflag:$0x3], $0x80, s28, s26, $0xb8;
	[tilespmem:$0x1F080] =	vst v63  }
0x367: {  	p6 =	slt.u32 s6, $0xFFFFF684  }
0x368: {  	s26 =	simm.s32 @!p6 $0x3  }
0x369: {  	_ =	swait.ge @!p6 [sflag:s26], $0x4000  }
0x36a: {  	s28 =	simm.s32 @!p6 $0x2400;
	[sflag:s26] =	ssyncset.done @!p6 $0x0  }
0x36b: {  	s29 =	simm.s32 @!p6 $0x3800;
	[sflag:s26] =	ssyncadd.s32 @!p6 $0xFFFFC000;
	s26 =	simm.s32 @!p6 $0x80  }
0x36c: {  	[tilespmem:s29], [sflag:$0x1] =	stream.indirect.gather @!p6 [hbm4b:s1+s26], $0x80, s28, s26, $0xb8;
	[tilespmem:$0x1F080] =	vst v63  }
0x36d: {  	s28 =	simm.s32 @!p6 $0x2  }
0x36e: {  	_ =	swait.ge @!p6 [sflag:s28], $0x4000  }
0x36f: {  	[sflag:s28] =	ssyncset.done @!p6 $0x0  }
0x370: {  	s29 =	simm.s32 @!p6 $0x7800;
	[sflag:s28] =	ssyncadd.s32 @!p6 $0xFFFFC000;
	s28 =	simm.s32 @!p6 $0x2B80  }
0x371: {  	[spmem:s4] =	stream.indirect.scatter.add.f32 @!p6 [tilespmem:s29], [sflag:$0x4], $0x80, s28, s26, $0xb8;
	[tilespmem:$0x1F080] =	vst v63  }
0x372: {  	p6 =	slt.u32 s6, $0xFFFFF685  }
0x373: {  	s26 =	simm.s32 @!p6 $0x4  }
0x374: {  	_ =	swait.ge @!p6 [sflag:s26], $0x4000  }
0x375: {  	s28 =	simm.s32 @!p6 $0x2480;
	[sflag:s26] =	ssyncset.done @!p6 $0x0  }
0x376: {  	s29 =	simm.s32 @!p6 $0x7800;
	[sflag:s26] =	ssyncadd.s32 @!p6 $0xFFFFC000;
	s26 =	simm.s32 @!p6 $0x80  }
0x377: {  	[tilespmem:s29], [sflag:$0x2] =	stream.indirect.gather @!p6 [hbm4b:s1+s26], $0x80, s28, s26, $0xb8;
	[tilespmem:$0x1F080] =	vst v63  }
0x378: {  	s28 =	simm.s32 @!p6 $0x1  }
0x379: {  	_ =	swait.ge @!p6 [sflag:s28], $0x4000  }
0x37a: {  	[sflag:s28] =	ssyncset.done @!p6 $0x0  }
0x37b: {  	s29 =	simm.s32 @!p6 $0x3800;
	[sflag:s28] =	ssyncadd.s32 @!p6 $0xFFFFC000;
	s28 =	simm.s32 @!p6 $0x2C00  }
0x37c: {  	[spmem:s4] =	stream.indirect.scatter.add.f32 @!p6 [tilespmem:s29], [sflag:$0x3], $0x80, s28, s26, $0xb8;
	[tilespmem:$0x1F080] =	vst v63  }
0x37d: {  	p6 =	slt.u32 s6, $0xFFFFF686  }
0x37e: {  	s26 =	simm.s32 @!p6 $0x3  }
0x37f: {  	_ =	swait.ge @!p6 [sflag:s26], $0x4000  }
0x380: {  	s28 =	simm.s32 @!p6 $0x2500;
	[sflag:s26] =	ssyncset.done @!p6 $0x0  }
0x381: {  	s29 =	simm.s32 @!p6 $0x3800;
	[sflag:s26] =	ssyncadd.s32 @!p6 $0xFFFFC000;
	s26 =	simm.s32 @!p6 $0x80  }
0x382: {  	[tilespmem:s29], [sflag:$0x1] =	stream.indirect.gather @!p6 [hbm4b:s1+s26], $0x80, s28, s26, $0xb8;
	[tilespmem:$0x1F080] =	vst v63  }
0x383: {  	s28 =	simm.s32 @!p6 $0x2  }
0x384: {  	_ =	swait.ge @!p6 [sflag:s28], $0x4000  }
0x385: {  	[sflag:s28] =	ssyncset.done @!p6 $0x0  }
0x386: {  	s29 =	simm.s32 @!p6 $0x7800;
	[sflag:s28] =	ssyncadd.s32 @!p6 $0xFFFFC000;
	s28 =	simm.s32 @!p6 $0x2C80  }
0x387: {  	[spmem:s4] =	stream.indirect.scatter.add.f32 @!p6 [tilespmem:s29], [sflag:$0x4], $0x80, s28, s26, $0xb8;
	[tilespmem:$0x1F080] =	vst v63  }
0x388: {  	p6 =	slt.u32 s6, $0xFFFFF687  }
0x389: {  	s26 =	simm.s32 @!p6 $0x4  }
0x38a: {  	_ =	swait.ge @!p6 [sflag:s26], $0x4000  }
0x38b: {  	s28 =	simm.s32 @!p6 $0x2580;
	[sflag:s26] =	ssyncset.done @!p6 $0x0  }
0x38c: {  	s29 =	simm.s32 @!p6 $0x7800;
	[sflag:s26] =	ssyncadd.s32 @!p6 $0xFFFFC000;
	s26 =	simm.s32 @!p6 $0x80  }
0x38d: {  	[tilespmem:s29], [sflag:$0x2] =	stream.indirect.gather @!p6 [hbm4b:s1+s26], $0x80, s28, s26, $0xb8;
	[tilespmem:$0x1F080] =	vst v63  }
0x38e: {  	s28 =	simm.s32 @!p6 $0x1  }
0x38f: {  	_ =	swait.ge @!p6 [sflag:s28], $0x4000  }
0x390: {  	[sflag:s28] =	ssyncset.done @!p6 $0x0  }
0x391: {  	s29 =	simm.s32 @!p6 $0x3800;
	[sflag:s28] =	ssyncadd.s32 @!p6 $0xFFFFC000;
	s28 =	simm.s32 @!p6 $0x2D00  }
0x392: {  	[spmem:s4] =	stream.indirect.scatter.add.f32 @!p6 [tilespmem:s29], [sflag:$0x3], $0x80, s28, s26, $0xb8;
	[tilespmem:$0x1F080] =	vst v63  }
0x393: {  	p6 =	slt.u32 s6, $0xFFFFF688  }
0x394: {  	s26 =	simm.s32 @!p6 $0x3  }
0x395: {  	_ =	swait.ge @!p6 [sflag:s26], $0x4000  }
0x396: {  	s28 =	simm.s32 @!p6 $0x2600;
	[sflag:s26] =	ssyncset.done @!p6 $0x0  }
0x397: {  	s29 =	simm.s32 @!p6 $0x3800;
	[sflag:s26] =	ssyncadd.s32 @!p6 $0xFFFFC000;
	s26 =	simm.s32 @!p6 $0x80  }
0x398: {  	[tilespmem:s29], [sflag:$0x1] =	stream.indirect.gather @!p6 [hbm4b:s1+s26], $0x80, s28, s26, $0xb8;
	[tilespmem:$0x1F080] =	vst v63  }
0x399: {  	s28 =	simm.s32 @!p6 $0x2  }
0x39a: {  	_ =	swait.ge @!p6 [sflag:s28], $0x4000  }
0x39b: {  	[sflag:s28] =	ssyncset.done @!p6 $0x0  }
0x39c: {  	s29 =	simm.s32 @!p6 $0x7800;
	[sflag:s28] =	ssyncadd.s32 @!p6 $0xFFFFC000;
	s28 =	simm.s32 @!p6 $0x2D80  }
0x39d: {  	[spmem:s4] =	stream.indirect.scatter.add.f32 @!p6 [tilespmem:s29], [sflag:$0x4], $0x80, s28, s26, $0xb8;
	[tilespmem:$0x1F080] =	vst v63  }
0x39e: {  	p6 =	slt.u32 s6, $0xFFFFF689  }
0x39f: {  	s26 =	simm.s32 @!p6 $0x4  }
0x3a0: {  	_ =	swait.ge @!p6 [sflag:s26], $0x4000  }
0x3a1: {  	s28 =	simm.s32 @!p6 $0x2680;
	[sflag:s26] =	ssyncset.done @!p6 $0x0  }
0x3a2: {  	s29 =	simm.s32 @!p6 $0x7800;
	[sflag:s26] =	ssyncadd.s32 @!p6 $0xFFFFC000;
	s26 =	simm.s32 @!p6 $0x80  }
0x3a3: {  	[tilespmem:s29], [sflag:$0x2] =	stream.indirect.gather @!p6 [hbm4b:s1+s26], $0x80, s28, s26, $0xb8;
	[tilespmem:$0x1F080] =	vst v63  }
0x3a4: {  	s28 =	simm.s32 @!p6 $0x1  }
0x3a5: {  	_ =	swait.ge @!p6 [sflag:s28], $0x4000  }
0x3a6: {  	[sflag:s28] =	ssyncset.done @!p6 $0x0  }
0x3a7: {  	s29 =	simm.s32 @!p6 $0x3800;
	[sflag:s28] =	ssyncadd.s32 @!p6 $0xFFFFC000;
	s28 =	simm.s32 @!p6 $0x2E00  }
0x3a8: {  	[spmem:s4] =	stream.indirect.scatter.add.f32 @!p6 [tilespmem:s29], [sflag:$0x3], $0x80, s28, s26, $0xb8;
	[tilespmem:$0x1F080] =	vst v63  }
0x3a9: {  	p6 =	slt.u32 s6, $0xFFFFF68A  }
0x3aa: {  	s26 =	simm.s32 @!p6 $0x3  }
0x3ab: {  	_ =	swait.ge @!p6 [sflag:s26], $0x4000  }
0x3ac: {  	s28 =	simm.s32 @!p6 $0x2700;
	[sflag:s26] =	ssyncset.done @!p6 $0x0  }
0x3ad: {  	s29 =	simm.s32 @!p6 $0x3800;
	[sflag:s26] =	ssyncadd.s32 @!p6 $0xFFFFC000;
	s26 =	simm.s32 @!p6 $0x80  }
0x3ae: {  	[tilespmem:s29], [sflag:$0x1] =	stream.indirect.gather @!p6 [hbm4b:s1+s26], $0x80, s28, s26, $0xb8;
	[tilespmem:$0x1F080] =	vst v63  }
0x3af: {  	s28 =	simm.s32 @!p6 $0x2  }
0x3b0: {  	_ =	swait.ge @!p6 [sflag:s28], $0x4000  }
0x3b1: {  	[sflag:s28] =	ssyncset.done @!p6 $0x0  }
0x3b2: {  	s29 =	simm.s32 @!p6 $0x7800;
	[sflag:s28] =	ssyncadd.s32 @!p6 $0xFFFFC000;
	s28 =	simm.s32 @!p6 $0x2E80  }
0x3b3: {  	[spmem:s4] =	stream.indirect.scatter.add.f32 @!p6 [tilespmem:s29], [sflag:$0x4], $0x80, s28, s26, $0xb8;
	[tilespmem:$0x1F080] =	vst v63  }
0x3b4: {  	p6 =	slt.u32 s6, $0xFFFFF68B  }
0x3b5: {  	s26 =	simm.s32 @!p6 $0x4  }
0x3b6: {  	_ =	swait.ge @!p6 [sflag:s26], $0x4000  }
0x3b7: {  	s28 =	simm.s32 @!p6 $0x2780;
	[sflag:s26] =	ssyncset.done @!p6 $0x0  }
0x3b8: {  	s29 =	simm.s32 @!p6 $0x7800;
	[sflag:s26] =	ssyncadd.s32 @!p6 $0xFFFFC000;
	s26 =	simm.s32 @!p6 $0x80  }
0x3b9: {  	[tilespmem:s29], [sflag:$0x2] =	stream.indirect.gather @!p6 [hbm4b:s1+s26], $0x80, s28, s26, $0xb8;
	[tilespmem:$0x1F080] =	vst v63  }
0x3ba: {  	s28 =	simm.s32 @!p6 $0x1  }
0x3bb: {  	_ =	swait.ge @!p6 [sflag:s28], $0x4000  }
0x3bc: {  	p1 =	slt.u32 s6, $0xFFFFF68C;
	[sflag:s28] =	ssyncset.done @!p6 $0x0  }
0x3bd: {  	s29 =	simm.s32 @!p6 $0x3800;
	[sflag:s28] =	ssyncadd.s32 @!p6 $0xFFFFC000;
	s28 =	simm.s32 @!p6 $0x2F00  }
0x3be: {  	[spmem:s4] =	stream.indirect.scatter.add.f32 @!p6 [tilespmem:s29], [sflag:$0x3], $0x80, s28, s26, $0xb8;
	[tilespmem:$0x1F080] =	vst v63  }
0x3bf: {  	s26 =	simm.s32 @!p1 $0x2  }
0x3c0: {  	_ =	swait.ge @!p1 [sflag:s26], $0x4000  }
0x3c1: {  	s28 =	simm.s32 @!p1 $0x2F80;
	[sflag:s26] =	ssyncset.done @!p1 $0x0  }
0x3c2: {  	s29 =	simm.s32 @!p1 $0x7800;
	[sflag:s26] =	ssyncadd.s32 @!p1 $0xFFFFC000;
	s26 =	simm.s32 @!p1 $0x80  }
0x3c3: {  	[spmem:s4] =	stream.indirect.scatter.add.f32 @!p1 [tilespmem:s29], [sflag:$0x4], $0x80, s28, s26, $0xb8;
	[tilespmem:$0x1F080] =	vst v63  }
0x3c4: {  	s26 =	simm.s32 @!p5 $0x3  }
0x3c5: {  	_ =	swait.ge @!p5 [sflag:s26], $0x4000  }
0x3c6: {  	[sflag:s26] =	ssyncset.done @!p5 $0x0  }
0x3c7: {  	[sflag:s26] =	ssyncadd.s32 @!p5 $0xFFFFC000  }
0x3c8: {  	_ =	swait.ge @!p5 [sflag:s25], $0x4000  }
0x3c9: {  	[sflag:s25] =	ssyncset.done @!p5 $0x0  }
0x3ca: {  	[sflag:s25] =	ssyncadd.s32 @!p5 $0xFFFFC000  }
0x3cb: {  	[bflag:$0x0] =	sbarrier.arrive $0xFFFF  }
0x3cc: {  	s25 =	rddreg [dreg:$0xe]  }
0x3cd: {  	[hbm:s25], [sflag:s23] =	dma.local @p0 [spmem:s9], $0x2080  }
0x3ce: {  	s7 =	sadd.s32 $0xFFFFFFFF, s7;
	_ =	swait.ge @p0 [sflag:s21], $0x2080  }
0x3cf: {  	p1 =	sne.s32 s7, $0x0;
	[sflag:s21] =	ssyncset.done @p0 $0x0  }
.Ltmp0:
0x3d0: {  	s23 =	rddreg [dreg:$0xd];
	[sflag:s21] =	ssyncadd.s32 @p0 $0xFFFFDF80;
	(pc) =	sbr.rel @p1 .LBB2_1-.Ltmp0, $4  }
0x3d1: {  	[hbm:s23], [sflag:s10] =	dma.local @!p0 [spmem:s24], $0x2780  }
0x3d2: {  	_ =	swait.ge @!p0 [sflag:s22], $0x2780  }
0x3d3: {  	[sflag:s22] =	ssyncset.done @!p0 $0x0  }
0x3d4: {  	[sflag:s22] =	ssyncadd.s32 @!p0 $0xFFFFD880  }
0x3d5: {  	_ =	sfence.sel $0x180000  }
0x3d6: {  	[bflag:$0x0] =	sbarrier.arrive $0xFFFF  }
0x3d7: {  	p0 =	sne.s32 s0, $0x0;
	_ =	strace $0x9000004A  }
0x3d8: {  	s0 =	sadd.s32 @!p0 $0x100000, s2;
	[bflag:$0x2] =	sbarrier.arrive $0xFFFF  }
0x3d9: {  	[sflag:s0] =	ssyncadd.tile.s32 @!p0 $0x1;
	_ =	shalt  }
.Lfunc_end2:
_tile_overlayer_lowered:
.L_overlay_start_2:
0x3da: {  	(tag) =	ssettag $0x2  }
0x3db: {  	s0 =	rddreg [dreg:$0x0];
	s2 =	stileid.u32  }
0x3dc: {  	s1 =	rddreg [dreg:$0x1];
	p0 =	sne.s32 s2, $0x0  }
0x3dd: {  	s3 =	rddreg [dreg:$0x2];
	[bflag:$0x3] =	sbarrier.arrive $0xFFFF;
	s2 =	simm.s32 @!p0 $0x1C07  }
0x3de: {  	[timem:s3], [sflag:s2] =	dma.local @!p0 [hbm:s0], s1  }
0x3df: {  	s0 =	simm.s32 @!p0 $0x7  }
0x3e0: {  	_ =	swait.ge @!p0 [sflag:s0], s1  }
0x3e1: {  	s1 =	ssub.s32 @!p0 $0x0, s1;
	[sflag:s0] =	ssyncset.done @!p0 $0x0  }
0x3e2: {  	[sflag:s0] =	ssyncadd.s32 @!p0 s1  }
0x3e3: {  	[bflag:$0x3] =	sbarrier.arrive $0xFFFF  }
0x3e4: {  	_ =	shalt  }

</sc_bundles>
